<compile_context>
chip_gen: v7x
topology: tpu7x:2x2x1
jax: 0.10.2.dev20260603
libtpu: 0.0.44.dev20260713+nightly
codegen_flags: <defaults>
</compile_context>

<pallas_src>
import functools

import jax
import jax.numpy as jnp
from jax import lax
from jax.experimental import pallas as pl
from jax.experimental.pallas import tpu as pltpu
from jax.experimental.pallas import tpu_sc as plsc

NC = 2
NS = 16
NW = NC * NS
EB = 128
JB = 4
BB = 8
DD = 16
RZ = 128


def _pad_sizes(n, e):
    rt = -(-(-(-e // EB) // NW) // (2 * JB)) * (2 * JB)
    e_pad = rt * NW * EB
    npt = -(-(n // NS) // RZ) * RZ
    n_acc = npt * NS
    return e_pad, n_acc, npt, rt


def _make_mesh():
    return plsc.VectorSubcoreMesh(core_axis_name="c", subcore_axis_name="s")


def _make_agg(n, e, d):
    assert n % NS == 0 and d % 16 == 0
    e_pad, n_acc, npt, rt = _pad_sizes(n, e)

    @functools.partial(
        pl.kernel,
        mesh=_make_mesh(),
        out_type=jax.ShapeDtypeStruct((NC, n_acc, d), jnp.float32),
        scratch_types=[
            pltpu.VMEM((rt, EB), jnp.int32),
            pltpu.VMEM((rt, EB), jnp.int32),
            pltpu.VMEM((EB, d), jnp.float32),
            pltpu.VMEM((EB, d), jnp.float32),
            pltpu.VMEM((EB, d), jnp.float32),
            pltpu.VMEM((EB, d), jnp.float32),
            pltpu.VMEM_SHARED((n_acc, d), jnp.float32),
            pltpu.SemaphoreType.DMA,
            pltpu.SemaphoreType.DMA,
            pltpu.SemaphoreType.DMA,
        ],
        compiler_params=pltpu.CompilerParams(use_tc_tiling_on_sc=False),
    )
    def agg(g_hbm, src_hbm, dst_hbm, out_hbm, idx_s, idx_d, rows0, rows1,
            rows2, rows3, acc, gsem, ssem, isem):
        rows = [rows0, rows1, rows2, rows3]
        c = lax.axis_index("c")
        s = lax.axis_index("s")
        wid = s * NC + c

        pltpu.async_copy(src_hbm.at[pl.ds(wid * rt, rt)], idx_s, isem)
        pltpu.async_copy(dst_hbm.at[pl.ds(wid * rt, rt)], idx_d, isem)

        def zrow(i, carry):
            for k in range(d // 16):
                rows0[i, pl.ds(k * 16, 16)] = jnp.zeros((16,), jnp.float32)
            return carry

        lax.fori_loop(0, EB, zrow, 0)
        for i in range(npt // RZ):
            pltpu.sync_copy(rows0, acc.at[pl.ds(s * npt + i * RZ, RZ)])
        pltpu.make_async_copy(src_hbm.at[pl.ds(wid * rt, rt)], idx_s,
                              isem).wait()
        pltpu.make_async_copy(dst_hbm.at[pl.ds(wid * rt, rt)], idx_d,
                              isem).wait()
        plsc.subcore_barrier()

        def ebody(t, carry):
            gd = [None] * BB
            sd = [None] * BB
            gd[0] = pltpu.async_copy(g_hbm.at[idx_s.at[t * BB]],
                                     rows[0], gsem)
            gd[1] = pltpu.async_copy(g_hbm.at[idx_s.at[t * BB + 1]],
                                     rows[1], gsem)
            for j in range(BB):
                gd[j].wait()
                sd[j] = pltpu.async_copy(rows[j % 4],
                                         acc.at[idx_d.at[t * BB + j]],
                                         ssem, add=True)
                if j + 2 < BB:
                    if j - 2 >= 0:
                        sd[j - 2].wait()
                    gd[j + 2] = pltpu.async_copy(
                        g_hbm.at[idx_s.at[t * BB + j + 2]],
                        rows[(j + 2) % 4], gsem)
            for j in range(max(0, BB - 4), BB):
                sd[j].wait()
            return carry

        lax.fori_loop(0, rt // BB, ebody, 0)
        plsc.subcore_barrier()

        for i in range(npt // RZ):
            r0 = s * npt + i * RZ
            pltpu.sync_copy(acc.at[pl.ds(r0, RZ)],
                            out_hbm.at[c].at[pl.ds(r0, RZ)])

    return agg


def _make_deg(n, e):
    assert n % NS == 0
    e_pad, n_acc, npt, rt = _pad_sizes(n, e)

    @functools.partial(
        pl.kernel,
        mesh=_make_mesh(),
        out_type=jax.ShapeDtypeStruct((NC, n_acc, DD), jnp.float32),
        scratch_types=[
            pltpu.VMEM((rt, EB), jnp.int32),
            pltpu.VMEM((EB, DD), jnp.float32),
            pltpu.VMEM_SHARED((n_acc, DD), jnp.float32),
            pltpu.SemaphoreType.DMA,
            pltpu.SemaphoreType.DMA,
        ],
        compiler_params=pltpu.CompilerParams(use_tc_tiling_on_sc=False),
    )
    def deg(dst_hbm, out_hbm, idx_d, buf, acc, gsem, ssem):
        c = lax.axis_index("c")
        s = lax.axis_index("s")
        wid = s * NC + c

        pltpu.async_copy(dst_hbm.at[pl.ds(wid * rt, rt)], idx_d, gsem)

        def fill(v):
            def frow(i, carry):
                buf[i, pl.ds(0, 16)] = jnp.full((16,), v, jnp.float32)
                return carry
            lax.fori_loop(0, EB, frow, 0)

        fill(0.0)
        zdesc = []
        for i in range(npt // RZ):
            zdesc.append(pltpu.async_copy(
                buf.at[pl.ds(0, RZ)],
                acc.at[pl.ds(s * npt + i * RZ, RZ)], ssem))
        for dsc in zdesc:
            dsc.wait()
        plsc.subcore_barrier()
        fill(1.0)
        pltpu.make_async_copy(dst_hbm.at[pl.ds(wid * rt, rt)], idx_d,
                              gsem).wait()

        batch = 2 * JB

        def ebody(t, carry):
            sdesc = [pltpu.async_copy(buf, acc.at[idx_d.at[t * batch + j]],
                                      ssem, add=True)
                     for j in range(batch)]
            for dsc in sdesc:
                dsc.wait()
            return carry

        lax.fori_loop(0, rt // batch, ebody, 0)
        plsc.subcore_barrier()

        odesc = []
        for i in range(npt // RZ):
            r0 = s * npt + i * RZ
            odesc.append(pltpu.async_copy(
                acc.at[pl.ds(r0, RZ)], out_hbm.at[c].at[pl.ds(r0, RZ)],
                gsem))
        for dsc in odesc:
            dsc.wait()

    return deg


def _dinv(dp, n):
    deg = dp[0, :n, 0:1] + dp[1, :n, 0:1] + 1.0
    return lax.rsqrt(deg)


def _tc_first(x, w1, dparts):
    n, d_out = x.shape[0], w1.shape[1]

    def body(x_ref, w_ref, dp_ref, h_ref, g_ref):
        dinv = _dinv(dp_ref[...], n)
        h = jnp.dot(x_ref[...], w_ref[...], preferred_element_type=jnp.float32)
        h_ref[...] = h
        g_ref[...] = h * dinv

    return pl.pallas_call(
        body,
        out_shape=(jax.ShapeDtypeStruct((n, d_out), jnp.float32),
                   jax.ShapeDtypeStruct((n, d_out), jnp.float32)),
    )(x, w1, dparts)


def _tc_mid(h_prev, parts, w, b_prev, dparts):
    n, d_out = h_prev.shape[0], w.shape[1]

    def body(h_ref, p_ref, w_ref, b_ref, dp_ref, h2_ref, g2_ref):
        dinv = _dinv(dp_ref[...], n)
        p = p_ref[...]
        agg = p[0, :n] + p[1, :n]
        a = jnp.maximum(dinv * agg + (dinv * dinv) * h_ref[...] + b_ref[...],
                        0.0)
        h2 = jnp.dot(a, w_ref[...], preferred_element_type=jnp.float32)
        h2_ref[...] = h2
        g2_ref[...] = h2 * dinv

    return pl.pallas_call(
        body,
        out_shape=(jax.ShapeDtypeStruct((n, d_out), jnp.float32),
                   jax.ShapeDtypeStruct((n, d_out), jnp.float32)),
    )(h_prev, parts, w, b_prev, dparts)


def _tc_final(h_prev, parts, b_prev, dparts):
    n, d = h_prev.shape

    def body(h_ref, p_ref, b_ref, dp_ref, o_ref):
        dinv = _dinv(dp_ref[...], n)
        p = p_ref[...]
        agg = p[0, :n] + p[1, :n]
        a = jnp.maximum(dinv * agg + (dinv * dinv) * h_ref[...] + b_ref[...],
                        0.0)
        z = a - jnp.max(a, axis=1, keepdims=True)
        lse = jnp.log(jnp.sum(jnp.exp(z), axis=1, keepdims=True))
        o_ref[...] = z - lse

    return pl.pallas_call(
        body,
        out_shape=jax.ShapeDtypeStruct((n, d), jnp.float32),
    )(h_prev, parts, b_prev, dparts)


def kernel(x, edge_index, W1, b1, W2, b2, W3, b3):
    n = x.shape[0]
    e = edge_index.shape[1]
    e_pad, n_acc, _, _ = _pad_sizes(n, e)
    ei = edge_index.astype(jnp.int32)
    npad = e_pad - e
    pad_src = jnp.arange(npad, dtype=jnp.int32) % n
    pad_dst = n + jnp.arange(npad, dtype=jnp.int32) % (n_acc - n)
    src2 = jnp.concatenate([ei[0], pad_src]).reshape(e_pad // EB, EB)
    dst2 = jnp.concatenate([ei[1], pad_dst]).reshape(e_pad // EB, EB)

    dparts = _make_deg(n, e)(dst2)
    h1, g1 = _tc_first(x, W1, dparts)
    p1 = _make_agg(n, e, h1.shape[1])(g1, src2, dst2)
    h2, g2 = _tc_mid(h1, p1, W2, b1.reshape(1, -1), dparts)
    p2 = _make_agg(n, e, h2.shape[1])(g2, src2, dst2)
    h3, g3 = _tc_mid(h2, p2, W3, b2.reshape(1, -1), dparts)
    p3 = _make_agg(n, e, h3.shape[1])(g3, src2, dst2)
    return _tc_final(h3, p3, b3.reshape(1, -1), dparts)

# --- scband reference (transcript-rebuilt; emitter-appended) ---
"""Pipeline reference for scband-gcnencoder-72395968741626 (READ-ONLY COPY).

The authoritative reference and input builder live on the scoring server;
editing this copy changes nothing except your own understanding.
"""

import jax, jax.numpy as jnp
import numpy as np

N = 10000
E = 320000
D_IN = 128


def setup_inputs(seed: int = 0):
    key = jax.random.key(seed)
    ks = jax.random.split(key, 8)
    x = jax.random.normal(ks[0], (N, D_IN), dtype=jnp.float32)
    edge_index = jax.random.randint(ks[1], (2, E), 0, N)
    W1 = jax.random.normal(ks[2], (128, 64), dtype=jnp.float32) * 0.1
    b1 = jnp.zeros((64,), dtype=jnp.float32)
    W2 = jax.random.normal(ks[3], (64, 32), dtype=jnp.float32) * 0.1
    b2 = jnp.zeros((32,), dtype=jnp.float32)
    W3 = jax.random.normal(ks[4], (32, 16), dtype=jnp.float32) * 0.1
    b3 = jnp.zeros((16,), dtype=jnp.float32)
    return {"x": x, "edge_index": edge_index, "W1": W1, "b1": b1, "W2": W2, "b2": b2, "W3": W3, "b3": b3}


def gcn_conv(x, edge_index, W, b):
    # PyG GCNConv: linear transform, then symmetric-normalized aggregation with self-loops, then bias
    n = x.shape[0]
    loop = jnp.arange(n, dtype=edge_index.dtype)
    src = jnp.concatenate([edge_index[0], loop])
    dst = jnp.concatenate([edge_index[1], loop])
    deg = jax.ops.segment_sum(jnp.ones_like(dst, dtype=x.dtype), dst, num_segments=n)
    dinv = jnp.where(deg > 0, deg ** -0.5, 0.0)
    norm = dinv[src] * dinv[dst]
    h = x @ W
    msg = h[src] * norm[:, None]
    out = jax.ops.segment_sum(msg, dst, num_segments=n)
    return out + b


def reference(x, edge_index, W1, b1, W2, b2, W3, b3):
    # dropout in eval mode = identity
    h = gcn_conv(x, edge_index, W1, b1)
    h = jax.nn.relu(h)
    h = gcn_conv(h, edge_index, W2, b2)
    h = jax.nn.relu(h)
    h = gcn_conv(h, edge_index, W3, b3)
    h = jax.nn.relu(h)
    return jax.nn.log_softmax(h, axis=1)

if __name__ == "__main__":
    import jax
    _d = setup_inputs()
    print(jax.jit(kernel)(*tuple(_d.values())))

</pallas_src>

<mosaic_0001>
#map = affine_map<(d0, d1) -> (0, 0)>
#map1 = affine_map<(d0, d1) -> (0, 0, 0)>
module attributes {stable_mosaic.version = 14 : i64} {
  func.func @deg(%arg0: i32, %arg1: i32, %arg2: memref<2560x128xi32, #tpu.memory_space<hbm>>, %arg3: memref<2x10240x16xf32, #tpu.memory_space<hbm>>, %arg4: memref<80x128xi32, #tpu.memory_space<vmem>>, %arg5: memref<128x16xf32, #tpu.memory_space<vmem>>, %arg6: memref<10240x16xf32, #tpu.memory_space<vmem_shared>>, %arg7: memref<!tpu.dma_semaphore, #tpu.memory_space<semaphore_mem>>, %arg8: memref<!tpu.dma_semaphore, #tpu.memory_space<semaphore_mem>>) attributes {dimension_semantics = [#tpu.dimension_semantics<core_parallel>, #tpu.dimension_semantics<subcore_parallel>], iteration_bounds = array<i64: 2, 16>, scalar_prefetch = 0 : i64, scratch_operands = 5 : i64, tpu.core_type = #tpu.core_type<sc_vector_subcore>, window_params = [{transform_indices = #map}, {transform_indices = #map1}]} {
    %mul3A = arith.constant 2 : i32
    %mul3A_0 = arith.muli %arg1, %mul3A : i32
    %add3A = arith.addi %mul3A_0, %arg0 : i32
    %mul3A_1 = arith.constant 80 : i32
    %mul3A_2 = arith.muli %add3A, %mul3A_1 : i32
    %dma_start3A = arith.constant 0 : i32
    %dma_start3A_3 = tpu.memref_slice %arg2[%mul3A_2, %dma_start3A] : memref<2560x128xi32, #tpu.memory_space<hbm>> -> memref<80x128xi32, #tpu.memory_space<hbm>>
    %dma_start3A_4 = arith.constant 0 : i32
    %dma_start3A_5 = tpu.memref_slice %arg2[%mul3A_2, %dma_start3A_4] : memref<2560x128xi32, #tpu.memory_space<hbm>> -> memref<80x128xi32, #tpu.memory_space<hbm>>
    tpu.enqueue_dma source(%dma_start3A_5 : memref<80x128xi32, #tpu.memory_space<hbm>>) target(%arg4 : memref<80x128xi32, #tpu.memory_space<vmem>>) target_semaphore(%arg7 : memref<!tpu.dma_semaphore, #tpu.memory_space<semaphore_mem>>)
    %scan3A = arith.constant 0 : i32
    %scan3A_6 = arith.constant 0 : i32
    %scan3A_7 = arith.constant 128 : i32
    %scan3A_8 = arith.addi %scan3A_6, %scan3A_7 : i32
    %scan3A_9 = arith.constant 1 : i32
    scf.for %scan3A_249 = %scan3A_6 to %scan3A_8 step %scan3A_9  : i32 {
      %broadcast_in_dim3A = arith.constant 0.000000e+00 : f32
      %broadcast_in_dim3A_250 = vector.broadcast %broadcast_in_dim3A : f32 to vector<16xf32>
      %swap3A = arith.index_cast %scan3A_249 : i32 to index
      %swap3A_251 = arith.constant 0 : index
      %swap3A_252 = tpu.vector_load %arg5[%swap3A, %swap3A_251] {strides = array<i32>} : memref<128x16xf32, #tpu.memory_space<vmem>>, vector<1x16xf32>,
      %swap3A_253 = vector.shape_cast %swap3A_252 : vector<1x16xf32> to vector<16xf32>
      %swap3A_254 = vector.shape_cast %broadcast_in_dim3A_250 : vector<16xf32> to vector<1x16xf32>
      tpu.vector_store %arg5[%swap3A, %swap3A_251], %swap3A_254 {strides = array<i32>} : memref<128x16xf32, #tpu.memory_space<vmem>>, vector<1x16xf32>,
    }
    %scan3A_10 = arith.constant 128 : i32
    %mul3A_11 = arith.constant 640 : i32
    %mul3A_12 = arith.muli %arg1, %mul3A_11 : i32
    %add3A_13 = arith.constant 0 : i32
    %add3A_14 = arith.addi %mul3A_12, %add3A_13 : i32
    %dma_start3A_15 = arith.constant 0 : i32
    %dma_start3A_16 = arith.constant 0 : i32
    %dma_start3A_17 = tpu.memref_slice %arg5[%dma_start3A_15, %dma_start3A_16] : memref<128x16xf32, #tpu.memory_space<vmem>> -> memref<128x16xf32, #tpu.memory_space<vmem>>
    %dma_start3A_18 = arith.constant 0 : i32
    %dma_start3A_19 = tpu.memref_slice %arg6[%add3A_14, %dma_start3A_18] : memref<10240x16xf32, #tpu.memory_space<vmem_shared>> -> memref<128x16xf32, #tpu.memory_space<vmem_shared>>
    %dma_start3A_20 = arith.constant 0 : i32
    %dma_start3A_21 = tpu.memref_slice %arg6[%add3A_14, %dma_start3A_20] : memref<10240x16xf32, #tpu.memory_space<vmem_shared>> -> memref<128x16xf32, #tpu.memory_space<vmem_shared>>
    %dma_start3A_22 = arith.constant 0 : i32
    %dma_start3A_23 = arith.constant 0 : i32
    %dma_start3A_24 = tpu.memref_slice %arg5[%dma_start3A_22, %dma_start3A_23] : memref<128x16xf32, #tpu.memory_space<vmem>> -> memref<128x16xf32, #tpu.memory_space<vmem>>
    tpu.enqueue_dma source(%dma_start3A_24 : memref<128x16xf32, #tpu.memory_space<vmem>>) target(%dma_start3A_21 : memref<128x16xf32, #tpu.memory_space<vmem_shared>>) target_semaphore(%arg8 : memref<!tpu.dma_semaphore, #tpu.memory_space<semaphore_mem>>)
    %mul3A_25 = arith.constant 640 : i32
    %mul3A_26 = arith.muli %arg1, %mul3A_25 : i32
    %add3A_27 = arith.constant 128 : i32
    %add3A_28 = arith.addi %mul3A_26, %add3A_27 : i32
    %dma_start3A_29 = arith.constant 0 : i32
    %dma_start3A_30 = arith.constant 0 : i32
    %dma_start3A_31 = tpu.memref_slice %arg5[%dma_start3A_29, %dma_start3A_30] : memref<128x16xf32, #tpu.memory_space<vmem>> -> memref<128x16xf32, #tpu.memory_space<vmem>>
    %dma_start3A_32 = arith.constant 0 : i32
    %dma_start3A_33 = tpu.memref_slice %arg6[%add3A_28, %dma_start3A_32] : memref<10240x16xf32, #tpu.memory_space<vmem_shared>> -> memref<128x16xf32, #tpu.memory_space<vmem_shared>>
    %dma_start3A_34 = arith.constant 0 : i32
    %dma_start3A_35 = tpu.memref_slice %arg6[%add3A_28, %dma_start3A_34] : memref<10240x16xf32, #tpu.memory_space<vmem_shared>> -> memref<128x16xf32, #tpu.memory_space<vmem_shared>>
    %dma_start3A_36 = arith.constant 0 : i32
    %dma_start3A_37 = arith.constant 0 : i32
    %dma_start3A_38 = tpu.memref_slice %arg5[%dma_start3A_36, %dma_start3A_37] : memref<128x16xf32, #tpu.memory_space<vmem>> -> memref<128x16xf32, #tpu.memory_space<vmem>>
    tpu.enqueue_dma source(%dma_start3A_38 : memref<128x16xf32, #tpu.memory_space<vmem>>) target(%dma_start3A_35 : memref<128x16xf32, #tpu.memory_space<vmem_shared>>) target_semaphore(%arg8 : memref<!tpu.dma_semaphore, #tpu.memory_space<semaphore_mem>>)
    %mul3A_39 = arith.constant 640 : i32
    %mul3A_40 = arith.muli %arg1, %mul3A_39 : i32
    %add3A_41 = arith.constant 256 : i32
    %add3A_42 = arith.addi %mul3A_40, %add3A_41 : i32
    %dma_start3A_43 = arith.constant 0 : i32
    %dma_start3A_44 = arith.constant 0 : i32
    %dma_start3A_45 = tpu.memref_slice %arg5[%dma_start3A_43, %dma_start3A_44] : memref<128x16xf32, #tpu.memory_space<vmem>> -> memref<128x16xf32, #tpu.memory_space<vmem>>
    %dma_start3A_46 = arith.constant 0 : i32
    %dma_start3A_47 = tpu.memref_slice %arg6[%add3A_42, %dma_start3A_46] : memref<10240x16xf32, #tpu.memory_space<vmem_shared>> -> memref<128x16xf32, #tpu.memory_space<vmem_shared>>
    %dma_start3A_48 = arith.constant 0 : i32
    %dma_start3A_49 = tpu.memref_slice %arg6[%add3A_42, %dma_start3A_48] : memref<10240x16xf32, #tpu.memory_space<vmem_shared>> -> memref<128x16xf32, #tpu.memory_space<vmem_shared>>
    %dma_start3A_50 = arith.constant 0 : i32
    %dma_start3A_51 = arith.constant 0 : i32
    %dma_start3A_52 = tpu.memref_slice %arg5[%dma_start3A_50, %dma_start3A_51] : memref<128x16xf32, #tpu.memory_space<vmem>> -> memref<128x16xf32, #tpu.memory_space<vmem>>
    tpu.enqueue_dma source(%dma_start3A_52 : memref<128x16xf32, #tpu.memory_space<vmem>>) target(%dma_start3A_49 : memref<128x16xf32, #tpu.memory_space<vmem_shared>>) target_semaphore(%arg8 : memref<!tpu.dma_semaphore, #tpu.memory_space<semaphore_mem>>)
    %mul3A_53 = arith.constant 640 : i32
    %mul3A_54 = arith.muli %arg1, %mul3A_53 : i32
    %add3A_55 = arith.constant 384 : i32
    %add3A_56 = arith.addi %mul3A_54, %add3A_55 : i32
    %dma_start3A_57 = arith.constant 0 : i32
    %dma_start3A_58 = arith.constant 0 : i32
    %dma_start3A_59 = tpu.memref_slice %arg5[%dma_start3A_57, %dma_start3A_58] : memref<128x16xf32, #tpu.memory_space<vmem>> -> memref<128x16xf32, #tpu.memory_space<vmem>>
    %dma_start3A_60 = arith.constant 0 : i32
    %dma_start3A_61 = tpu.memref_slice %arg6[%add3A_56, %dma_start3A_60] : memref<10240x16xf32, #tpu.memory_space<vmem_shared>> -> memref<128x16xf32, #tpu.memory_space<vmem_shared>>
    %dma_start3A_62 = arith.constant 0 : i32
    %dma_start3A_63 = tpu.memref_slice %arg6[%add3A_56, %dma_start3A_62] : memref<10240x16xf32, #tpu.memory_space<vmem_shared>> -> memref<128x16xf32, #tpu.memory_space<vmem_shared>>
    %dma_start3A_64 = arith.constant 0 : i32
    %dma_start3A_65 = arith.constant 0 : i32
    %dma_start3A_66 = tpu.memref_slice %arg5[%dma_start3A_64, %dma_start3A_65] : memref<128x16xf32, #tpu.memory_space<vmem>> -> memref<128x16xf32, #tpu.memory_space<vmem>>
    tpu.enqueue_dma source(%dma_start3A_66 : memref<128x16xf32, #tpu.memory_space<vmem>>) target(%dma_start3A_63 : memref<128x16xf32, #tpu.memory_space<vmem_shared>>) target_semaphore(%arg8 : memref<!tpu.dma_semaphore, #tpu.memory_space<semaphore_mem>>)
    %mul3A_67 = arith.constant 640 : i32
    %mul3A_68 = arith.muli %arg1, %mul3A_67 : i32
    %add3A_69 = arith.constant 512 : i32
    %add3A_70 = arith.addi %mul3A_68, %add3A_69 : i32
    %dma_start3A_71 = arith.constant 0 : i32
    %dma_start3A_72 = arith.constant 0 : i32
    %dma_start3A_73 = tpu.memref_slice %arg5[%dma_start3A_71, %dma_start3A_72] : memref<128x16xf32, #tpu.memory_space<vmem>> -> memref<128x16xf32, #tpu.memory_space<vmem>>
    %dma_start3A_74 = arith.constant 0 : i32
    %dma_start3A_75 = tpu.memref_slice %arg6[%add3A_70, %dma_start3A_74] : memref<10240x16xf32, #tpu.memory_space<vmem_shared>> -> memref<128x16xf32, #tpu.memory_space<vmem_shared>>
    %dma_start3A_76 = arith.constant 0 : i32
    %dma_start3A_77 = tpu.memref_slice %arg6[%add3A_70, %dma_start3A_76] : memref<10240x16xf32, #tpu.memory_space<vmem_shared>> -> memref<128x16xf32, #tpu.memory_space<vmem_shared>>
    %dma_start3A_78 = arith.constant 0 : i32
    %dma_start3A_79 = arith.constant 0 : i32
    %dma_start3A_80 = tpu.memref_slice %arg5[%dma_start3A_78, %dma_start3A_79] : memref<128x16xf32, #tpu.memory_space<vmem>> -> memref<128x16xf32, #tpu.memory_space<vmem>>
    tpu.enqueue_dma source(%dma_start3A_80 : memref<128x16xf32, #tpu.memory_space<vmem>>) target(%dma_start3A_77 : memref<128x16xf32, #tpu.memory_space<vmem_shared>>) target_semaphore(%arg8 : memref<!tpu.dma_semaphore, #tpu.memory_space<semaphore_mem>>)
    %dma_wait3A = arith.constant 0 : i32
    %dma_wait3A_81 = arith.constant 0 : i32
    %dma_wait3A_82 = tpu.memref_slice %arg5[%dma_wait3A, %dma_wait3A_81] : memref<128x16xf32, #tpu.memory_space<vmem>> -> memref<128x16xf32, #tpu.memory_space<vmem>>
    %dma_wait3A_83 = arith.constant 0 : i32
    %dma_wait3A_84 = tpu.memref_slice %arg6[%add3A_14, %dma_wait3A_83] : memref<10240x16xf32, #tpu.memory_space<vmem_shared>> -> memref<128x16xf32, #tpu.memory_space<vmem_shared>>
    %dma_wait3A_85 = arith.constant 0 : i32
    %dma_wait3A_86 = tpu.memref_slice %arg6[%add3A_14, %dma_wait3A_85] : memref<10240x16xf32, #tpu.memory_space<vmem_shared>> -> memref<128x16xf32, #tpu.memory_space<vmem_shared>>
    %dma_wait3A_87 = arith.constant 0 : i32
    %dma_wait3A_88 = arith.constant 0 : i32
    %dma_wait3A_89 = tpu.memref_slice %arg5[%dma_wait3A_87, %dma_wait3A_88] : memref<128x16xf32, #tpu.memory_space<vmem>> -> memref<128x16xf32, #tpu.memory_space<vmem>>
    tpu.wait_dma2 semaphore(%arg8 : memref<!tpu.dma_semaphore, #tpu.memory_space<semaphore_mem>>) src(%dma_wait3A_89 : memref<128x16xf32, #tpu.memory_space<vmem>>) dst(%dma_wait3A_86 : memref<128x16xf32, #tpu.memory_space<vmem_shared>>)
    %dma_wait3A_90 = arith.constant 0 : i32
    %dma_wait3A_91 = arith.constant 0 : i32
    %dma_wait3A_92 = tpu.memref_slice %arg5[%dma_wait3A_90, %dma_wait3A_91] : memref<128x16xf32, #tpu.memory_space<vmem>> -> memref<128x16xf32, #tpu.memory_space<vmem>>
    %dma_wait3A_93 = arith.constant 0 : i32
    %dma_wait3A_94 = tpu.memref_slice %arg6[%add3A_28, %dma_wait3A_93] : memref<10240x16xf32, #tpu.memory_space<vmem_shared>> -> memref<128x16xf32, #tpu.memory_space<vmem_shared>>
    %dma_wait3A_95 = arith.constant 0 : i32
    %dma_wait3A_96 = tpu.memref_slice %arg6[%add3A_28, %dma_wait3A_95] : memref<10240x16xf32, #tpu.memory_space<vmem_shared>> -> memref<128x16xf32, #tpu.memory_space<vmem_shared>>
    %dma_wait3A_97 = arith.constant 0 : i32
    %dma_wait3A_98 = arith.constant 0 : i32
    %dma_wait3A_99 = tpu.memref_slice %arg5[%dma_wait3A_97, %dma_wait3A_98] : memref<128x16xf32, #tpu.memory_space<vmem>> -> memref<128x16xf32, #tpu.memory_space<vmem>>
    tpu.wait_dma2 semaphore(%arg8 : memref<!tpu.dma_semaphore, #tpu.memory_space<semaphore_mem>>) src(%dma_wait3A_99 : memref<128x16xf32, #tpu.memory_space<vmem>>) dst(%dma_wait3A_96 : memref<128x16xf32, #tpu.memory_space<vmem_shared>>)
    %dma_wait3A_100 = arith.constant 0 : i32
    %dma_wait3A_101 = arith.constant 0 : i32
    %dma_wait3A_102 = tpu.memref_slice %arg5[%dma_wait3A_100, %dma_wait3A_101] : memref<128x16xf32, #tpu.memory_space<vmem>> -> memref<128x16xf32, #tpu.memory_space<vmem>>
    %dma_wait3A_103 = arith.constant 0 : i32
    %dma_wait3A_104 = tpu.memref_slice %arg6[%add3A_42, %dma_wait3A_103] : memref<10240x16xf32, #tpu.memory_space<vmem_shared>> -> memref<128x16xf32, #tpu.memory_space<vmem_shared>>
    %dma_wait3A_105 = arith.constant 0 : i32
    %dma_wait3A_106 = tpu.memref_slice %arg6[%add3A_42, %dma_wait3A_105] : memref<10240x16xf32, #tpu.memory_space<vmem_shared>> -> memref<128x16xf32, #tpu.memory_space<vmem_shared>>
    %dma_wait3A_107 = arith.constant 0 : i32
    %dma_wait3A_108 = arith.constant 0 : i32
    %dma_wait3A_109 = tpu.memref_slice %arg5[%dma_wait3A_107, %dma_wait3A_108] : memref<128x16xf32, #tpu.memory_space<vmem>> -> memref<128x16xf32, #tpu.memory_space<vmem>>
    tpu.wait_dma2 semaphore(%arg8 : memref<!tpu.dma_semaphore, #tpu.memory_space<semaphore_mem>>) src(%dma_wait3A_109 : memref<128x16xf32, #tpu.memory_space<vmem>>) dst(%dma_wait3A_106 : memref<128x16xf32, #tpu.memory_space<vmem_shared>>)
    %dma_wait3A_110 = arith.constant 0 : i32
    %dma_wait3A_111 = arith.constant 0 : i32
    %dma_wait3A_112 = tpu.memref_slice %arg5[%dma_wait3A_110, %dma_wait3A_111] : memref<128x16xf32, #tpu.memory_space<vmem>> -> memref<128x16xf32, #tpu.memory_space<vmem>>
    %dma_wait3A_113 = arith.constant 0 : i32
    %dma_wait3A_114 = tpu.memref_slice %arg6[%add3A_56, %dma_wait3A_113] : memref<10240x16xf32, #tpu.memory_space<vmem_shared>> -> memref<128x16xf32, #tpu.memory_space<vmem_shared>>
    %dma_wait3A_115 = arith.constant 0 : i32
    %dma_wait3A_116 = tpu.memref_slice %arg6[%add3A_56, %dma_wait3A_115] : memref<10240x16xf32, #tpu.memory_space<vmem_shared>> -> memref<128x16xf32, #tpu.memory_space<vmem_shared>>
    %dma_wait3A_117 = arith.constant 0 : i32
    %dma_wait3A_118 = arith.constant 0 : i32
    %dma_wait3A_119 = tpu.memref_slice %arg5[%dma_wait3A_117, %dma_wait3A_118] : memref<128x16xf32, #tpu.memory_space<vmem>> -> memref<128x16xf32, #tpu.memory_space<vmem>>
    tpu.wait_dma2 semaphore(%arg8 : memref<!tpu.dma_semaphore, #tpu.memory_space<semaphore_mem>>) src(%dma_wait3A_119 : memref<128x16xf32, #tpu.memory_space<vmem>>) dst(%dma_wait3A_116 : memref<128x16xf32, #tpu.memory_space<vmem_shared>>)
    %dma_wait3A_120 = arith.constant 0 : i32
    %dma_wait3A_121 = arith.constant 0 : i32
    %dma_wait3A_122 = tpu.memref_slice %arg5[%dma_wait3A_120, %dma_wait3A_121] : memref<128x16xf32, #tpu.memory_space<vmem>> -> memref<128x16xf32, #tpu.memory_space<vmem>>
    %dma_wait3A_123 = arith.constant 0 : i32
    %dma_wait3A_124 = tpu.memref_slice %arg6[%add3A_70, %dma_wait3A_123] : memref<10240x16xf32, #tpu.memory_space<vmem_shared>> -> memref<128x16xf32, #tpu.memory_space<vmem_shared>>
    %dma_wait3A_125 = arith.constant 0 : i32
    %dma_wait3A_126 = tpu.memref_slice %arg6[%add3A_70, %dma_wait3A_125] : memref<10240x16xf32, #tpu.memory_space<vmem_shared>> -> memref<128x16xf32, #tpu.memory_space<vmem_shared>>
    %dma_wait3A_127 = arith.constant 0 : i32
    %dma_wait3A_128 = arith.constant 0 : i32
    %dma_wait3A_129 = tpu.memref_slice %arg5[%dma_wait3A_127, %dma_wait3A_128] : memref<128x16xf32, #tpu.memory_space<vmem>> -> memref<128x16xf32, #tpu.memory_space<vmem>>
    tpu.wait_dma2 semaphore(%arg8 : memref<!tpu.dma_semaphore, #tpu.memory_space<semaphore_mem>>) src(%dma_wait3A_129 : memref<128x16xf32, #tpu.memory_space<vmem>>) dst(%dma_wait3A_126 : memref<128x16xf32, #tpu.memory_space<vmem_shared>>)
    %barrier3A = arith.constant 0 : index
    tpu.barrier barrier_id(%barrier3A)
    %scan3A_130 = arith.constant 0 : i32
    %scan3A_131 = arith.constant 0 : i32
    %scan3A_132 = arith.constant 128 : i32
    %scan3A_133 = arith.addi %scan3A_131, %scan3A_132 : i32
    %scan3A_134 = arith.constant 1 : i32
    scf.for %scan3A_249 = %scan3A_131 to %scan3A_133 step %scan3A_134  : i32 {
      %broadcast_in_dim3A = arith.constant 1.000000e+00 : f32
      %broadcast_in_dim3A_250 = vector.broadcast %broadcast_in_dim3A : f32 to vector<16xf32>
      %swap3A = arith.index_cast %scan3A_249 : i32 to index
      %swap3A_251 = arith.constant 0 : index
      %swap3A_252 = tpu.vector_load %arg5[%swap3A, %swap3A_251] {strides = array<i32>} : memref<128x16xf32, #tpu.memory_space<vmem>>, vector<1x16xf32>,
      %swap3A_253 = vector.shape_cast %swap3A_252 : vector<1x16xf32> to vector<16xf32>
      %swap3A_254 = vector.shape_cast %broadcast_in_dim3A_250 : vector<16xf32> to vector<1x16xf32>
      tpu.vector_store %arg5[%swap3A, %swap3A_251], %swap3A_254 {strides = array<i32>} : memref<128x16xf32, #tpu.memory_space<vmem>>, vector<1x16xf32>,
    }
    %scan3A_135 = arith.constant 128 : i32
    %mul3A_136 = arith.constant 80 : i32
    %mul3A_137 = arith.muli %add3A, %mul3A_136 : i32
    %dma_wait3A_138 = arith.constant 0 : i32
    %dma_wait3A_139 = tpu.memref_slice %arg2[%mul3A_137, %dma_wait3A_138] : memref<2560x128xi32, #tpu.memory_space<hbm>> -> memref<80x128xi32, #tpu.memory_space<hbm>>
    %dma_wait3A_140 = arith.constant 0 : i32
    %dma_wait3A_141 = tpu.memref_slice %arg2[%mul3A_137, %dma_wait3A_140] : memref<2560x128xi32, #tpu.memory_space<hbm>> -> memref<80x128xi32, #tpu.memory_space<hbm>>
    tpu.wait_dma2 semaphore(%arg7 : memref<!tpu.dma_semaphore, #tpu.memory_space<semaphore_mem>>) src(%dma_wait3A_141 : memref<80x128xi32, #tpu.memory_space<hbm>>) dst(%arg4 : memref<80x128xi32, #tpu.memory_space<vmem>>)
    %scan3A_142 = arith.constant 0 : i32
    %scan3A_143 = arith.constant 0 : i32
    %scan3A_144 = arith.constant 10 : i32
    %scan3A_145 = arith.addi %scan3A_143, %scan3A_144 : i32
    %scan3A_146 = arith.constant 1 : i32
    scf.for %scan3A_249 = %scan3A_143 to %scan3A_145 step %scan3A_146  : i32 {
      %mul3A_250 = arith.constant 8 : i32
      %mul3A_251 = arith.muli %scan3A_249, %mul3A_250 : i32
      %add3A_252 = arith.constant 0 : i32
      %add3A_253 = arith.addi %mul3A_251, %add3A_252 : i32
      %dma_start3A_254 = arith.constant 0 : i32
      %dma_start3A_255 = tpu.memref_slice %arg4[%add3A_253, %dma_start3A_254] : memref<80x128xi32, #tpu.memory_space<vmem>> -> memref<1x128xi32, #tpu.memory_space<vmem>>
      %dma_start3A_256 = tpu.memref_squeeze %dma_start3A_255 : memref<1x128xi32, #tpu.memory_space<vmem>> -> memref<128xi32, #tpu.memory_space<vmem>>
      %dma_start3A_257 = arith.constant 0 : i32
      %dma_start3A_258 = arith.constant 0 : i32
      %dma_start3A_259 = tpu.memref_slice %arg6[%dma_start3A_257, %dma_start3A_258] : memref<10240x16xf32, #tpu.memory_space<vmem_shared>> -> memref<10240x16xf32, #tpu.memory_space<vmem_shared>>
      tpu.enqueue_indirect_dma source(%arg5 : memref<128x16xf32, #tpu.memory_space<vmem>>) target(%dma_start3A_259 : memref<10240x16xf32, #tpu.memory_space<vmem_shared>>) offsets(%dma_start3A_256 : memref<128xi32, #tpu.memory_space<vmem>>) semaphore(%arg8 : memref<!tpu.dma_semaphore, #tpu.memory_space<semaphore_mem>>) {add = true}
      %mul3A_260 = arith.constant 8 : i32
      %mul3A_261 = arith.muli %scan3A_249, %mul3A_260 : i32
      %add3A_262 = arith.constant 1 : i32
      %add3A_263 = arith.addi %mul3A_261, %add3A_262 : i32
      %dma_start3A_264 = arith.constant 0 : i32
      %dma_start3A_265 = tpu.memref_slice %arg4[%add3A_263, %dma_start3A_264] : memref<80x128xi32, #tpu.memory_space<vmem>> -> memref<1x128xi32, #tpu.memory_space<vmem>>
      %dma_start3A_266 = tpu.memref_squeeze %dma_start3A_265 : memref<1x128xi32, #tpu.memory_space<vmem>> -> memref<128xi32, #tpu.memory_space<vmem>>
      %dma_start3A_267 = arith.constant 0 : i32
      %dma_start3A_268 = arith.constant 0 : i32
      %dma_start3A_269 = tpu.memref_slice %arg6[%dma_start3A_267, %dma_start3A_268] : memref<10240x16xf32, #tpu.memory_space<vmem_shared>> -> memref<10240x16xf32, #tpu.memory_space<vmem_shared>>
      tpu.enqueue_indirect_dma source(%arg5 : memref<128x16xf32, #tpu.memory_space<vmem>>) target(%dma_start3A_269 : memref<10240x16xf32, #tpu.memory_space<vmem_shared>>) offsets(%dma_start3A_266 : memref<128xi32, #tpu.memory_space<vmem>>) semaphore(%arg8 : memref<!tpu.dma_semaphore, #tpu.memory_space<semaphore_mem>>) {add = true}
      %mul3A_270 = arith.constant 8 : i32
      %mul3A_271 = arith.muli %scan3A_249, %mul3A_270 : i32
      %add3A_272 = arith.constant 2 : i32
      %add3A_273 = arith.addi %mul3A_271, %add3A_272 : i32
      %dma_start3A_274 = arith.constant 0 : i32
      %dma_start3A_275 = tpu.memref_slice %arg4[%add3A_273, %dma_start3A_274] : memref<80x128xi32, #tpu.memory_space<vmem>> -> memref<1x128xi32, #tpu.memory_space<vmem>>
      %dma_start3A_276 = tpu.memref_squeeze %dma_start3A_275 : memref<1x128xi32, #tpu.memory_space<vmem>> -> memref<128xi32, #tpu.memory_space<vmem>>
      %dma_start3A_277 = arith.constant 0 : i32
      %dma_start3A_278 = arith.constant 0 : i32
      %dma_start3A_279 = tpu.memref_slice %arg6[%dma_start3A_277, %dma_start3A_278] : memref<10240x16xf32, #tpu.memory_space<vmem_shared>> -> memref<10240x16xf32, #tpu.memory_space<vmem_shared>>
      tpu.enqueue_indirect_dma source(%arg5 : memref<128x16xf32, #tpu.memory_space<vmem>>) target(%dma_start3A_279 : memref<10240x16xf32, #tpu.memory_space<vmem_shared>>) offsets(%dma_start3A_276 : memref<128xi32, #tpu.memory_space<vmem>>) semaphore(%arg8 : memref<!tpu.dma_semaphore, #tpu.memory_space<semaphore_mem>>) {add = true}
      %mul3A_280 = arith.constant 8 : i32
      %mul3A_281 = arith.muli %scan3A_249, %mul3A_280 : i32
      %add3A_282 = arith.constant 3 : i32
      %add3A_283 = arith.addi %mul3A_281, %add3A_282 : i32
      %dma_start3A_284 = arith.constant 0 : i32
      %dma_start3A_285 = tpu.memref_slice %arg4[%add3A_283, %dma_start3A_284] : memref<80x128xi32, #tpu.memory_space<vmem>> -> memref<1x128xi32, #tpu.memory_space<vmem>>
      %dma_start3A_286 = tpu.memref_squeeze %dma_start3A_285 : memref<1x128xi32, #tpu.memory_space<vmem>> -> memref<128xi32, #tpu.memory_space<vmem>>
      %dma_start3A_287 = arith.constant 0 : i32
      %dma_start3A_288 = arith.constant 0 : i32
      %dma_start3A_289 = tpu.memref_slice %arg6[%dma_start3A_287, %dma_start3A_288] : memref<10240x16xf32, #tpu.memory_space<vmem_shared>> -> memref<10240x16xf32, #tpu.memory_space<vmem_shared>>
      tpu.enqueue_indirect_dma source(%arg5 : memref<128x16xf32, #tpu.memory_space<vmem>>) target(%dma_start3A_289 : memref<10240x16xf32, #tpu.memory_space<vmem_shared>>) offsets(%dma_start3A_286 : memref<128xi32, #tpu.memory_space<vmem>>) semaphore(%arg8 : memref<!tpu.dma_semaphore, #tpu.memory_space<semaphore_mem>>) {add = true}
      %mul3A_290 = arith.constant 8 : i32
      %mul3A_291 = arith.muli %scan3A_249, %mul3A_290 : i32
      %add3A_292 = arith.constant 4 : i32
      %add3A_293 = arith.addi %mul3A_291, %add3A_292 : i32
      %dma_start3A_294 = arith.constant 0 : i32
      %dma_start3A_295 = tpu.memref_slice %arg4[%add3A_293, %dma_start3A_294] : memref<80x128xi32, #tpu.memory_space<vmem>> -> memref<1x128xi32, #tpu.memory_space<vmem>>
      %dma_start3A_296 = tpu.memref_squeeze %dma_start3A_295 : memref<1x128xi32, #tpu.memory_space<vmem>> -> memref<128xi32, #tpu.memory_space<vmem>>
      %dma_start3A_297 = arith.constant 0 : i32
      %dma_start3A_298 = arith.constant 0 : i32
      %dma_start3A_299 = tpu.memref_slice %arg6[%dma_start3A_297, %dma_start3A_298] : memref<10240x16xf32, #tpu.memory_space<vmem_shared>> -> memref<10240x16xf32, #tpu.memory_space<vmem_shared>>
      tpu.enqueue_indirect_dma source(%arg5 : memref<128x16xf32, #tpu.memory_space<vmem>>) target(%dma_start3A_299 : memref<10240x16xf32, #tpu.memory_space<vmem_shared>>) offsets(%dma_start3A_296 : memref<128xi32, #tpu.memory_space<vmem>>) semaphore(%arg8 : memref<!tpu.dma_semaphore, #tpu.memory_space<semaphore_mem>>) {add = true}
      %mul3A_300 = arith.constant 8 : i32
      %mul3A_301 = arith.muli %scan3A_249, %mul3A_300 : i32
      %add3A_302 = arith.constant 5 : i32
      %add3A_303 = arith.addi %mul3A_301, %add3A_302 : i32
      %dma_start3A_304 = arith.constant 0 : i32
      %dma_start3A_305 = tpu.memref_slice %arg4[%add3A_303, %dma_start3A_304] : memref<80x128xi32, #tpu.memory_space<vmem>> -> memref<1x128xi32, #tpu.memory_space<vmem>>
      %dma_start3A_306 = tpu.memref_squeeze %dma_start3A_305 : memref<1x128xi32, #tpu.memory_space<vmem>> -> memref<128xi32, #tpu.memory_space<vmem>>
      %dma_start3A_307 = arith.constant 0 : i32
      %dma_start3A_308 = arith.constant 0 : i32
      %dma_start3A_309 = tpu.memref_slice %arg6[%dma_start3A_307, %dma_start3A_308] : memref<10240x16xf32, #tpu.memory_space<vmem_shared>> -> memref<10240x16xf32, #tpu.memory_space<vmem_shared>>
      tpu.enqueue_indirect_dma source(%arg5 : memref<128x16xf32, #tpu.memory_space<vmem>>) target(%dma_start3A_309 : memref<10240x16xf32, #tpu.memory_space<vmem_shared>>) offsets(%dma_start3A_306 : memref<128xi32, #tpu.memory_space<vmem>>) semaphore(%arg8 : memref<!tpu.dma_semaphore, #tpu.memory_space<semaphore_mem>>) {add = true}
      %mul3A_310 = arith.constant 8 : i32
      %mul3A_311 = arith.muli %scan3A_249, %mul3A_310 : i32
      %add3A_312 = arith.constant 6 : i32
      %add3A_313 = arith.addi %mul3A_311, %add3A_312 : i32
      %dma_start3A_314 = arith.constant 0 : i32
      %dma_start3A_315 = tpu.memref_slice %arg4[%add3A_313, %dma_start3A_314] : memref<80x128xi32, #tpu.memory_space<vmem>> -> memref<1x128xi32, #tpu.memory_space<vmem>>
      %dma_start3A_316 = tpu.memref_squeeze %dma_start3A_315 : memref<1x128xi32, #tpu.memory_space<vmem>> -> memref<128xi32, #tpu.memory_space<vmem>>
      %dma_start3A_317 = arith.constant 0 : i32
      %dma_start3A_318 = arith.constant 0 : i32
      %dma_start3A_319 = tpu.memref_slice %arg6[%dma_start3A_317, %dma_start3A_318] : memref<10240x16xf32, #tpu.memory_space<vmem_shared>> -> memref<10240x16xf32, #tpu.memory_space<vmem_shared>>
      tpu.enqueue_indirect_dma source(%arg5 : memref<128x16xf32, #tpu.memory_space<vmem>>) target(%dma_start3A_319 : memref<10240x16xf32, #tpu.memory_space<vmem_shared>>) offsets(%dma_start3A_316 : memref<128xi32, #tpu.memory_space<vmem>>) semaphore(%arg8 : memref<!tpu.dma_semaphore, #tpu.memory_space<semaphore_mem>>) {add = true}
      %mul3A_320 = arith.constant 8 : i32
      %mul3A_321 = arith.muli %scan3A_249, %mul3A_320 : i32
      %add3A_322 = arith.constant 7 : i32
      %add3A_323 = arith.addi %mul3A_321, %add3A_322 : i32
      %dma_start3A_324 = arith.constant 0 : i32
      %dma_start3A_325 = tpu.memref_slice %arg4[%add3A_323, %dma_start3A_324] : memref<80x128xi32, #tpu.memory_space<vmem>> -> memref<1x128xi32, #tpu.memory_space<vmem>>
      %dma_start3A_326 = tpu.memref_squeeze %dma_start3A_325 : memref<1x128xi32, #tpu.memory_space<vmem>> -> memref<128xi32, #tpu.memory_space<vmem>>
      %dma_start3A_327 = arith.constant 0 : i32
      %dma_start3A_328 = arith.constant 0 : i32
      %dma_start3A_329 = tpu.memref_slice %arg6[%dma_start3A_327, %dma_start3A_328] : memref<10240x16xf32, #tpu.memory_space<vmem_shared>> -> memref<10240x16xf32, #tpu.memory_space<vmem_shared>>
      tpu.enqueue_indirect_dma source(%arg5 : memref<128x16xf32, #tpu.memory_space<vmem>>) target(%dma_start3A_329 : memref<10240x16xf32, #tpu.memory_space<vmem_shared>>) offsets(%dma_start3A_326 : memref<128xi32, #tpu.memory_space<vmem>>) semaphore(%arg8 : memref<!tpu.dma_semaphore, #tpu.memory_space<semaphore_mem>>) {add = true}
      %dma_wait3A_330 = arith.constant 0 : i32
      %dma_wait3A_331 = tpu.memref_slice %arg4[%add3A_253, %dma_wait3A_330] : memref<80x128xi32, #tpu.memory_space<vmem>> -> memref<1x128xi32, #tpu.memory_space<vmem>>
      %dma_wait3A_332 = tpu.memref_squeeze %dma_wait3A_331 : memref<1x128xi32, #tpu.memory_space<vmem>> -> memref<128xi32, #tpu.memory_space<vmem>>
      %dma_wait3A_333 = arith.constant 0 : i32
      %dma_wait3A_334 = arith.constant 0 : i32
      %dma_wait3A_335 = tpu.memref_slice %arg6[%dma_wait3A_333, %dma_wait3A_334] : memref<10240x16xf32, #tpu.memory_space<vmem_shared>> -> memref<10240x16xf32, #tpu.memory_space<vmem_shared>>
      tpu.wait_indirect_dma semaphore(%arg8 : memref<!tpu.dma_semaphore, #tpu.memory_space<semaphore_mem>>) src(%arg5 : memref<128x16xf32, #tpu.memory_space<vmem>>) dst(%dma_wait3A_335 : memref<10240x16xf32, #tpu.memory_space<vmem_shared>>)
      %dma_wait3A_336 = arith.constant 0 : i32
      %dma_wait3A_337 = tpu.memref_slice %arg4[%add3A_263, %dma_wait3A_336] : memref<80x128xi32, #tpu.memory_space<vmem>> -> memref<1x128xi32, #tpu.memory_space<vmem>>
      %dma_wait3A_338 = tpu.memref_squeeze %dma_wait3A_337 : memref<1x128xi32, #tpu.memory_space<vmem>> -> memref<128xi32, #tpu.memory_space<vmem>>
      %dma_wait3A_339 = arith.constant 0 : i32
      %dma_wait3A_340 = arith.constant 0 : i32
      %dma_wait3A_341 = tpu.memref_slice %arg6[%dma_wait3A_339, %dma_wait3A_340] : memref<10240x16xf32, #tpu.memory_space<vmem_shared>> -> memref<10240x16xf32, #tpu.memory_space<vmem_shared>>
      tpu.wait_indirect_dma semaphore(%arg8 : memref<!tpu.dma_semaphore, #tpu.memory_space<semaphore_mem>>) src(%arg5 : memref<128x16xf32, #tpu.memory_space<vmem>>) dst(%dma_wait3A_341 : memref<10240x16xf32, #tpu.memory_space<vmem_shared>>)
      %dma_wait3A_342 = arith.constant 0 : i32
      %dma_wait3A_343 = tpu.memref_slice %arg4[%add3A_273, %dma_wait3A_342] : memref<80x128xi32, #tpu.memory_space<vmem>> -> memref<1x128xi32, #tpu.memory_space<vmem>>
      %dma_wait3A_344 = tpu.memref_squeeze %dma_wait3A_343 : memref<1x128xi32, #tpu.memory_space<vmem>> -> memref<128xi32, #tpu.memory_space<vmem>>
      %dma_wait3A_345 = arith.constant 0 : i32
      %dma_wait3A_346 = arith.constant 0 : i32
      %dma_wait3A_347 = tpu.memref_slice %arg6[%dma_wait3A_345, %dma_wait3A_346] : memref<10240x16xf32, #tpu.memory_space<vmem_shared>> -> memref<10240x16xf32, #tpu.memory_space<vmem_shared>>
      tpu.wait_indirect_dma semaphore(%arg8 : memref<!tpu.dma_semaphore, #tpu.memory_space<semaphore_mem>>) src(%arg5 : memref<128x16xf32, #tpu.memory_space<vmem>>) dst(%dma_wait3A_347 : memref<10240x16xf32, #tpu.memory_space<vmem_shared>>)
      %dma_wait3A_348 = arith.constant 0 : i32
      %dma_wait3A_349 = tpu.memref_slice %arg4[%add3A_283, %dma_wait3A_348] : memref<80x128xi32, #tpu.memory_space<vmem>> -> memref<1x128xi32, #tpu.memory_space<vmem>>
      %dma_wait3A_350 = tpu.memref_squeeze %dma_wait3A_349 : memref<1x128xi32, #tpu.memory_space<vmem>> -> memref<128xi32, #tpu.memory_space<vmem>>
      %dma_wait3A_351 = arith.constant 0 : i32
      %dma_wait3A_352 = arith.constant 0 : i32
      %dma_wait3A_353 = tpu.memref_slice %arg6[%dma_wait3A_351, %dma_wait3A_352] : memref<10240x16xf32, #tpu.memory_space<vmem_shared>> -> memref<10240x16xf32, #tpu.memory_space<vmem_shared>>
      tpu.wait_indirect_dma semaphore(%arg8 : memref<!tpu.dma_semaphore, #tpu.memory_space<semaphore_mem>>) src(%arg5 : memref<128x16xf32, #tpu.memory_space<vmem>>) dst(%dma_wait3A_353 : memref<10240x16xf32, #tpu.memory_space<vmem_shared>>)
      %dma_wait3A_354 = arith.constant 0 : i32
      %dma_wait3A_355 = tpu.memref_slice %arg4[%add3A_293, %dma_wait3A_354] : memref<80x128xi32, #tpu.memory_space<vmem>> -> memref<1x128xi32, #tpu.memory_space<vmem>>
      %dma_wait3A_356 = tpu.memref_squeeze %dma_wait3A_355 : memref<1x128xi32, #tpu.memory_space<vmem>> -> memref<128xi32, #tpu.memory_space<vmem>>
      %dma_wait3A_357 = arith.constant 0 : i32
      %dma_wait3A_358 = arith.constant 0 : i32
      %dma_wait3A_359 = tpu.memref_slice %arg6[%dma_wait3A_357, %dma_wait3A_358] : memref<10240x16xf32, #tpu.memory_space<vmem_shared>> -> memref<10240x16xf32, #tpu.memory_space<vmem_shared>>
      tpu.wait_indirect_dma semaphore(%arg8 : memref<!tpu.dma_semaphore, #tpu.memory_space<semaphore_mem>>) src(%arg5 : memref<128x16xf32, #tpu.memory_space<vmem>>) dst(%dma_wait3A_359 : memref<10240x16xf32, #tpu.memory_space<vmem_shared>>)
      %dma_wait3A_360 = arith.constant 0 : i32
      %dma_wait3A_361 = tpu.memref_slice %arg4[%add3A_303, %dma_wait3A_360] : memref<80x128xi32, #tpu.memory_space<vmem>> -> memref<1x128xi32, #tpu.memory_space<vmem>>
      %dma_wait3A_362 = tpu.memref_squeeze %dma_wait3A_361 : memref<1x128xi32, #tpu.memory_space<vmem>> -> memref<128xi32, #tpu.memory_space<vmem>>
      %dma_wait3A_363 = arith.constant 0 : i32
      %dma_wait3A_364 = arith.constant 0 : i32
      %dma_wait3A_365 = tpu.memref_slice %arg6[%dma_wait3A_363, %dma_wait3A_364] : memref<10240x16xf32, #tpu.memory_space<vmem_shared>> -> memref<10240x16xf32, #tpu.memory_space<vmem_shared>>
      tpu.wait_indirect_dma semaphore(%arg8 : memref<!tpu.dma_semaphore, #tpu.memory_space<semaphore_mem>>) src(%arg5 : memref<128x16xf32, #tpu.memory_space<vmem>>) dst(%dma_wait3A_365 : memref<10240x16xf32, #tpu.memory_space<vmem_shared>>)
      %dma_wait3A_366 = arith.constant 0 : i32
      %dma_wait3A_367 = tpu.memref_slice %arg4[%add3A_313, %dma_wait3A_366] : memref<80x128xi32, #tpu.memory_space<vmem>> -> memref<1x128xi32, #tpu.memory_space<vmem>>
      %dma_wait3A_368 = tpu.memref_squeeze %dma_wait3A_367 : memref<1x128xi32, #tpu.memory_space<vmem>> -> memref<128xi32, #tpu.memory_space<vmem>>
      %dma_wait3A_369 = arith.constant 0 : i32
      %dma_wait3A_370 = arith.constant 0 : i32
      %dma_wait3A_371 = tpu.memref_slice %arg6[%dma_wait3A_369, %dma_wait3A_370] : memref<10240x16xf32, #tpu.memory_space<vmem_shared>> -> memref<10240x16xf32, #tpu.memory_space<vmem_shared>>
      tpu.wait_indirect_dma semaphore(%arg8 : memref<!tpu.dma_semaphore, #tpu.memory_space<semaphore_mem>>) src(%arg5 : memref<128x16xf32, #tpu.memory_space<vmem>>) dst(%dma_wait3A_371 : memref<10240x16xf32, #tpu.memory_space<vmem_shared>>)
      %dma_wait3A_372 = arith.constant 0 : i32
      %dma_wait3A_373 = tpu.memref_slice %arg4[%add3A_323, %dma_wait3A_372] : memref<80x128xi32, #tpu.memory_space<vmem>> -> memref<1x128xi32, #tpu.memory_space<vmem>>
      %dma_wait3A_374 = tpu.memref_squeeze %dma_wait3A_373 : memref<1x128xi32, #tpu.memory_space<vmem>> -> memref<128xi32, #tpu.memory_space<vmem>>
      %dma_wait3A_375 = arith.constant 0 : i32
      %dma_wait3A_376 = arith.constant 0 : i32
      %dma_wait3A_377 = tpu.memref_slice %arg6[%dma_wait3A_375, %dma_wait3A_376] : memref<10240x16xf32, #tpu.memory_space<vmem_shared>> -> memref<10240x16xf32, #tpu.memory_space<vmem_shared>>
      tpu.wait_indirect_dma semaphore(%arg8 : memref<!tpu.dma_semaphore, #tpu.memory_space<semaphore_mem>>) src(%arg5 : memref<128x16xf32, #tpu.memory_space<vmem>>) dst(%dma_wait3A_377 : memref<10240x16xf32, #tpu.memory_space<vmem_shared>>)
    }
    %scan3A_147 = arith.constant 10 : i32
    %barrier3A_148 = arith.constant 0 : index
    tpu.barrier barrier_id(%barrier3A_148)
    %mul3A_149 = arith.constant 640 : i32
    %mul3A_150 = arith.muli %arg1, %mul3A_149 : i32
    %add3A_151 = arith.constant 0 : i32
    %add3A_152 = arith.addi %mul3A_150, %add3A_151 : i32
    %dma_start3A_153 = arith.constant 0 : i32
    %dma_start3A_154 = arith.constant 0 : i32
    %dma_start3A_155 = tpu.memref_slice %arg3[%arg0, %dma_start3A_153, %dma_start3A_154] : memref<2x10240x16xf32, #tpu.memory_space<hbm>> -> memref<1x10240x16xf32, #tpu.memory_space<hbm>>
    %dma_start3A_156 = tpu.memref_squeeze %dma_start3A_155 : memref<1x10240x16xf32, #tpu.memory_space<hbm>> -> memref<10240x16xf32, #tpu.memory_space<hbm>>
    %dma_start3A_157 = arith.constant 0 : i32
    %dma_start3A_158 = tpu.memref_slice %dma_start3A_156[%add3A_152, %dma_start3A_157] : memref<10240x16xf32, #tpu.memory_space<hbm>> -> memref<128x16xf32, #tpu.memory_space<hbm>>
    %dma_start3A_159 = arith.constant 0 : i32
    %dma_start3A_160 = tpu.memref_slice %arg6[%add3A_152, %dma_start3A_159] : memref<10240x16xf32, #tpu.memory_space<vmem_shared>> -> memref<128x16xf32, #tpu.memory_space<vmem_shared>>
    tpu.enqueue_dma source(%dma_start3A_160 : memref<128x16xf32, #tpu.memory_space<vmem_shared>>) target(%dma_start3A_158 : memref<128x16xf32, #tpu.memory_space<hbm>>) target_semaphore(%arg7 : memref<!tpu.dma_semaphore, #tpu.memory_space<semaphore_mem>>)
    %mul3A_161 = arith.constant 640 : i32
    %mul3A_162 = arith.muli %arg1, %mul3A_161 : i32
    %add3A_163 = arith.constant 128 : i32
    %add3A_164 = arith.addi %mul3A_162, %add3A_163 : i32
    %dma_start3A_165 = arith.constant 0 : i32
    %dma_start3A_166 = arith.constant 0 : i32
    %dma_start3A_167 = tpu.memref_slice %arg3[%arg0, %dma_start3A_165, %dma_start3A_166] : memref<2x10240x16xf32, #tpu.memory_space<hbm>> -> memref<1x10240x16xf32, #tpu.memory_space<hbm>>
    %dma_start3A_168 = tpu.memref_squeeze %dma_start3A_167 : memref<1x10240x16xf32, #tpu.memory_space<hbm>> -> memref<10240x16xf32, #tpu.memory_space<hbm>>
    %dma_start3A_169 = arith.constant 0 : i32
    %dma_start3A_170 = tpu.memref_slice %dma_start3A_168[%add3A_164, %dma_start3A_169] : memref<10240x16xf32, #tpu.memory_space<hbm>> -> memref<128x16xf32, #tpu.memory_space<hbm>>
    %dma_start3A_171 = arith.constant 0 : i32
    %dma_start3A_172 = tpu.memref_slice %arg6[%add3A_164, %dma_start3A_171] : memref<10240x16xf32, #tpu.memory_space<vmem_shared>> -> memref<128x16xf32, #tpu.memory_space<vmem_shared>>
    tpu.enqueue_dma source(%dma_start3A_172 : memref<128x16xf32, #tpu.memory_space<vmem_shared>>) target(%dma_start3A_170 : memref<128x16xf32, #tpu.memory_space<hbm>>) target_semaphore(%arg7 : memref<!tpu.dma_semaphore, #tpu.memory_space<semaphore_mem>>)
    %mul3A_173 = arith.constant 640 : i32
    %mul3A_174 = arith.muli %arg1, %mul3A_173 : i32
    %add3A_175 = arith.constant 256 : i32
    %add3A_176 = arith.addi %mul3A_174, %add3A_175 : i32
    %dma_start3A_177 = arith.constant 0 : i32
    %dma_start3A_178 = arith.constant 0 : i32
    %dma_start3A_179 = tpu.memref_slice %arg3[%arg0, %dma_start3A_177, %dma_start3A_178] : memref<2x10240x16xf32, #tpu.memory_space<hbm>> -> memref<1x10240x16xf32, #tpu.memory_space<hbm>>
    %dma_start3A_180 = tpu.memref_squeeze %dma_start3A_179 : memref<1x10240x16xf32, #tpu.memory_space<hbm>> -> memref<10240x16xf32, #tpu.memory_space<hbm>>
    %dma_start3A_181 = arith.constant 0 : i32
    %dma_start3A_182 = tpu.memref_slice %dma_start3A_180[%add3A_176, %dma_start3A_181] : memref<10240x16xf32, #tpu.memory_space<hbm>> -> memref<128x16xf32, #tpu.memory_space<hbm>>
    %dma_start3A_183 = arith.constant 0 : i32
    %dma_start3A_184 = tpu.memref_slice %arg6[%add3A_176, %dma_start3A_183] : memref<10240x16xf32, #tpu.memory_space<vmem_shared>> -> memref<128x16xf32, #tpu.memory_space<vmem_shared>>
    tpu.enqueue_dma source(%dma_start3A_184 : memref<128x16xf32, #tpu.memory_space<vmem_shared>>) target(%dma_start3A_182 : memref<128x16xf32, #tpu.memory_space<hbm>>) target_semaphore(%arg7 : memref<!tpu.dma_semaphore, #tpu.memory_space<semaphore_mem>>)
    %mul3A_185 = arith.constant 640 : i32
    %mul3A_186 = arith.muli %arg1, %mul3A_185 : i32
    %add3A_187 = arith.constant 384 : i32
    %add3A_188 = arith.addi %mul3A_186, %add3A_187 : i32
    %dma_start3A_189 = arith.constant 0 : i32
    %dma_start3A_190 = arith.constant 0 : i32
    %dma_start3A_191 = tpu.memref_slice %arg3[%arg0, %dma_start3A_189, %dma_start3A_190] : memref<2x10240x16xf32, #tpu.memory_space<hbm>> -> memref<1x10240x16xf32, #tpu.memory_space<hbm>>
    %dma_start3A_192 = tpu.memref_squeeze %dma_start3A_191 : memref<1x10240x16xf32, #tpu.memory_space<hbm>> -> memref<10240x16xf32, #tpu.memory_space<hbm>>
    %dma_start3A_193 = arith.constant 0 : i32
    %dma_start3A_194 = tpu.memref_slice %dma_start3A_192[%add3A_188, %dma_start3A_193] : memref<10240x16xf32, #tpu.memory_space<hbm>> -> memref<128x16xf32, #tpu.memory_space<hbm>>
    %dma_start3A_195 = arith.constant 0 : i32
    %dma_start3A_196 = tpu.memref_slice %arg6[%add3A_188, %dma_start3A_195] : memref<10240x16xf32, #tpu.memory_space<vmem_shared>> -> memref<128x16xf32, #tpu.memory_space<vmem_shared>>
    tpu.enqueue_dma source(%dma_start3A_196 : memref<128x16xf32, #tpu.memory_space<vmem_shared>>) target(%dma_start3A_194 : memref<128x16xf32, #tpu.memory_space<hbm>>) target_semaphore(%arg7 : memref<!tpu.dma_semaphore, #tpu.memory_space<semaphore_mem>>)
    %mul3A_197 = arith.constant 640 : i32
    %mul3A_198 = arith.muli %arg1, %mul3A_197 : i32
    %add3A_199 = arith.constant 512 : i32
    %add3A_200 = arith.addi %mul3A_198, %add3A_199 : i32
    %dma_start3A_201 = arith.constant 0 : i32
    %dma_start3A_202 = arith.constant 0 : i32
    %dma_start3A_203 = tpu.memref_slice %arg3[%arg0, %dma_start3A_201, %dma_start3A_202] : memref<2x10240x16xf32, #tpu.memory_space<hbm>> -> memref<1x10240x16xf32, #tpu.memory_space<hbm>>
    %dma_start3A_204 = tpu.memref_squeeze %dma_start3A_203 : memref<1x10240x16xf32, #tpu.memory_space<hbm>> -> memref<10240x16xf32, #tpu.memory_space<hbm>>
    %dma_start3A_205 = arith.constant 0 : i32
    %dma_start3A_206 = tpu.memref_slice %dma_start3A_204[%add3A_200, %dma_start3A_205] : memref<10240x16xf32, #tpu.memory_space<hbm>> -> memref<128x16xf32, #tpu.memory_space<hbm>>
    %dma_start3A_207 = arith.constant 0 : i32
    %dma_start3A_208 = tpu.memref_slice %arg6[%add3A_200, %dma_start3A_207] : memref<10240x16xf32, #tpu.memory_space<vmem_shared>> -> memref<128x16xf32, #tpu.memory_space<vmem_shared>>
    tpu.enqueue_dma source(%dma_start3A_208 : memref<128x16xf32, #tpu.memory_space<vmem_shared>>) target(%dma_start3A_206 : memref<128x16xf32, #tpu.memory_space<hbm>>) target_semaphore(%arg7 : memref<!tpu.dma_semaphore, #tpu.memory_space<semaphore_mem>>)
    %dma_wait3A_209 = arith.constant 0 : i32
    %dma_wait3A_210 = arith.constant 0 : i32
    %dma_wait3A_211 = tpu.memref_slice %arg3[%arg0, %dma_wait3A_209, %dma_wait3A_210] : memref<2x10240x16xf32, #tpu.memory_space<hbm>> -> memref<1x10240x16xf32, #tpu.memory_space<hbm>>
    %dma_wait3A_212 = tpu.memref_squeeze %dma_wait3A_211 : memref<1x10240x16xf32, #tpu.memory_space<hbm>> -> memref<10240x16xf32, #tpu.memory_space<hbm>>
    %dma_wait3A_213 = arith.constant 0 : i32
    %dma_wait3A_214 = tpu.memref_slice %dma_wait3A_212[%add3A_152, %dma_wait3A_213] : memref<10240x16xf32, #tpu.memory_space<hbm>> -> memref<128x16xf32, #tpu.memory_space<hbm>>
    %dma_wait3A_215 = arith.constant 0 : i32
    %dma_wait3A_216 = tpu.memref_slice %arg6[%add3A_152, %dma_wait3A_215] : memref<10240x16xf32, #tpu.memory_space<vmem_shared>> -> memref<128x16xf32, #tpu.memory_space<vmem_shared>>
    tpu.wait_dma2 semaphore(%arg7 : memref<!tpu.dma_semaphore, #tpu.memory_space<semaphore_mem>>) src(%dma_wait3A_216 : memref<128x16xf32, #tpu.memory_space<vmem_shared>>) dst(%dma_wait3A_214 : memref<128x16xf32, #tpu.memory_space<hbm>>)
    %dma_wait3A_217 = arith.constant 0 : i32
    %dma_wait3A_218 = arith.constant 0 : i32
    %dma_wait3A_219 = tpu.memref_slice %arg3[%arg0, %dma_wait3A_217, %dma_wait3A_218] : memref<2x10240x16xf32, #tpu.memory_space<hbm>> -> memref<1x10240x16xf32, #tpu.memory_space<hbm>>
    %dma_wait3A_220 = tpu.memref_squeeze %dma_wait3A_219 : memref<1x10240x16xf32, #tpu.memory_space<hbm>> -> memref<10240x16xf32, #tpu.memory_space<hbm>>
    %dma_wait3A_221 = arith.constant 0 : i32
    %dma_wait3A_222 = tpu.memref_slice %dma_wait3A_220[%add3A_164, %dma_wait3A_221] : memref<10240x16xf32, #tpu.memory_space<hbm>> -> memref<128x16xf32, #tpu.memory_space<hbm>>
    %dma_wait3A_223 = arith.constant 0 : i32
    %dma_wait3A_224 = tpu.memref_slice %arg6[%add3A_164, %dma_wait3A_223] : memref<10240x16xf32, #tpu.memory_space<vmem_shared>> -> memref<128x16xf32, #tpu.memory_space<vmem_shared>>
    tpu.wait_dma2 semaphore(%arg7 : memref<!tpu.dma_semaphore, #tpu.memory_space<semaphore_mem>>) src(%dma_wait3A_224 : memref<128x16xf32, #tpu.memory_space<vmem_shared>>) dst(%dma_wait3A_222 : memref<128x16xf32, #tpu.memory_space<hbm>>)
    %dma_wait3A_225 = arith.constant 0 : i32
    %dma_wait3A_226 = arith.constant 0 : i32
    %dma_wait3A_227 = tpu.memref_slice %arg3[%arg0, %dma_wait3A_225, %dma_wait3A_226] : memref<2x10240x16xf32, #tpu.memory_space<hbm>> -> memref<1x10240x16xf32, #tpu.memory_space<hbm>>
    %dma_wait3A_228 = tpu.memref_squeeze %dma_wait3A_227 : memref<1x10240x16xf32, #tpu.memory_space<hbm>> -> memref<10240x16xf32, #tpu.memory_space<hbm>>
    %dma_wait3A_229 = arith.constant 0 : i32
    %dma_wait3A_230 = tpu.memref_slice %dma_wait3A_228[%add3A_176, %dma_wait3A_229] : memref<10240x16xf32, #tpu.memory_space<hbm>> -> memref<128x16xf32, #tpu.memory_space<hbm>>
    %dma_wait3A_231 = arith.constant 0 : i32
    %dma_wait3A_232 = tpu.memref_slice %arg6[%add3A_176, %dma_wait3A_231] : memref<10240x16xf32, #tpu.memory_space<vmem_shared>> -> memref<128x16xf32, #tpu.memory_space<vmem_shared>>
    tpu.wait_dma2 semaphore(%arg7 : memref<!tpu.dma_semaphore, #tpu.memory_space<semaphore_mem>>) src(%dma_wait3A_232 : memref<128x16xf32, #tpu.memory_space<vmem_shared>>) dst(%dma_wait3A_230 : memref<128x16xf32, #tpu.memory_space<hbm>>)
    %dma_wait3A_233 = arith.constant 0 : i32
    %dma_wait3A_234 = arith.constant 0 : i32
    %dma_wait3A_235 = tpu.memref_slice %arg3[%arg0, %dma_wait3A_233, %dma_wait3A_234] : memref<2x10240x16xf32, #tpu.memory_space<hbm>> -> memref<1x10240x16xf32, #tpu.memory_space<hbm>>
    %dma_wait3A_236 = tpu.memref_squeeze %dma_wait3A_235 : memref<1x10240x16xf32, #tpu.memory_space<hbm>> -> memref<10240x16xf32, #tpu.memory_space<hbm>>
    %dma_wait3A_237 = arith.constant 0 : i32
    %dma_wait3A_238 = tpu.memref_slice %dma_wait3A_236[%add3A_188, %dma_wait3A_237] : memref<10240x16xf32, #tpu.memory_space<hbm>> -> memref<128x16xf32, #tpu.memory_space<hbm>>
    %dma_wait3A_239 = arith.constant 0 : i32
    %dma_wait3A_240 = tpu.memref_slice %arg6[%add3A_188, %dma_wait3A_239] : memref<10240x16xf32, #tpu.memory_space<vmem_shared>> -> memref<128x16xf32, #tpu.memory_space<vmem_shared>>
    tpu.wait_dma2 semaphore(%arg7 : memref<!tpu.dma_semaphore, #tpu.memory_space<semaphore_mem>>) src(%dma_wait3A_240 : memref<128x16xf32, #tpu.memory_space<vmem_shared>>) dst(%dma_wait3A_238 : memref<128x16xf32, #tpu.memory_space<hbm>>)
    %dma_wait3A_241 = arith.constant 0 : i32
    %dma_wait3A_242 = arith.constant 0 : i32
    %dma_wait3A_243 = tpu.memref_slice %arg3[%arg0, %dma_wait3A_241, %dma_wait3A_242] : memref<2x10240x16xf32, #tpu.memory_space<hbm>> -> memref<1x10240x16xf32, #tpu.memory_space<hbm>>
    %dma_wait3A_244 = tpu.memref_squeeze %dma_wait3A_243 : memref<1x10240x16xf32, #tpu.memory_space<hbm>> -> memref<10240x16xf32, #tpu.memory_space<hbm>>
    %dma_wait3A_245 = arith.constant 0 : i32
    %dma_wait3A_246 = tpu.memref_slice %dma_wait3A_244[%add3A_200, %dma_wait3A_245] : memref<10240x16xf32, #tpu.memory_space<hbm>> -> memref<128x16xf32, #tpu.memory_space<hbm>>
    %dma_wait3A_247 = arith.constant 0 : i32
    %dma_wait3A_248 = tpu.memref_slice %arg6[%add3A_200, %dma_wait3A_247] : memref<10240x16xf32, #tpu.memory_space<vmem_shared>> -> memref<128x16xf32, #tpu.memory_space<vmem_shared>>
    tpu.wait_dma2 semaphore(%arg7 : memref<!tpu.dma_semaphore, #tpu.memory_space<semaphore_mem>>) src(%dma_wait3A_248 : memref<128x16xf32, #tpu.memory_space<vmem_shared>>) dst(%dma_wait3A_246 : memref<128x16xf32, #tpu.memory_space<hbm>>)
    return
  }
}

#map = affine_map<(d0, d1) -> (0, 0)>
#map1 = affine_map<(d0, d1) -> (0, 0, 0)>
module attributes {stable_mosaic.version = 14 : i64} {
  func.func @agg(%arg0: i32, %arg1: i32, %arg2: memref<10000x64xf32, #tpu.memory_space<hbm>>, %arg3: memref<2560x128xi32, #tpu.memory_space<hbm>>, %arg4: memref<2560x128xi32, #tpu.memory_space<hbm>>, %arg5: memref<2x10240x64xf32, #tpu.memory_space<hbm>>, %arg6: memref<80x128xi32, #tpu.memory_space<vmem>>, %arg7: memref<80x128xi32, #tpu.memory_space<vmem>>, %arg8: memref<128x64xf32, #tpu.memory_space<vmem>>, %arg9: memref<128x64xf32, #tpu.memory_space<vmem>>, %arg10: memref<128x64xf32, #tpu.memory_space<vmem>>, %arg11: memref<128x64xf32, #tpu.memory_space<vmem>>, %arg12: memref<10240x64xf32, #tpu.memory_space<vmem_shared>>, %arg13: memref<!tpu.dma_semaphore, #tpu.memory_space<semaphore_mem>>, %arg14: memref<!tpu.dma_semaphore, #tpu.memory_space<semaphore_mem>>, %arg15: memref<!tpu.dma_semaphore, #tpu.memory_space<semaphore_mem>>) attributes {dimension_semantics = [#tpu.dimension_semantics<core_parallel>, #tpu.dimension_semantics<subcore_parallel>], iteration_bounds = array<i64: 2, 16>, scalar_prefetch = 0 : i64, scratch_operands = 10 : i64, tpu.core_type = #tpu.core_type<sc_vector_subcore>, window_params = [{transform_indices = #map}, {transform_indices = #map}, {transform_indices = #map}, {transform_indices = #map1}]} {
    %mul3A = arith.constant 2 : i32
    %mul3A_0 = arith.muli %arg1, %mul3A : i32
    %add3A = arith.addi %mul3A_0, %arg0 : i32
    %mul3A_1 = arith.constant 80 : i32
    %mul3A_2 = arith.muli %add3A, %mul3A_1 : i32
    %dma_start3A = arith.constant 0 : i32
    %dma_start3A_3 = tpu.memref_slice %arg3[%mul3A_2, %dma_start3A] : memref<2560x128xi32, #tpu.memory_space<hbm>> -> memref<80x128xi32, #tpu.memory_space<hbm>>
    %dma_start3A_4 = arith.constant 0 : i32
    %dma_start3A_5 = tpu.memref_slice %arg3[%mul3A_2, %dma_start3A_4] : memref<2560x128xi32, #tpu.memory_space<hbm>> -> memref<80x128xi32, #tpu.memory_space<hbm>>
    tpu.enqueue_dma source(%dma_start3A_5 : memref<80x128xi32, #tpu.memory_space<hbm>>) target(%arg6 : memref<80x128xi32, #tpu.memory_space<vmem>>) target_semaphore(%arg15 : memref<!tpu.dma_semaphore, #tpu.memory_space<semaphore_mem>>)
    %mul3A_6 = arith.constant 80 : i32
    %mul3A_7 = arith.muli %add3A, %mul3A_6 : i32
    %dma_start3A_8 = arith.constant 0 : i32
    %dma_start3A_9 = tpu.memref_slice %arg4[%mul3A_7, %dma_start3A_8] : memref<2560x128xi32, #tpu.memory_space<hbm>> -> memref<80x128xi32, #tpu.memory_space<hbm>>
    %dma_start3A_10 = arith.constant 0 : i32
    %dma_start3A_11 = tpu.memref_slice %arg4[%mul3A_7, %dma_start3A_10] : memref<2560x128xi32, #tpu.memory_space<hbm>> -> memref<80x128xi32, #tpu.memory_space<hbm>>
    tpu.enqueue_dma source(%dma_start3A_11 : memref<80x128xi32, #tpu.memory_space<hbm>>) target(%arg7 : memref<80x128xi32, #tpu.memory_space<vmem>>) target_semaphore(%arg15 : memref<!tpu.dma_semaphore, #tpu.memory_space<semaphore_mem>>)
    %scan3A = arith.constant 0 : i32
    %scan3A_12 = arith.constant 0 : i32
    %scan3A_13 = arith.constant 128 : i32
    %scan3A_14 = arith.addi %scan3A_12, %scan3A_13 : i32
    %scan3A_15 = arith.constant 1 : i32
    scf.for %scan3A_75 = %scan3A_12 to %scan3A_14 step %scan3A_15  : i32 {
      %broadcast_in_dim3A = arith.constant 0.000000e+00 : f32
      %broadcast_in_dim3A_76 = vector.broadcast %broadcast_in_dim3A : f32 to vector<16xf32>
      %swap3A = arith.index_cast %scan3A_75 : i32 to index
      %swap3A_77 = arith.constant 0 : index
      %swap3A_78 = tpu.vector_load %arg8[%swap3A, %swap3A_77] {strides = array<i32>} : memref<128x64xf32, #tpu.memory_space<vmem>>, vector<1x16xf32>,
      %swap3A_79 = vector.shape_cast %swap3A_78 : vector<1x16xf32> to vector<16xf32>
      %swap3A_80 = vector.shape_cast %broadcast_in_dim3A_76 : vector<16xf32> to vector<1x16xf32>
      tpu.vector_store %arg8[%swap3A, %swap3A_77], %swap3A_80 {strides = array<i32>} : memref<128x64xf32, #tpu.memory_space<vmem>>, vector<1x16xf32>,
      %broadcast_in_dim3A_81 = arith.constant 0.000000e+00 : f32
      %broadcast_in_dim3A_82 = vector.broadcast %broadcast_in_dim3A_81 : f32 to vector<16xf32>
      %swap3A_83 = arith.index_cast %scan3A_75 : i32 to index
      %swap3A_84 = arith.constant 16 : index
      %swap3A_85 = tpu.vector_load %arg8[%swap3A_83, %swap3A_84] {strides = array<i32>} : memref<128x64xf32, #tpu.memory_space<vmem>>, vector<1x16xf32>,
      %swap3A_86 = vector.shape_cast %swap3A_85 : vector<1x16xf32> to vector<16xf32>
      %swap3A_87 = vector.shape_cast %broadcast_in_dim3A_82 : vector<16xf32> to vector<1x16xf32>
      tpu.vector_store %arg8[%swap3A_83, %swap3A_84], %swap3A_87 {strides = array<i32>} : memref<128x64xf32, #tpu.memory_space<vmem>>, vector<1x16xf32>,
      %broadcast_in_dim3A_88 = arith.constant 0.000000e+00 : f32
      %broadcast_in_dim3A_89 = vector.broadcast %broadcast_in_dim3A_88 : f32 to vector<16xf32>
      %swap3A_90 = arith.index_cast %scan3A_75 : i32 to index
      %swap3A_91 = arith.constant 32 : index
      %swap3A_92 = tpu.vector_load %arg8[%swap3A_90, %swap3A_91] {strides = array<i32>} : memref<128x64xf32, #tpu.memory_space<vmem>>, vector<1x16xf32>,
      %swap3A_93 = vector.shape_cast %swap3A_92 : vector<1x16xf32> to vector<16xf32>
      %swap3A_94 = vector.shape_cast %broadcast_in_dim3A_89 : vector<16xf32> to vector<1x16xf32>
      tpu.vector_store %arg8[%swap3A_90, %swap3A_91], %swap3A_94 {strides = array<i32>} : memref<128x64xf32, #tpu.memory_space<vmem>>, vector<1x16xf32>,
      %broadcast_in_dim3A_95 = arith.constant 0.000000e+00 : f32
      %broadcast_in_dim3A_96 = vector.broadcast %broadcast_in_dim3A_95 : f32 to vector<16xf32>
      %swap3A_97 = arith.index_cast %scan3A_75 : i32 to index
      %swap3A_98 = arith.constant 48 : index
      %swap3A_99 = tpu.vector_load %arg8[%swap3A_97, %swap3A_98] {strides = array<i32>} : memref<128x64xf32, #tpu.memory_space<vmem>>, vector<1x16xf32>,
      %swap3A_100 = vector.shape_cast %swap3A_99 : vector<1x16xf32> to vector<16xf32>
      %swap3A_101 = vector.shape_cast %broadcast_in_dim3A_96 : vector<16xf32> to vector<1x16xf32>
      tpu.vector_store %arg8[%swap3A_97, %swap3A_98], %swap3A_101 {strides = array<i32>} : memref<128x64xf32, #tpu.memory_space<vmem>>, vector<1x16xf32>,
    }
    %scan3A_16 = arith.constant 128 : i32
    %mul3A_17 = arith.constant 640 : i32
    %mul3A_18 = arith.muli %arg1, %mul3A_17 : i32
    %add3A_19 = arith.constant 0 : i32
    %add3A_20 = arith.addi %mul3A_18, %add3A_19 : i32
    "tpu.region"() ({
      %run_scoped3A = tpu.sem_alloc : memref<!tpu.dma_semaphore, #tpu.memory_space<semaphore_mem>>
      %dma_start3A_75 = arith.constant 0 : i32
      %dma_start3A_76 = tpu.memref_slice %arg12[%add3A_20, %dma_start3A_75] : memref<10240x64xf32, #tpu.memory_space<vmem_shared>> -> memref<128x64xf32, #tpu.memory_space<vmem_shared>>
      %dma_start3A_77 = arith.constant 0 : i32
      %dma_start3A_78 = tpu.memref_slice %arg12[%add3A_20, %dma_start3A_77] : memref<10240x64xf32, #tpu.memory_space<vmem_shared>> -> memref<128x64xf32, #tpu.memory_space<vmem_shared>>
      tpu.enqueue_dma source(%arg8 : memref<128x64xf32, #tpu.memory_space<vmem>>) target(%dma_start3A_78 : memref<128x64xf32, #tpu.memory_space<vmem_shared>>) target_semaphore(%run_scoped3A : memref<!tpu.dma_semaphore, #tpu.memory_space<semaphore_mem>>)
      %dma_wait3A_79 = arith.constant 0 : i32
      %dma_wait3A_80 = tpu.memref_slice %arg12[%add3A_20, %dma_wait3A_79] : memref<10240x64xf32, #tpu.memory_space<vmem_shared>> -> memref<128x64xf32, #tpu.memory_space<vmem_shared>>
      %dma_wait3A_81 = arith.constant 0 : i32
      %dma_wait3A_82 = tpu.memref_slice %arg12[%add3A_20, %dma_wait3A_81] : memref<10240x64xf32, #tpu.memory_space<vmem_shared>> -> memref<128x64xf32, #tpu.memory_space<vmem_shared>>
      tpu.wait_dma2 semaphore(%run_scoped3A : memref<!tpu.dma_semaphore, #tpu.memory_space<semaphore_mem>>) src(%arg8 : memref<128x64xf32, #tpu.memory_space<vmem>>) dst(%dma_wait3A_82 : memref<128x64xf32, #tpu.memory_space<vmem_shared>>)
      tpu.yield
    }) : () -> ()
    %mul3A_21 = arith.constant 640 : i32
    %mul3A_22 = arith.muli %arg1, %mul3A_21 : i32
    %add3A_23 = arith.constant 128 : i32
    %add3A_24 = arith.addi %mul3A_22, %add3A_23 : i32
    "tpu.region"() ({
      %run_scoped3A = tpu.sem_alloc : memref<!tpu.dma_semaphore, #tpu.memory_space<semaphore_mem>>
      %dma_start3A_75 = arith.constant 0 : i32
      %dma_start3A_76 = tpu.memref_slice %arg12[%add3A_24, %dma_start3A_75] : memref<10240x64xf32, #tpu.memory_space<vmem_shared>> -> memref<128x64xf32, #tpu.memory_space<vmem_shared>>
      %dma_start3A_77 = arith.constant 0 : i32
      %dma_start3A_78 = tpu.memref_slice %arg12[%add3A_24, %dma_start3A_77] : memref<10240x64xf32, #tpu.memory_space<vmem_shared>> -> memref<128x64xf32, #tpu.memory_space<vmem_shared>>
      tpu.enqueue_dma source(%arg8 : memref<128x64xf32, #tpu.memory_space<vmem>>) target(%dma_start3A_78 : memref<128x64xf32, #tpu.memory_space<vmem_shared>>) target_semaphore(%run_scoped3A : memref<!tpu.dma_semaphore, #tpu.memory_space<semaphore_mem>>)
      %dma_wait3A_79 = arith.constant 0 : i32
      %dma_wait3A_80 = tpu.memref_slice %arg12[%add3A_24, %dma_wait3A_79] : memref<10240x64xf32, #tpu.memory_space<vmem_shared>> -> memref<128x64xf32, #tpu.memory_space<vmem_shared>>
      %dma_wait3A_81 = arith.constant 0 : i32
      %dma_wait3A_82 = tpu.memref_slice %arg12[%add3A_24, %dma_wait3A_81] : memref<10240x64xf32, #tpu.memory_space<vmem_shared>> -> memref<128x64xf32, #tpu.memory_space<vmem_shared>>
      tpu.wait_dma2 semaphore(%run_scoped3A : memref<!tpu.dma_semaphore, #tpu.memory_space<semaphore_mem>>) src(%arg8 : memref<128x64xf32, #tpu.memory_space<vmem>>) dst(%dma_wait3A_82 : memref<128x64xf32, #tpu.memory_space<vmem_shared>>)
      tpu.yield
    }) : () -> ()
    %mul3A_25 = arith.constant 640 : i32
    %mul3A_26 = arith.muli %arg1, %mul3A_25 : i32
    %add3A_27 = arith.constant 256 : i32
    %add3A_28 = arith.addi %mul3A_26, %add3A_27 : i32
    "tpu.region"() ({
      %run_scoped3A = tpu.sem_alloc : memref<!tpu.dma_semaphore, #tpu.memory_space<semaphore_mem>>
      %dma_start3A_75 = arith.constant 0 : i32
      %dma_start3A_76 = tpu.memref_slice %arg12[%add3A_28, %dma_start3A_75] : memref<10240x64xf32, #tpu.memory_space<vmem_shared>> -> memref<128x64xf32, #tpu.memory_space<vmem_shared>>
      %dma_start3A_77 = arith.constant 0 : i32
      %dma_start3A_78 = tpu.memref_slice %arg12[%add3A_28, %dma_start3A_77] : memref<10240x64xf32, #tpu.memory_space<vmem_shared>> -> memref<128x64xf32, #tpu.memory_space<vmem_shared>>
      tpu.enqueue_dma source(%arg8 : memref<128x64xf32, #tpu.memory_space<vmem>>) target(%dma_start3A_78 : memref<128x64xf32, #tpu.memory_space<vmem_shared>>) target_semaphore(%run_scoped3A : memref<!tpu.dma_semaphore, #tpu.memory_space<semaphore_mem>>)
      %dma_wait3A_79 = arith.constant 0 : i32
      %dma_wait3A_80 = tpu.memref_slice %arg12[%add3A_28, %dma_wait3A_79] : memref<10240x64xf32, #tpu.memory_space<vmem_shared>> -> memref<128x64xf32, #tpu.memory_space<vmem_shared>>
      %dma_wait3A_81 = arith.constant 0 : i32
      %dma_wait3A_82 = tpu.memref_slice %arg12[%add3A_28, %dma_wait3A_81] : memref<10240x64xf32, #tpu.memory_space<vmem_shared>> -> memref<128x64xf32, #tpu.memory_space<vmem_shared>>
      tpu.wait_dma2 semaphore(%run_scoped3A : memref<!tpu.dma_semaphore, #tpu.memory_space<semaphore_mem>>) src(%arg8 : memref<128x64xf32, #tpu.memory_space<vmem>>) dst(%dma_wait3A_82 : memref<128x64xf32, #tpu.memory_space<vmem_shared>>)
      tpu.yield
    }) : () -> ()
    %mul3A_29 = arith.constant 640 : i32
    %mul3A_30 = arith.muli %arg1, %mul3A_29 : i32
    %add3A_31 = arith.constant 384 : i32
    %add3A_32 = arith.addi %mul3A_30, %add3A_31 : i32
    "tpu.region"() ({
      %run_scoped3A = tpu.sem_alloc : memref<!tpu.dma_semaphore, #tpu.memory_space<semaphore_mem>>
      %dma_start3A_75 = arith.constant 0 : i32
      %dma_start3A_76 = tpu.memref_slice %arg12[%add3A_32, %dma_start3A_75] : memref<10240x64xf32, #tpu.memory_space<vmem_shared>> -> memref<128x64xf32, #tpu.memory_space<vmem_shared>>
      %dma_start3A_77 = arith.constant 0 : i32
      %dma_start3A_78 = tpu.memref_slice %arg12[%add3A_32, %dma_start3A_77] : memref<10240x64xf32, #tpu.memory_space<vmem_shared>> -> memref<128x64xf32, #tpu.memory_space<vmem_shared>>
      tpu.enqueue_dma source(%arg8 : memref<128x64xf32, #tpu.memory_space<vmem>>) target(%dma_start3A_78 : memref<128x64xf32, #tpu.memory_space<vmem_shared>>) target_semaphore(%run_scoped3A : memref<!tpu.dma_semaphore, #tpu.memory_space<semaphore_mem>>)
      %dma_wait3A_79 = arith.constant 0 : i32
      %dma_wait3A_80 = tpu.memref_slice %arg12[%add3A_32, %dma_wait3A_79] : memref<10240x64xf32, #tpu.memory_space<vmem_shared>> -> memref<128x64xf32, #tpu.memory_space<vmem_shared>>
      %dma_wait3A_81 = arith.constant 0 : i32
      %dma_wait3A_82 = tpu.memref_slice %arg12[%add3A_32, %dma_wait3A_81] : memref<10240x64xf32, #tpu.memory_space<vmem_shared>> -> memref<128x64xf32, #tpu.memory_space<vmem_shared>>
      tpu.wait_dma2 semaphore(%run_scoped3A : memref<!tpu.dma_semaphore, #tpu.memory_space<semaphore_mem>>) src(%arg8 : memref<128x64xf32, #tpu.memory_space<vmem>>) dst(%dma_wait3A_82 : memref<128x64xf32, #tpu.memory_space<vmem_shared>>)
      tpu.yield
    }) : () -> ()
    %mul3A_33 = arith.constant 640 : i32
    %mul3A_34 = arith.muli %arg1, %mul3A_33 : i32
    %add3A_35 = arith.constant 512 : i32
    %add3A_36 = arith.addi %mul3A_34, %add3A_35 : i32
    "tpu.region"() ({
      %run_scoped3A = tpu.sem_alloc : memref<!tpu.dma_semaphore, #tpu.memory_space<semaphore_mem>>
      %dma_start3A_75 = arith.constant 0 : i32
      %dma_start3A_76 = tpu.memref_slice %arg12[%add3A_36, %dma_start3A_75] : memref<10240x64xf32, #tpu.memory_space<vmem_shared>> -> memref<128x64xf32, #tpu.memory_space<vmem_shared>>
      %dma_start3A_77 = arith.constant 0 : i32
      %dma_start3A_78 = tpu.memref_slice %arg12[%add3A_36, %dma_start3A_77] : memref<10240x64xf32, #tpu.memory_space<vmem_shared>> -> memref<128x64xf32, #tpu.memory_space<vmem_shared>>
      tpu.enqueue_dma source(%arg8 : memref<128x64xf32, #tpu.memory_space<vmem>>) target(%dma_start3A_78 : memref<128x64xf32, #tpu.memory_space<vmem_shared>>) target_semaphore(%run_scoped3A : memref<!tpu.dma_semaphore, #tpu.memory_space<semaphore_mem>>)
      %dma_wait3A_79 = arith.constant 0 : i32
      %dma_wait3A_80 = tpu.memref_slice %arg12[%add3A_36, %dma_wait3A_79] : memref<10240x64xf32, #tpu.memory_space<vmem_shared>> -> memref<128x64xf32, #tpu.memory_space<vmem_shared>>
      %dma_wait3A_81 = arith.constant 0 : i32
      %dma_wait3A_82 = tpu.memref_slice %arg12[%add3A_36, %dma_wait3A_81] : memref<10240x64xf32, #tpu.memory_space<vmem_shared>> -> memref<128x64xf32, #tpu.memory_space<vmem_shared>>
      tpu.wait_dma2 semaphore(%run_scoped3A : memref<!tpu.dma_semaphore, #tpu.memory_space<semaphore_mem>>) src(%arg8 : memref<128x64xf32, #tpu.memory_space<vmem>>) dst(%dma_wait3A_82 : memref<128x64xf32, #tpu.memory_space<vmem_shared>>)
      tpu.yield
    }) : () -> ()
    %mul3A_37 = arith.constant 80 : i32
    %mul3A_38 = arith.muli %add3A, %mul3A_37 : i32
    %dma_wait3A = arith.constant 0 : i32
    %dma_wait3A_39 = tpu.memref_slice %arg3[%mul3A_38, %dma_wait3A] : memref<2560x128xi32, #tpu.memory_space<hbm>> -> memref<80x128xi32, #tpu.memory_space<hbm>>
    %dma_wait3A_40 = arith.constant 0 : i32
    %dma_wait3A_41 = tpu.memref_slice %arg3[%mul3A_38, %dma_wait3A_40] : memref<2560x128xi32, #tpu.memory_space<hbm>> -> memref<80x128xi32, #tpu.memory_space<hbm>>
    tpu.wait_dma2 semaphore(%arg15 : memref<!tpu.dma_semaphore, #tpu.memory_space<semaphore_mem>>) src(%dma_wait3A_41 : memref<80x128xi32, #tpu.memory_space<hbm>>) dst(%arg6 : memref<80x128xi32, #tpu.memory_space<vmem>>)
    %mul3A_42 = arith.constant 80 : i32
    %mul3A_43 = arith.muli %add3A, %mul3A_42 : i32
    %dma_wait3A_44 = arith.constant 0 : i32
    %dma_wait3A_45 = tpu.memref_slice %arg4[%mul3A_43, %dma_wait3A_44] : memref<2560x128xi32, #tpu.memory_space<hbm>> -> memref<80x128xi32, #tpu.memory_space<hbm>>
    %dma_wait3A_46 = arith.constant 0 : i32
    %dma_wait3A_47 = tpu.memref_slice %arg4[%mul3A_43, %dma_wait3A_46] : memref<2560x128xi32, #tpu.memory_space<hbm>> -> memref<80x128xi32, #tpu.memory_space<hbm>>
    tpu.wait_dma2 semaphore(%arg15 : memref<!tpu.dma_semaphore, #tpu.memory_space<semaphore_mem>>) src(%dma_wait3A_47 : memref<80x128xi32, #tpu.memory_space<hbm>>) dst(%arg7 : memref<80x128xi32, #tpu.memory_space<vmem>>)
    %barrier3A = arith.constant 0 : index
    tpu.barrier barrier_id(%barrier3A)
    %scan3A_48 = arith.constant 0 : i32
    %scan3A_49 = arith.constant 0 : i32
    %scan3A_50 = arith.constant 10 : i32
    %scan3A_51 = arith.addi %scan3A_49, %scan3A_50 : i32
    %scan3A_52 = arith.constant 1 : i32
    scf.for %scan3A_75 = %scan3A_49 to %scan3A_51 step %scan3A_52  : i32 {
      %mul3A_76 = arith.constant 8 : i32
      %mul3A_77 = arith.muli %scan3A_75, %mul3A_76 : i32
      %dma_start3A_78 = arith.constant 0 : i32
      %dma_start3A_79 = tpu.memref_slice %arg6[%mul3A_77, %dma_start3A_78] : memref<80x128xi32, #tpu.memory_space<vmem>> -> memref<1x128xi32, #tpu.memory_space<vmem>>
      %dma_start3A_80 = tpu.memref_squeeze %dma_start3A_79 : memref<1x128xi32, #tpu.memory_space<vmem>> -> memref<128xi32, #tpu.memory_space<vmem>>
      %dma_start3A_81 = arith.constant 0 : i32
      %dma_start3A_82 = arith.constant 0 : i32
      %dma_start3A_83 = tpu.memref_slice %arg2[%dma_start3A_81, %dma_start3A_82] : memref<10000x64xf32, #tpu.memory_space<hbm>> -> memref<10000x64xf32, #tpu.memory_space<hbm>>
      tpu.enqueue_indirect_dma source(%dma_start3A_83 : memref<10000x64xf32, #tpu.memory_space<hbm>>) target(%arg8 : memref<128x64xf32, #tpu.memory_space<vmem>>) offsets(%dma_start3A_80 : memref<128xi32, #tpu.memory_space<vmem>>) semaphore(%arg13 : memref<!tpu.dma_semaphore, #tpu.memory_space<semaphore_mem>>)
      %mul3A_84 = arith.constant 8 : i32
      %mul3A_85 = arith.muli %scan3A_75, %mul3A_84 : i32
      %add3A_86 = arith.constant 1 : i32
      %add3A_87 = arith.addi %mul3A_85, %add3A_86 : i32
      %dma_start3A_88 = arith.constant 0 : i32
      %dma_start3A_89 = tpu.memref_slice %arg6[%add3A_87, %dma_start3A_88] : memref<80x128xi32, #tpu.memory_space<vmem>> -> memref<1x128xi32, #tpu.memory_space<vmem>>
      %dma_start3A_90 = tpu.memref_squeeze %dma_start3A_89 : memref<1x128xi32, #tpu.memory_space<vmem>> -> memref<128xi32, #tpu.memory_space<vmem>>
      %dma_start3A_91 = arith.constant 0 : i32
      %dma_start3A_92 = arith.constant 0 : i32
      %dma_start3A_93 = tpu.memref_slice %arg2[%dma_start3A_91, %dma_start3A_92] : memref<10000x64xf32, #tpu.memory_space<hbm>> -> memref<10000x64xf32, #tpu.memory_space<hbm>>
      tpu.enqueue_indirect_dma source(%dma_start3A_93 : memref<10000x64xf32, #tpu.memory_space<hbm>>) target(%arg9 : memref<128x64xf32, #tpu.memory_space<vmem>>) offsets(%dma_start3A_90 : memref<128xi32, #tpu.memory_space<vmem>>) semaphore(%arg13 : memref<!tpu.dma_semaphore, #tpu.memory_space<semaphore_mem>>)
      %dma_wait3A_94 = arith.constant 0 : i32
      %dma_wait3A_95 = tpu.memref_slice %arg6[%mul3A_77, %dma_wait3A_94] : memref<80x128xi32, #tpu.memory_space<vmem>> -> memref<1x128xi32, #tpu.memory_space<vmem>>
      %dma_wait3A_96 = tpu.memref_squeeze %dma_wait3A_95 : memref<1x128xi32, #tpu.memory_space<vmem>> -> memref<128xi32, #tpu.memory_space<vmem>>
      %dma_wait3A_97 = arith.constant 0 : i32
      %dma_wait3A_98 = arith.constant 0 : i32
      %dma_wait3A_99 = tpu.memref_slice %arg2[%dma_wait3A_97, %dma_wait3A_98] : memref<10000x64xf32, #tpu.memory_space<hbm>> -> memref<10000x64xf32, #tpu.memory_space<hbm>>
      tpu.wait_indirect_dma semaphore(%arg13 : memref<!tpu.dma_semaphore, #tpu.memory_space<semaphore_mem>>) src(%dma_wait3A_99 : memref<10000x64xf32, #tpu.memory_space<hbm>>) dst(%arg8 : memref<128x64xf32, #tpu.memory_space<vmem>>)
      %mul3A_100 = arith.constant 8 : i32
      %mul3A_101 = arith.muli %scan3A_75, %mul3A_100 : i32
      %add3A_102 = arith.constant 0 : i32
      %add3A_103 = arith.addi %mul3A_101, %add3A_102 : i32
      %dma_start3A_104 = arith.constant 0 : i32
      %dma_start3A_105 = tpu.memref_slice %arg7[%add3A_103, %dma_start3A_104] : memref<80x128xi32, #tpu.memory_space<vmem>> -> memref<1x128xi32, #tpu.memory_space<vmem>>
      %dma_start3A_106 = tpu.memref_squeeze %dma_start3A_105 : memref<1x128xi32, #tpu.memory_space<vmem>> -> memref<128xi32, #tpu.memory_space<vmem>>
      %dma_start3A_107 = arith.constant 0 : i32
      %dma_start3A_108 = arith.constant 0 : i32
      %dma_start3A_109 = tpu.memref_slice %arg12[%dma_start3A_107, %dma_start3A_108] : memref<10240x64xf32, #tpu.memory_space<vmem_shared>> -> memref<10240x64xf32, #tpu.memory_space<vmem_shared>>
      tpu.enqueue_indirect_dma source(%arg8 : memref<128x64xf32, #tpu.memory_space<vmem>>) target(%dma_start3A_109 : memref<10240x64xf32, #tpu.memory_space<vmem_shared>>) offsets(%dma_start3A_106 : memref<128xi32, #tpu.memory_space<vmem>>) semaphore(%arg14 : memref<!tpu.dma_semaphore, #tpu.memory_space<semaphore_mem>>) {add = true}
      %mul3A_110 = arith.constant 8 : i32
      %mul3A_111 = arith.muli %scan3A_75, %mul3A_110 : i32
      %add3A_112 = arith.constant 0 : i32
      %add3A_113 = arith.addi %mul3A_111, %add3A_112 : i32
      %add3A_114 = arith.constant 2 : i32
      %add3A_115 = arith.addi %add3A_113, %add3A_114 : i32
      %dma_start3A_116 = arith.constant 0 : i32
      %dma_start3A_117 = tpu.memref_slice %arg6[%add3A_115, %dma_start3A_116] : memref<80x128xi32, #tpu.memory_space<vmem>> -> memref<1x128xi32, #tpu.memory_space<vmem>>
      %dma_start3A_118 = tpu.memref_squeeze %dma_start3A_117 : memref<1x128xi32, #tpu.memory_space<vmem>> -> memref<128xi32, #tpu.memory_space<vmem>>
      %dma_start3A_119 = arith.constant 0 : i32
      %dma_start3A_120 = arith.constant 0 : i32
      %dma_start3A_121 = tpu.memref_slice %arg2[%dma_start3A_119, %dma_start3A_120] : memref<10000x64xf32, #tpu.memory_space<hbm>> -> memref<10000x64xf32, #tpu.memory_space<hbm>>
      tpu.enqueue_indirect_dma source(%dma_start3A_121 : memref<10000x64xf32, #tpu.memory_space<hbm>>) target(%arg10 : memref<128x64xf32, #tpu.memory_space<vmem>>) offsets(%dma_start3A_118 : memref<128xi32, #tpu.memory_space<vmem>>) semaphore(%arg13 : memref<!tpu.dma_semaphore, #tpu.memory_space<semaphore_mem>>)
      %dma_wait3A_122 = arith.constant 0 : i32
      %dma_wait3A_123 = tpu.memref_slice %arg6[%add3A_87, %dma_wait3A_122] : memref<80x128xi32, #tpu.memory_space<vmem>> -> memref<1x128xi32, #tpu.memory_space<vmem>>
      %dma_wait3A_124 = tpu.memref_squeeze %dma_wait3A_123 : memref<1x128xi32, #tpu.memory_space<vmem>> -> memref<128xi32, #tpu.memory_space<vmem>>
      %dma_wait3A_125 = arith.constant 0 : i32
      %dma_wait3A_126 = arith.constant 0 : i32
      %dma_wait3A_127 = tpu.memref_slice %arg2[%dma_wait3A_125, %dma_wait3A_126] : memref<10000x64xf32, #tpu.memory_space<hbm>> -> memref<10000x64xf32, #tpu.memory_space<hbm>>
      tpu.wait_indirect_dma semaphore(%arg13 : memref<!tpu.dma_semaphore, #tpu.memory_space<semaphore_mem>>) src(%dma_wait3A_127 : memref<10000x64xf32, #tpu.memory_space<hbm>>) dst(%arg9 : memref<128x64xf32, #tpu.memory_space<vmem>>)
      %mul3A_128 = arith.constant 8 : i32
      %mul3A_129 = arith.muli %scan3A_75, %mul3A_128 : i32
      %add3A_130 = arith.constant 1 : i32
      %add3A_131 = arith.addi %mul3A_129, %add3A_130 : i32
      %dma_start3A_132 = arith.constant 0 : i32
      %dma_start3A_133 = tpu.memref_slice %arg7[%add3A_131, %dma_start3A_132] : memref<80x128xi32, #tpu.memory_space<vmem>> -> memref<1x128xi32, #tpu.memory_space<vmem>>
      %dma_start3A_134 = tpu.memref_squeeze %dma_start3A_133 : memref<1x128xi32, #tpu.memory_space<vmem>> -> memref<128xi32, #tpu.memory_space<vmem>>
      %dma_start3A_135 = arith.constant 0 : i32
      %dma_start3A_136 = arith.constant 0 : i32
      %dma_start3A_137 = tpu.memref_slice %arg12[%dma_start3A_135, %dma_start3A_136] : memref<10240x64xf32, #tpu.memory_space<vmem_shared>> -> memref<10240x64xf32, #tpu.memory_space<vmem_shared>>
      tpu.enqueue_indirect_dma source(%arg9 : memref<128x64xf32, #tpu.memory_space<vmem>>) target(%dma_start3A_137 : memref<10240x64xf32, #tpu.memory_space<vmem_shared>>) offsets(%dma_start3A_134 : memref<128xi32, #tpu.memory_space<vmem>>) semaphore(%arg14 : memref<!tpu.dma_semaphore, #tpu.memory_space<semaphore_mem>>) {add = true}
      %mul3A_138 = arith.constant 8 : i32
      %mul3A_139 = arith.muli %scan3A_75, %mul3A_138 : i32
      %add3A_140 = arith.constant 1 : i32
      %add3A_141 = arith.addi %mul3A_139, %add3A_140 : i32
      %add3A_142 = arith.constant 2 : i32
      %add3A_143 = arith.addi %add3A_141, %add3A_142 : i32
      %dma_start3A_144 = arith.constant 0 : i32
      %dma_start3A_145 = tpu.memref_slice %arg6[%add3A_143, %dma_start3A_144] : memref<80x128xi32, #tpu.memory_space<vmem>> -> memref<1x128xi32, #tpu.memory_space<vmem>>
      %dma_start3A_146 = tpu.memref_squeeze %dma_start3A_145 : memref<1x128xi32, #tpu.memory_space<vmem>> -> memref<128xi32, #tpu.memory_space<vmem>>
      %dma_start3A_147 = arith.constant 0 : i32
      %dma_start3A_148 = arith.constant 0 : i32
      %dma_start3A_149 = tpu.memref_slice %arg2[%dma_start3A_147, %dma_start3A_148] : memref<10000x64xf32, #tpu.memory_space<hbm>> -> memref<10000x64xf32, #tpu.memory_space<hbm>>
      tpu.enqueue_indirect_dma source(%dma_start3A_149 : memref<10000x64xf32, #tpu.memory_space<hbm>>) target(%arg11 : memref<128x64xf32, #tpu.memory_space<vmem>>) offsets(%dma_start3A_146 : memref<128xi32, #tpu.memory_space<vmem>>) semaphore(%arg13 : memref<!tpu.dma_semaphore, #tpu.memory_space<semaphore_mem>>)
      %dma_wait3A_150 = arith.constant 0 : i32
      %dma_wait3A_151 = tpu.memref_slice %arg6[%add3A_115, %dma_wait3A_150] : memref<80x128xi32, #tpu.memory_space<vmem>> -> memref<1x128xi32, #tpu.memory_space<vmem>>
      %dma_wait3A_152 = tpu.memref_squeeze %dma_wait3A_151 : memref<1x128xi32, #tpu.memory_space<vmem>> -> memref<128xi32, #tpu.memory_space<vmem>>
      %dma_wait3A_153 = arith.constant 0 : i32
      %dma_wait3A_154 = arith.constant 0 : i32
      %dma_wait3A_155 = tpu.memref_slice %arg2[%dma_wait3A_153, %dma_wait3A_154] : memref<10000x64xf32, #tpu.memory_space<hbm>> -> memref<10000x64xf32, #tpu.memory_space<hbm>>
      tpu.wait_indirect_dma semaphore(%arg13 : memref<!tpu.dma_semaphore, #tpu.memory_space<semaphore_mem>>) src(%dma_wait3A_155 : memref<10000x64xf32, #tpu.memory_space<hbm>>) dst(%arg10 : memref<128x64xf32, #tpu.memory_space<vmem>>)
      %mul3A_156 = arith.constant 8 : i32
      %mul3A_157 = arith.muli %scan3A_75, %mul3A_156 : i32
      %add3A_158 = arith.constant 2 : i32
      %add3A_159 = arith.addi %mul3A_157, %add3A_158 : i32
      %dma_start3A_160 = arith.constant 0 : i32
      %dma_start3A_161 = tpu.memref_slice %arg7[%add3A_159, %dma_start3A_160] : memref<80x128xi32, #tpu.memory_space<vmem>> -> memref<1x128xi32, #tpu.memory_space<vmem>>
      %dma_start3A_162 = tpu.memref_squeeze %dma_start3A_161 : memref<1x128xi32, #tpu.memory_space<vmem>> -> memref<128xi32, #tpu.memory_space<vmem>>
      %dma_start3A_163 = arith.constant 0 : i32
      %dma_start3A_164 = arith.constant 0 : i32
      %dma_start3A_165 = tpu.memref_slice %arg12[%dma_start3A_163, %dma_start3A_164] : memref<10240x64xf32, #tpu.memory_space<vmem_shared>> -> memref<10240x64xf32, #tpu.memory_space<vmem_shared>>
      tpu.enqueue_indirect_dma source(%arg10 : memref<128x64xf32, #tpu.memory_space<vmem>>) target(%dma_start3A_165 : memref<10240x64xf32, #tpu.memory_space<vmem_shared>>) offsets(%dma_start3A_162 : memref<128xi32, #tpu.memory_space<vmem>>) semaphore(%arg14 : memref<!tpu.dma_semaphore, #tpu.memory_space<semaphore_mem>>) {add = true}
      %dma_wait3A_166 = arith.constant 0 : i32
      %dma_wait3A_167 = tpu.memref_slice %arg7[%add3A_103, %dma_wait3A_166] : memref<80x128xi32, #tpu.memory_space<vmem>> -> memref<1x128xi32, #tpu.memory_space<vmem>>
      %dma_wait3A_168 = tpu.memref_squeeze %dma_wait3A_167 : memref<1x128xi32, #tpu.memory_space<vmem>> -> memref<128xi32, #tpu.memory_space<vmem>>
      %dma_wait3A_169 = arith.constant 0 : i32
      %dma_wait3A_170 = arith.constant 0 : i32
      %dma_wait3A_171 = tpu.memref_slice %arg12[%dma_wait3A_169, %dma_wait3A_170] : memref<10240x64xf32, #tpu.memory_space<vmem_shared>> -> memref<10240x64xf32, #tpu.memory_space<vmem_shared>>
      tpu.wait_indirect_dma semaphore(%arg14 : memref<!tpu.dma_semaphore, #tpu.memory_space<semaphore_mem>>) src(%arg8 : memref<128x64xf32, #tpu.memory_space<vmem>>) dst(%dma_wait3A_171 : memref<10240x64xf32, #tpu.memory_space<vmem_shared>>)
      %mul3A_172 = arith.constant 8 : i32
      %mul3A_173 = arith.muli %scan3A_75, %mul3A_172 : i32
      %add3A_174 = arith.constant 2 : i32
      %add3A_175 = arith.addi %mul3A_173, %add3A_174 : i32
      %add3A_176 = arith.constant 2 : i32
      %add3A_177 = arith.addi %add3A_175, %add3A_176 : i32
      %dma_start3A_178 = arith.constant 0 : i32
      %dma_start3A_179 = tpu.memref_slice %arg6[%add3A_177, %dma_start3A_178] : memref<80x128xi32, #tpu.memory_space<vmem>> -> memref<1x128xi32, #tpu.memory_space<vmem>>
      %dma_start3A_180 = tpu.memref_squeeze %dma_start3A_179 : memref<1x128xi32, #tpu.memory_space<vmem>> -> memref<128xi32, #tpu.memory_space<vmem>>
      %dma_start3A_181 = arith.constant 0 : i32
      %dma_start3A_182 = arith.constant 0 : i32
      %dma_start3A_183 = tpu.memref_slice %arg2[%dma_start3A_181, %dma_start3A_182] : memref<10000x64xf32, #tpu.memory_space<hbm>> -> memref<10000x64xf32, #tpu.memory_space<hbm>>
      tpu.enqueue_indirect_dma source(%dma_start3A_183 : memref<10000x64xf32, #tpu.memory_space<hbm>>) target(%arg8 : memref<128x64xf32, #tpu.memory_space<vmem>>) offsets(%dma_start3A_180 : memref<128xi32, #tpu.memory_space<vmem>>) semaphore(%arg13 : memref<!tpu.dma_semaphore, #tpu.memory_space<semaphore_mem>>)
      %dma_wait3A_184 = arith.constant 0 : i32
      %dma_wait3A_185 = tpu.memref_slice %arg6[%add3A_143, %dma_wait3A_184] : memref<80x128xi32, #tpu.memory_space<vmem>> -> memref<1x128xi32, #tpu.memory_space<vmem>>
      %dma_wait3A_186 = tpu.memref_squeeze %dma_wait3A_185 : memref<1x128xi32, #tpu.memory_space<vmem>> -> memref<128xi32, #tpu.memory_space<vmem>>
      %dma_wait3A_187 = arith.constant 0 : i32
      %dma_wait3A_188 = arith.constant 0 : i32
      %dma_wait3A_189 = tpu.memref_slice %arg2[%dma_wait3A_187, %dma_wait3A_188] : memref<10000x64xf32, #tpu.memory_space<hbm>> -> memref<10000x64xf32, #tpu.memory_space<hbm>>
      tpu.wait_indirect_dma semaphore(%arg13 : memref<!tpu.dma_semaphore, #tpu.memory_space<semaphore_mem>>) src(%dma_wait3A_189 : memref<10000x64xf32, #tpu.memory_space<hbm>>) dst(%arg11 : memref<128x64xf32, #tpu.memory_space<vmem>>)
      %mul3A_190 = arith.constant 8 : i32
      %mul3A_191 = arith.muli %scan3A_75, %mul3A_190 : i32
      %add3A_192 = arith.constant 3 : i32
      %add3A_193 = arith.addi %mul3A_191, %add3A_192 : i32
      %dma_start3A_194 = arith.constant 0 : i32
      %dma_start3A_195 = tpu.memref_slice %arg7[%add3A_193, %dma_start3A_194] : memref<80x128xi32, #tpu.memory_space<vmem>> -> memref<1x128xi32, #tpu.memory_space<vmem>>
      %dma_start3A_196 = tpu.memref_squeeze %dma_start3A_195 : memref<1x128xi32, #tpu.memory_space<vmem>> -> memref<128xi32, #tpu.memory_space<vmem>>
      %dma_start3A_197 = arith.constant 0 : i32
      %dma_start3A_198 = arith.constant 0 : i32
      %dma_start3A_199 = tpu.memref_slice %arg12[%dma_start3A_197, %dma_start3A_198] : memref<10240x64xf32, #tpu.memory_space<vmem_shared>> -> memref<10240x64xf32, #tpu.memory_space<vmem_shared>>
      tpu.enqueue_indirect_dma source(%arg11 : memref<128x64xf32, #tpu.memory_space<vmem>>) target(%dma_start3A_199 : memref<10240x64xf32, #tpu.memory_space<vmem_shared>>) offsets(%dma_start3A_196 : memref<128xi32, #tpu.memory_space<vmem>>) semaphore(%arg14 : memref<!tpu.dma_semaphore, #tpu.memory_space<semaphore_mem>>) {add = true}
      %dma_wait3A_200 = arith.constant 0 : i32
      %dma_wait3A_201 = tpu.memref_slice %arg7[%add3A_131, %dma_wait3A_200] : memref<80x128xi32, #tpu.memory_space<vmem>> -> memref<1x128xi32, #tpu.memory_space<vmem>>
      %dma_wait3A_202 = tpu.memref_squeeze %dma_wait3A_201 : memref<1x128xi32, #tpu.memory_space<vmem>> -> memref<128xi32, #tpu.memory_space<vmem>>
      %dma_wait3A_203 = arith.constant 0 : i32
      %dma_wait3A_204 = arith.constant 0 : i32
      %dma_wait3A_205 = tpu.memref_slice %arg12[%dma_wait3A_203, %dma_wait3A_204] : memref<10240x64xf32, #tpu.memory_space<vmem_shared>> -> memref<10240x64xf32, #tpu.memory_space<vmem_shared>>
      tpu.wait_indirect_dma semaphore(%arg14 : memref<!tpu.dma_semaphore, #tpu.memory_space<semaphore_mem>>) src(%arg9 : memref<128x64xf32, #tpu.memory_space<vmem>>) dst(%dma_wait3A_205 : memref<10240x64xf32, #tpu.memory_space<vmem_shared>>)
      %mul3A_206 = arith.constant 8 : i32
      %mul3A_207 = arith.muli %scan3A_75, %mul3A_206 : i32
      %add3A_208 = arith.constant 3 : i32
      %add3A_209 = arith.addi %mul3A_207, %add3A_208 : i32
      %add3A_210 = arith.constant 2 : i32
      %add3A_211 = arith.addi %add3A_209, %add3A_210 : i32
      %dma_start3A_212 = arith.constant 0 : i32
      %dma_start3A_213 = tpu.memref_slice %arg6[%add3A_211, %dma_start3A_212] : memref<80x128xi32, #tpu.memory_space<vmem>> -> memref<1x128xi32, #tpu.memory_space<vmem>>
      %dma_start3A_214 = tpu.memref_squeeze %dma_start3A_213 : memref<1x128xi32, #tpu.memory_space<vmem>> -> memref<128xi32, #tpu.memory_space<vmem>>
      %dma_start3A_215 = arith.constant 0 : i32
      %dma_start3A_216 = arith.constant 0 : i32
      %dma_start3A_217 = tpu.memref_slice %arg2[%dma_start3A_215, %dma_start3A_216] : memref<10000x64xf32, #tpu.memory_space<hbm>> -> memref<10000x64xf32, #tpu.memory_space<hbm>>
      tpu.enqueue_indirect_dma source(%dma_start3A_217 : memref<10000x64xf32, #tpu.memory_space<hbm>>) target(%arg9 : memref<128x64xf32, #tpu.memory_space<vmem>>) offsets(%dma_start3A_214 : memref<128xi32, #tpu.memory_space<vmem>>) semaphore(%arg13 : memref<!tpu.dma_semaphore, #tpu.memory_space<semaphore_mem>>)
      %dma_wait3A_218 = arith.constant 0 : i32
      %dma_wait3A_219 = tpu.memref_slice %arg6[%add3A_177, %dma_wait3A_218] : memref<80x128xi32, #tpu.memory_space<vmem>> -> memref<1x128xi32, #tpu.memory_space<vmem>>
      %dma_wait3A_220 = tpu.memref_squeeze %dma_wait3A_219 : memref<1x128xi32, #tpu.memory_space<vmem>> -> memref<128xi32, #tpu.memory_space<vmem>>
      %dma_wait3A_221 = arith.constant 0 : i32
      %dma_wait3A_222 = arith.constant 0 : i32
      %dma_wait3A_223 = tpu.memref_slice %arg2[%dma_wait3A_221, %dma_wait3A_222] : memref<10000x64xf32, #tpu.memory_space<hbm>> -> memref<10000x64xf32, #tpu.memory_space<hbm>>
      tpu.wait_indirect_dma semaphore(%arg13 : memref<!tpu.dma_semaphore, #tpu.memory_space<semaphore_mem>>) src(%dma_wait3A_223 : memref<10000x64xf32, #tpu.memory_space<hbm>>) dst(%arg8 : memref<128x64xf32, #tpu.memory_space<vmem>>)
      %mul3A_224 = arith.constant 8 : i32
      %mul3A_225 = arith.muli %scan3A_75, %mul3A_224 : i32
      %add3A_226 = arith.constant 4 : i32
      %add3A_227 = arith.addi %mul3A_225, %add3A_226 : i32
      %dma_start3A_228 = arith.constant 0 : i32
      %dma_start3A_229 = tpu.memref_slice %arg7[%add3A_227, %dma_start3A_228] : memref<80x128xi32, #tpu.memory_space<vmem>> -> memref<1x128xi32, #tpu.memory_space<vmem>>
      %dma_start3A_230 = tpu.memref_squeeze %dma_start3A_229 : memref<1x128xi32, #tpu.memory_space<vmem>> -> memref<128xi32, #tpu.memory_space<vmem>>
      %dma_start3A_231 = arith.constant 0 : i32
      %dma_start3A_232 = arith.constant 0 : i32
      %dma_start3A_233 = tpu.memref_slice %arg12[%dma_start3A_231, %dma_start3A_232] : memref<10240x64xf32, #tpu.memory_space<vmem_shared>> -> memref<10240x64xf32, #tpu.memory_space<vmem_shared>>
      tpu.enqueue_indirect_dma source(%arg8 : memref<128x64xf32, #tpu.memory_space<vmem>>) target(%dma_start3A_233 : memref<10240x64xf32, #tpu.memory_space<vmem_shared>>) offsets(%dma_start3A_230 : memref<128xi32, #tpu.memory_space<vmem>>) semaphore(%arg14 : memref<!tpu.dma_semaphore, #tpu.memory_space<semaphore_mem>>) {add = true}
      %dma_wait3A_234 = arith.constant 0 : i32
      %dma_wait3A_235 = tpu.memref_slice %arg7[%add3A_159, %dma_wait3A_234] : memref<80x128xi32, #tpu.memory_space<vmem>> -> memref<1x128xi32, #tpu.memory_space<vmem>>
      %dma_wait3A_236 = tpu.memref_squeeze %dma_wait3A_235 : memref<1x128xi32, #tpu.memory_space<vmem>> -> memref<128xi32, #tpu.memory_space<vmem>>
      %dma_wait3A_237 = arith.constant 0 : i32
      %dma_wait3A_238 = arith.constant 0 : i32
      %dma_wait3A_239 = tpu.memref_slice %arg12[%dma_wait3A_237, %dma_wait3A_238] : memref<10240x64xf32, #tpu.memory_space<vmem_shared>> -> memref<10240x64xf32, #tpu.memory_space<vmem_shared>>
      tpu.wait_indirect_dma semaphore(%arg14 : memref<!tpu.dma_semaphore, #tpu.memory_space<semaphore_mem>>) src(%arg10 : memref<128x64xf32, #tpu.memory_space<vmem>>) dst(%dma_wait3A_239 : memref<10240x64xf32, #tpu.memory_space<vmem_shared>>)
      %mul3A_240 = arith.constant 8 : i32
      %mul3A_241 = arith.muli %scan3A_75, %mul3A_240 : i32
      %add3A_242 = arith.constant 4 : i32
      %add3A_243 = arith.addi %mul3A_241, %add3A_242 : i32
      %add3A_244 = arith.constant 2 : i32
      %add3A_245 = arith.addi %add3A_243, %add3A_244 : i32
      %dma_start3A_246 = arith.constant 0 : i32
      %dma_start3A_247 = tpu.memref_slice %arg6[%add3A_245, %dma_start3A_246] : memref<80x128xi32, #tpu.memory_space<vmem>> -> memref<1x128xi32, #tpu.memory_space<vmem>>
      %dma_start3A_248 = tpu.memref_squeeze %dma_start3A_247 : memref<1x128xi32, #tpu.memory_space<vmem>> -> memref<128xi32, #tpu.memory_space<vmem>>
      %dma_start3A_249 = arith.constant 0 : i32
      %dma_start3A_250 = arith.constant 0 : i32
      %dma_start3A_251 = tpu.memref_slice %arg2[%dma_start3A_249, %dma_start3A_250] : memref<10000x64xf32, #tpu.memory_space<hbm>> -> memref<10000x64xf32, #tpu.memory_space<hbm>>
      tpu.enqueue_indirect_dma source(%dma_start3A_251 : memref<10000x64xf32, #tpu.memory_space<hbm>>) target(%arg10 : memref<128x64xf32, #tpu.memory_space<vmem>>) offsets(%dma_start3A_248 : memref<128xi32, #tpu.memory_space<vmem>>) semaphore(%arg13 : memref<!tpu.dma_semaphore, #tpu.memory_space<semaphore_mem>>)
      %dma_wait3A_252 = arith.constant 0 : i32
      %dma_wait3A_253 = tpu.memref_slice %arg6[%add3A_211, %dma_wait3A_252] : memref<80x128xi32, #tpu.memory_space<vmem>> -> memref<1x128xi32, #tpu.memory_space<vmem>>
      %dma_wait3A_254 = tpu.memref_squeeze %dma_wait3A_253 : memref<1x128xi32, #tpu.memory_space<vmem>> -> memref<128xi32, #tpu.memory_space<vmem>>
      %dma_wait3A_255 = arith.constant 0 : i32
      %dma_wait3A_256 = arith.constant 0 : i32
      %dma_wait3A_257 = tpu.memref_slice %arg2[%dma_wait3A_255, %dma_wait3A_256] : memref<10000x64xf32, #tpu.memory_space<hbm>> -> memref<10000x64xf32, #tpu.memory_space<hbm>>
      tpu.wait_indirect_dma semaphore(%arg13 : memref<!tpu.dma_semaphore, #tpu.memory_space<semaphore_mem>>) src(%dma_wait3A_257 : memref<10000x64xf32, #tpu.memory_space<hbm>>) dst(%arg9 : memref<128x64xf32, #tpu.memory_space<vmem>>)
      %mul3A_258 = arith.constant 8 : i32
      %mul3A_259 = arith.muli %scan3A_75, %mul3A_258 : i32
      %add3A_260 = arith.constant 5 : i32
      %add3A_261 = arith.addi %mul3A_259, %add3A_260 : i32
      %dma_start3A_262 = arith.constant 0 : i32
      %dma_start3A_263 = tpu.memref_slice %arg7[%add3A_261, %dma_start3A_262] : memref<80x128xi32, #tpu.memory_space<vmem>> -> memref<1x128xi32, #tpu.memory_space<vmem>>
      %dma_start3A_264 = tpu.memref_squeeze %dma_start3A_263 : memref<1x128xi32, #tpu.memory_space<vmem>> -> memref<128xi32, #tpu.memory_space<vmem>>
      %dma_start3A_265 = arith.constant 0 : i32
      %dma_start3A_266 = arith.constant 0 : i32
      %dma_start3A_267 = tpu.memref_slice %arg12[%dma_start3A_265, %dma_start3A_266] : memref<10240x64xf32, #tpu.memory_space<vmem_shared>> -> memref<10240x64xf32, #tpu.memory_space<vmem_shared>>
      tpu.enqueue_indirect_dma source(%arg9 : memref<128x64xf32, #tpu.memory_space<vmem>>) target(%dma_start3A_267 : memref<10240x64xf32, #tpu.memory_space<vmem_shared>>) offsets(%dma_start3A_264 : memref<128xi32, #tpu.memory_space<vmem>>) semaphore(%arg14 : memref<!tpu.dma_semaphore, #tpu.memory_space<semaphore_mem>>) {add = true}
      %dma_wait3A_268 = arith.constant 0 : i32
      %dma_wait3A_269 = tpu.memref_slice %arg7[%add3A_193, %dma_wait3A_268] : memref<80x128xi32, #tpu.memory_space<vmem>> -> memref<1x128xi32, #tpu.memory_space<vmem>>
      %dma_wait3A_270 = tpu.memref_squeeze %dma_wait3A_269 : memref<1x128xi32, #tpu.memory_space<vmem>> -> memref<128xi32, #tpu.memory_space<vmem>>
      %dma_wait3A_271 = arith.constant 0 : i32
      %dma_wait3A_272 = arith.constant 0 : i32
      %dma_wait3A_273 = tpu.memref_slice %arg12[%dma_wait3A_271, %dma_wait3A_272] : memref<10240x64xf32, #tpu.memory_space<vmem_shared>> -> memref<10240x64xf32, #tpu.memory_space<vmem_shared>>
      tpu.wait_indirect_dma semaphore(%arg14 : memref<!tpu.dma_semaphore, #tpu.memory_space<semaphore_mem>>) src(%arg11 : memref<128x64xf32, #tpu.memory_space<vmem>>) dst(%dma_wait3A_273 : memref<10240x64xf32, #tpu.memory_space<vmem_shared>>)
      %mul3A_274 = arith.constant 8 : i32
      %mul3A_275 = arith.muli %scan3A_75, %mul3A_274 : i32
      %add3A_276 = arith.constant 5 : i32
      %add3A_277 = arith.addi %mul3A_275, %add3A_276 : i32
      %add3A_278 = arith.constant 2 : i32
      %add3A_279 = arith.addi %add3A_277, %add3A_278 : i32
      %dma_start3A_280 = arith.constant 0 : i32
      %dma_start3A_281 = tpu.memref_slice %arg6[%add3A_279, %dma_start3A_280] : memref<80x128xi32, #tpu.memory_space<vmem>> -> memref<1x128xi32, #tpu.memory_space<vmem>>
      %dma_start3A_282 = tpu.memref_squeeze %dma_start3A_281 : memref<1x128xi32, #tpu.memory_space<vmem>> -> memref<128xi32, #tpu.memory_space<vmem>>
      %dma_start3A_283 = arith.constant 0 : i32
      %dma_start3A_284 = arith.constant 0 : i32
      %dma_start3A_285 = tpu.memref_slice %arg2[%dma_start3A_283, %dma_start3A_284] : memref<10000x64xf32, #tpu.memory_space<hbm>> -> memref<10000x64xf32, #tpu.memory_space<hbm>>
      tpu.enqueue_indirect_dma source(%dma_start3A_285 : memref<10000x64xf32, #tpu.memory_space<hbm>>) target(%arg11 : memref<128x64xf32, #tpu.memory_space<vmem>>) offsets(%dma_start3A_282 : memref<128xi32, #tpu.memory_space<vmem>>) semaphore(%arg13 : memref<!tpu.dma_semaphore, #tpu.memory_space<semaphore_mem>>)
      %dma_wait3A_286 = arith.constant 0 : i32
      %dma_wait3A_287 = tpu.memref_slice %arg6[%add3A_245, %dma_wait3A_286] : memref<80x128xi32, #tpu.memory_space<vmem>> -> memref<1x128xi32, #tpu.memory_space<vmem>>
      %dma_wait3A_288 = tpu.memref_squeeze %dma_wait3A_287 : memref<1x128xi32, #tpu.memory_space<vmem>> -> memref<128xi32, #tpu.memory_space<vmem>>
      %dma_wait3A_289 = arith.constant 0 : i32
      %dma_wait3A_290 = arith.constant 0 : i32
      %dma_wait3A_291 = tpu.memref_slice %arg2[%dma_wait3A_289, %dma_wait3A_290] : memref<10000x64xf32, #tpu.memory_space<hbm>> -> memref<10000x64xf32, #tpu.memory_space<hbm>>
      tpu.wait_indirect_dma semaphore(%arg13 : memref<!tpu.dma_semaphore, #tpu.memory_space<semaphore_mem>>) src(%dma_wait3A_291 : memref<10000x64xf32, #tpu.memory_space<hbm>>) dst(%arg10 : memref<128x64xf32, #tpu.memory_space<vmem>>)
      %mul3A_292 = arith.constant 8 : i32
      %mul3A_293 = arith.muli %scan3A_75, %mul3A_292 : i32
      %add3A_294 = arith.constant 6 : i32
      %add3A_295 = arith.addi %mul3A_293, %add3A_294 : i32
      %dma_start3A_296 = arith.constant 0 : i32
      %dma_start3A_297 = tpu.memref_slice %arg7[%add3A_295, %dma_start3A_296] : memref<80x128xi32, #tpu.memory_space<vmem>> -> memref<1x128xi32, #tpu.memory_space<vmem>>
      %dma_start3A_298 = tpu.memref_squeeze %dma_start3A_297 : memref<1x128xi32, #tpu.memory_space<vmem>> -> memref<128xi32, #tpu.memory_space<vmem>>
      %dma_start3A_299 = arith.constant 0 : i32
      %dma_start3A_300 = arith.constant 0 : i32
      %dma_start3A_301 = tpu.memref_slice %arg12[%dma_start3A_299, %dma_start3A_300] : memref<10240x64xf32, #tpu.memory_space<vmem_shared>> -> memref<10240x64xf32, #tpu.memory_space<vmem_shared>>
      tpu.enqueue_indirect_dma source(%arg10 : memref<128x64xf32, #tpu.memory_space<vmem>>) target(%dma_start3A_301 : memref<10240x64xf32, #tpu.memory_space<vmem_shared>>) offsets(%dma_start3A_298 : memref<128xi32, #tpu.memory_space<vmem>>) semaphore(%arg14 : memref<!tpu.dma_semaphore, #tpu.memory_space<semaphore_mem>>) {add = true}
      %dma_wait3A_302 = arith.constant 0 : i32
      %dma_wait3A_303 = tpu.memref_slice %arg6[%add3A_279, %dma_wait3A_302] : memref<80x128xi32, #tpu.memory_space<vmem>> -> memref<1x128xi32, #tpu.memory_space<vmem>>
      %dma_wait3A_304 = tpu.memref_squeeze %dma_wait3A_303 : memref<1x128xi32, #tpu.memory_space<vmem>> -> memref<128xi32, #tpu.memory_space<vmem>>
      %dma_wait3A_305 = arith.constant 0 : i32
      %dma_wait3A_306 = arith.constant 0 : i32
      %dma_wait3A_307 = tpu.memref_slice %arg2[%dma_wait3A_305, %dma_wait3A_306] : memref<10000x64xf32, #tpu.memory_space<hbm>> -> memref<10000x64xf32, #tpu.memory_space<hbm>>
      tpu.wait_indirect_dma semaphore(%arg13 : memref<!tpu.dma_semaphore, #tpu.memory_space<semaphore_mem>>) src(%dma_wait3A_307 : memref<10000x64xf32, #tpu.memory_space<hbm>>) dst(%arg11 : memref<128x64xf32, #tpu.memory_space<vmem>>)
      %mul3A_308 = arith.constant 8 : i32
      %mul3A_309 = arith.muli %scan3A_75, %mul3A_308 : i32
      %add3A_310 = arith.constant 7 : i32
      %add3A_311 = arith.addi %mul3A_309, %add3A_310 : i32
      %dma_start3A_312 = arith.constant 0 : i32
      %dma_start3A_313 = tpu.memref_slice %arg7[%add3A_311, %dma_start3A_312] : memref<80x128xi32, #tpu.memory_space<vmem>> -> memref<1x128xi32, #tpu.memory_space<vmem>>
      %dma_start3A_314 = tpu.memref_squeeze %dma_start3A_313 : memref<1x128xi32, #tpu.memory_space<vmem>> -> memref<128xi32, #tpu.memory_space<vmem>>
      %dma_start3A_315 = arith.constant 0 : i32
      %dma_start3A_316 = arith.constant 0 : i32
      %dma_start3A_317 = tpu.memref_slice %arg12[%dma_start3A_315, %dma_start3A_316] : memref<10240x64xf32, #tpu.memory_space<vmem_shared>> -> memref<10240x64xf32, #tpu.memory_space<vmem_shared>>
      tpu.enqueue_indirect_dma source(%arg11 : memref<128x64xf32, #tpu.memory_space<vmem>>) target(%dma_start3A_317 : memref<10240x64xf32, #tpu.memory_space<vmem_shared>>) offsets(%dma_start3A_314 : memref<128xi32, #tpu.memory_space<vmem>>) semaphore(%arg14 : memref<!tpu.dma_semaphore, #tpu.memory_space<semaphore_mem>>) {add = true}
      %dma_wait3A_318 = arith.constant 0 : i32
      %dma_wait3A_319 = tpu.memref_slice %arg7[%add3A_227, %dma_wait3A_318] : memref<80x128xi32, #tpu.memory_space<vmem>> -> memref<1x128xi32, #tpu.memory_space<vmem>>
      %dma_wait3A_320 = tpu.memref_squeeze %dma_wait3A_319 : memref<1x128xi32, #tpu.memory_space<vmem>> -> memref<128xi32, #tpu.memory_space<vmem>>
      %dma_wait3A_321 = arith.constant 0 : i32
      %dma_wait3A_322 = arith.constant 0 : i32
      %dma_wait3A_323 = tpu.memref_slice %arg12[%dma_wait3A_321, %dma_wait3A_322] : memref<10240x64xf32, #tpu.memory_space<vmem_shared>> -> memref<10240x64xf32, #tpu.memory_space<vmem_shared>>
      tpu.wait_indirect_dma semaphore(%arg14 : memref<!tpu.dma_semaphore, #tpu.memory_space<semaphore_mem>>) src(%arg8 : memref<128x64xf32, #tpu.memory_space<vmem>>) dst(%dma_wait3A_323 : memref<10240x64xf32, #tpu.memory_space<vmem_shared>>)
      %dma_wait3A_324 = arith.constant 0 : i32
      %dma_wait3A_325 = tpu.memref_slice %arg7[%add3A_261, %dma_wait3A_324] : memref<80x128xi32, #tpu.memory_space<vmem>> -> memref<1x128xi32, #tpu.memory_space<vmem>>
      %dma_wait3A_326 = tpu.memref_squeeze %dma_wait3A_325 : memref<1x128xi32, #tpu.memory_space<vmem>> -> memref<128xi32, #tpu.memory_space<vmem>>
      %dma_wait3A_327 = arith.constant 0 : i32
      %dma_wait3A_328 = arith.constant 0 : i32
      %dma_wait3A_329 = tpu.memref_slice %arg12[%dma_wait3A_327, %dma_wait3A_328] : memref<10240x64xf32, #tpu.memory_space<vmem_shared>> -> memref<10240x64xf32, #tpu.memory_space<vmem_shared>>
      tpu.wait_indirect_dma semaphore(%arg14 : memref<!tpu.dma_semaphore, #tpu.memory_space<semaphore_mem>>) src(%arg9 : memref<128x64xf32, #tpu.memory_space<vmem>>) dst(%dma_wait3A_329 : memref<10240x64xf32, #tpu.memory_space<vmem_shared>>)
      %dma_wait3A_330 = arith.constant 0 : i32
      %dma_wait3A_331 = tpu.memref_slice %arg7[%add3A_295, %dma_wait3A_330] : memref<80x128xi32, #tpu.memory_space<vmem>> -> memref<1x128xi32, #tpu.memory_space<vmem>>
      %dma_wait3A_332 = tpu.memref_squeeze %dma_wait3A_331 : memref<1x128xi32, #tpu.memory_space<vmem>> -> memref<128xi32, #tpu.memory_space<vmem>>
      %dma_wait3A_333 = arith.constant 0 : i32
      %dma_wait3A_334 = arith.constant 0 : i32
      %dma_wait3A_335 = tpu.memref_slice %arg12[%dma_wait3A_333, %dma_wait3A_334] : memref<10240x64xf32, #tpu.memory_space<vmem_shared>> -> memref<10240x64xf32, #tpu.memory_space<vmem_shared>>
      tpu.wait_indirect_dma semaphore(%arg14 : memref<!tpu.dma_semaphore, #tpu.memory_space<semaphore_mem>>) src(%arg10 : memref<128x64xf32, #tpu.memory_space<vmem>>) dst(%dma_wait3A_335 : memref<10240x64xf32, #tpu.memory_space<vmem_shared>>)
      %dma_wait3A_336 = arith.constant 0 : i32
      %dma_wait3A_337 = tpu.memref_slice %arg7[%add3A_311, %dma_wait3A_336] : memref<80x128xi32, #tpu.memory_space<vmem>> -> memref<1x128xi32, #tpu.memory_space<vmem>>
      %dma_wait3A_338 = tpu.memref_squeeze %dma_wait3A_337 : memref<1x128xi32, #tpu.memory_space<vmem>> -> memref<128xi32, #tpu.memory_space<vmem>>
      %dma_wait3A_339 = arith.constant 0 : i32
      %dma_wait3A_340 = arith.constant 0 : i32
      %dma_wait3A_341 = tpu.memref_slice %arg12[%dma_wait3A_339, %dma_wait3A_340] : memref<10240x64xf32, #tpu.memory_space<vmem_shared>> -> memref<10240x64xf32, #tpu.memory_space<vmem_shared>>
      tpu.wait_indirect_dma semaphore(%arg14 : memref<!tpu.dma_semaphore, #tpu.memory_space<semaphore_mem>>) src(%arg11 : memref<128x64xf32, #tpu.memory_space<vmem>>) dst(%dma_wait3A_341 : memref<10240x64xf32, #tpu.memory_space<vmem_shared>>)
    }
    %scan3A_53 = arith.constant 10 : i32
    %barrier3A_54 = arith.constant 0 : index
    tpu.barrier barrier_id(%barrier3A_54)
    %mul3A_55 = arith.constant 640 : i32
    %mul3A_56 = arith.muli %arg1, %mul3A_55 : i32
    %add3A_57 = arith.constant 0 : i32
    %add3A_58 = arith.addi %mul3A_56, %add3A_57 : i32
    "tpu.region"() ({
      %run_scoped3A = tpu.sem_alloc : memref<!tpu.dma_semaphore, #tpu.memory_space<semaphore_mem>>
      %dma_start3A_75 = arith.constant 0 : i32
      %dma_start3A_76 = arith.constant 0 : i32
      %dma_start3A_77 = tpu.memref_slice %arg5[%arg0, %dma_start3A_75, %dma_start3A_76] : memref<2x10240x64xf32, #tpu.memory_space<hbm>> -> memref<1x10240x64xf32, #tpu.memory_space<hbm>>
      %dma_start3A_78 = tpu.memref_squeeze %dma_start3A_77 : memref<1x10240x64xf32, #tpu.memory_space<hbm>> -> memref<10240x64xf32, #tpu.memory_space<hbm>>
      %dma_start3A_79 = arith.constant 0 : i32
      %dma_start3A_80 = tpu.memref_slice %dma_start3A_78[%add3A_58, %dma_start3A_79] : memref<10240x64xf32, #tpu.memory_space<hbm>> -> memref<128x64xf32, #tpu.memory_space<hbm>>
      %dma_start3A_81 = arith.constant 0 : i32
      %dma_start3A_82 = tpu.memref_slice %arg12[%add3A_58, %dma_start3A_81] : memref<10240x64xf32, #tpu.memory_space<vmem_shared>> -> memref<128x64xf32, #tpu.memory_space<vmem_shared>>
      tpu.enqueue_dma source(%dma_start3A_82 : memref<128x64xf32, #tpu.memory_space<vmem_shared>>) target(%dma_start3A_80 : memref<128x64xf32, #tpu.memory_space<hbm>>) target_semaphore(%run_scoped3A : memref<!tpu.dma_semaphore, #tpu.memory_space<semaphore_mem>>)
      %dma_wait3A_83 = arith.constant 0 : i32
      %dma_wait3A_84 = arith.constant 0 : i32
      %dma_wait3A_85 = tpu.memref_slice %arg5[%arg0, %dma_wait3A_83, %dma_wait3A_84] : memref<2x10240x64xf32, #tpu.memory_space<hbm>> -> memref<1x10240x64xf32, #tpu.memory_space<hbm>>
      %dma_wait3A_86 = tpu.memref_squeeze %dma_wait3A_85 : memref<1x10240x64xf32, #tpu.memory_space<hbm>> -> memref<10240x64xf32, #tpu.memory_space<hbm>>
      %dma_wait3A_87 = arith.constant 0 : i32
      %dma_wait3A_88 = tpu.memref_slice %dma_wait3A_86[%add3A_58, %dma_wait3A_87] : memref<10240x64xf32, #tpu.memory_space<hbm>> -> memref<128x64xf32, #tpu.memory_space<hbm>>
      %dma_wait3A_89 = arith.constant 0 : i32
      %dma_wait3A_90 = tpu.memref_slice %arg12[%add3A_58, %dma_wait3A_89] : memref<10240x64xf32, #tpu.memory_space<vmem_shared>> -> memref<128x64xf32, #tpu.memory_space<vmem_shared>>
      tpu.wait_dma2 semaphore(%run_scoped3A : memref<!tpu.dma_semaphore, #tpu.memory_space<semaphore_mem>>) src(%dma_wait3A_90 : memref<128x64xf32, #tpu.memory_space<vmem_shared>>) dst(%dma_wait3A_88 : memref<128x64xf32, #tpu.memory_space<hbm>>)
      tpu.yield
    }) : () -> ()
    %mul3A_59 = arith.constant 640 : i32
    %mul3A_60 = arith.muli %arg1, %mul3A_59 : i32
    %add3A_61 = arith.constant 128 : i32
    %add3A_62 = arith.addi %mul3A_60, %add3A_61 : i32
    "tpu.region"() ({
      %run_scoped3A = tpu.sem_alloc : memref<!tpu.dma_semaphore, #tpu.memory_space<semaphore_mem>>
      %dma_start3A_75 = arith.constant 0 : i32
      %dma_start3A_76 = arith.constant 0 : i32
      %dma_start3A_77 = tpu.memref_slice %arg5[%arg0, %dma_start3A_75, %dma_start3A_76] : memref<2x10240x64xf32, #tpu.memory_space<hbm>> -> memref<1x10240x64xf32, #tpu.memory_space<hbm>>
      %dma_start3A_78 = tpu.memref_squeeze %dma_start3A_77 : memref<1x10240x64xf32, #tpu.memory_space<hbm>> -> memref<10240x64xf32, #tpu.memory_space<hbm>>
      %dma_start3A_79 = arith.constant 0 : i32
      %dma_start3A_80 = tpu.memref_slice %dma_start3A_78[%add3A_62, %dma_start3A_79] : memref<10240x64xf32, #tpu.memory_space<hbm>> -> memref<128x64xf32, #tpu.memory_space<hbm>>
      %dma_start3A_81 = arith.constant 0 : i32
      %dma_start3A_82 = tpu.memref_slice %arg12[%add3A_62, %dma_start3A_81] : memref<10240x64xf32, #tpu.memory_space<vmem_shared>> -> memref<128x64xf32, #tpu.memory_space<vmem_shared>>
      tpu.enqueue_dma source(%dma_start3A_82 : memref<128x64xf32, #tpu.memory_space<vmem_shared>>) target(%dma_start3A_80 : memref<128x64xf32, #tpu.memory_space<hbm>>) target_semaphore(%run_scoped3A : memref<!tpu.dma_semaphore, #tpu.memory_space<semaphore_mem>>)
      %dma_wait3A_83 = arith.constant 0 : i32
      %dma_wait3A_84 = arith.constant 0 : i32
      %dma_wait3A_85 = tpu.memref_slice %arg5[%arg0, %dma_wait3A_83, %dma_wait3A_84] : memref<2x10240x64xf32, #tpu.memory_space<hbm>> -> memref<1x10240x64xf32, #tpu.memory_space<hbm>>
      %dma_wait3A_86 = tpu.memref_squeeze %dma_wait3A_85 : memref<1x10240x64xf32, #tpu.memory_space<hbm>> -> memref<10240x64xf32, #tpu.memory_space<hbm>>
      %dma_wait3A_87 = arith.constant 0 : i32
      %dma_wait3A_88 = tpu.memref_slice %dma_wait3A_86[%add3A_62, %dma_wait3A_87] : memref<10240x64xf32, #tpu.memory_space<hbm>> -> memref<128x64xf32, #tpu.memory_space<hbm>>
      %dma_wait3A_89 = arith.constant 0 : i32
      %dma_wait3A_90 = tpu.memref_slice %arg12[%add3A_62, %dma_wait3A_89] : memref<10240x64xf32, #tpu.memory_space<vmem_shared>> -> memref<128x64xf32, #tpu.memory_space<vmem_shared>>
      tpu.wait_dma2 semaphore(%run_scoped3A : memref<!tpu.dma_semaphore, #tpu.memory_space<semaphore_mem>>) src(%dma_wait3A_90 : memref<128x64xf32, #tpu.memory_space<vmem_shared>>) dst(%dma_wait3A_88 : memref<128x64xf32, #tpu.memory_space<hbm>>)
      tpu.yield
    }) : () -> ()
    %mul3A_63 = arith.constant 640 : i32
    %mul3A_64 = arith.muli %arg1, %mul3A_63 : i32
    %add3A_65 = arith.constant 256 : i32
    %add3A_66 = arith.addi %mul3A_64, %add3A_65 : i32
    "tpu.region"() ({
      %run_scoped3A = tpu.sem_alloc : memref<!tpu.dma_semaphore, #tpu.memory_space<semaphore_mem>>
      %dma_start3A_75 = arith.constant 0 : i32
      %dma_start3A_76 = arith.constant 0 : i32
      %dma_start3A_77 = tpu.memref_slice %arg5[%arg0, %dma_start3A_75, %dma_start3A_76] : memref<2x10240x64xf32, #tpu.memory_space<hbm>> -> memref<1x10240x64xf32, #tpu.memory_space<hbm>>
      %dma_start3A_78 = tpu.memref_squeeze %dma_start3A_77 : memref<1x10240x64xf32, #tpu.memory_space<hbm>> -> memref<10240x64xf32, #tpu.memory_space<hbm>>
      %dma_start3A_79 = arith.constant 0 : i32
      %dma_start3A_80 = tpu.memref_slice %dma_start3A_78[%add3A_66, %dma_start3A_79] : memref<10240x64xf32, #tpu.memory_space<hbm>> -> memref<128x64xf32, #tpu.memory_space<hbm>>
      %dma_start3A_81 = arith.constant 0 : i32
      %dma_start3A_82 = tpu.memref_slice %arg12[%add3A_66, %dma_start3A_81] : memref<10240x64xf32, #tpu.memory_space<vmem_shared>> -> memref<128x64xf32, #tpu.memory_space<vmem_shared>>
      tpu.enqueue_dma source(%dma_start3A_82 : memref<128x64xf32, #tpu.memory_space<vmem_shared>>) target(%dma_start3A_80 : memref<128x64xf32, #tpu.memory_space<hbm>>) target_semaphore(%run_scoped3A : memref<!tpu.dma_semaphore, #tpu.memory_space<semaphore_mem>>)
      %dma_wait3A_83 = arith.constant 0 : i32
      %dma_wait3A_84 = arith.constant 0 : i32
      %dma_wait3A_85 = tpu.memref_slice %arg5[%arg0, %dma_wait3A_83, %dma_wait3A_84] : memref<2x10240x64xf32, #tpu.memory_space<hbm>> -> memref<1x10240x64xf32, #tpu.memory_space<hbm>>
      %dma_wait3A_86 = tpu.memref_squeeze %dma_wait3A_85 : memref<1x10240x64xf32, #tpu.memory_space<hbm>> -> memref<10240x64xf32, #tpu.memory_space<hbm>>
      %dma_wait3A_87 = arith.constant 0 : i32
      %dma_wait3A_88 = tpu.memref_slice %dma_wait3A_86[%add3A_66, %dma_wait3A_87] : memref<10240x64xf32, #tpu.memory_space<hbm>> -> memref<128x64xf32, #tpu.memory_space<hbm>>
      %dma_wait3A_89 = arith.constant 0 : i32
      %dma_wait3A_90 = tpu.memref_slice %arg12[%add3A_66, %dma_wait3A_89] : memref<10240x64xf32, #tpu.memory_space<vmem_shared>> -> memref<128x64xf32, #tpu.memory_space<vmem_shared>>
      tpu.wait_dma2 semaphore(%run_scoped3A : memref<!tpu.dma_semaphore, #tpu.memory_space<semaphore_mem>>) src(%dma_wait3A_90 : memref<128x64xf32, #tpu.memory_space<vmem_shared>>) dst(%dma_wait3A_88 : memref<128x64xf32, #tpu.memory_space<hbm>>)
      tpu.yield
    }) : () -> ()
    %mul3A_67 = arith.constant 640 : i32
    %mul3A_68 = arith.muli %arg1, %mul3A_67 : i32
    %add3A_69 = arith.constant 384 : i32
    %add3A_70 = arith.addi %mul3A_68, %add3A_69 : i32
    "tpu.region"() ({
      %run_scoped3A = tpu.sem_alloc : memref<!tpu.dma_semaphore, #tpu.memory_space<semaphore_mem>>
      %dma_start3A_75 = arith.constant 0 : i32
      %dma_start3A_76 = arith.constant 0 : i32
      %dma_start3A_77 = tpu.memref_slice %arg5[%arg0, %dma_start3A_75, %dma_start3A_76] : memref<2x10240x64xf32, #tpu.memory_space<hbm>> -> memref<1x10240x64xf32, #tpu.memory_space<hbm>>
      %dma_start3A_78 = tpu.memref_squeeze %dma_start3A_77 : memref<1x10240x64xf32, #tpu.memory_space<hbm>> -> memref<10240x64xf32, #tpu.memory_space<hbm>>
      %dma_start3A_79 = arith.constant 0 : i32
      %dma_start3A_80 = tpu.memref_slice %dma_start3A_78[%add3A_70, %dma_start3A_79] : memref<10240x64xf32, #tpu.memory_space<hbm>> -> memref<128x64xf32, #tpu.memory_space<hbm>>
      %dma_start3A_81 = arith.constant 0 : i32
      %dma_start3A_82 = tpu.memref_slice %arg12[%add3A_70, %dma_start3A_81] : memref<10240x64xf32, #tpu.memory_space<vmem_shared>> -> memref<128x64xf32, #tpu.memory_space<vmem_shared>>
      tpu.enqueue_dma source(%dma_start3A_82 : memref<128x64xf32, #tpu.memory_space<vmem_shared>>) target(%dma_start3A_80 : memref<128x64xf32, #tpu.memory_space<hbm>>) target_semaphore(%run_scoped3A : memref<!tpu.dma_semaphore, #tpu.memory_space<semaphore_mem>>)
      %dma_wait3A_83 = arith.constant 0 : i32
      %dma_wait3A_84 = arith.constant 0 : i32
      %dma_wait3A_85 = tpu.memref_slice %arg5[%arg0, %dma_wait3A_83, %dma_wait3A_84] : memref<2x10240x64xf32, #tpu.memory_space<hbm>> -> memref<1x10240x64xf32, #tpu.memory_space<hbm>>
      %dma_wait3A_86 = tpu.memref_squeeze %dma_wait3A_85 : memref<1x10240x64xf32, #tpu.memory_space<hbm>> -> memref<10240x64xf32, #tpu.memory_space<hbm>>
      %dma_wait3A_87 = arith.constant 0 : i32
      %dma_wait3A_88 = tpu.memref_slice %dma_wait3A_86[%add3A_70, %dma_wait3A_87] : memref<10240x64xf32, #tpu.memory_space<hbm>> -> memref<128x64xf32, #tpu.memory_space<hbm>>
      %dma_wait3A_89 = arith.constant 0 : i32
      %dma_wait3A_90 = tpu.memref_slice %arg12[%add3A_70, %dma_wait3A_89] : memref<10240x64xf32, #tpu.memory_space<vmem_shared>> -> memref<128x64xf32, #tpu.memory_space<vmem_shared>>
      tpu.wait_dma2 semaphore(%run_scoped3A : memref<!tpu.dma_semaphore, #tpu.memory_space<semaphore_mem>>) src(%dma_wait3A_90 : memref<128x64xf32, #tpu.memory_space<vmem_shared>>) dst(%dma_wait3A_88 : memref<128x64xf32, #tpu.memory_space<hbm>>)
      tpu.yield
    }) : () -> ()
    %mul3A_71 = arith.constant 640 : i32
    %mul3A_72 = arith.muli %arg1, %mul3A_71 : i32
    %add3A_73 = arith.constant 512 : i32
    %add3A_74 = arith.addi %mul3A_72, %add3A_73 : i32
    "tpu.region"() ({
      %run_scoped3A = tpu.sem_alloc : memref<!tpu.dma_semaphore, #tpu.memory_space<semaphore_mem>>
      %dma_start3A_75 = arith.constant 0 : i32
      %dma_start3A_76 = arith.constant 0 : i32
      %dma_start3A_77 = tpu.memref_slice %arg5[%arg0, %dma_start3A_75, %dma_start3A_76] : memref<2x10240x64xf32, #tpu.memory_space<hbm>> -> memref<1x10240x64xf32, #tpu.memory_space<hbm>>
      %dma_start3A_78 = tpu.memref_squeeze %dma_start3A_77 : memref<1x10240x64xf32, #tpu.memory_space<hbm>> -> memref<10240x64xf32, #tpu.memory_space<hbm>>
      %dma_start3A_79 = arith.constant 0 : i32
      %dma_start3A_80 = tpu.memref_slice %dma_start3A_78[%add3A_74, %dma_start3A_79] : memref<10240x64xf32, #tpu.memory_space<hbm>> -> memref<128x64xf32, #tpu.memory_space<hbm>>
      %dma_start3A_81 = arith.constant 0 : i32
      %dma_start3A_82 = tpu.memref_slice %arg12[%add3A_74, %dma_start3A_81] : memref<10240x64xf32, #tpu.memory_space<vmem_shared>> -> memref<128x64xf32, #tpu.memory_space<vmem_shared>>
      tpu.enqueue_dma source(%dma_start3A_82 : memref<128x64xf32, #tpu.memory_space<vmem_shared>>) target(%dma_start3A_80 : memref<128x64xf32, #tpu.memory_space<hbm>>) target_semaphore(%run_scoped3A : memref<!tpu.dma_semaphore, #tpu.memory_space<semaphore_mem>>)
      %dma_wait3A_83 = arith.constant 0 : i32
      %dma_wait3A_84 = arith.constant 0 : i32
      %dma_wait3A_85 = tpu.memref_slice %arg5[%arg0, %dma_wait3A_83, %dma_wait3A_84] : memref<2x10240x64xf32, #tpu.memory_space<hbm>> -> memref<1x10240x64xf32, #tpu.memory_space<hbm>>
      %dma_wait3A_86 = tpu.memref_squeeze %dma_wait3A_85 : memref<1x10240x64xf32, #tpu.memory_space<hbm>> -> memref<10240x64xf32, #tpu.memory_space<hbm>>
      %dma_wait3A_87 = arith.constant 0 : i32
      %dma_wait3A_88 = tpu.memref_slice %dma_wait3A_86[%add3A_74, %dma_wait3A_87] : memref<10240x64xf32, #tpu.memory_space<hbm>> -> memref<128x64xf32, #tpu.memory_space<hbm>>
      %dma_wait3A_89 = arith.constant 0 : i32
      %dma_wait3A_90 = tpu.memref_slice %arg12[%add3A_74, %dma_wait3A_89] : memref<10240x64xf32, #tpu.memory_space<vmem_shared>> -> memref<128x64xf32, #tpu.memory_space<vmem_shared>>
      tpu.wait_dma2 semaphore(%run_scoped3A : memref<!tpu.dma_semaphore, #tpu.memory_space<semaphore_mem>>) src(%dma_wait3A_90 : memref<128x64xf32, #tpu.memory_space<vmem_shared>>) dst(%dma_wait3A_88 : memref<128x64xf32, #tpu.memory_space<hbm>>)
      tpu.yield
    }) : () -> ()
    return
  }
}

#map = affine_map<(d0, d1) -> (0, 0)>
#map1 = affine_map<(d0, d1) -> (0, 0, 0)>
module attributes {stable_mosaic.version = 14 : i64} {
  func.func @agg(%arg0: i32, %arg1: i32, %arg2: memref<10000x16xf32, #tpu.memory_space<hbm>>, %arg3: memref<2560x128xi32, #tpu.memory_space<hbm>>, %arg4: memref<2560x128xi32, #tpu.memory_space<hbm>>, %arg5: memref<2x10240x16xf32, #tpu.memory_space<hbm>>, %arg6: memref<80x128xi32, #tpu.memory_space<vmem>>, %arg7: memref<80x128xi32, #tpu.memory_space<vmem>>, %arg8: memref<128x16xf32, #tpu.memory_space<vmem>>, %arg9: memref<128x16xf32, #tpu.memory_space<vmem>>, %arg10: memref<128x16xf32, #tpu.memory_space<vmem>>, %arg11: memref<128x16xf32, #tpu.memory_space<vmem>>, %arg12: memref<10240x16xf32, #tpu.memory_space<vmem_shared>>, %arg13: memref<!tpu.dma_semaphore, #tpu.memory_space<semaphore_mem>>, %arg14: memref<!tpu.dma_semaphore, #tpu.memory_space<semaphore_mem>>, %arg15: memref<!tpu.dma_semaphore, #tpu.memory_space<semaphore_mem>>) attributes {dimension_semantics = [#tpu.dimension_semantics<core_parallel>, #tpu.dimension_semantics<subcore_parallel>], iteration_bounds = array<i64: 2, 16>, scalar_prefetch = 0 : i64, scratch_operands = 10 : i64, tpu.core_type = #tpu.core_type<sc_vector_subcore>, window_params = [{transform_indices = #map}, {transform_indices = #map}, {transform_indices = #map}, {transform_indices = #map1}]} {
    %mul3A = arith.constant 2 : i32
    %mul3A_0 = arith.muli %arg1, %mul3A : i32
    %add3A = arith.addi %mul3A_0, %arg0 : i32
    %mul3A_1 = arith.constant 80 : i32
    %mul3A_2 = arith.muli %add3A, %mul3A_1 : i32
    %dma_start3A = arith.constant 0 : i32
    %dma_start3A_3 = tpu.memref_slice %arg3[%mul3A_2, %dma_start3A] : memref<2560x128xi32, #tpu.memory_space<hbm>> -> memref<80x128xi32, #tpu.memory_space<hbm>>
    %dma_start3A_4 = arith.constant 0 : i32
    %dma_start3A_5 = tpu.memref_slice %arg3[%mul3A_2, %dma_start3A_4] : memref<2560x128xi32, #tpu.memory_space<hbm>> -> memref<80x128xi32, #tpu.memory_space<hbm>>
    tpu.enqueue_dma source(%dma_start3A_5 : memref<80x128xi32, #tpu.memory_space<hbm>>) target(%arg6 : memref<80x128xi32, #tpu.memory_space<vmem>>) target_semaphore(%arg15 : memref<!tpu.dma_semaphore, #tpu.memory_space<semaphore_mem>>)
    %mul3A_6 = arith.constant 80 : i32
    %mul3A_7 = arith.muli %add3A, %mul3A_6 : i32
    %dma_start3A_8 = arith.constant 0 : i32
    %dma_start3A_9 = tpu.memref_slice %arg4[%mul3A_7, %dma_start3A_8] : memref<2560x128xi32, #tpu.memory_space<hbm>> -> memref<80x128xi32, #tpu.memory_space<hbm>>
    %dma_start3A_10 = arith.constant 0 : i32
    %dma_start3A_11 = tpu.memref_slice %arg4[%mul3A_7, %dma_start3A_10] : memref<2560x128xi32, #tpu.memory_space<hbm>> -> memref<80x128xi32, #tpu.memory_space<hbm>>
    tpu.enqueue_dma source(%dma_start3A_11 : memref<80x128xi32, #tpu.memory_space<hbm>>) target(%arg7 : memref<80x128xi32, #tpu.memory_space<vmem>>) target_semaphore(%arg15 : memref<!tpu.dma_semaphore, #tpu.memory_space<semaphore_mem>>)
    %scan3A = arith.constant 0 : i32
    %scan3A_12 = arith.constant 0 : i32
    %scan3A_13 = arith.constant 128 : i32
    %scan3A_14 = arith.addi %scan3A_12, %scan3A_13 : i32
    %scan3A_15 = arith.constant 1 : i32
    scf.for %scan3A_75 = %scan3A_12 to %scan3A_14 step %scan3A_15  : i32 {
      %broadcast_in_dim3A = arith.constant 0.000000e+00 : f32
      %broadcast_in_dim3A_76 = vector.broadcast %broadcast_in_dim3A : f32 to vector<16xf32>
      %swap3A = arith.index_cast %scan3A_75 : i32 to index
      %swap3A_77 = arith.constant 0 : index
      %swap3A_78 = tpu.vector_load %arg8[%swap3A, %swap3A_77] {strides = array<i32>} : memref<128x16xf32, #tpu.memory_space<vmem>>, vector<1x16xf32>,
      %swap3A_79 = vector.shape_cast %swap3A_78 : vector<1x16xf32> to vector<16xf32>
      %swap3A_80 = vector.shape_cast %broadcast_in_dim3A_76 : vector<16xf32> to vector<1x16xf32>
      tpu.vector_store %arg8[%swap3A, %swap3A_77], %swap3A_80 {strides = array<i32>} : memref<128x16xf32, #tpu.memory_space<vmem>>, vector<1x16xf32>,
    }
    %scan3A_16 = arith.constant 128 : i32
    %mul3A_17 = arith.constant 640 : i32
    %mul3A_18 = arith.muli %arg1, %mul3A_17 : i32
    %add3A_19 = arith.constant 0 : i32
    %add3A_20 = arith.addi %mul3A_18, %add3A_19 : i32
    "tpu.region"() ({
      %run_scoped3A = tpu.sem_alloc : memref<!tpu.dma_semaphore, #tpu.memory_space<semaphore_mem>>
      %dma_start3A_75 = arith.constant 0 : i32
      %dma_start3A_76 = tpu.memref_slice %arg12[%add3A_20, %dma_start3A_75] : memref<10240x16xf32, #tpu.memory_space<vmem_shared>> -> memref<128x16xf32, #tpu.memory_space<vmem_shared>>
      %dma_start3A_77 = arith.constant 0 : i32
      %dma_start3A_78 = tpu.memref_slice %arg12[%add3A_20, %dma_start3A_77] : memref<10240x16xf32, #tpu.memory_space<vmem_shared>> -> memref<128x16xf32, #tpu.memory_space<vmem_shared>>
      tpu.enqueue_dma source(%arg8 : memref<128x16xf32, #tpu.memory_space<vmem>>) target(%dma_start3A_78 : memref<128x16xf32, #tpu.memory_space<vmem_shared>>) target_semaphore(%run_scoped3A : memref<!tpu.dma_semaphore, #tpu.memory_space<semaphore_mem>>)
      %dma_wait3A_79 = arith.constant 0 : i32
      %dma_wait3A_80 = tpu.memref_slice %arg12[%add3A_20, %dma_wait3A_79] : memref<10240x16xf32, #tpu.memory_space<vmem_shared>> -> memref<128x16xf32, #tpu.memory_space<vmem_shared>>
      %dma_wait3A_81 = arith.constant 0 : i32
      %dma_wait3A_82 = tpu.memref_slice %arg12[%add3A_20, %dma_wait3A_81] : memref<10240x16xf32, #tpu.memory_space<vmem_shared>> -> memref<128x16xf32, #tpu.memory_space<vmem_shared>>
      tpu.wait_dma2 semaphore(%run_scoped3A : memref<!tpu.dma_semaphore, #tpu.memory_space<semaphore_mem>>) src(%arg8 : memref<128x16xf32, #tpu.memory_space<vmem>>) dst(%dma_wait3A_82 : memref<128x16xf32, #tpu.memory_space<vmem_shared>>)
      tpu.yield
    }) : () -> ()
    %mul3A_21 = arith.constant 640 : i32
    %mul3A_22 = arith.muli %arg1, %mul3A_21 : i32
    %add3A_23 = arith.constant 128 : i32
    %add3A_24 = arith.addi %mul3A_22, %add3A_23 : i32
    "tpu.region"() ({
      %run_scoped3A = tpu.sem_alloc : memref<!tpu.dma_semaphore, #tpu.memory_space<semaphore_mem>>
      %dma_start3A_75 = arith.constant 0 : i32
      %dma_start3A_76 = tpu.memref_slice %arg12[%add3A_24, %dma_start3A_75] : memref<10240x16xf32, #tpu.memory_space<vmem_shared>> -> memref<128x16xf32, #tpu.memory_space<vmem_shared>>
      %dma_start3A_77 = arith.constant 0 : i32
      %dma_start3A_78 = tpu.memref_slice %arg12[%add3A_24, %dma_start3A_77] : memref<10240x16xf32, #tpu.memory_space<vmem_shared>> -> memref<128x16xf32, #tpu.memory_space<vmem_shared>>
      tpu.enqueue_dma source(%arg8 : memref<128x16xf32, #tpu.memory_space<vmem>>) target(%dma_start3A_78 : memref<128x16xf32, #tpu.memory_space<vmem_shared>>) target_semaphore(%run_scoped3A : memref<!tpu.dma_semaphore, #tpu.memory_space<semaphore_mem>>)
      %dma_wait3A_79 = arith.constant 0 : i32
      %dma_wait3A_80 = tpu.memref_slice %arg12[%add3A_24, %dma_wait3A_79] : memref<10240x16xf32, #tpu.memory_space<vmem_shared>> -> memref<128x16xf32, #tpu.memory_space<vmem_shared>>
      %dma_wait3A_81 = arith.constant 0 : i32
      %dma_wait3A_82 = tpu.memref_slice %arg12[%add3A_24, %dma_wait3A_81] : memref<10240x16xf32, #tpu.memory_space<vmem_shared>> -> memref<128x16xf32, #tpu.memory_space<vmem_shared>>
      tpu.wait_dma2 semaphore(%run_scoped3A : memref<!tpu.dma_semaphore, #tpu.memory_space<semaphore_mem>>) src(%arg8 : memref<128x16xf32, #tpu.memory_space<vmem>>) dst(%dma_wait3A_82 : memref<128x16xf32, #tpu.memory_space<vmem_shared>>)
      tpu.yield
    }) : () -> ()
    %mul3A_25 = arith.constant 640 : i32
    %mul3A_26 = arith.muli %arg1, %mul3A_25 : i32
    %add3A_27 = arith.constant 256 : i32
    %add3A_28 = arith.addi %mul3A_26, %add3A_27 : i32
    "tpu.region"() ({
      %run_scoped3A = tpu.sem_alloc : memref<!tpu.dma_semaphore, #tpu.memory_space<semaphore_mem>>
      %dma_start3A_75 = arith.constant 0 : i32
      %dma_start3A_76 = tpu.memref_slice %arg12[%add3A_28, %dma_start3A_75] : memref<10240x16xf32, #tpu.memory_space<vmem_shared>> -> memref<128x16xf32, #tpu.memory_space<vmem_shared>>
      %dma_start3A_77 = arith.constant 0 : i32
      %dma_start3A_78 = tpu.memref_slice %arg12[%add3A_28, %dma_start3A_77] : memref<10240x16xf32, #tpu.memory_space<vmem_shared>> -> memref<128x16xf32, #tpu.memory_space<vmem_shared>>
      tpu.enqueue_dma source(%arg8 : memref<128x16xf32, #tpu.memory_space<vmem>>) target(%dma_start3A_78 : memref<128x16xf32, #tpu.memory_space<vmem_shared>>) target_semaphore(%run_scoped3A : memref<!tpu.dma_semaphore, #tpu.memory_space<semaphore_mem>>)
      %dma_wait3A_79 = arith.constant 0 : i32
      %dma_wait3A_80 = tpu.memref_slice %arg12[%add3A_28, %dma_wait3A_79] : memref<10240x16xf32, #tpu.memory_space<vmem_shared>> -> memref<128x16xf32, #tpu.memory_space<vmem_shared>>
      %dma_wait3A_81 = arith.constant 0 : i32
      %dma_wait3A_82 = tpu.memref_slice %arg12[%add3A_28, %dma_wait3A_81] : memref<10240x16xf32, #tpu.memory_space<vmem_shared>> -> memref<128x16xf32, #tpu.memory_space<vmem_shared>>
      tpu.wait_dma2 semaphore(%run_scoped3A : memref<!tpu.dma_semaphore, #tpu.memory_space<semaphore_mem>>) src(%arg8 : memref<128x16xf32, #tpu.memory_space<vmem>>) dst(%dma_wait3A_82 : memref<128x16xf32, #tpu.memory_space<vmem_shared>>)
      tpu.yield
    }) : () -> ()
    %mul3A_29 = arith.constant 640 : i32
    %mul3A_30 = arith.muli %arg1, %mul3A_29 : i32
    %add3A_31 = arith.constant 384 : i32
    %add3A_32 = arith.addi %mul3A_30, %add3A_31 : i32
    "tpu.region"() ({
      %run_scoped3A = tpu.sem_alloc : memref<!tpu.dma_semaphore, #tpu.memory_space<semaphore_mem>>
      %dma_start3A_75 = arith.constant 0 : i32
      %dma_start3A_76 = tpu.memref_slice %arg12[%add3A_32, %dma_start3A_75] : memref<10240x16xf32, #tpu.memory_space<vmem_shared>> -> memref<128x16xf32, #tpu.memory_space<vmem_shared>>
      %dma_start3A_77 = arith.constant 0 : i32
      %dma_start3A_78 = tpu.memref_slice %arg12[%add3A_32, %dma_start3A_77] : memref<10240x16xf32, #tpu.memory_space<vmem_shared>> -> memref<128x16xf32, #tpu.memory_space<vmem_shared>>
      tpu.enqueue_dma source(%arg8 : memref<128x16xf32, #tpu.memory_space<vmem>>) target(%dma_start3A_78 : memref<128x16xf32, #tpu.memory_space<vmem_shared>>) target_semaphore(%run_scoped3A : memref<!tpu.dma_semaphore, #tpu.memory_space<semaphore_mem>>)
      %dma_wait3A_79 = arith.constant 0 : i32
      %dma_wait3A_80 = tpu.memref_slice %arg12[%add3A_32, %dma_wait3A_79] : memref<10240x16xf32, #tpu.memory_space<vmem_shared>> -> memref<128x16xf32, #tpu.memory_space<vmem_shared>>
      %dma_wait3A_81 = arith.constant 0 : i32
      %dma_wait3A_82 = tpu.memref_slice %arg12[%add3A_32, %dma_wait3A_81] : memref<10240x16xf32, #tpu.memory_space<vmem_shared>> -> memref<128x16xf32, #tpu.memory_space<vmem_shared>>
      tpu.wait_dma2 semaphore(%run_scoped3A : memref<!tpu.dma_semaphore, #tpu.memory_space<semaphore_mem>>) src(%arg8 : memref<128x16xf32, #tpu.memory_space<vmem>>) dst(%dma_wait3A_82 : memref<128x16xf32, #tpu.memory_space<vmem_shared>>)
      tpu.yield
    }) : () -> ()
    %mul3A_33 = arith.constant 640 : i32
    %mul3A_34 = arith.muli %arg1, %mul3A_33 : i32
    %add3A_35 = arith.constant 512 : i32
    %add3A_36 = arith.addi %mul3A_34, %add3A_35 : i32
    "tpu.region"() ({
      %run_scoped3A = tpu.sem_alloc : memref<!tpu.dma_semaphore, #tpu.memory_space<semaphore_mem>>
      %dma_start3A_75 = arith.constant 0 : i32
      %dma_start3A_76 = tpu.memref_slice %arg12[%add3A_36, %dma_start3A_75] : memref<10240x16xf32, #tpu.memory_space<vmem_shared>> -> memref<128x16xf32, #tpu.memory_space<vmem_shared>>
      %dma_start3A_77 = arith.constant 0 : i32
      %dma_start3A_78 = tpu.memref_slice %arg12[%add3A_36, %dma_start3A_77] : memref<10240x16xf32, #tpu.memory_space<vmem_shared>> -> memref<128x16xf32, #tpu.memory_space<vmem_shared>>
      tpu.enqueue_dma source(%arg8 : memref<128x16xf32, #tpu.memory_space<vmem>>) target(%dma_start3A_78 : memref<128x16xf32, #tpu.memory_space<vmem_shared>>) target_semaphore(%run_scoped3A : memref<!tpu.dma_semaphore, #tpu.memory_space<semaphore_mem>>)
      %dma_wait3A_79 = arith.constant 0 : i32
      %dma_wait3A_80 = tpu.memref_slice %arg12[%add3A_36, %dma_wait3A_79] : memref<10240x16xf32, #tpu.memory_space<vmem_shared>> -> memref<128x16xf32, #tpu.memory_space<vmem_shared>>
      %dma_wait3A_81 = arith.constant 0 : i32
      %dma_wait3A_82 = tpu.memref_slice %arg12[%add3A_36, %dma_wait3A_81] : memref<10240x16xf32, #tpu.memory_space<vmem_shared>> -> memref<128x16xf32, #tpu.memory_space<vmem_shared>>
      tpu.wait_dma2 semaphore(%run_scoped3A : memref<!tpu.dma_semaphore, #tpu.memory_space<semaphore_mem>>) src(%arg8 : memref<128x16xf32, #tpu.memory_space<vmem>>) dst(%dma_wait3A_82 : memref<128x16xf32, #tpu.memory_space<vmem_shared>>)
      tpu.yield
    }) : () -> ()
    %mul3A_37 = arith.constant 80 : i32
    %mul3A_38 = arith.muli %add3A, %mul3A_37 : i32
    %dma_wait3A = arith.constant 0 : i32
    %dma_wait3A_39 = tpu.memref_slice %arg3[%mul3A_38, %dma_wait3A] : memref<2560x128xi32, #tpu.memory_space<hbm>> -> memref<80x128xi32, #tpu.memory_space<hbm>>
    %dma_wait3A_40 = arith.constant 0 : i32
    %dma_wait3A_41 = tpu.memref_slice %arg3[%mul3A_38, %dma_wait3A_40] : memref<2560x128xi32, #tpu.memory_space<hbm>> -> memref<80x128xi32, #tpu.memory_space<hbm>>
    tpu.wait_dma2 semaphore(%arg15 : memref<!tpu.dma_semaphore, #tpu.memory_space<semaphore_mem>>) src(%dma_wait3A_41 : memref<80x128xi32, #tpu.memory_space<hbm>>) dst(%arg6 : memref<80x128xi32, #tpu.memory_space<vmem>>)
    %mul3A_42 = arith.constant 80 : i32
    %mul3A_43 = arith.muli %add3A, %mul3A_42 : i32
    %dma_wait3A_44 = arith.constant 0 : i32
    %dma_wait3A_45 = tpu.memref_slice %arg4[%mul3A_43, %dma_wait3A_44] : memref<2560x128xi32, #tpu.memory_space<hbm>> -> memref<80x128xi32, #tpu.memory_space<hbm>>
    %dma_wait3A_46 = arith.constant 0 : i32
    %dma_wait3A_47 = tpu.memref_slice %arg4[%mul3A_43, %dma_wait3A_46] : memref<2560x128xi32, #tpu.memory_space<hbm>> -> memref<80x128xi32, #tpu.memory_space<hbm>>
    tpu.wait_dma2 semaphore(%arg15 : memref<!tpu.dma_semaphore, #tpu.memory_space<semaphore_mem>>) src(%dma_wait3A_47 : memref<80x128xi32, #tpu.memory_space<hbm>>) dst(%arg7 : memref<80x128xi32, #tpu.memory_space<vmem>>)
    %barrier3A = arith.constant 0 : index
    tpu.barrier barrier_id(%barrier3A)
    %scan3A_48 = arith.constant 0 : i32
    %scan3A_49 = arith.constant 0 : i32
    %scan3A_50 = arith.constant 10 : i32
    %scan3A_51 = arith.addi %scan3A_49, %scan3A_50 : i32
    %scan3A_52 = arith.constant 1 : i32
    scf.for %scan3A_75 = %scan3A_49 to %scan3A_51 step %scan3A_52  : i32 {
      %mul3A_76 = arith.constant 8 : i32
      %mul3A_77 = arith.muli %scan3A_75, %mul3A_76 : i32
      %dma_start3A_78 = arith.constant 0 : i32
      %dma_start3A_79 = tpu.memref_slice %arg6[%mul3A_77, %dma_start3A_78] : memref<80x128xi32, #tpu.memory_space<vmem>> -> memref<1x128xi32, #tpu.memory_space<vmem>>
      %dma_start3A_80 = tpu.memref_squeeze %dma_start3A_79 : memref<1x128xi32, #tpu.memory_space<vmem>> -> memref<128xi32, #tpu.memory_space<vmem>>
      %dma_start3A_81 = arith.constant 0 : i32
      %dma_start3A_82 = arith.constant 0 : i32
      %dma_start3A_83 = tpu.memref_slice %arg2[%dma_start3A_81, %dma_start3A_82] : memref<10000x16xf32, #tpu.memory_space<hbm>> -> memref<10000x16xf32, #tpu.memory_space<hbm>>
      tpu.enqueue_indirect_dma source(%dma_start3A_83 : memref<10000x16xf32, #tpu.memory_space<hbm>>) target(%arg8 : memref<128x16xf32, #tpu.memory_space<vmem>>) offsets(%dma_start3A_80 : memref<128xi32, #tpu.memory_space<vmem>>) semaphore(%arg13 : memref<!tpu.dma_semaphore, #tpu.memory_space<semaphore_mem>>)
      %mul3A_84 = arith.constant 8 : i32
      %mul3A_85 = arith.muli %scan3A_75, %mul3A_84 : i32
      %add3A_86 = arith.constant 1 : i32
      %add3A_87 = arith.addi %mul3A_85, %add3A_86 : i32
      %dma_start3A_88 = arith.constant 0 : i32
      %dma_start3A_89 = tpu.memref_slice %arg6[%add3A_87, %dma_start3A_88] : memref<80x128xi32, #tpu.memory_space<vmem>> -> memref<1x128xi32, #tpu.memory_space<vmem>>
      %dma_start3A_90 = tpu.memref_squeeze %dma_start3A_89 : memref<1x128xi32, #tpu.memory_space<vmem>> -> memref<128xi32, #tpu.memory_space<vmem>>
      %dma_start3A_91 = arith.constant 0 : i32
      %dma_start3A_92 = arith.constant 0 : i32
      %dma_start3A_93 = tpu.memref_slice %arg2[%dma_start3A_91, %dma_start3A_92] : memref<10000x16xf32, #tpu.memory_space<hbm>> -> memref<10000x16xf32, #tpu.memory_space<hbm>>
      tpu.enqueue_indirect_dma source(%dma_start3A_93 : memref<10000x16xf32, #tpu.memory_space<hbm>>) target(%arg9 : memref<128x16xf32, #tpu.memory_space<vmem>>) offsets(%dma_start3A_90 : memref<128xi32, #tpu.memory_space<vmem>>) semaphore(%arg13 : memref<!tpu.dma_semaphore, #tpu.memory_space<semaphore_mem>>)
      %dma_wait3A_94 = arith.constant 0 : i32
      %dma_wait3A_95 = tpu.memref_slice %arg6[%mul3A_77, %dma_wait3A_94] : memref<80x128xi32, #tpu.memory_space<vmem>> -> memref<1x128xi32, #tpu.memory_space<vmem>>
      %dma_wait3A_96 = tpu.memref_squeeze %dma_wait3A_95 : memref<1x128xi32, #tpu.memory_space<vmem>> -> memref<128xi32, #tpu.memory_space<vmem>>
      %dma_wait3A_97 = arith.constant 0 : i32
      %dma_wait3A_98 = arith.constant 0 : i32
      %dma_wait3A_99 = tpu.memref_slice %arg2[%dma_wait3A_97, %dma_wait3A_98] : memref<10000x16xf32, #tpu.memory_space<hbm>> -> memref<10000x16xf32, #tpu.memory_space<hbm>>
      tpu.wait_indirect_dma semaphore(%arg13 : memref<!tpu.dma_semaphore, #tpu.memory_space<semaphore_mem>>) src(%dma_wait3A_99 : memref<10000x16xf32, #tpu.memory_space<hbm>>) dst(%arg8 : memref<128x16xf32, #tpu.memory_space<vmem>>)
      %mul3A_100 = arith.constant 8 : i32
      %mul3A_101 = arith.muli %scan3A_75, %mul3A_100 : i32
      %add3A_102 = arith.constant 0 : i32
      %add3A_103 = arith.addi %mul3A_101, %add3A_102 : i32
      %dma_start3A_104 = arith.constant 0 : i32
      %dma_start3A_105 = tpu.memref_slice %arg7[%add3A_103, %dma_start3A_104] : memref<80x128xi32, #tpu.memory_space<vmem>> -> memref<1x128xi32, #tpu.memory_space<vmem>>
      %dma_start3A_106 = tpu.memref_squeeze %dma_start3A_105 : memref<1x128xi32, #tpu.memory_space<vmem>> -> memref<128xi32, #tpu.memory_space<vmem>>
      %dma_start3A_107 = arith.constant 0 : i32
      %dma_start3A_108 = arith.constant 0 : i32
      %dma_start3A_109 = tpu.memref_slice %arg12[%dma_start3A_107, %dma_start3A_108] : memref<10240x16xf32, #tpu.memory_space<vmem_shared>> -> memref<10240x16xf32, #tpu.memory_space<vmem_shared>>
      tpu.enqueue_indirect_dma source(%arg8 : memref<128x16xf32, #tpu.memory_space<vmem>>) target(%dma_start3A_109 : memref<10240x16xf32, #tpu.memory_space<vmem_shared>>) offsets(%dma_start3A_106 : memref<128xi32, #tpu.memory_space<vmem>>) semaphore(%arg14 : memref<!tpu.dma_semaphore, #tpu.memory_space<semaphore_mem>>) {add = true}
      %mul3A_110 = arith.constant 8 : i32
      %mul3A_111 = arith.muli %scan3A_75, %mul3A_110 : i32
      %add3A_112 = arith.constant 0 : i32
      %add3A_113 = arith.addi %mul3A_111, %add3A_112 : i32
      %add3A_114 = arith.constant 2 : i32
      %add3A_115 = arith.addi %add3A_113, %add3A_114 : i32
      %dma_start3A_116 = arith.constant 0 : i32
      %dma_start3A_117 = tpu.memref_slice %arg6[%add3A_115, %dma_start3A_116] : memref<80x128xi32, #tpu.memory_space<vmem>> -> memref<1x128xi32, #tpu.memory_space<vmem>>
      %dma_start3A_118 = tpu.memref_squeeze %dma_start3A_117 : memref<1x128xi32, #tpu.memory_space<vmem>> -> memref<128xi32, #tpu.memory_space<vmem>>
      %dma_start3A_119 = arith.constant 0 : i32
      %dma_start3A_120 = arith.constant 0 : i32
      %dma_start3A_121 = tpu.memref_slice %arg2[%dma_start3A_119, %dma_start3A_120] : memref<10000x16xf32, #tpu.memory_space<hbm>> -> memref<10000x16xf32, #tpu.memory_space<hbm>>
      tpu.enqueue_indirect_dma source(%dma_start3A_121 : memref<10000x16xf32, #tpu.memory_space<hbm>>) target(%arg10 : memref<128x16xf32, #tpu.memory_space<vmem>>) offsets(%dma_start3A_118 : memref<128xi32, #tpu.memory_space<vmem>>) semaphore(%arg13 : memref<!tpu.dma_semaphore, #tpu.memory_space<semaphore_mem>>)
      %dma_wait3A_122 = arith.constant 0 : i32
      %dma_wait3A_123 = tpu.memref_slice %arg6[%add3A_87, %dma_wait3A_122] : memref<80x128xi32, #tpu.memory_space<vmem>> -> memref<1x128xi32, #tpu.memory_space<vmem>>
      %dma_wait3A_124 = tpu.memref_squeeze %dma_wait3A_123 : memref<1x128xi32, #tpu.memory_space<vmem>> -> memref<128xi32, #tpu.memory_space<vmem>>
      %dma_wait3A_125 = arith.constant 0 : i32
      %dma_wait3A_126 = arith.constant 0 : i32
      %dma_wait3A_127 = tpu.memref_slice %arg2[%dma_wait3A_125, %dma_wait3A_126] : memref<10000x16xf32, #tpu.memory_space<hbm>> -> memref<10000x16xf32, #tpu.memory_space<hbm>>
      tpu.wait_indirect_dma semaphore(%arg13 : memref<!tpu.dma_semaphore, #tpu.memory_space<semaphore_mem>>) src(%dma_wait3A_127 : memref<10000x16xf32, #tpu.memory_space<hbm>>) dst(%arg9 : memref<128x16xf32, #tpu.memory_space<vmem>>)
      %mul3A_128 = arith.constant 8 : i32
      %mul3A_129 = arith.muli %scan3A_75, %mul3A_128 : i32
      %add3A_130 = arith.constant 1 : i32
      %add3A_131 = arith.addi %mul3A_129, %add3A_130 : i32
      %dma_start3A_132 = arith.constant 0 : i32
      %dma_start3A_133 = tpu.memref_slice %arg7[%add3A_131, %dma_start3A_132] : memref<80x128xi32, #tpu.memory_space<vmem>> -> memref<1x128xi32, #tpu.memory_space<vmem>>
      %dma_start3A_134 = tpu.memref_squeeze %dma_start3A_133 : memref<1x128xi32, #tpu.memory_space<vmem>> -> memref<128xi32, #tpu.memory_space<vmem>>
      %dma_start3A_135 = arith.constant 0 : i32
      %dma_start3A_136 = arith.constant 0 : i32
      %dma_start3A_137 = tpu.memref_slice %arg12[%dma_start3A_135, %dma_start3A_136] : memref<10240x16xf32, #tpu.memory_space<vmem_shared>> -> memref<10240x16xf32, #tpu.memory_space<vmem_shared>>
      tpu.enqueue_indirect_dma source(%arg9 : memref<128x16xf32, #tpu.memory_space<vmem>>) target(%dma_start3A_137 : memref<10240x16xf32, #tpu.memory_space<vmem_shared>>) offsets(%dma_start3A_134 : memref<128xi32, #tpu.memory_space<vmem>>) semaphore(%arg14 : memref<!tpu.dma_semaphore, #tpu.memory_space<semaphore_mem>>) {add = true}
      %mul3A_138 = arith.constant 8 : i32
      %mul3A_139 = arith.muli %scan3A_75, %mul3A_138 : i32
      %add3A_140 = arith.constant 1 : i32
      %add3A_141 = arith.addi %mul3A_139, %add3A_140 : i32
      %add3A_142 = arith.constant 2 : i32
      %add3A_143 = arith.addi %add3A_141, %add3A_142 : i32
      %dma_start3A_144 = arith.constant 0 : i32
      %dma_start3A_145 = tpu.memref_slice %arg6[%add3A_143, %dma_start3A_144] : memref<80x128xi32, #tpu.memory_space<vmem>> -> memref<1x128xi32, #tpu.memory_space<vmem>>
      %dma_start3A_146 = tpu.memref_squeeze %dma_start3A_145 : memref<1x128xi32, #tpu.memory_space<vmem>> -> memref<128xi32, #tpu.memory_space<vmem>>
      %dma_start3A_147 = arith.constant 0 : i32
      %dma_start3A_148 = arith.constant 0 : i32
      %dma_start3A_149 = tpu.memref_slice %arg2[%dma_start3A_147, %dma_start3A_148] : memref<10000x16xf32, #tpu.memory_space<hbm>> -> memref<10000x16xf32, #tpu.memory_space<hbm>>
      tpu.enqueue_indirect_dma source(%dma_start3A_149 : memref<10000x16xf32, #tpu.memory_space<hbm>>) target(%arg11 : memref<128x16xf32, #tpu.memory_space<vmem>>) offsets(%dma_start3A_146 : memref<128xi32, #tpu.memory_space<vmem>>) semaphore(%arg13 : memref<!tpu.dma_semaphore, #tpu.memory_space<semaphore_mem>>)
      %dma_wait3A_150 = arith.constant 0 : i32
      %dma_wait3A_151 = tpu.memref_slice %arg6[%add3A_115, %dma_wait3A_150] : memref<80x128xi32, #tpu.memory_space<vmem>> -> memref<1x128xi32, #tpu.memory_space<vmem>>
      %dma_wait3A_152 = tpu.memref_squeeze %dma_wait3A_151 : memref<1x128xi32, #tpu.memory_space<vmem>> -> memref<128xi32, #tpu.memory_space<vmem>>
      %dma_wait3A_153 = arith.constant 0 : i32
      %dma_wait3A_154 = arith.constant 0 : i32
      %dma_wait3A_155 = tpu.memref_slice %arg2[%dma_wait3A_153, %dma_wait3A_154] : memref<10000x16xf32, #tpu.memory_space<hbm>> -> memref<10000x16xf32, #tpu.memory_space<hbm>>
      tpu.wait_indirect_dma semaphore(%arg13 : memref<!tpu.dma_semaphore, #tpu.memory_space<semaphore_mem>>) src(%dma_wait3A_155 : memref<10000x16xf32, #tpu.memory_space<hbm>>) dst(%arg10 : memref<128x16xf32, #tpu.memory_space<vmem>>)
      %mul3A_156 = arith.constant 8 : i32
      %mul3A_157 = arith.muli %scan3A_75, %mul3A_156 : i32
      %add3A_158 = arith.constant 2 : i32
      %add3A_159 = arith.addi %mul3A_157, %add3A_158 : i32
      %dma_start3A_160 = arith.constant 0 : i32
      %dma_start3A_161 = tpu.memref_slice %arg7[%add3A_159, %dma_start3A_160] : memref<80x128xi32, #tpu.memory_space<vmem>> -> memref<1x128xi32, #tpu.memory_space<vmem>>
      %dma_start3A_162 = tpu.memref_squeeze %dma_start3A_161 : memref<1x128xi32, #tpu.memory_space<vmem>> -> memref<128xi32, #tpu.memory_space<vmem>>
      %dma_start3A_163 = arith.constant 0 : i32
      %dma_start3A_164 = arith.constant 0 : i32
      %dma_start3A_165 = tpu.memref_slice %arg12[%dma_start3A_163, %dma_start3A_164] : memref<10240x16xf32, #tpu.memory_space<vmem_shared>> -> memref<10240x16xf32, #tpu.memory_space<vmem_shared>>
      tpu.enqueue_indirect_dma source(%arg10 : memref<128x16xf32, #tpu.memory_space<vmem>>) target(%dma_start3A_165 : memref<10240x16xf32, #tpu.memory_space<vmem_shared>>) offsets(%dma_start3A_162 : memref<128xi32, #tpu.memory_space<vmem>>) semaphore(%arg14 : memref<!tpu.dma_semaphore, #tpu.memory_space<semaphore_mem>>) {add = true}
      %dma_wait3A_166 = arith.constant 0 : i32
      %dma_wait3A_167 = tpu.memref_slice %arg7[%add3A_103, %dma_wait3A_166] : memref<80x128xi32, #tpu.memory_space<vmem>> -> memref<1x128xi32, #tpu.memory_space<vmem>>
      %dma_wait3A_168 = tpu.memref_squeeze %dma_wait3A_167 : memref<1x128xi32, #tpu.memory_space<vmem>> -> memref<128xi32, #tpu.memory_space<vmem>>
      %dma_wait3A_169 = arith.constant 0 : i32
      %dma_wait3A_170 = arith.constant 0 : i32
      %dma_wait3A_171 = tpu.memref_slice %arg12[%dma_wait3A_169, %dma_wait3A_170] : memref<10240x16xf32, #tpu.memory_space<vmem_shared>> -> memref<10240x16xf32, #tpu.memory_space<vmem_shared>>
      tpu.wait_indirect_dma semaphore(%arg14 : memref<!tpu.dma_semaphore, #tpu.memory_space<semaphore_mem>>) src(%arg8 : memref<128x16xf32, #tpu.memory_space<vmem>>) dst(%dma_wait3A_171 : memref<10240x16xf32, #tpu.memory_space<vmem_shared>>)
      %mul3A_172 = arith.constant 8 : i32
      %mul3A_173 = arith.muli %scan3A_75, %mul3A_172 : i32
      %add3A_174 = arith.constant 2 : i32
      %add3A_175 = arith.addi %mul3A_173, %add3A_174 : i32
      %add3A_176 = arith.constant 2 : i32
      %add3A_177 = arith.addi %add3A_175, %add3A_176 : i32
      %dma_start3A_178 = arith.constant 0 : i32
      %dma_start3A_179 = tpu.memref_slice %arg6[%add3A_177, %dma_start3A_178] : memref<80x128xi32, #tpu.memory_space<vmem>> -> memref<1x128xi32, #tpu.memory_space<vmem>>
      %dma_start3A_180 = tpu.memref_squeeze %dma_start3A_179 : memref<1x128xi32, #tpu.memory_space<vmem>> -> memref<128xi32, #tpu.memory_space<vmem>>
      %dma_start3A_181 = arith.constant 0 : i32
      %dma_start3A_182 = arith.constant 0 : i32
      %dma_start3A_183 = tpu.memref_slice %arg2[%dma_start3A_181, %dma_start3A_182] : memref<10000x16xf32, #tpu.memory_space<hbm>> -> memref<10000x16xf32, #tpu.memory_space<hbm>>
      tpu.enqueue_indirect_dma source(%dma_start3A_183 : memref<10000x16xf32, #tpu.memory_space<hbm>>) target(%arg8 : memref<128x16xf32, #tpu.memory_space<vmem>>) offsets(%dma_start3A_180 : memref<128xi32, #tpu.memory_space<vmem>>) semaphore(%arg13 : memref<!tpu.dma_semaphore, #tpu.memory_space<semaphore_mem>>)
      %dma_wait3A_184 = arith.constant 0 : i32
      %dma_wait3A_185 = tpu.memref_slice %arg6[%add3A_143, %dma_wait3A_184] : memref<80x128xi32, #tpu.memory_space<vmem>> -> memref<1x128xi32, #tpu.memory_space<vmem>>
      %dma_wait3A_186 = tpu.memref_squeeze %dma_wait3A_185 : memref<1x128xi32, #tpu.memory_space<vmem>> -> memref<128xi32, #tpu.memory_space<vmem>>
      %dma_wait3A_187 = arith.constant 0 : i32
      %dma_wait3A_188 = arith.constant 0 : i32
      %dma_wait3A_189 = tpu.memref_slice %arg2[%dma_wait3A_187, %dma_wait3A_188] : memref<10000x16xf32, #tpu.memory_space<hbm>> -> memref<10000x16xf32, #tpu.memory_space<hbm>>
      tpu.wait_indirect_dma semaphore(%arg13 : memref<!tpu.dma_semaphore, #tpu.memory_space<semaphore_mem>>) src(%dma_wait3A_189 : memref<10000x16xf32, #tpu.memory_space<hbm>>) dst(%arg11 : memref<128x16xf32, #tpu.memory_space<vmem>>)
      %mul3A_190 = arith.constant 8 : i32
      %mul3A_191 = arith.muli %scan3A_75, %mul3A_190 : i32
      %add3A_192 = arith.constant 3 : i32
      %add3A_193 = arith.addi %mul3A_191, %add3A_192 : i32
      %dma_start3A_194 = arith.constant 0 : i32
      %dma_start3A_195 = tpu.memref_slice %arg7[%add3A_193, %dma_start3A_194] : memref<80x128xi32, #tpu.memory_space<vmem>> -> memref<1x128xi32, #tpu.memory_space<vmem>>
      %dma_start3A_196 = tpu.memref_squeeze %dma_start3A_195 : memref<1x128xi32, #tpu.memory_space<vmem>> -> memref<128xi32, #tpu.memory_space<vmem>>
      %dma_start3A_197 = arith.constant 0 : i32
      %dma_start3A_198 = arith.constant 0 : i32
      %dma_start3A_199 = tpu.memref_slice %arg12[%dma_start3A_197, %dma_start3A_198] : memref<10240x16xf32, #tpu.memory_space<vmem_shared>> -> memref<10240x16xf32, #tpu.memory_space<vmem_shared>>
      tpu.enqueue_indirect_dma source(%arg11 : memref<128x16xf32, #tpu.memory_space<vmem>>) target(%dma_start3A_199 : memref<10240x16xf32, #tpu.memory_space<vmem_shared>>) offsets(%dma_start3A_196 : memref<128xi32, #tpu.memory_space<vmem>>) semaphore(%arg14 : memref<!tpu.dma_semaphore, #tpu.memory_space<semaphore_mem>>) {add = true}
      %dma_wait3A_200 = arith.constant 0 : i32
      %dma_wait3A_201 = tpu.memref_slice %arg7[%add3A_131, %dma_wait3A_200] : memref<80x128xi32, #tpu.memory_space<vmem>> -> memref<1x128xi32, #tpu.memory_space<vmem>>
      %dma_wait3A_202 = tpu.memref_squeeze %dma_wait3A_201 : memref<1x128xi32, #tpu.memory_space<vmem>> -> memref<128xi32, #tpu.memory_space<vmem>>
      %dma_wait3A_203 = arith.constant 0 : i32
      %dma_wait3A_204 = arith.constant 0 : i32
      %dma_wait3A_205 = tpu.memref_slice %arg12[%dma_wait3A_203, %dma_wait3A_204] : memref<10240x16xf32, #tpu.memory_space<vmem_shared>> -> memref<10240x16xf32, #tpu.memory_space<vmem_shared>>
      tpu.wait_indirect_dma semaphore(%arg14 : memref<!tpu.dma_semaphore, #tpu.memory_space<semaphore_mem>>) src(%arg9 : memref<128x16xf32, #tpu.memory_space<vmem>>) dst(%dma_wait3A_205 : memref<10240x16xf32, #tpu.memory_space<vmem_shared>>)
      %mul3A_206 = arith.constant 8 : i32
      %mul3A_207 = arith.muli %scan3A_75, %mul3A_206 : i32
      %add3A_208 = arith.constant 3 : i32
      %add3A_209 = arith.addi %mul3A_207, %add3A_208 : i32
      %add3A_210 = arith.constant 2 : i32
      %add3A_211 = arith.addi %add3A_209, %add3A_210 : i32
      %dma_start3A_212 = arith.constant 0 : i32
      %dma_start3A_213 = tpu.memref_slice %arg6[%add3A_211, %dma_start3A_212] : memref<80x128xi32, #tpu.memory_space<vmem>> -> memref<1x128xi32, #tpu.memory_space<vmem>>
      %dma_start3A_214 = tpu.memref_squeeze %dma_start3A_213 : memref<1x128xi32, #tpu.memory_space<vmem>> -> memref<128xi32, #tpu.memory_space<vmem>>
      %dma_start3A_215 = arith.constant 0 : i32
      %dma_start3A_216 = arith.constant 0 : i32
      %dma_start3A_217 = tpu.memref_slice %arg2[%dma_start3A_215, %dma_start3A_216] : memref<10000x16xf32, #tpu.memory_space<hbm>> -> memref<10000x16xf32, #tpu.memory_space<hbm>>
      tpu.enqueue_indirect_dma source(%dma_start3A_217 : memref<10000x16xf32, #tpu.memory_space<hbm>>) target(%arg9 : memref<128x16xf32, #tpu.memory_space<vmem>>) offsets(%dma_start3A_214 : memref<128xi32, #tpu.memory_space<vmem>>) semaphore(%arg13 : memref<!tpu.dma_semaphore, #tpu.memory_space<semaphore_mem>>)
      %dma_wait3A_218 = arith.constant 0 : i32
      %dma_wait3A_219 = tpu.memref_slice %arg6[%add3A_177, %dma_wait3A_218] : memref<80x128xi32, #tpu.memory_space<vmem>> -> memref<1x128xi32, #tpu.memory_space<vmem>>
      %dma_wait3A_220 = tpu.memref_squeeze %dma_wait3A_219 : memref<1x128xi32, #tpu.memory_space<vmem>> -> memref<128xi32, #tpu.memory_space<vmem>>
      %dma_wait3A_221 = arith.constant 0 : i32
      %dma_wait3A_222 = arith.constant 0 : i32
      %dma_wait3A_223 = tpu.memref_slice %arg2[%dma_wait3A_221, %dma_wait3A_222] : memref<10000x16xf32, #tpu.memory_space<hbm>> -> memref<10000x16xf32, #tpu.memory_space<hbm>>
      tpu.wait_indirect_dma semaphore(%arg13 : memref<!tpu.dma_semaphore, #tpu.memory_space<semaphore_mem>>) src(%dma_wait3A_223 : memref<10000x16xf32, #tpu.memory_space<hbm>>) dst(%arg8 : memref<128x16xf32, #tpu.memory_space<vmem>>)
      %mul3A_224 = arith.constant 8 : i32
      %mul3A_225 = arith.muli %scan3A_75, %mul3A_224 : i32
      %add3A_226 = arith.constant 4 : i32
      %add3A_227 = arith.addi %mul3A_225, %add3A_226 : i32
      %dma_start3A_228 = arith.constant 0 : i32
      %dma_start3A_229 = tpu.memref_slice %arg7[%add3A_227, %dma_start3A_228] : memref<80x128xi32, #tpu.memory_space<vmem>> -> memref<1x128xi32, #tpu.memory_space<vmem>>
      %dma_start3A_230 = tpu.memref_squeeze %dma_start3A_229 : memref<1x128xi32, #tpu.memory_space<vmem>> -> memref<128xi32, #tpu.memory_space<vmem>>
      %dma_start3A_231 = arith.constant 0 : i32
      %dma_start3A_232 = arith.constant 0 : i32
      %dma_start3A_233 = tpu.memref_slice %arg12[%dma_start3A_231, %dma_start3A_232] : memref<10240x16xf32, #tpu.memory_space<vmem_shared>> -> memref<10240x16xf32, #tpu.memory_space<vmem_shared>>
      tpu.enqueue_indirect_dma source(%arg8 : memref<128x16xf32, #tpu.memory_space<vmem>>) target(%dma_start3A_233 : memref<10240x16xf32, #tpu.memory_space<vmem_shared>>) offsets(%dma_start3A_230 : memref<128xi32, #tpu.memory_space<vmem>>) semaphore(%arg14 : memref<!tpu.dma_semaphore, #tpu.memory_space<semaphore_mem>>) {add = true}
      %dma_wait3A_234 = arith.constant 0 : i32
      %dma_wait3A_235 = tpu.memref_slice %arg7[%add3A_159, %dma_wait3A_234] : memref<80x128xi32, #tpu.memory_space<vmem>> -> memref<1x128xi32, #tpu.memory_space<vmem>>
      %dma_wait3A_236 = tpu.memref_squeeze %dma_wait3A_235 : memref<1x128xi32, #tpu.memory_space<vmem>> -> memref<128xi32, #tpu.memory_space<vmem>>
      %dma_wait3A_237 = arith.constant 0 : i32
      %dma_wait3A_238 = arith.constant 0 : i32
      %dma_wait3A_239 = tpu.memref_slice %arg12[%dma_wait3A_237, %dma_wait3A_238] : memref<10240x16xf32, #tpu.memory_space<vmem_shared>> -> memref<10240x16xf32, #tpu.memory_space<vmem_shared>>
      tpu.wait_indirect_dma semaphore(%arg14 : memref<!tpu.dma_semaphore, #tpu.memory_space<semaphore_mem>>) src(%arg10 : memref<128x16xf32, #tpu.memory_space<vmem>>) dst(%dma_wait3A_239 : memref<10240x16xf32, #tpu.memory_space<vmem_shared>>)
      %mul3A_240 = arith.constant 8 : i32
      %mul3A_241 = arith.muli %scan3A_75, %mul3A_240 : i32
      %add3A_242 = arith.constant 4 : i32
      %add3A_243 = arith.addi %mul3A_241, %add3A_242 : i32
      %add3A_244 = arith.constant 2 : i32
      %add3A_245 = arith.addi %add3A_243, %add3A_244 : i32
      %dma_start3A_246 = arith.constant 0 : i32
      %dma_start3A_247 = tpu.memref_slice %arg6[%add3A_245, %dma_start3A_246] : memref<80x128xi32, #tpu.memory_space<vmem>> -> memref<1x128xi32, #tpu.memory_space<vmem>>
      %dma_start3A_248 = tpu.memref_squeeze %dma_start3A_247 : memref<1x128xi32, #tpu.memory_space<vmem>> -> memref<128xi32, #tpu.memory_space<vmem>>
      %dma_start3A_249 = arith.constant 0 : i32
      %dma_start3A_250 = arith.constant 0 : i32
      %dma_start3A_251 = tpu.memref_slice %arg2[%dma_start3A_249, %dma_start3A_250] : memref<10000x16xf32, #tpu.memory_space<hbm>> -> memref<10000x16xf32, #tpu.memory_space<hbm>>
      tpu.enqueue_indirect_dma source(%dma_start3A_251 : memref<10000x16xf32, #tpu.memory_space<hbm>>) target(%arg10 : memref<128x16xf32, #tpu.memory_space<vmem>>) offsets(%dma_start3A_248 : memref<128xi32, #tpu.memory_space<vmem>>) semaphore(%arg13 : memref<!tpu.dma_semaphore, #tpu.memory_space<semaphore_mem>>)
      %dma_wait3A_252 = arith.constant 0 : i32
      %dma_wait3A_253 = tpu.memref_slice %arg6[%add3A_211, %dma_wait3A_252] : memref<80x128xi32, #tpu.memory_space<vmem>> -> memref<1x128xi32, #tpu.memory_space<vmem>>
      %dma_wait3A_254 = tpu.memref_squeeze %dma_wait3A_253 : memref<1x128xi32, #tpu.memory_space<vmem>> -> memref<128xi32, #tpu.memory_space<vmem>>
      %dma_wait3A_255 = arith.constant 0 : i32
      %dma_wait3A_256 = arith.constant 0 : i32
      %dma_wait3A_257 = tpu.memref_slice %arg2[%dma_wait3A_255, %dma_wait3A_256] : memref<10000x16xf32, #tpu.memory_space<hbm>> -> memref<10000x16xf32, #tpu.memory_space<hbm>>
      tpu.wait_indirect_dma semaphore(%arg13 : memref<!tpu.dma_semaphore, #tpu.memory_space<semaphore_mem>>) src(%dma_wait3A_257 : memref<10000x16xf32, #tpu.memory_space<hbm>>) dst(%arg9 : memref<128x16xf32, #tpu.memory_space<vmem>>)
      %mul3A_258 = arith.constant 8 : i32
      %mul3A_259 = arith.muli %scan3A_75, %mul3A_258 : i32
      %add3A_260 = arith.constant 5 : i32
      %add3A_261 = arith.addi %mul3A_259, %add3A_260 : i32
      %dma_start3A_262 = arith.constant 0 : i32
      %dma_start3A_263 = tpu.memref_slice %arg7[%add3A_261, %dma_start3A_262] : memref<80x128xi32, #tpu.memory_space<vmem>> -> memref<1x128xi32, #tpu.memory_space<vmem>>
      %dma_start3A_264 = tpu.memref_squeeze %dma_start3A_263 : memref<1x128xi32, #tpu.memory_space<vmem>> -> memref<128xi32, #tpu.memory_space<vmem>>
      %dma_start3A_265 = arith.constant 0 : i32
      %dma_start3A_266 = arith.constant 0 : i32
      %dma_start3A_267 = tpu.memref_slice %arg12[%dma_start3A_265, %dma_start3A_266] : memref<10240x16xf32, #tpu.memory_space<vmem_shared>> -> memref<10240x16xf32, #tpu.memory_space<vmem_shared>>
      tpu.enqueue_indirect_dma source(%arg9 : memref<128x16xf32, #tpu.memory_space<vmem>>) target(%dma_start3A_267 : memref<10240x16xf32, #tpu.memory_space<vmem_shared>>) offsets(%dma_start3A_264 : memref<128xi32, #tpu.memory_space<vmem>>) semaphore(%arg14 : memref<!tpu.dma_semaphore, #tpu.memory_space<semaphore_mem>>) {add = true}
      %dma_wait3A_268 = arith.constant 0 : i32
      %dma_wait3A_269 = tpu.memref_slice %arg7[%add3A_193, %dma_wait3A_268] : memref<80x128xi32, #tpu.memory_space<vmem>> -> memref<1x128xi32, #tpu.memory_space<vmem>>
      %dma_wait3A_270 = tpu.memref_squeeze %dma_wait3A_269 : memref<1x128xi32, #tpu.memory_space<vmem>> -> memref<128xi32, #tpu.memory_space<vmem>>
      %dma_wait3A_271 = arith.constant 0 : i32
      %dma_wait3A_272 = arith.constant 0 : i32
      %dma_wait3A_273 = tpu.memref_slice %arg12[%dma_wait3A_271, %dma_wait3A_272] : memref<10240x16xf32, #tpu.memory_space<vmem_shared>> -> memref<10240x16xf32, #tpu.memory_space<vmem_shared>>
      tpu.wait_indirect_dma semaphore(%arg14 : memref<!tpu.dma_semaphore, #tpu.memory_space<semaphore_mem>>) src(%arg11 : memref<128x16xf32, #tpu.memory_space<vmem>>) dst(%dma_wait3A_273 : memref<10240x16xf32, #tpu.memory_space<vmem_shared>>)
      %mul3A_274 = arith.constant 8 : i32
      %mul3A_275 = arith.muli %scan3A_75, %mul3A_274 : i32
      %add3A_276 = arith.constant 5 : i32
      %add3A_277 = arith.addi %mul3A_275, %add3A_276 : i32
      %add3A_278 = arith.constant 2 : i32
      %add3A_279 = arith.addi %add3A_277, %add3A_278 : i32
      %dma_start3A_280 = arith.constant 0 : i32
      %dma_start3A_281 = tpu.memref_slice %arg6[%add3A_279, %dma_start3A_280] : memref<80x128xi32, #tpu.memory_space<vmem>> -> memref<1x128xi32, #tpu.memory_space<vmem>>
      %dma_start3A_282 = tpu.memref_squeeze %dma_start3A_281 : memref<1x128xi32, #tpu.memory_space<vmem>> -> memref<128xi32, #tpu.memory_space<vmem>>
      %dma_start3A_283 = arith.constant 0 : i32
      %dma_start3A_284 = arith.constant 0 : i32
      %dma_start3A_285 = tpu.memref_slice %arg2[%dma_start3A_283, %dma_start3A_284] : memref<10000x16xf32, #tpu.memory_space<hbm>> -> memref<10000x16xf32, #tpu.memory_space<hbm>>
      tpu.enqueue_indirect_dma source(%dma_start3A_285 : memref<10000x16xf32, #tpu.memory_space<hbm>>) target(%arg11 : memref<128x16xf32, #tpu.memory_space<vmem>>) offsets(%dma_start3A_282 : memref<128xi32, #tpu.memory_space<vmem>>) semaphore(%arg13 : memref<!tpu.dma_semaphore, #tpu.memory_space<semaphore_mem>>)
      %dma_wait3A_286 = arith.constant 0 : i32
      %dma_wait3A_287 = tpu.memref_slice %arg6[%add3A_245, %dma_wait3A_286] : memref<80x128xi32, #tpu.memory_space<vmem>> -> memref<1x128xi32, #tpu.memory_space<vmem>>
      %dma_wait3A_288 = tpu.memref_squeeze %dma_wait3A_287 : memref<1x128xi32, #tpu.memory_space<vmem>> -> memref<128xi32, #tpu.memory_space<vmem>>
      %dma_wait3A_289 = arith.constant 0 : i32
      %dma_wait3A_290 = arith.constant 0 : i32
      %dma_wait3A_291 = tpu.memref_slice %arg2[%dma_wait3A_289, %dma_wait3A_290] : memref<10000x16xf32, #tpu.memory_space<hbm>> -> memref<10000x16xf32, #tpu.memory_space<hbm>>
      tpu.wait_indirect_dma semaphore(%arg13 : memref<!tpu.dma_semaphore, #tpu.memory_space<semaphore_mem>>) src(%dma_wait3A_291 : memref<10000x16xf32, #tpu.memory_space<hbm>>) dst(%arg10 : memref<128x16xf32, #tpu.memory_space<vmem>>)
      %mul3A_292 = arith.constant 8 : i32
      %mul3A_293 = arith.muli %scan3A_75, %mul3A_292 : i32
      %add3A_294 = arith.constant 6 : i32
      %add3A_295 = arith.addi %mul3A_293, %add3A_294 : i32
      %dma_start3A_296 = arith.constant 0 : i32
      %dma_start3A_297 = tpu.memref_slice %arg7[%add3A_295, %dma_start3A_296] : memref<80x128xi32, #tpu.memory_space<vmem>> -> memref<1x128xi32, #tpu.memory_space<vmem>>
      %dma_start3A_298 = tpu.memref_squeeze %dma_start3A_297 : memref<1x128xi32, #tpu.memory_space<vmem>> -> memref<128xi32, #tpu.memory_space<vmem>>
      %dma_start3A_299 = arith.constant 0 : i32
      %dma_start3A_300 = arith.constant 0 : i32
      %dma_start3A_301 = tpu.memref_slice %arg12[%dma_start3A_299, %dma_start3A_300] : memref<10240x16xf32, #tpu.memory_space<vmem_shared>> -> memref<10240x16xf32, #tpu.memory_space<vmem_shared>>
      tpu.enqueue_indirect_dma source(%arg10 : memref<128x16xf32, #tpu.memory_space<vmem>>) target(%dma_start3A_301 : memref<10240x16xf32, #tpu.memory_space<vmem_shared>>) offsets(%dma_start3A_298 : memref<128xi32, #tpu.memory_space<vmem>>) semaphore(%arg14 : memref<!tpu.dma_semaphore, #tpu.memory_space<semaphore_mem>>) {add = true}
      %dma_wait3A_302 = arith.constant 0 : i32
      %dma_wait3A_303 = tpu.memref_slice %arg6[%add3A_279, %dma_wait3A_302] : memref<80x128xi32, #tpu.memory_space<vmem>> -> memref<1x128xi32, #tpu.memory_space<vmem>>
      %dma_wait3A_304 = tpu.memref_squeeze %dma_wait3A_303 : memref<1x128xi32, #tpu.memory_space<vmem>> -> memref<128xi32, #tpu.memory_space<vmem>>
      %dma_wait3A_305 = arith.constant 0 : i32
      %dma_wait3A_306 = arith.constant 0 : i32
      %dma_wait3A_307 = tpu.memref_slice %arg2[%dma_wait3A_305, %dma_wait3A_306] : memref<10000x16xf32, #tpu.memory_space<hbm>> -> memref<10000x16xf32, #tpu.memory_space<hbm>>
      tpu.wait_indirect_dma semaphore(%arg13 : memref<!tpu.dma_semaphore, #tpu.memory_space<semaphore_mem>>) src(%dma_wait3A_307 : memref<10000x16xf32, #tpu.memory_space<hbm>>) dst(%arg11 : memref<128x16xf32, #tpu.memory_space<vmem>>)
      %mul3A_308 = arith.constant 8 : i32
      %mul3A_309 = arith.muli %scan3A_75, %mul3A_308 : i32
      %add3A_310 = arith.constant 7 : i32
      %add3A_311 = arith.addi %mul3A_309, %add3A_310 : i32
      %dma_start3A_312 = arith.constant 0 : i32
      %dma_start3A_313 = tpu.memref_slice %arg7[%add3A_311, %dma_start3A_312] : memref<80x128xi32, #tpu.memory_space<vmem>> -> memref<1x128xi32, #tpu.memory_space<vmem>>
      %dma_start3A_314 = tpu.memref_squeeze %dma_start3A_313 : memref<1x128xi32, #tpu.memory_space<vmem>> -> memref<128xi32, #tpu.memory_space<vmem>>
      %dma_start3A_315 = arith.constant 0 : i32
      %dma_start3A_316 = arith.constant 0 : i32
      %dma_start3A_317 = tpu.memref_slice %arg12[%dma_start3A_315, %dma_start3A_316] : memref<10240x16xf32, #tpu.memory_space<vmem_shared>> -> memref<10240x16xf32, #tpu.memory_space<vmem_shared>>
      tpu.enqueue_indirect_dma source(%arg11 : memref<128x16xf32, #tpu.memory_space<vmem>>) target(%dma_start3A_317 : memref<10240x16xf32, #tpu.memory_space<vmem_shared>>) offsets(%dma_start3A_314 : memref<128xi32, #tpu.memory_space<vmem>>) semaphore(%arg14 : memref<!tpu.dma_semaphore, #tpu.memory_space<semaphore_mem>>) {add = true}
      %dma_wait3A_318 = arith.constant 0 : i32
      %dma_wait3A_319 = tpu.memref_slice %arg7[%add3A_227, %dma_wait3A_318] : memref<80x128xi32, #tpu.memory_space<vmem>> -> memref<1x128xi32, #tpu.memory_space<vmem>>
      %dma_wait3A_320 = tpu.memref_squeeze %dma_wait3A_319 : memref<1x128xi32, #tpu.memory_space<vmem>> -> memref<128xi32, #tpu.memory_space<vmem>>
      %dma_wait3A_321 = arith.constant 0 : i32
      %dma_wait3A_322 = arith.constant 0 : i32
      %dma_wait3A_323 = tpu.memref_slice %arg12[%dma_wait3A_321, %dma_wait3A_322] : memref<10240x16xf32, #tpu.memory_space<vmem_shared>> -> memref<10240x16xf32, #tpu.memory_space<vmem_shared>>
      tpu.wait_indirect_dma semaphore(%arg14 : memref<!tpu.dma_semaphore, #tpu.memory_space<semaphore_mem>>) src(%arg8 : memref<128x16xf32, #tpu.memory_space<vmem>>) dst(%dma_wait3A_323 : memref<10240x16xf32, #tpu.memory_space<vmem_shared>>)
      %dma_wait3A_324 = arith.constant 0 : i32
      %dma_wait3A_325 = tpu.memref_slice %arg7[%add3A_261, %dma_wait3A_324] : memref<80x128xi32, #tpu.memory_space<vmem>> -> memref<1x128xi32, #tpu.memory_space<vmem>>
      %dma_wait3A_326 = tpu.memref_squeeze %dma_wait3A_325 : memref<1x128xi32, #tpu.memory_space<vmem>> -> memref<128xi32, #tpu.memory_space<vmem>>
      %dma_wait3A_327 = arith.constant 0 : i32
      %dma_wait3A_328 = arith.constant 0 : i32
      %dma_wait3A_329 = tpu.memref_slice %arg12[%dma_wait3A_327, %dma_wait3A_328] : memref<10240x16xf32, #tpu.memory_space<vmem_shared>> -> memref<10240x16xf32, #tpu.memory_space<vmem_shared>>
      tpu.wait_indirect_dma semaphore(%arg14 : memref<!tpu.dma_semaphore, #tpu.memory_space<semaphore_mem>>) src(%arg9 : memref<128x16xf32, #tpu.memory_space<vmem>>) dst(%dma_wait3A_329 : memref<10240x16xf32, #tpu.memory_space<vmem_shared>>)
      %dma_wait3A_330 = arith.constant 0 : i32
      %dma_wait3A_331 = tpu.memref_slice %arg7[%add3A_295, %dma_wait3A_330] : memref<80x128xi32, #tpu.memory_space<vmem>> -> memref<1x128xi32, #tpu.memory_space<vmem>>
      %dma_wait3A_332 = tpu.memref_squeeze %dma_wait3A_331 : memref<1x128xi32, #tpu.memory_space<vmem>> -> memref<128xi32, #tpu.memory_space<vmem>>
      %dma_wait3A_333 = arith.constant 0 : i32
      %dma_wait3A_334 = arith.constant 0 : i32
      %dma_wait3A_335 = tpu.memref_slice %arg12[%dma_wait3A_333, %dma_wait3A_334] : memref<10240x16xf32, #tpu.memory_space<vmem_shared>> -> memref<10240x16xf32, #tpu.memory_space<vmem_shared>>
      tpu.wait_indirect_dma semaphore(%arg14 : memref<!tpu.dma_semaphore, #tpu.memory_space<semaphore_mem>>) src(%arg10 : memref<128x16xf32, #tpu.memory_space<vmem>>) dst(%dma_wait3A_335 : memref<10240x16xf32, #tpu.memory_space<vmem_shared>>)
      %dma_wait3A_336 = arith.constant 0 : i32
      %dma_wait3A_337 = tpu.memref_slice %arg7[%add3A_311, %dma_wait3A_336] : memref<80x128xi32, #tpu.memory_space<vmem>> -> memref<1x128xi32, #tpu.memory_space<vmem>>
      %dma_wait3A_338 = tpu.memref_squeeze %dma_wait3A_337 : memref<1x128xi32, #tpu.memory_space<vmem>> -> memref<128xi32, #tpu.memory_space<vmem>>
      %dma_wait3A_339 = arith.constant 0 : i32
      %dma_wait3A_340 = arith.constant 0 : i32
      %dma_wait3A_341 = tpu.memref_slice %arg12[%dma_wait3A_339, %dma_wait3A_340] : memref<10240x16xf32, #tpu.memory_space<vmem_shared>> -> memref<10240x16xf32, #tpu.memory_space<vmem_shared>>
      tpu.wait_indirect_dma semaphore(%arg14 : memref<!tpu.dma_semaphore, #tpu.memory_space<semaphore_mem>>) src(%arg11 : memref<128x16xf32, #tpu.memory_space<vmem>>) dst(%dma_wait3A_341 : memref<10240x16xf32, #tpu.memory_space<vmem_shared>>)
    }
    %scan3A_53 = arith.constant 10 : i32
    %barrier3A_54 = arith.constant 0 : index
    tpu.barrier barrier_id(%barrier3A_54)
    %mul3A_55 = arith.constant 640 : i32
    %mul3A_56 = arith.muli %arg1, %mul3A_55 : i32
    %add3A_57 = arith.constant 0 : i32
    %add3A_58 = arith.addi %mul3A_56, %add3A_57 : i32
    "tpu.region"() ({
      %run_scoped3A = tpu.sem_alloc : memref<!tpu.dma_semaphore, #tpu.memory_space<semaphore_mem>>
      %dma_start3A_75 = arith.constant 0 : i32
      %dma_start3A_76 = arith.constant 0 : i32
      %dma_start3A_77 = tpu.memref_slice %arg5[%arg0, %dma_start3A_75, %dma_start3A_76] : memref<2x10240x16xf32, #tpu.memory_space<hbm>> -> memref<1x10240x16xf32, #tpu.memory_space<hbm>>
      %dma_start3A_78 = tpu.memref_squeeze %dma_start3A_77 : memref<1x10240x16xf32, #tpu.memory_space<hbm>> -> memref<10240x16xf32, #tpu.memory_space<hbm>>
      %dma_start3A_79 = arith.constant 0 : i32
      %dma_start3A_80 = tpu.memref_slice %dma_start3A_78[%add3A_58, %dma_start3A_79] : memref<10240x16xf32, #tpu.memory_space<hbm>> -> memref<128x16xf32, #tpu.memory_space<hbm>>
      %dma_start3A_81 = arith.constant 0 : i32
      %dma_start3A_82 = tpu.memref_slice %arg12[%add3A_58, %dma_start3A_81] : memref<10240x16xf32, #tpu.memory_space<vmem_shared>> -> memref<128x16xf32, #tpu.memory_space<vmem_shared>>
      tpu.enqueue_dma source(%dma_start3A_82 : memref<128x16xf32, #tpu.memory_space<vmem_shared>>) target(%dma_start3A_80 : memref<128x16xf32, #tpu.memory_space<hbm>>) target_semaphore(%run_scoped3A : memref<!tpu.dma_semaphore, #tpu.memory_space<semaphore_mem>>)
      %dma_wait3A_83 = arith.constant 0 : i32
      %dma_wait3A_84 = arith.constant 0 : i32
      %dma_wait3A_85 = tpu.memref_slice %arg5[%arg0, %dma_wait3A_83, %dma_wait3A_84] : memref<2x10240x16xf32, #tpu.memory_space<hbm>> -> memref<1x10240x16xf32, #tpu.memory_space<hbm>>
      %dma_wait3A_86 = tpu.memref_squeeze %dma_wait3A_85 : memref<1x10240x16xf32, #tpu.memory_space<hbm>> -> memref<10240x16xf32, #tpu.memory_space<hbm>>
      %dma_wait3A_87 = arith.constant 0 : i32
      %dma_wait3A_88 = tpu.memref_slice %dma_wait3A_86[%add3A_58, %dma_wait3A_87] : memref<10240x16xf32, #tpu.memory_space<hbm>> -> memref<128x16xf32, #tpu.memory_space<hbm>>
      %dma_wait3A_89 = arith.constant 0 : i32
      %dma_wait3A_90 = tpu.memref_slice %arg12[%add3A_58, %dma_wait3A_89] : memref<10240x16xf32, #tpu.memory_space<vmem_shared>> -> memref<128x16xf32, #tpu.memory_space<vmem_shared>>
      tpu.wait_dma2 semaphore(%run_scoped3A : memref<!tpu.dma_semaphore, #tpu.memory_space<semaphore_mem>>) src(%dma_wait3A_90 : memref<128x16xf32, #tpu.memory_space<vmem_shared>>) dst(%dma_wait3A_88 : memref<128x16xf32, #tpu.memory_space<hbm>>)
      tpu.yield
    }) : () -> ()
    %mul3A_59 = arith.constant 640 : i32
    %mul3A_60 = arith.muli %arg1, %mul3A_59 : i32
    %add3A_61 = arith.constant 128 : i32
    %add3A_62 = arith.addi %mul3A_60, %add3A_61 : i32
    "tpu.region"() ({
      %run_scoped3A = tpu.sem_alloc : memref<!tpu.dma_semaphore, #tpu.memory_space<semaphore_mem>>
      %dma_start3A_75 = arith.constant 0 : i32
      %dma_start3A_76 = arith.constant 0 : i32
      %dma_start3A_77 = tpu.memref_slice %arg5[%arg0, %dma_start3A_75, %dma_start3A_76] : memref<2x10240x16xf32, #tpu.memory_space<hbm>> -> memref<1x10240x16xf32, #tpu.memory_space<hbm>>
      %dma_start3A_78 = tpu.memref_squeeze %dma_start3A_77 : memref<1x10240x16xf32, #tpu.memory_space<hbm>> -> memref<10240x16xf32, #tpu.memory_space<hbm>>
      %dma_start3A_79 = arith.constant 0 : i32
      %dma_start3A_80 = tpu.memref_slice %dma_start3A_78[%add3A_62, %dma_start3A_79] : memref<10240x16xf32, #tpu.memory_space<hbm>> -> memref<128x16xf32, #tpu.memory_space<hbm>>
      %dma_start3A_81 = arith.constant 0 : i32
      %dma_start3A_82 = tpu.memref_slice %arg12[%add3A_62, %dma_start3A_81] : memref<10240x16xf32, #tpu.memory_space<vmem_shared>> -> memref<128x16xf32, #tpu.memory_space<vmem_shared>>
      tpu.enqueue_dma source(%dma_start3A_82 : memref<128x16xf32, #tpu.memory_space<vmem_shared>>) target(%dma_start3A_80 : memref<128x16xf32, #tpu.memory_space<hbm>>) target_semaphore(%run_scoped3A : memref<!tpu.dma_semaphore, #tpu.memory_space<semaphore_mem>>)
      %dma_wait3A_83 = arith.constant 0 : i32
      %dma_wait3A_84 = arith.constant 0 : i32
      %dma_wait3A_85 = tpu.memref_slice %arg5[%arg0, %dma_wait3A_83, %dma_wait3A_84] : memref<2x10240x16xf32, #tpu.memory_space<hbm>> -> memref<1x10240x16xf32, #tpu.memory_space<hbm>>
      %dma_wait3A_86 = tpu.memref_squeeze %dma_wait3A_85 : memref<1x10240x16xf32, #tpu.memory_space<hbm>> -> memref<10240x16xf32, #tpu.memory_space<hbm>>
      %dma_wait3A_87 = arith.constant 0 : i32
      %dma_wait3A_88 = tpu.memref_slice %dma_wait3A_86[%add3A_62, %dma_wait3A_87] : memref<10240x16xf32, #tpu.memory_space<hbm>> -> memref<128x16xf32, #tpu.memory_space<hbm>>
      %dma_wait3A_89 = arith.constant 0 : i32
      %dma_wait3A_90 = tpu.memref_slice %arg12[%add3A_62, %dma_wait3A_89] : memref<10240x16xf32, #tpu.memory_space<vmem_shared>> -> memref<128x16xf32, #tpu.memory_space<vmem_shared>>
      tpu.wait_dma2 semaphore(%run_scoped3A : memref<!tpu.dma_semaphore, #tpu.memory_space<semaphore_mem>>) src(%dma_wait3A_90 : memref<128x16xf32, #tpu.memory_space<vmem_shared>>) dst(%dma_wait3A_88 : memref<128x16xf32, #tpu.memory_space<hbm>>)
      tpu.yield
    }) : () -> ()
    %mul3A_63 = arith.constant 640 : i32
    %mul3A_64 = arith.muli %arg1, %mul3A_63 : i32
    %add3A_65 = arith.constant 256 : i32
    %add3A_66 = arith.addi %mul3A_64, %add3A_65 : i32
    "tpu.region"() ({
      %run_scoped3A = tpu.sem_alloc : memref<!tpu.dma_semaphore, #tpu.memory_space<semaphore_mem>>
      %dma_start3A_75 = arith.constant 0 : i32
      %dma_start3A_76 = arith.constant 0 : i32
      %dma_start3A_77 = tpu.memref_slice %arg5[%arg0, %dma_start3A_75, %dma_start3A_76] : memref<2x10240x16xf32, #tpu.memory_space<hbm>> -> memref<1x10240x16xf32, #tpu.memory_space<hbm>>
      %dma_start3A_78 = tpu.memref_squeeze %dma_start3A_77 : memref<1x10240x16xf32, #tpu.memory_space<hbm>> -> memref<10240x16xf32, #tpu.memory_space<hbm>>
      %dma_start3A_79 = arith.constant 0 : i32
      %dma_start3A_80 = tpu.memref_slice %dma_start3A_78[%add3A_66, %dma_start3A_79] : memref<10240x16xf32, #tpu.memory_space<hbm>> -> memref<128x16xf32, #tpu.memory_space<hbm>>
      %dma_start3A_81 = arith.constant 0 : i32
      %dma_start3A_82 = tpu.memref_slice %arg12[%add3A_66, %dma_start3A_81] : memref<10240x16xf32, #tpu.memory_space<vmem_shared>> -> memref<128x16xf32, #tpu.memory_space<vmem_shared>>
      tpu.enqueue_dma source(%dma_start3A_82 : memref<128x16xf32, #tpu.memory_space<vmem_shared>>) target(%dma_start3A_80 : memref<128x16xf32, #tpu.memory_space<hbm>>) target_semaphore(%run_scoped3A : memref<!tpu.dma_semaphore, #tpu.memory_space<semaphore_mem>>)
      %dma_wait3A_83 = arith.constant 0 : i32
      %dma_wait3A_84 = arith.constant 0 : i32
      %dma_wait3A_85 = tpu.memref_slice %arg5[%arg0, %dma_wait3A_83, %dma_wait3A_84] : memref<2x10240x16xf32, #tpu.memory_space<hbm>> -> memref<1x10240x16xf32, #tpu.memory_space<hbm>>
      %dma_wait3A_86 = tpu.memref_squeeze %dma_wait3A_85 : memref<1x10240x16xf32, #tpu.memory_space<hbm>> -> memref<10240x16xf32, #tpu.memory_space<hbm>>
      %dma_wait3A_87 = arith.constant 0 : i32
      %dma_wait3A_88 = tpu.memref_slice %dma_wait3A_86[%add3A_66, %dma_wait3A_87] : memref<10240x16xf32, #tpu.memory_space<hbm>> -> memref<128x16xf32, #tpu.memory_space<hbm>>
      %dma_wait3A_89 = arith.constant 0 : i32
      %dma_wait3A_90 = tpu.memref_slice %arg12[%add3A_66, %dma_wait3A_89] : memref<10240x16xf32, #tpu.memory_space<vmem_shared>> -> memref<128x16xf32, #tpu.memory_space<vmem_shared>>
      tpu.wait_dma2 semaphore(%run_scoped3A : memref<!tpu.dma_semaphore, #tpu.memory_space<semaphore_mem>>) src(%dma_wait3A_90 : memref<128x16xf32, #tpu.memory_space<vmem_shared>>) dst(%dma_wait3A_88 : memref<128x16xf32, #tpu.memory_space<hbm>>)
      tpu.yield
    }) : () -> ()
    %mul3A_67 = arith.constant 640 : i32
    %mul3A_68 = arith.muli %arg1, %mul3A_67 : i32
    %add3A_69 = arith.constant 384 : i32
    %add3A_70 = arith.addi %mul3A_68, %add3A_69 : i32
    "tpu.region"() ({
      %run_scoped3A = tpu.sem_alloc : memref<!tpu.dma_semaphore, #tpu.memory_space<semaphore_mem>>
      %dma_start3A_75 = arith.constant 0 : i32
      %dma_start3A_76 = arith.constant 0 : i32
      %dma_start3A_77 = tpu.memref_slice %arg5[%arg0, %dma_start3A_75, %dma_start3A_76] : memref<2x10240x16xf32, #tpu.memory_space<hbm>> -> memref<1x10240x16xf32, #tpu.memory_space<hbm>>
      %dma_start3A_78 = tpu.memref_squeeze %dma_start3A_77 : memref<1x10240x16xf32, #tpu.memory_space<hbm>> -> memref<10240x16xf32, #tpu.memory_space<hbm>>
      %dma_start3A_79 = arith.constant 0 : i32
      %dma_start3A_80 = tpu.memref_slice %dma_start3A_78[%add3A_70, %dma_start3A_79] : memref<10240x16xf32, #tpu.memory_space<hbm>> -> memref<128x16xf32, #tpu.memory_space<hbm>>
      %dma_start3A_81 = arith.constant 0 : i32
      %dma_start3A_82 = tpu.memref_slice %arg12[%add3A_70, %dma_start3A_81] : memref<10240x16xf32, #tpu.memory_space<vmem_shared>> -> memref<128x16xf32, #tpu.memory_space<vmem_shared>>
      tpu.enqueue_dma source(%dma_start3A_82 : memref<128x16xf32, #tpu.memory_space<vmem_shared>>) target(%dma_start3A_80 : memref<128x16xf32, #tpu.memory_space<hbm>>) target_semaphore(%run_scoped3A : memref<!tpu.dma_semaphore, #tpu.memory_space<semaphore_mem>>)
      %dma_wait3A_83 = arith.constant 0 : i32
      %dma_wait3A_84 = arith.constant 0 : i32
      %dma_wait3A_85 = tpu.memref_slice %arg5[%arg0, %dma_wait3A_83, %dma_wait3A_84] : memref<2x10240x16xf32, #tpu.memory_space<hbm>> -> memref<1x10240x16xf32, #tpu.memory_space<hbm>>
      %dma_wait3A_86 = tpu.memref_squeeze %dma_wait3A_85 : memref<1x10240x16xf32, #tpu.memory_space<hbm>> -> memref<10240x16xf32, #tpu.memory_space<hbm>>
      %dma_wait3A_87 = arith.constant 0 : i32
      %dma_wait3A_88 = tpu.memref_slice %dma_wait3A_86[%add3A_70, %dma_wait3A_87] : memref<10240x16xf32, #tpu.memory_space<hbm>> -> memref<128x16xf32, #tpu.memory_space<hbm>>
      %dma_wait3A_89 = arith.constant 0 : i32
      %dma_wait3A_90 = tpu.memref_slice %arg12[%add3A_70, %dma_wait3A_89] : memref<10240x16xf32, #tpu.memory_space<vmem_shared>> -> memref<128x16xf32, #tpu.memory_space<vmem_shared>>
      tpu.wait_dma2 semaphore(%run_scoped3A : memref<!tpu.dma_semaphore, #tpu.memory_space<semaphore_mem>>) src(%dma_wait3A_90 : memref<128x16xf32, #tpu.memory_space<vmem_shared>>) dst(%dma_wait3A_88 : memref<128x16xf32, #tpu.memory_space<hbm>>)
      tpu.yield
    }) : () -> ()
    %mul3A_71 = arith.constant 640 : i32
    %mul3A_72 = arith.muli %arg1, %mul3A_71 : i32
    %add3A_73 = arith.constant 512 : i32
    %add3A_74 = arith.addi %mul3A_72, %add3A_73 : i32
    "tpu.region"() ({
      %run_scoped3A = tpu.sem_alloc : memref<!tpu.dma_semaphore, #tpu.memory_space<semaphore_mem>>
      %dma_start3A_75 = arith.constant 0 : i32
      %dma_start3A_76 = arith.constant 0 : i32
      %dma_start3A_77 = tpu.memref_slice %arg5[%arg0, %dma_start3A_75, %dma_start3A_76] : memref<2x10240x16xf32, #tpu.memory_space<hbm>> -> memref<1x10240x16xf32, #tpu.memory_space<hbm>>
      %dma_start3A_78 = tpu.memref_squeeze %dma_start3A_77 : memref<1x10240x16xf32, #tpu.memory_space<hbm>> -> memref<10240x16xf32, #tpu.memory_space<hbm>>
      %dma_start3A_79 = arith.constant 0 : i32
      %dma_start3A_80 = tpu.memref_slice %dma_start3A_78[%add3A_74, %dma_start3A_79] : memref<10240x16xf32, #tpu.memory_space<hbm>> -> memref<128x16xf32, #tpu.memory_space<hbm>>
      %dma_start3A_81 = arith.constant 0 : i32
      %dma_start3A_82 = tpu.memref_slice %arg12[%add3A_74, %dma_start3A_81] : memref<10240x16xf32, #tpu.memory_space<vmem_shared>> -> memref<128x16xf32, #tpu.memory_space<vmem_shared>>
      tpu.enqueue_dma source(%dma_start3A_82 : memref<128x16xf32, #tpu.memory_space<vmem_shared>>) target(%dma_start3A_80 : memref<128x16xf32, #tpu.memory_space<hbm>>) target_semaphore(%run_scoped3A : memref<!tpu.dma_semaphore, #tpu.memory_space<semaphore_mem>>)
      %dma_wait3A_83 = arith.constant 0 : i32
      %dma_wait3A_84 = arith.constant 0 : i32
      %dma_wait3A_85 = tpu.memref_slice %arg5[%arg0, %dma_wait3A_83, %dma_wait3A_84] : memref<2x10240x16xf32, #tpu.memory_space<hbm>> -> memref<1x10240x16xf32, #tpu.memory_space<hbm>>
      %dma_wait3A_86 = tpu.memref_squeeze %dma_wait3A_85 : memref<1x10240x16xf32, #tpu.memory_space<hbm>> -> memref<10240x16xf32, #tpu.memory_space<hbm>>
      %dma_wait3A_87 = arith.constant 0 : i32
      %dma_wait3A_88 = tpu.memref_slice %dma_wait3A_86[%add3A_74, %dma_wait3A_87] : memref<10240x16xf32, #tpu.memory_space<hbm>> -> memref<128x16xf32, #tpu.memory_space<hbm>>
      %dma_wait3A_89 = arith.constant 0 : i32
      %dma_wait3A_90 = tpu.memref_slice %arg12[%add3A_74, %dma_wait3A_89] : memref<10240x16xf32, #tpu.memory_space<vmem_shared>> -> memref<128x16xf32, #tpu.memory_space<vmem_shared>>
      tpu.wait_dma2 semaphore(%run_scoped3A : memref<!tpu.dma_semaphore, #tpu.memory_space<semaphore_mem>>) src(%dma_wait3A_90 : memref<128x16xf32, #tpu.memory_space<vmem_shared>>) dst(%dma_wait3A_88 : memref<128x16xf32, #tpu.memory_space<hbm>>)
      tpu.yield
    }) : () -> ()
    return
  }
}

#map = affine_map<(d0, d1) -> (0, 0)>
#map1 = affine_map<(d0, d1) -> (0, 0, 0)>
module attributes {stable_mosaic.version = 14 : i64} {
  func.func @agg(%arg0: i32, %arg1: i32, %arg2: memref<10000x32xf32, #tpu.memory_space<hbm>>, %arg3: memref<2560x128xi32, #tpu.memory_space<hbm>>, %arg4: memref<2560x128xi32, #tpu.memory_space<hbm>>, %arg5: memref<2x10240x32xf32, #tpu.memory_space<hbm>>, %arg6: memref<80x128xi32, #tpu.memory_space<vmem>>, %arg7: memref<80x128xi32, #tpu.memory_space<vmem>>, %arg8: memref<128x32xf32, #tpu.memory_space<vmem>>, %arg9: memref<128x32xf32, #tpu.memory_space<vmem>>, %arg10: memref<128x32xf32, #tpu.memory_space<vmem>>, %arg11: memref<128x32xf32, #tpu.memory_space<vmem>>, %arg12: memref<10240x32xf32, #tpu.memory_space<vmem_shared>>, %arg13: memref<!tpu.dma_semaphore, #tpu.memory_space<semaphore_mem>>, %arg14: memref<!tpu.dma_semaphore, #tpu.memory_space<semaphore_mem>>, %arg15: memref<!tpu.dma_semaphore, #tpu.memory_space<semaphore_mem>>) attributes {dimension_semantics = [#tpu.dimension_semantics<core_parallel>, #tpu.dimension_semantics<subcore_parallel>], iteration_bounds = array<i64: 2, 16>, scalar_prefetch = 0 : i64, scratch_operands = 10 : i64, tpu.core_type = #tpu.core_type<sc_vector_subcore>, window_params = [{transform_indices = #map}, {transform_indices = #map}, {transform_indices = #map}, {transform_indices = #map1}]} {
    %mul3A = arith.constant 2 : i32
    %mul3A_0 = arith.muli %arg1, %mul3A : i32
    %add3A = arith.addi %mul3A_0, %arg0 : i32
    %mul3A_1 = arith.constant 80 : i32
    %mul3A_2 = arith.muli %add3A, %mul3A_1 : i32
    %dma_start3A = arith.constant 0 : i32
    %dma_start3A_3 = tpu.memref_slice %arg3[%mul3A_2, %dma_start3A] : memref<2560x128xi32, #tpu.memory_space<hbm>> -> memref<80x128xi32, #tpu.memory_space<hbm>>
    %dma_start3A_4 = arith.constant 0 : i32
    %dma_start3A_5 = tpu.memref_slice %arg3[%mul3A_2, %dma_start3A_4] : memref<2560x128xi32, #tpu.memory_space<hbm>> -> memref<80x128xi32, #tpu.memory_space<hbm>>
    tpu.enqueue_dma source(%dma_start3A_5 : memref<80x128xi32, #tpu.memory_space<hbm>>) target(%arg6 : memref<80x128xi32, #tpu.memory_space<vmem>>) target_semaphore(%arg15 : memref<!tpu.dma_semaphore, #tpu.memory_space<semaphore_mem>>)
    %mul3A_6 = arith.constant 80 : i32
    %mul3A_7 = arith.muli %add3A, %mul3A_6 : i32
    %dma_start3A_8 = arith.constant 0 : i32
    %dma_start3A_9 = tpu.memref_slice %arg4[%mul3A_7, %dma_start3A_8] : memref<2560x128xi32, #tpu.memory_space<hbm>> -> memref<80x128xi32, #tpu.memory_space<hbm>>
    %dma_start3A_10 = arith.constant 0 : i32
    %dma_start3A_11 = tpu.memref_slice %arg4[%mul3A_7, %dma_start3A_10] : memref<2560x128xi32, #tpu.memory_space<hbm>> -> memref<80x128xi32, #tpu.memory_space<hbm>>
    tpu.enqueue_dma source(%dma_start3A_11 : memref<80x128xi32, #tpu.memory_space<hbm>>) target(%arg7 : memref<80x128xi32, #tpu.memory_space<vmem>>) target_semaphore(%arg15 : memref<!tpu.dma_semaphore, #tpu.memory_space<semaphore_mem>>)
    %scan3A = arith.constant 0 : i32
    %scan3A_12 = arith.constant 0 : i32
    %scan3A_13 = arith.constant 128 : i32
    %scan3A_14 = arith.addi %scan3A_12, %scan3A_13 : i32
    %scan3A_15 = arith.constant 1 : i32
    scf.for %scan3A_75 = %scan3A_12 to %scan3A_14 step %scan3A_15  : i32 {
      %broadcast_in_dim3A = arith.constant 0.000000e+00 : f32
      %broadcast_in_dim3A_76 = vector.broadcast %broadcast_in_dim3A : f32 to vector<16xf32>
      %swap3A = arith.index_cast %scan3A_75 : i32 to index
      %swap3A_77 = arith.constant 0 : index
      %swap3A_78 = tpu.vector_load %arg8[%swap3A, %swap3A_77] {strides = array<i32>} : memref<128x32xf32, #tpu.memory_space<vmem>>, vector<1x16xf32>,
      %swap3A_79 = vector.shape_cast %swap3A_78 : vector<1x16xf32> to vector<16xf32>
      %swap3A_80 = vector.shape_cast %broadcast_in_dim3A_76 : vector<16xf32> to vector<1x16xf32>
      tpu.vector_store %arg8[%swap3A, %swap3A_77], %swap3A_80 {strides = array<i32>} : memref<128x32xf32, #tpu.memory_space<vmem>>, vector<1x16xf32>,
      %broadcast_in_dim3A_81 = arith.constant 0.000000e+00 : f32
      %broadcast_in_dim3A_82 = vector.broadcast %broadcast_in_dim3A_81 : f32 to vector<16xf32>
      %swap3A_83 = arith.index_cast %scan3A_75 : i32 to index
      %swap3A_84 = arith.constant 16 : index
      %swap3A_85 = tpu.vector_load %arg8[%swap3A_83, %swap3A_84] {strides = array<i32>} : memref<128x32xf32, #tpu.memory_space<vmem>>, vector<1x16xf32>,
      %swap3A_86 = vector.shape_cast %swap3A_85 : vector<1x16xf32> to vector<16xf32>
      %swap3A_87 = vector.shape_cast %broadcast_in_dim3A_82 : vector<16xf32> to vector<1x16xf32>
      tpu.vector_store %arg8[%swap3A_83, %swap3A_84], %swap3A_87 {strides = array<i32>} : memref<128x32xf32, #tpu.memory_space<vmem>>, vector<1x16xf32>,
    }
    %scan3A_16 = arith.constant 128 : i32
    %mul3A_17 = arith.constant 640 : i32
    %mul3A_18 = arith.muli %arg1, %mul3A_17 : i32
    %add3A_19 = arith.constant 0 : i32
    %add3A_20 = arith.addi %mul3A_18, %add3A_19 : i32
    "tpu.region"() ({
      %run_scoped3A = tpu.sem_alloc : memref<!tpu.dma_semaphore, #tpu.memory_space<semaphore_mem>>
      %dma_start3A_75 = arith.constant 0 : i32
      %dma_start3A_76 = tpu.memref_slice %arg12[%add3A_20, %dma_start3A_75] : memref<10240x32xf32, #tpu.memory_space<vmem_shared>> -> memref<128x32xf32, #tpu.memory_space<vmem_shared>>
      %dma_start3A_77 = arith.constant 0 : i32
      %dma_start3A_78 = tpu.memref_slice %arg12[%add3A_20, %dma_start3A_77] : memref<10240x32xf32, #tpu.memory_space<vmem_shared>> -> memref<128x32xf32, #tpu.memory_space<vmem_shared>>
      tpu.enqueue_dma source(%arg8 : memref<128x32xf32, #tpu.memory_space<vmem>>) target(%dma_start3A_78 : memref<128x32xf32, #tpu.memory_space<vmem_shared>>) target_semaphore(%run_scoped3A : memref<!tpu.dma_semaphore, #tpu.memory_space<semaphore_mem>>)
      %dma_wait3A_79 = arith.constant 0 : i32
      %dma_wait3A_80 = tpu.memref_slice %arg12[%add3A_20, %dma_wait3A_79] : memref<10240x32xf32, #tpu.memory_space<vmem_shared>> -> memref<128x32xf32, #tpu.memory_space<vmem_shared>>
      %dma_wait3A_81 = arith.constant 0 : i32
      %dma_wait3A_82 = tpu.memref_slice %arg12[%add3A_20, %dma_wait3A_81] : memref<10240x32xf32, #tpu.memory_space<vmem_shared>> -> memref<128x32xf32, #tpu.memory_space<vmem_shared>>
      tpu.wait_dma2 semaphore(%run_scoped3A : memref<!tpu.dma_semaphore, #tpu.memory_space<semaphore_mem>>) src(%arg8 : memref<128x32xf32, #tpu.memory_space<vmem>>) dst(%dma_wait3A_82 : memref<128x32xf32, #tpu.memory_space<vmem_shared>>)
      tpu.yield
    }) : () -> ()
    %mul3A_21 = arith.constant 640 : i32
    %mul3A_22 = arith.muli %arg1, %mul3A_21 : i32
    %add3A_23 = arith.constant 128 : i32
    %add3A_24 = arith.addi %mul3A_22, %add3A_23 : i32
    "tpu.region"() ({
      %run_scoped3A = tpu.sem_alloc : memref<!tpu.dma_semaphore, #tpu.memory_space<semaphore_mem>>
      %dma_start3A_75 = arith.constant 0 : i32
      %dma_start3A_76 = tpu.memref_slice %arg12[%add3A_24, %dma_start3A_75] : memref<10240x32xf32, #tpu.memory_space<vmem_shared>> -> memref<128x32xf32, #tpu.memory_space<vmem_shared>>
      %dma_start3A_77 = arith.constant 0 : i32
      %dma_start3A_78 = tpu.memref_slice %arg12[%add3A_24, %dma_start3A_77] : memref<10240x32xf32, #tpu.memory_space<vmem_shared>> -> memref<128x32xf32, #tpu.memory_space<vmem_shared>>
      tpu.enqueue_dma source(%arg8 : memref<128x32xf32, #tpu.memory_space<vmem>>) target(%dma_start3A_78 : memref<128x32xf32, #tpu.memory_space<vmem_shared>>) target_semaphore(%run_scoped3A : memref<!tpu.dma_semaphore, #tpu.memory_space<semaphore_mem>>)
      %dma_wait3A_79 = arith.constant 0 : i32
      %dma_wait3A_80 = tpu.memref_slice %arg12[%add3A_24, %dma_wait3A_79] : memref<10240x32xf32, #tpu.memory_space<vmem_shared>> -> memref<128x32xf32, #tpu.memory_space<vmem_shared>>
      %dma_wait3A_81 = arith.constant 0 : i32
      %dma_wait3A_82 = tpu.memref_slice %arg12[%add3A_24, %dma_wait3A_81] : memref<10240x32xf32, #tpu.memory_space<vmem_shared>> -> memref<128x32xf32, #tpu.memory_space<vmem_shared>>
      tpu.wait_dma2 semaphore(%run_scoped3A : memref<!tpu.dma_semaphore, #tpu.memory_space<semaphore_mem>>) src(%arg8 : memref<128x32xf32, #tpu.memory_space<vmem>>) dst(%dma_wait3A_82 : memref<128x32xf32, #tpu.memory_space<vmem_shared>>)
      tpu.yield
    }) : () -> ()
    %mul3A_25 = arith.constant 640 : i32
    %mul3A_26 = arith.muli %arg1, %mul3A_25 : i32
    %add3A_27 = arith.constant 256 : i32
    %add3A_28 = arith.addi %mul3A_26, %add3A_27 : i32
    "tpu.region"() ({
      %run_scoped3A = tpu.sem_alloc : memref<!tpu.dma_semaphore, #tpu.memory_space<semaphore_mem>>
      %dma_start3A_75 = arith.constant 0 : i32
      %dma_start3A_76 = tpu.memref_slice %arg12[%add3A_28, %dma_start3A_75] : memref<10240x32xf32, #tpu.memory_space<vmem_shared>> -> memref<128x32xf32, #tpu.memory_space<vmem_shared>>
      %dma_start3A_77 = arith.constant 0 : i32
      %dma_start3A_78 = tpu.memref_slice %arg12[%add3A_28, %dma_start3A_77] : memref<10240x32xf32, #tpu.memory_space<vmem_shared>> -> memref<128x32xf32, #tpu.memory_space<vmem_shared>>
      tpu.enqueue_dma source(%arg8 : memref<128x32xf32, #tpu.memory_space<vmem>>) target(%dma_start3A_78 : memref<128x32xf32, #tpu.memory_space<vmem_shared>>) target_semaphore(%run_scoped3A : memref<!tpu.dma_semaphore, #tpu.memory_space<semaphore_mem>>)
      %dma_wait3A_79 = arith.constant 0 : i32
      %dma_wait3A_80 = tpu.memref_slice %arg12[%add3A_28, %dma_wait3A_79] : memref<10240x32xf32, #tpu.memory_space<vmem_shared>> -> memref<128x32xf32, #tpu.memory_space<vmem_shared>>
      %dma_wait3A_81 = arith.constant 0 : i32
      %dma_wait3A_82 = tpu.memref_slice %arg12[%add3A_28, %dma_wait3A_81] : memref<10240x32xf32, #tpu.memory_space<vmem_shared>> -> memref<128x32xf32, #tpu.memory_space<vmem_shared>>
      tpu.wait_dma2 semaphore(%run_scoped3A : memref<!tpu.dma_semaphore, #tpu.memory_space<semaphore_mem>>) src(%arg8 : memref<128x32xf32, #tpu.memory_space<vmem>>) dst(%dma_wait3A_82 : memref<128x32xf32, #tpu.memory_space<vmem_shared>>)
      tpu.yield
    }) : () -> ()
    %mul3A_29 = arith.constant 640 : i32
    %mul3A_30 = arith.muli %arg1, %mul3A_29 : i32
    %add3A_31 = arith.constant 384 : i32
    %add3A_32 = arith.addi %mul3A_30, %add3A_31 : i32
    "tpu.region"() ({
      %run_scoped3A = tpu.sem_alloc : memref<!tpu.dma_semaphore, #tpu.memory_space<semaphore_mem>>
      %dma_start3A_75 = arith.constant 0 : i32
      %dma_start3A_76 = tpu.memref_slice %arg12[%add3A_32, %dma_start3A_75] : memref<10240x32xf32, #tpu.memory_space<vmem_shared>> -> memref<128x32xf32, #tpu.memory_space<vmem_shared>>
      %dma_start3A_77 = arith.constant 0 : i32
      %dma_start3A_78 = tpu.memref_slice %arg12[%add3A_32, %dma_start3A_77] : memref<10240x32xf32, #tpu.memory_space<vmem_shared>> -> memref<128x32xf32, #tpu.memory_space<vmem_shared>>
      tpu.enqueue_dma source(%arg8 : memref<128x32xf32, #tpu.memory_space<vmem>>) target(%dma_start3A_78 : memref<128x32xf32, #tpu.memory_space<vmem_shared>>) target_semaphore(%run_scoped3A : memref<!tpu.dma_semaphore, #tpu.memory_space<semaphore_mem>>)
      %dma_wait3A_79 = arith.constant 0 : i32
      %dma_wait3A_80 = tpu.memref_slice %arg12[%add3A_32, %dma_wait3A_79] : memref<10240x32xf32, #tpu.memory_space<vmem_shared>> -> memref<128x32xf32, #tpu.memory_space<vmem_shared>>
      %dma_wait3A_81 = arith.constant 0 : i32
      %dma_wait3A_82 = tpu.memref_slice %arg12[%add3A_32, %dma_wait3A_81] : memref<10240x32xf32, #tpu.memory_space<vmem_shared>> -> memref<128x32xf32, #tpu.memory_space<vmem_shared>>
      tpu.wait_dma2 semaphore(%run_scoped3A : memref<!tpu.dma_semaphore, #tpu.memory_space<semaphore_mem>>) src(%arg8 : memref<128x32xf32, #tpu.memory_space<vmem>>) dst(%dma_wait3A_82 : memref<128x32xf32, #tpu.memory_space<vmem_shared>>)
      tpu.yield
    }) : () -> ()
    %mul3A_33 = arith.constant 640 : i32
    %mul3A_34 = arith.muli %arg1, %mul3A_33 : i32
    %add3A_35 = arith.constant 512 : i32
    %add3A_36 = arith.addi %mul3A_34, %add3A_35 : i32
    "tpu.region"() ({
      %run_scoped3A = tpu.sem_alloc : memref<!tpu.dma_semaphore, #tpu.memory_space<semaphore_mem>>
      %dma_start3A_75 = arith.constant 0 : i32
      %dma_start3A_76 = tpu.memref_slice %arg12[%add3A_36, %dma_start3A_75] : memref<10240x32xf32, #tpu.memory_space<vmem_shared>> -> memref<128x32xf32, #tpu.memory_space<vmem_shared>>
      %dma_start3A_77 = arith.constant 0 : i32
      %dma_start3A_78 = tpu.memref_slice %arg12[%add3A_36, %dma_start3A_77] : memref<10240x32xf32, #tpu.memory_space<vmem_shared>> -> memref<128x32xf32, #tpu.memory_space<vmem_shared>>
      tpu.enqueue_dma source(%arg8 : memref<128x32xf32, #tpu.memory_space<vmem>>) target(%dma_start3A_78 : memref<128x32xf32, #tpu.memory_space<vmem_shared>>) target_semaphore(%run_scoped3A : memref<!tpu.dma_semaphore, #tpu.memory_space<semaphore_mem>>)
      %dma_wait3A_79 = arith.constant 0 : i32
      %dma_wait3A_80 = tpu.memref_slice %arg12[%add3A_36, %dma_wait3A_79] : memref<10240x32xf32, #tpu.memory_space<vmem_shared>> -> memref<128x32xf32, #tpu.memory_space<vmem_shared>>
      %dma_wait3A_81 = arith.constant 0 : i32
      %dma_wait3A_82 = tpu.memref_slice %arg12[%add3A_36, %dma_wait3A_81] : memref<10240x32xf32, #tpu.memory_space<vmem_shared>> -> memref<128x32xf32, #tpu.memory_space<vmem_shared>>
      tpu.wait_dma2 semaphore(%run_scoped3A : memref<!tpu.dma_semaphore, #tpu.memory_space<semaphore_mem>>) src(%arg8 : memref<128x32xf32, #tpu.memory_space<vmem>>) dst(%dma_wait3A_82 : memref<128x32xf32, #tpu.memory_space<vmem_shared>>)
      tpu.yield
    }) : () -> ()
    %mul3A_37 = arith.constant 80 : i32
    %mul3A_38 = arith.muli %add3A, %mul3A_37 : i32
    %dma_wait3A = arith.constant 0 : i32
    %dma_wait3A_39 = tpu.memref_slice %arg3[%mul3A_38, %dma_wait3A] : memref<2560x128xi32, #tpu.memory_space<hbm>> -> memref<80x128xi32, #tpu.memory_space<hbm>>
    %dma_wait3A_40 = arith.constant 0 : i32
    %dma_wait3A_41 = tpu.memref_slice %arg3[%mul3A_38, %dma_wait3A_40] : memref<2560x128xi32, #tpu.memory_space<hbm>> -> memref<80x128xi32, #tpu.memory_space<hbm>>
    tpu.wait_dma2 semaphore(%arg15 : memref<!tpu.dma_semaphore, #tpu.memory_space<semaphore_mem>>) src(%dma_wait3A_41 : memref<80x128xi32, #tpu.memory_space<hbm>>) dst(%arg6 : memref<80x128xi32, #tpu.memory_space<vmem>>)
    %mul3A_42 = arith.constant 80 : i32
    %mul3A_43 = arith.muli %add3A, %mul3A_42 : i32
    %dma_wait3A_44 = arith.constant 0 : i32
    %dma_wait3A_45 = tpu.memref_slice %arg4[%mul3A_43, %dma_wait3A_44] : memref<2560x128xi32, #tpu.memory_space<hbm>> -> memref<80x128xi32, #tpu.memory_space<hbm>>
    %dma_wait3A_46 = arith.constant 0 : i32
    %dma_wait3A_47 = tpu.memref_slice %arg4[%mul3A_43, %dma_wait3A_46] : memref<2560x128xi32, #tpu.memory_space<hbm>> -> memref<80x128xi32, #tpu.memory_space<hbm>>
    tpu.wait_dma2 semaphore(%arg15 : memref<!tpu.dma_semaphore, #tpu.memory_space<semaphore_mem>>) src(%dma_wait3A_47 : memref<80x128xi32, #tpu.memory_space<hbm>>) dst(%arg7 : memref<80x128xi32, #tpu.memory_space<vmem>>)
    %barrier3A = arith.constant 0 : index
    tpu.barrier barrier_id(%barrier3A)
    %scan3A_48 = arith.constant 0 : i32
    %scan3A_49 = arith.constant 0 : i32
    %scan3A_50 = arith.constant 10 : i32
    %scan3A_51 = arith.addi %scan3A_49, %scan3A_50 : i32
    %scan3A_52 = arith.constant 1 : i32
    scf.for %scan3A_75 = %scan3A_49 to %scan3A_51 step %scan3A_52  : i32 {
      %mul3A_76 = arith.constant 8 : i32
      %mul3A_77 = arith.muli %scan3A_75, %mul3A_76 : i32
      %dma_start3A_78 = arith.constant 0 : i32
      %dma_start3A_79 = tpu.memref_slice %arg6[%mul3A_77, %dma_start3A_78] : memref<80x128xi32, #tpu.memory_space<vmem>> -> memref<1x128xi32, #tpu.memory_space<vmem>>
      %dma_start3A_80 = tpu.memref_squeeze %dma_start3A_79 : memref<1x128xi32, #tpu.memory_space<vmem>> -> memref<128xi32, #tpu.memory_space<vmem>>
      %dma_start3A_81 = arith.constant 0 : i32
      %dma_start3A_82 = arith.constant 0 : i32
      %dma_start3A_83 = tpu.memref_slice %arg2[%dma_start3A_81, %dma_start3A_82] : memref<10000x32xf32, #tpu.memory_space<hbm>> -> memref<10000x32xf32, #tpu.memory_space<hbm>>
      tpu.enqueue_indirect_dma source(%dma_start3A_83 : memref<10000x32xf32, #tpu.memory_space<hbm>>) target(%arg8 : memref<128x32xf32, #tpu.memory_space<vmem>>) offsets(%dma_start3A_80 : memref<128xi32, #tpu.memory_space<vmem>>) semaphore(%arg13 : memref<!tpu.dma_semaphore, #tpu.memory_space<semaphore_mem>>)
      %mul3A_84 = arith.constant 8 : i32
      %mul3A_85 = arith.muli %scan3A_75, %mul3A_84 : i32
      %add3A_86 = arith.constant 1 : i32
      %add3A_87 = arith.addi %mul3A_85, %add3A_86 : i32
      %dma_start3A_88 = arith.constant 0 : i32
      %dma_start3A_89 = tpu.memref_slice %arg6[%add3A_87, %dma_start3A_88] : memref<80x128xi32, #tpu.memory_space<vmem>> -> memref<1x128xi32, #tpu.memory_space<vmem>>
      %dma_start3A_90 = tpu.memref_squeeze %dma_start3A_89 : memref<1x128xi32, #tpu.memory_space<vmem>> -> memref<128xi32, #tpu.memory_space<vmem>>
      %dma_start3A_91 = arith.constant 0 : i32
      %dma_start3A_92 = arith.constant 0 : i32
      %dma_start3A_93 = tpu.memref_slice %arg2[%dma_start3A_91, %dma_start3A_92] : memref<10000x32xf32, #tpu.memory_space<hbm>> -> memref<10000x32xf32, #tpu.memory_space<hbm>>
      tpu.enqueue_indirect_dma source(%dma_start3A_93 : memref<10000x32xf32, #tpu.memory_space<hbm>>) target(%arg9 : memref<128x32xf32, #tpu.memory_space<vmem>>) offsets(%dma_start3A_90 : memref<128xi32, #tpu.memory_space<vmem>>) semaphore(%arg13 : memref<!tpu.dma_semaphore, #tpu.memory_space<semaphore_mem>>)
      %dma_wait3A_94 = arith.constant 0 : i32
      %dma_wait3A_95 = tpu.memref_slice %arg6[%mul3A_77, %dma_wait3A_94] : memref<80x128xi32, #tpu.memory_space<vmem>> -> memref<1x128xi32, #tpu.memory_space<vmem>>
      %dma_wait3A_96 = tpu.memref_squeeze %dma_wait3A_95 : memref<1x128xi32, #tpu.memory_space<vmem>> -> memref<128xi32, #tpu.memory_space<vmem>>
      %dma_wait3A_97 = arith.constant 0 : i32
      %dma_wait3A_98 = arith.constant 0 : i32
      %dma_wait3A_99 = tpu.memref_slice %arg2[%dma_wait3A_97, %dma_wait3A_98] : memref<10000x32xf32, #tpu.memory_space<hbm>> -> memref<10000x32xf32, #tpu.memory_space<hbm>>
      tpu.wait_indirect_dma semaphore(%arg13 : memref<!tpu.dma_semaphore, #tpu.memory_space<semaphore_mem>>) src(%dma_wait3A_99 : memref<10000x32xf32, #tpu.memory_space<hbm>>) dst(%arg8 : memref<128x32xf32, #tpu.memory_space<vmem>>)
      %mul3A_100 = arith.constant 8 : i32
      %mul3A_101 = arith.muli %scan3A_75, %mul3A_100 : i32
      %add3A_102 = arith.constant 0 : i32
      %add3A_103 = arith.addi %mul3A_101, %add3A_102 : i32
      %dma_start3A_104 = arith.constant 0 : i32
      %dma_start3A_105 = tpu.memref_slice %arg7[%add3A_103, %dma_start3A_104] : memref<80x128xi32, #tpu.memory_space<vmem>> -> memref<1x128xi32, #tpu.memory_space<vmem>>
      %dma_start3A_106 = tpu.memref_squeeze %dma_start3A_105 : memref<1x128xi32, #tpu.memory_space<vmem>> -> memref<128xi32, #tpu.memory_space<vmem>>
      %dma_start3A_107 = arith.constant 0 : i32
      %dma_start3A_108 = arith.constant 0 : i32
      %dma_start3A_109 = tpu.memref_slice %arg12[%dma_start3A_107, %dma_start3A_108] : memref<10240x32xf32, #tpu.memory_space<vmem_shared>> -> memref<10240x32xf32, #tpu.memory_space<vmem_shared>>
      tpu.enqueue_indirect_dma source(%arg8 : memref<128x32xf32, #tpu.memory_space<vmem>>) target(%dma_start3A_109 : memref<10240x32xf32, #tpu.memory_space<vmem_shared>>) offsets(%dma_start3A_106 : memref<128xi32, #tpu.memory_space<vmem>>) semaphore(%arg14 : memref<!tpu.dma_semaphore, #tpu.memory_space<semaphore_mem>>) {add = true}
      %mul3A_110 = arith.constant 8 : i32
      %mul3A_111 = arith.muli %scan3A_75, %mul3A_110 : i32
      %add3A_112 = arith.constant 0 : i32
      %add3A_113 = arith.addi %mul3A_111, %add3A_112 : i32
      %add3A_114 = arith.constant 2 : i32
      %add3A_115 = arith.addi %add3A_113, %add3A_114 : i32
      %dma_start3A_116 = arith.constant 0 : i32
      %dma_start3A_117 = tpu.memref_slice %arg6[%add3A_115, %dma_start3A_116] : memref<80x128xi32, #tpu.memory_space<vmem>> -> memref<1x128xi32, #tpu.memory_space<vmem>>
      %dma_start3A_118 = tpu.memref_squeeze %dma_start3A_117 : memref<1x128xi32, #tpu.memory_space<vmem>> -> memref<128xi32, #tpu.memory_space<vmem>>
      %dma_start3A_119 = arith.constant 0 : i32
      %dma_start3A_120 = arith.constant 0 : i32
      %dma_start3A_121 = tpu.memref_slice %arg2[%dma_start3A_119, %dma_start3A_120] : memref<10000x32xf32, #tpu.memory_space<hbm>> -> memref<10000x32xf32, #tpu.memory_space<hbm>>
      tpu.enqueue_indirect_dma source(%dma_start3A_121 : memref<10000x32xf32, #tpu.memory_space<hbm>>) target(%arg10 : memref<128x32xf32, #tpu.memory_space<vmem>>) offsets(%dma_start3A_118 : memref<128xi32, #tpu.memory_space<vmem>>) semaphore(%arg13 : memref<!tpu.dma_semaphore, #tpu.memory_space<semaphore_mem>>)
      %dma_wait3A_122 = arith.constant 0 : i32
      %dma_wait3A_123 = tpu.memref_slice %arg6[%add3A_87, %dma_wait3A_122] : memref<80x128xi32, #tpu.memory_space<vmem>> -> memref<1x128xi32, #tpu.memory_space<vmem>>
      %dma_wait3A_124 = tpu.memref_squeeze %dma_wait3A_123 : memref<1x128xi32, #tpu.memory_space<vmem>> -> memref<128xi32, #tpu.memory_space<vmem>>
      %dma_wait3A_125 = arith.constant 0 : i32
      %dma_wait3A_126 = arith.constant 0 : i32
      %dma_wait3A_127 = tpu.memref_slice %arg2[%dma_wait3A_125, %dma_wait3A_126] : memref<10000x32xf32, #tpu.memory_space<hbm>> -> memref<10000x32xf32, #tpu.memory_space<hbm>>
      tpu.wait_indirect_dma semaphore(%arg13 : memref<!tpu.dma_semaphore, #tpu.memory_space<semaphore_mem>>) src(%dma_wait3A_127 : memref<10000x32xf32, #tpu.memory_space<hbm>>) dst(%arg9 : memref<128x32xf32, #tpu.memory_space<vmem>>)
      %mul3A_128 = arith.constant 8 : i32
      %mul3A_129 = arith.muli %scan3A_75, %mul3A_128 : i32
      %add3A_130 = arith.constant 1 : i32
      %add3A_131 = arith.addi %mul3A_129, %add3A_130 : i32
      %dma_start3A_132 = arith.constant 0 : i32
      %dma_start3A_133 = tpu.memref_slice %arg7[%add3A_131, %dma_start3A_132] : memref<80x128xi32, #tpu.memory_space<vmem>> -> memref<1x128xi32, #tpu.memory_space<vmem>>
      %dma_start3A_134 = tpu.memref_squeeze %dma_start3A_133 : memref<1x128xi32, #tpu.memory_space<vmem>> -> memref<128xi32, #tpu.memory_space<vmem>>
      %dma_start3A_135 = arith.constant 0 : i32
      %dma_start3A_136 = arith.constant 0 : i32
      %dma_start3A_137 = tpu.memref_slice %arg12[%dma_start3A_135, %dma_start3A_136] : memref<10240x32xf32, #tpu.memory_space<vmem_shared>> -> memref<10240x32xf32, #tpu.memory_space<vmem_shared>>
      tpu.enqueue_indirect_dma source(%arg9 : memref<128x32xf32, #tpu.memory_space<vmem>>) target(%dma_start3A_137 : memref<10240x32xf32, #tpu.memory_space<vmem_shared>>) offsets(%dma_start3A_134 : memref<128xi32, #tpu.memory_space<vmem>>) semaphore(%arg14 : memref<!tpu.dma_semaphore, #tpu.memory_space<semaphore_mem>>) {add = true}
      %mul3A_138 = arith.constant 8 : i32
      %mul3A_139 = arith.muli %scan3A_75, %mul3A_138 : i32
      %add3A_140 = arith.constant 1 : i32
      %add3A_141 = arith.addi %mul3A_139, %add3A_140 : i32
      %add3A_142 = arith.constant 2 : i32
      %add3A_143 = arith.addi %add3A_141, %add3A_142 : i32
      %dma_start3A_144 = arith.constant 0 : i32
      %dma_start3A_145 = tpu.memref_slice %arg6[%add3A_143, %dma_start3A_144] : memref<80x128xi32, #tpu.memory_space<vmem>> -> memref<1x128xi32, #tpu.memory_space<vmem>>
      %dma_start3A_146 = tpu.memref_squeeze %dma_start3A_145 : memref<1x128xi32, #tpu.memory_space<vmem>> -> memref<128xi32, #tpu.memory_space<vmem>>
      %dma_start3A_147 = arith.constant 0 : i32
      %dma_start3A_148 = arith.constant 0 : i32
      %dma_start3A_149 = tpu.memref_slice %arg2[%dma_start3A_147, %dma_start3A_148] : memref<10000x32xf32, #tpu.memory_space<hbm>> -> memref<10000x32xf32, #tpu.memory_space<hbm>>
      tpu.enqueue_indirect_dma source(%dma_start3A_149 : memref<10000x32xf32, #tpu.memory_space<hbm>>) target(%arg11 : memref<128x32xf32, #tpu.memory_space<vmem>>) offsets(%dma_start3A_146 : memref<128xi32, #tpu.memory_space<vmem>>) semaphore(%arg13 : memref<!tpu.dma_semaphore, #tpu.memory_space<semaphore_mem>>)
      %dma_wait3A_150 = arith.constant 0 : i32
      %dma_wait3A_151 = tpu.memref_slice %arg6[%add3A_115, %dma_wait3A_150] : memref<80x128xi32, #tpu.memory_space<vmem>> -> memref<1x128xi32, #tpu.memory_space<vmem>>
      %dma_wait3A_152 = tpu.memref_squeeze %dma_wait3A_151 : memref<1x128xi32, #tpu.memory_space<vmem>> -> memref<128xi32, #tpu.memory_space<vmem>>
      %dma_wait3A_153 = arith.constant 0 : i32
      %dma_wait3A_154 = arith.constant 0 : i32
      %dma_wait3A_155 = tpu.memref_slice %arg2[%dma_wait3A_153, %dma_wait3A_154] : memref<10000x32xf32, #tpu.memory_space<hbm>> -> memref<10000x32xf32, #tpu.memory_space<hbm>>
      tpu.wait_indirect_dma semaphore(%arg13 : memref<!tpu.dma_semaphore, #tpu.memory_space<semaphore_mem>>) src(%dma_wait3A_155 : memref<10000x32xf32, #tpu.memory_space<hbm>>) dst(%arg10 : memref<128x32xf32, #tpu.memory_space<vmem>>)
      %mul3A_156 = arith.constant 8 : i32
      %mul3A_157 = arith.muli %scan3A_75, %mul3A_156 : i32
      %add3A_158 = arith.constant 2 : i32
      %add3A_159 = arith.addi %mul3A_157, %add3A_158 : i32
      %dma_start3A_160 = arith.constant 0 : i32
      %dma_start3A_161 = tpu.memref_slice %arg7[%add3A_159, %dma_start3A_160] : memref<80x128xi32, #tpu.memory_space<vmem>> -> memref<1x128xi32, #tpu.memory_space<vmem>>
      %dma_start3A_162 = tpu.memref_squeeze %dma_start3A_161 : memref<1x128xi32, #tpu.memory_space<vmem>> -> memref<128xi32, #tpu.memory_space<vmem>>
      %dma_start3A_163 = arith.constant 0 : i32
      %dma_start3A_164 = arith.constant 0 : i32
      %dma_start3A_165 = tpu.memref_slice %arg12[%dma_start3A_163, %dma_start3A_164] : memref<10240x32xf32, #tpu.memory_space<vmem_shared>> -> memref<10240x32xf32, #tpu.memory_space<vmem_shared>>
      tpu.enqueue_indirect_dma source(%arg10 : memref<128x32xf32, #tpu.memory_space<vmem>>) target(%dma_start3A_165 : memref<10240x32xf32, #tpu.memory_space<vmem_shared>>) offsets(%dma_start3A_162 : memref<128xi32, #tpu.memory_space<vmem>>) semaphore(%arg14 : memref<!tpu.dma_semaphore, #tpu.memory_space<semaphore_mem>>) {add = true}
      %dma_wait3A_166 = arith.constant 0 : i32
      %dma_wait3A_167 = tpu.memref_slice %arg7[%add3A_103, %dma_wait3A_166] : memref<80x128xi32, #tpu.memory_space<vmem>> -> memref<1x128xi32, #tpu.memory_space<vmem>>
      %dma_wait3A_168 = tpu.memref_squeeze %dma_wait3A_167 : memref<1x128xi32, #tpu.memory_space<vmem>> -> memref<128xi32, #tpu.memory_space<vmem>>
      %dma_wait3A_169 = arith.constant 0 : i32
      %dma_wait3A_170 = arith.constant 0 : i32
      %dma_wait3A_171 = tpu.memref_slice %arg12[%dma_wait3A_169, %dma_wait3A_170] : memref<10240x32xf32, #tpu.memory_space<vmem_shared>> -> memref<10240x32xf32, #tpu.memory_space<vmem_shared>>
      tpu.wait_indirect_dma semaphore(%arg14 : memref<!tpu.dma_semaphore, #tpu.memory_space<semaphore_mem>>) src(%arg8 : memref<128x32xf32, #tpu.memory_space<vmem>>) dst(%dma_wait3A_171 : memref<10240x32xf32, #tpu.memory_space<vmem_shared>>)
      %mul3A_172 = arith.constant 8 : i32
      %mul3A_173 = arith.muli %scan3A_75, %mul3A_172 : i32
      %add3A_174 = arith.constant 2 : i32
      %add3A_175 = arith.addi %mul3A_173, %add3A_174 : i32
      %add3A_176 = arith.constant 2 : i32
      %add3A_177 = arith.addi %add3A_175, %add3A_176 : i32
      %dma_start3A_178 = arith.constant 0 : i32
      %dma_start3A_179 = tpu.memref_slice %arg6[%add3A_177, %dma_start3A_178] : memref<80x128xi32, #tpu.memory_space<vmem>> -> memref<1x128xi32, #tpu.memory_space<vmem>>
      %dma_start3A_180 = tpu.memref_squeeze %dma_start3A_179 : memref<1x128xi32, #tpu.memory_space<vmem>> -> memref<128xi32, #tpu.memory_space<vmem>>
      %dma_start3A_181 = arith.constant 0 : i32
      %dma_start3A_182 = arith.constant 0 : i32
      %dma_start3A_183 = tpu.memref_slice %arg2[%dma_start3A_181, %dma_start3A_182] : memref<10000x32xf32, #tpu.memory_space<hbm>> -> memref<10000x32xf32, #tpu.memory_space<hbm>>
      tpu.enqueue_indirect_dma source(%dma_start3A_183 : memref<10000x32xf32, #tpu.memory_space<hbm>>) target(%arg8 : memref<128x32xf32, #tpu.memory_space<vmem>>) offsets(%dma_start3A_180 : memref<128xi32, #tpu.memory_space<vmem>>) semaphore(%arg13 : memref<!tpu.dma_semaphore, #tpu.memory_space<semaphore_mem>>)
      %dma_wait3A_184 = arith.constant 0 : i32
      %dma_wait3A_185 = tpu.memref_slice %arg6[%add3A_143, %dma_wait3A_184] : memref<80x128xi32, #tpu.memory_space<vmem>> -> memref<1x128xi32, #tpu.memory_space<vmem>>
      %dma_wait3A_186 = tpu.memref_squeeze %dma_wait3A_185 : memref<1x128xi32, #tpu.memory_space<vmem>> -> memref<128xi32, #tpu.memory_space<vmem>>
      %dma_wait3A_187 = arith.constant 0 : i32
      %dma_wait3A_188 = arith.constant 0 : i32
      %dma_wait3A_189 = tpu.memref_slice %arg2[%dma_wait3A_187, %dma_wait3A_188] : memref<10000x32xf32, #tpu.memory_space<hbm>> -> memref<10000x32xf32, #tpu.memory_space<hbm>>
      tpu.wait_indirect_dma semaphore(%arg13 : memref<!tpu.dma_semaphore, #tpu.memory_space<semaphore_mem>>) src(%dma_wait3A_189 : memref<10000x32xf32, #tpu.memory_space<hbm>>) dst(%arg11 : memref<128x32xf32, #tpu.memory_space<vmem>>)
      %mul3A_190 = arith.constant 8 : i32
      %mul3A_191 = arith.muli %scan3A_75, %mul3A_190 : i32
      %add3A_192 = arith.constant 3 : i32
      %add3A_193 = arith.addi %mul3A_191, %add3A_192 : i32
      %dma_start3A_194 = arith.constant 0 : i32
      %dma_start3A_195 = tpu.memref_slice %arg7[%add3A_193, %dma_start3A_194] : memref<80x128xi32, #tpu.memory_space<vmem>> -> memref<1x128xi32, #tpu.memory_space<vmem>>
      %dma_start3A_196 = tpu.memref_squeeze %dma_start3A_195 : memref<1x128xi32, #tpu.memory_space<vmem>> -> memref<128xi32, #tpu.memory_space<vmem>>
      %dma_start3A_197 = arith.constant 0 : i32
      %dma_start3A_198 = arith.constant 0 : i32
      %dma_start3A_199 = tpu.memref_slice %arg12[%dma_start3A_197, %dma_start3A_198] : memref<10240x32xf32, #tpu.memory_space<vmem_shared>> -> memref<10240x32xf32, #tpu.memory_space<vmem_shared>>
      tpu.enqueue_indirect_dma source(%arg11 : memref<128x32xf32, #tpu.memory_space<vmem>>) target(%dma_start3A_199 : memref<10240x32xf32, #tpu.memory_space<vmem_shared>>) offsets(%dma_start3A_196 : memref<128xi32, #tpu.memory_space<vmem>>) semaphore(%arg14 : memref<!tpu.dma_semaphore, #tpu.memory_space<semaphore_mem>>) {add = true}
      %dma_wait3A_200 = arith.constant 0 : i32
      %dma_wait3A_201 = tpu.memref_slice %arg7[%add3A_131, %dma_wait3A_200] : memref<80x128xi32, #tpu.memory_space<vmem>> -> memref<1x128xi32, #tpu.memory_space<vmem>>
      %dma_wait3A_202 = tpu.memref_squeeze %dma_wait3A_201 : memref<1x128xi32, #tpu.memory_space<vmem>> -> memref<128xi32, #tpu.memory_space<vmem>>
      %dma_wait3A_203 = arith.constant 0 : i32
      %dma_wait3A_204 = arith.constant 0 : i32
      %dma_wait3A_205 = tpu.memref_slice %arg12[%dma_wait3A_203, %dma_wait3A_204] : memref<10240x32xf32, #tpu.memory_space<vmem_shared>> -> memref<10240x32xf32, #tpu.memory_space<vmem_shared>>
      tpu.wait_indirect_dma semaphore(%arg14 : memref<!tpu.dma_semaphore, #tpu.memory_space<semaphore_mem>>) src(%arg9 : memref<128x32xf32, #tpu.memory_space<vmem>>) dst(%dma_wait3A_205 : memref<10240x32xf32, #tpu.memory_space<vmem_shared>>)
      %mul3A_206 = arith.constant 8 : i32
      %mul3A_207 = arith.muli %scan3A_75, %mul3A_206 : i32
      %add3A_208 = arith.constant 3 : i32
      %add3A_209 = arith.addi %mul3A_207, %add3A_208 : i32
      %add3A_210 = arith.constant 2 : i32
      %add3A_211 = arith.addi %add3A_209, %add3A_210 : i32
      %dma_start3A_212 = arith.constant 0 : i32
      %dma_start3A_213 = tpu.memref_slice %arg6[%add3A_211, %dma_start3A_212] : memref<80x128xi32, #tpu.memory_space<vmem>> -> memref<1x128xi32, #tpu.memory_space<vmem>>
      %dma_start3A_214 = tpu.memref_squeeze %dma_start3A_213 : memref<1x128xi32, #tpu.memory_space<vmem>> -> memref<128xi32, #tpu.memory_space<vmem>>
      %dma_start3A_215 = arith.constant 0 : i32
      %dma_start3A_216 = arith.constant 0 : i32
      %dma_start3A_217 = tpu.memref_slice %arg2[%dma_start3A_215, %dma_start3A_216] : memref<10000x32xf32, #tpu.memory_space<hbm>> -> memref<10000x32xf32, #tpu.memory_space<hbm>>
      tpu.enqueue_indirect_dma source(%dma_start3A_217 : memref<10000x32xf32, #tpu.memory_space<hbm>>) target(%arg9 : memref<128x32xf32, #tpu.memory_space<vmem>>) offsets(%dma_start3A_214 : memref<128xi32, #tpu.memory_space<vmem>>) semaphore(%arg13 : memref<!tpu.dma_semaphore, #tpu.memory_space<semaphore_mem>>)
      %dma_wait3A_218 = arith.constant 0 : i32
      %dma_wait3A_219 = tpu.memref_slice %arg6[%add3A_177, %dma_wait3A_218] : memref<80x128xi32, #tpu.memory_space<vmem>> -> memref<1x128xi32, #tpu.memory_space<vmem>>
      %dma_wait3A_220 = tpu.memref_squeeze %dma_wait3A_219 : memref<1x128xi32, #tpu.memory_space<vmem>> -> memref<128xi32, #tpu.memory_space<vmem>>
      %dma_wait3A_221 = arith.constant 0 : i32
      %dma_wait3A_222 = arith.constant 0 : i32
      %dma_wait3A_223 = tpu.memref_slice %arg2[%dma_wait3A_221, %dma_wait3A_222] : memref<10000x32xf32, #tpu.memory_space<hbm>> -> memref<10000x32xf32, #tpu.memory_space<hbm>>
      tpu.wait_indirect_dma semaphore(%arg13 : memref<!tpu.dma_semaphore, #tpu.memory_space<semaphore_mem>>) src(%dma_wait3A_223 : memref<10000x32xf32, #tpu.memory_space<hbm>>) dst(%arg8 : memref<128x32xf32, #tpu.memory_space<vmem>>)
      %mul3A_224 = arith.constant 8 : i32
      %mul3A_225 = arith.muli %scan3A_75, %mul3A_224 : i32
      %add3A_226 = arith.constant 4 : i32
      %add3A_227 = arith.addi %mul3A_225, %add3A_226 : i32
      %dma_start3A_228 = arith.constant 0 : i32
      %dma_start3A_229 = tpu.memref_slice %arg7[%add3A_227, %dma_start3A_228] : memref<80x128xi32, #tpu.memory_space<vmem>> -> memref<1x128xi32, #tpu.memory_space<vmem>>
      %dma_start3A_230 = tpu.memref_squeeze %dma_start3A_229 : memref<1x128xi32, #tpu.memory_space<vmem>> -> memref<128xi32, #tpu.memory_space<vmem>>
      %dma_start3A_231 = arith.constant 0 : i32
      %dma_start3A_232 = arith.constant 0 : i32
      %dma_start3A_233 = tpu.memref_slice %arg12[%dma_start3A_231, %dma_start3A_232] : memref<10240x32xf32, #tpu.memory_space<vmem_shared>> -> memref<10240x32xf32, #tpu.memory_space<vmem_shared>>
      tpu.enqueue_indirect_dma source(%arg8 : memref<128x32xf32, #tpu.memory_space<vmem>>) target(%dma_start3A_233 : memref<10240x32xf32, #tpu.memory_space<vmem_shared>>) offsets(%dma_start3A_230 : memref<128xi32, #tpu.memory_space<vmem>>) semaphore(%arg14 : memref<!tpu.dma_semaphore, #tpu.memory_space<semaphore_mem>>) {add = true}
      %dma_wait3A_234 = arith.constant 0 : i32
      %dma_wait3A_235 = tpu.memref_slice %arg7[%add3A_159, %dma_wait3A_234] : memref<80x128xi32, #tpu.memory_space<vmem>> -> memref<1x128xi32, #tpu.memory_space<vmem>>
      %dma_wait3A_236 = tpu.memref_squeeze %dma_wait3A_235 : memref<1x128xi32, #tpu.memory_space<vmem>> -> memref<128xi32, #tpu.memory_space<vmem>>
      %dma_wait3A_237 = arith.constant 0 : i32
      %dma_wait3A_238 = arith.constant 0 : i32
      %dma_wait3A_239 = tpu.memref_slice %arg12[%dma_wait3A_237, %dma_wait3A_238] : memref<10240x32xf32, #tpu.memory_space<vmem_shared>> -> memref<10240x32xf32, #tpu.memory_space<vmem_shared>>
      tpu.wait_indirect_dma semaphore(%arg14 : memref<!tpu.dma_semaphore, #tpu.memory_space<semaphore_mem>>) src(%arg10 : memref<128x32xf32, #tpu.memory_space<vmem>>) dst(%dma_wait3A_239 : memref<10240x32xf32, #tpu.memory_space<vmem_shared>>)
      %mul3A_240 = arith.constant 8 : i32
      %mul3A_241 = arith.muli %scan3A_75, %mul3A_240 : i32
      %add3A_242 = arith.constant 4 : i32
      %add3A_243 = arith.addi %mul3A_241, %add3A_242 : i32
      %add3A_244 = arith.constant 2 : i32
      %add3A_245 = arith.addi %add3A_243, %add3A_244 : i32
      %dma_start3A_246 = arith.constant 0 : i32
      %dma_start3A_247 = tpu.memref_slice %arg6[%add3A_245, %dma_start3A_246] : memref<80x128xi32, #tpu.memory_space<vmem>> -> memref<1x128xi32, #tpu.memory_space<vmem>>
      %dma_start3A_248 = tpu.memref_squeeze %dma_start3A_247 : memref<1x128xi32, #tpu.memory_space<vmem>> -> memref<128xi32, #tpu.memory_space<vmem>>
      %dma_start3A_249 = arith.constant 0 : i32
      %dma_start3A_250 = arith.constant 0 : i32
      %dma_start3A_251 = tpu.memref_slice %arg2[%dma_start3A_249, %dma_start3A_250] : memref<10000x32xf32, #tpu.memory_space<hbm>> -> memref<10000x32xf32, #tpu.memory_space<hbm>>
      tpu.enqueue_indirect_dma source(%dma_start3A_251 : memref<10000x32xf32, #tpu.memory_space<hbm>>) target(%arg10 : memref<128x32xf32, #tpu.memory_space<vmem>>) offsets(%dma_start3A_248 : memref<128xi32, #tpu.memory_space<vmem>>) semaphore(%arg13 : memref<!tpu.dma_semaphore, #tpu.memory_space<semaphore_mem>>)
      %dma_wait3A_252 = arith.constant 0 : i32
      %dma_wait3A_253 = tpu.memref_slice %arg6[%add3A_211, %dma_wait3A_252] : memref<80x128xi32, #tpu.memory_space<vmem>> -> memref<1x128xi32, #tpu.memory_space<vmem>>
      %dma_wait3A_254 = tpu.memref_squeeze %dma_wait3A_253 : memref<1x128xi32, #tpu.memory_space<vmem>> -> memref<128xi32, #tpu.memory_space<vmem>>
      %dma_wait3A_255 = arith.constant 0 : i32
      %dma_wait3A_256 = arith.constant 0 : i32
      %dma_wait3A_257 = tpu.memref_slice %arg2[%dma_wait3A_255, %dma_wait3A_256] : memref<10000x32xf32, #tpu.memory_space<hbm>> -> memref<10000x32xf32, #tpu.memory_space<hbm>>
      tpu.wait_indirect_dma semaphore(%arg13 : memref<!tpu.dma_semaphore, #tpu.memory_space<semaphore_mem>>) src(%dma_wait3A_257 : memref<10000x32xf32, #tpu.memory_space<hbm>>) dst(%arg9 : memref<128x32xf32, #tpu.memory_space<vmem>>)
      %mul3A_258 = arith.constant 8 : i32
      %mul3A_259 = arith.muli %scan3A_75, %mul3A_258 : i32
      %add3A_260 = arith.constant 5 : i32
      %add3A_261 = arith.addi %mul3A_259, %add3A_260 : i32
      %dma_start3A_262 = arith.constant 0 : i32
      %dma_start3A_263 = tpu.memref_slice %arg7[%add3A_261, %dma_start3A_262] : memref<80x128xi32, #tpu.memory_space<vmem>> -> memref<1x128xi32, #tpu.memory_space<vmem>>
      %dma_start3A_264 = tpu.memref_squeeze %dma_start3A_263 : memref<1x128xi32, #tpu.memory_space<vmem>> -> memref<128xi32, #tpu.memory_space<vmem>>
      %dma_start3A_265 = arith.constant 0 : i32
      %dma_start3A_266 = arith.constant 0 : i32
      %dma_start3A_267 = tpu.memref_slice %arg12[%dma_start3A_265, %dma_start3A_266] : memref<10240x32xf32, #tpu.memory_space<vmem_shared>> -> memref<10240x32xf32, #tpu.memory_space<vmem_shared>>
      tpu.enqueue_indirect_dma source(%arg9 : memref<128x32xf32, #tpu.memory_space<vmem>>) target(%dma_start3A_267 : memref<10240x32xf32, #tpu.memory_space<vmem_shared>>) offsets(%dma_start3A_264 : memref<128xi32, #tpu.memory_space<vmem>>) semaphore(%arg14 : memref<!tpu.dma_semaphore, #tpu.memory_space<semaphore_mem>>) {add = true}
      %dma_wait3A_268 = arith.constant 0 : i32
      %dma_wait3A_269 = tpu.memref_slice %arg7[%add3A_193, %dma_wait3A_268] : memref<80x128xi32, #tpu.memory_space<vmem>> -> memref<1x128xi32, #tpu.memory_space<vmem>>
      %dma_wait3A_270 = tpu.memref_squeeze %dma_wait3A_269 : memref<1x128xi32, #tpu.memory_space<vmem>> -> memref<128xi32, #tpu.memory_space<vmem>>
      %dma_wait3A_271 = arith.constant 0 : i32
      %dma_wait3A_272 = arith.constant 0 : i32
      %dma_wait3A_273 = tpu.memref_slice %arg12[%dma_wait3A_271, %dma_wait3A_272] : memref<10240x32xf32, #tpu.memory_space<vmem_shared>> -> memref<10240x32xf32, #tpu.memory_space<vmem_shared>>
      tpu.wait_indirect_dma semaphore(%arg14 : memref<!tpu.dma_semaphore, #tpu.memory_space<semaphore_mem>>) src(%arg11 : memref<128x32xf32, #tpu.memory_space<vmem>>) dst(%dma_wait3A_273 : memref<10240x32xf32, #tpu.memory_space<vmem_shared>>)
      %mul3A_274 = arith.constant 8 : i32
      %mul3A_275 = arith.muli %scan3A_75, %mul3A_274 : i32
      %add3A_276 = arith.constant 5 : i32
      %add3A_277 = arith.addi %mul3A_275, %add3A_276 : i32
      %add3A_278 = arith.constant 2 : i32
      %add3A_279 = arith.addi %add3A_277, %add3A_278 : i32
      %dma_start3A_280 = arith.constant 0 : i32
      %dma_start3A_281 = tpu.memref_slice %arg6[%add3A_279, %dma_start3A_280] : memref<80x128xi32, #tpu.memory_space<vmem>> -> memref<1x128xi32, #tpu.memory_space<vmem>>
      %dma_start3A_282 = tpu.memref_squeeze %dma_start3A_281 : memref<1x128xi32, #tpu.memory_space<vmem>> -> memref<128xi32, #tpu.memory_space<vmem>>
      %dma_start3A_283 = arith.constant 0 : i32
      %dma_start3A_284 = arith.constant 0 : i32
      %dma_start3A_285 = tpu.memref_slice %arg2[%dma_start3A_283, %dma_start3A_284] : memref<10000x32xf32, #tpu.memory_space<hbm>> -> memref<10000x32xf32, #tpu.memory_space<hbm>>
      tpu.enqueue_indirect_dma source(%dma_start3A_285 : memref<10000x32xf32, #tpu.memory_space<hbm>>) target(%arg11 : memref<128x32xf32, #tpu.memory_space<vmem>>) offsets(%dma_start3A_282 : memref<128xi32, #tpu.memory_space<vmem>>) semaphore(%arg13 : memref<!tpu.dma_semaphore, #tpu.memory_space<semaphore_mem>>)
      %dma_wait3A_286 = arith.constant 0 : i32
      %dma_wait3A_287 = tpu.memref_slice %arg6[%add3A_245, %dma_wait3A_286] : memref<80x128xi32, #tpu.memory_space<vmem>> -> memref<1x128xi32, #tpu.memory_space<vmem>>
      %dma_wait3A_288 = tpu.memref_squeeze %dma_wait3A_287 : memref<1x128xi32, #tpu.memory_space<vmem>> -> memref<128xi32, #tpu.memory_space<vmem>>
      %dma_wait3A_289 = arith.constant 0 : i32
      %dma_wait3A_290 = arith.constant 0 : i32
      %dma_wait3A_291 = tpu.memref_slice %arg2[%dma_wait3A_289, %dma_wait3A_290] : memref<10000x32xf32, #tpu.memory_space<hbm>> -> memref<10000x32xf32, #tpu.memory_space<hbm>>
      tpu.wait_indirect_dma semaphore(%arg13 : memref<!tpu.dma_semaphore, #tpu.memory_space<semaphore_mem>>) src(%dma_wait3A_291 : memref<10000x32xf32, #tpu.memory_space<hbm>>) dst(%arg10 : memref<128x32xf32, #tpu.memory_space<vmem>>)
      %mul3A_292 = arith.constant 8 : i32
      %mul3A_293 = arith.muli %scan3A_75, %mul3A_292 : i32
      %add3A_294 = arith.constant 6 : i32
      %add3A_295 = arith.addi %mul3A_293, %add3A_294 : i32
      %dma_start3A_296 = arith.constant 0 : i32
      %dma_start3A_297 = tpu.memref_slice %arg7[%add3A_295, %dma_start3A_296] : memref<80x128xi32, #tpu.memory_space<vmem>> -> memref<1x128xi32, #tpu.memory_space<vmem>>
      %dma_start3A_298 = tpu.memref_squeeze %dma_start3A_297 : memref<1x128xi32, #tpu.memory_space<vmem>> -> memref<128xi32, #tpu.memory_space<vmem>>
      %dma_start3A_299 = arith.constant 0 : i32
      %dma_start3A_300 = arith.constant 0 : i32
      %dma_start3A_301 = tpu.memref_slice %arg12[%dma_start3A_299, %dma_start3A_300] : memref<10240x32xf32, #tpu.memory_space<vmem_shared>> -> memref<10240x32xf32, #tpu.memory_space<vmem_shared>>
      tpu.enqueue_indirect_dma source(%arg10 : memref<128x32xf32, #tpu.memory_space<vmem>>) target(%dma_start3A_301 : memref<10240x32xf32, #tpu.memory_space<vmem_shared>>) offsets(%dma_start3A_298 : memref<128xi32, #tpu.memory_space<vmem>>) semaphore(%arg14 : memref<!tpu.dma_semaphore, #tpu.memory_space<semaphore_mem>>) {add = true}
      %dma_wait3A_302 = arith.constant 0 : i32
      %dma_wait3A_303 = tpu.memref_slice %arg6[%add3A_279, %dma_wait3A_302] : memref<80x128xi32, #tpu.memory_space<vmem>> -> memref<1x128xi32, #tpu.memory_space<vmem>>
      %dma_wait3A_304 = tpu.memref_squeeze %dma_wait3A_303 : memref<1x128xi32, #tpu.memory_space<vmem>> -> memref<128xi32, #tpu.memory_space<vmem>>
      %dma_wait3A_305 = arith.constant 0 : i32
      %dma_wait3A_306 = arith.constant 0 : i32
      %dma_wait3A_307 = tpu.memref_slice %arg2[%dma_wait3A_305, %dma_wait3A_306] : memref<10000x32xf32, #tpu.memory_space<hbm>> -> memref<10000x32xf32, #tpu.memory_space<hbm>>
      tpu.wait_indirect_dma semaphore(%arg13 : memref<!tpu.dma_semaphore, #tpu.memory_space<semaphore_mem>>) src(%dma_wait3A_307 : memref<10000x32xf32, #tpu.memory_space<hbm>>) dst(%arg11 : memref<128x32xf32, #tpu.memory_space<vmem>>)
      %mul3A_308 = arith.constant 8 : i32
      %mul3A_309 = arith.muli %scan3A_75, %mul3A_308 : i32
      %add3A_310 = arith.constant 7 : i32
      %add3A_311 = arith.addi %mul3A_309, %add3A_310 : i32
      %dma_start3A_312 = arith.constant 0 : i32
      %dma_start3A_313 = tpu.memref_slice %arg7[%add3A_311, %dma_start3A_312] : memref<80x128xi32, #tpu.memory_space<vmem>> -> memref<1x128xi32, #tpu.memory_space<vmem>>
      %dma_start3A_314 = tpu.memref_squeeze %dma_start3A_313 : memref<1x128xi32, #tpu.memory_space<vmem>> -> memref<128xi32, #tpu.memory_space<vmem>>
      %dma_start3A_315 = arith.constant 0 : i32
      %dma_start3A_316 = arith.constant 0 : i32
      %dma_start3A_317 = tpu.memref_slice %arg12[%dma_start3A_315, %dma_start3A_316] : memref<10240x32xf32, #tpu.memory_space<vmem_shared>> -> memref<10240x32xf32, #tpu.memory_space<vmem_shared>>
      tpu.enqueue_indirect_dma source(%arg11 : memref<128x32xf32, #tpu.memory_space<vmem>>) target(%dma_start3A_317 : memref<10240x32xf32, #tpu.memory_space<vmem_shared>>) offsets(%dma_start3A_314 : memref<128xi32, #tpu.memory_space<vmem>>) semaphore(%arg14 : memref<!tpu.dma_semaphore, #tpu.memory_space<semaphore_mem>>) {add = true}
      %dma_wait3A_318 = arith.constant 0 : i32
      %dma_wait3A_319 = tpu.memref_slice %arg7[%add3A_227, %dma_wait3A_318] : memref<80x128xi32, #tpu.memory_space<vmem>> -> memref<1x128xi32, #tpu.memory_space<vmem>>
      %dma_wait3A_320 = tpu.memref_squeeze %dma_wait3A_319 : memref<1x128xi32, #tpu.memory_space<vmem>> -> memref<128xi32, #tpu.memory_space<vmem>>
      %dma_wait3A_321 = arith.constant 0 : i32
      %dma_wait3A_322 = arith.constant 0 : i32
      %dma_wait3A_323 = tpu.memref_slice %arg12[%dma_wait3A_321, %dma_wait3A_322] : memref<10240x32xf32, #tpu.memory_space<vmem_shared>> -> memref<10240x32xf32, #tpu.memory_space<vmem_shared>>
      tpu.wait_indirect_dma semaphore(%arg14 : memref<!tpu.dma_semaphore, #tpu.memory_space<semaphore_mem>>) src(%arg8 : memref<128x32xf32, #tpu.memory_space<vmem>>) dst(%dma_wait3A_323 : memref<10240x32xf32, #tpu.memory_space<vmem_shared>>)
      %dma_wait3A_324 = arith.constant 0 : i32
      %dma_wait3A_325 = tpu.memref_slice %arg7[%add3A_261, %dma_wait3A_324] : memref<80x128xi32, #tpu.memory_space<vmem>> -> memref<1x128xi32, #tpu.memory_space<vmem>>
      %dma_wait3A_326 = tpu.memref_squeeze %dma_wait3A_325 : memref<1x128xi32, #tpu.memory_space<vmem>> -> memref<128xi32, #tpu.memory_space<vmem>>
      %dma_wait3A_327 = arith.constant 0 : i32
      %dma_wait3A_328 = arith.constant 0 : i32
      %dma_wait3A_329 = tpu.memref_slice %arg12[%dma_wait3A_327, %dma_wait3A_328] : memref<10240x32xf32, #tpu.memory_space<vmem_shared>> -> memref<10240x32xf32, #tpu.memory_space<vmem_shared>>
      tpu.wait_indirect_dma semaphore(%arg14 : memref<!tpu.dma_semaphore, #tpu.memory_space<semaphore_mem>>) src(%arg9 : memref<128x32xf32, #tpu.memory_space<vmem>>) dst(%dma_wait3A_329 : memref<10240x32xf32, #tpu.memory_space<vmem_shared>>)
      %dma_wait3A_330 = arith.constant 0 : i32
      %dma_wait3A_331 = tpu.memref_slice %arg7[%add3A_295, %dma_wait3A_330] : memref<80x128xi32, #tpu.memory_space<vmem>> -> memref<1x128xi32, #tpu.memory_space<vmem>>
      %dma_wait3A_332 = tpu.memref_squeeze %dma_wait3A_331 : memref<1x128xi32, #tpu.memory_space<vmem>> -> memref<128xi32, #tpu.memory_space<vmem>>
      %dma_wait3A_333 = arith.constant 0 : i32
      %dma_wait3A_334 = arith.constant 0 : i32
      %dma_wait3A_335 = tpu.memref_slice %arg12[%dma_wait3A_333, %dma_wait3A_334] : memref<10240x32xf32, #tpu.memory_space<vmem_shared>> -> memref<10240x32xf32, #tpu.memory_space<vmem_shared>>
      tpu.wait_indirect_dma semaphore(%arg14 : memref<!tpu.dma_semaphore, #tpu.memory_space<semaphore_mem>>) src(%arg10 : memref<128x32xf32, #tpu.memory_space<vmem>>) dst(%dma_wait3A_335 : memref<10240x32xf32, #tpu.memory_space<vmem_shared>>)
      %dma_wait3A_336 = arith.constant 0 : i32
      %dma_wait3A_337 = tpu.memref_slice %arg7[%add3A_311, %dma_wait3A_336] : memref<80x128xi32, #tpu.memory_space<vmem>> -> memref<1x128xi32, #tpu.memory_space<vmem>>
      %dma_wait3A_338 = tpu.memref_squeeze %dma_wait3A_337 : memref<1x128xi32, #tpu.memory_space<vmem>> -> memref<128xi32, #tpu.memory_space<vmem>>
      %dma_wait3A_339 = arith.constant 0 : i32
      %dma_wait3A_340 = arith.constant 0 : i32
      %dma_wait3A_341 = tpu.memref_slice %arg12[%dma_wait3A_339, %dma_wait3A_340] : memref<10240x32xf32, #tpu.memory_space<vmem_shared>> -> memref<10240x32xf32, #tpu.memory_space<vmem_shared>>
      tpu.wait_indirect_dma semaphore(%arg14 : memref<!tpu.dma_semaphore, #tpu.memory_space<semaphore_mem>>) src(%arg11 : memref<128x32xf32, #tpu.memory_space<vmem>>) dst(%dma_wait3A_341 : memref<10240x32xf32, #tpu.memory_space<vmem_shared>>)
    }
    %scan3A_53 = arith.constant 10 : i32
    %barrier3A_54 = arith.constant 0 : index
    tpu.barrier barrier_id(%barrier3A_54)
    %mul3A_55 = arith.constant 640 : i32
    %mul3A_56 = arith.muli %arg1, %mul3A_55 : i32
    %add3A_57 = arith.constant 0 : i32
    %add3A_58 = arith.addi %mul3A_56, %add3A_57 : i32
    "tpu.region"() ({
      %run_scoped3A = tpu.sem_alloc : memref<!tpu.dma_semaphore, #tpu.memory_space<semaphore_mem>>
      %dma_start3A_75 = arith.constant 0 : i32
      %dma_start3A_76 = arith.constant 0 : i32
      %dma_start3A_77 = tpu.memref_slice %arg5[%arg0, %dma_start3A_75, %dma_start3A_76] : memref<2x10240x32xf32, #tpu.memory_space<hbm>> -> memref<1x10240x32xf32, #tpu.memory_space<hbm>>
      %dma_start3A_78 = tpu.memref_squeeze %dma_start3A_77 : memref<1x10240x32xf32, #tpu.memory_space<hbm>> -> memref<10240x32xf32, #tpu.memory_space<hbm>>
      %dma_start3A_79 = arith.constant 0 : i32
      %dma_start3A_80 = tpu.memref_slice %dma_start3A_78[%add3A_58, %dma_start3A_79] : memref<10240x32xf32, #tpu.memory_space<hbm>> -> memref<128x32xf32, #tpu.memory_space<hbm>>
      %dma_start3A_81 = arith.constant 0 : i32
      %dma_start3A_82 = tpu.memref_slice %arg12[%add3A_58, %dma_start3A_81] : memref<10240x32xf32, #tpu.memory_space<vmem_shared>> -> memref<128x32xf32, #tpu.memory_space<vmem_shared>>
      tpu.enqueue_dma source(%dma_start3A_82 : memref<128x32xf32, #tpu.memory_space<vmem_shared>>) target(%dma_start3A_80 : memref<128x32xf32, #tpu.memory_space<hbm>>) target_semaphore(%run_scoped3A : memref<!tpu.dma_semaphore, #tpu.memory_space<semaphore_mem>>)
      %dma_wait3A_83 = arith.constant 0 : i32
      %dma_wait3A_84 = arith.constant 0 : i32
      %dma_wait3A_85 = tpu.memref_slice %arg5[%arg0, %dma_wait3A_83, %dma_wait3A_84] : memref<2x10240x32xf32, #tpu.memory_space<hbm>> -> memref<1x10240x32xf32, #tpu.memory_space<hbm>>
      %dma_wait3A_86 = tpu.memref_squeeze %dma_wait3A_85 : memref<1x10240x32xf32, #tpu.memory_space<hbm>> -> memref<10240x32xf32, #tpu.memory_space<hbm>>
      %dma_wait3A_87 = arith.constant 0 : i32
      %dma_wait3A_88 = tpu.memref_slice %dma_wait3A_86[%add3A_58, %dma_wait3A_87] : memref<10240x32xf32, #tpu.memory_space<hbm>> -> memref<128x32xf32, #tpu.memory_space<hbm>>
      %dma_wait3A_89 = arith.constant 0 : i32
      %dma_wait3A_90 = tpu.memref_slice %arg12[%add3A_58, %dma_wait3A_89] : memref<10240x32xf32, #tpu.memory_space<vmem_shared>> -> memref<128x32xf32, #tpu.memory_space<vmem_shared>>
      tpu.wait_dma2 semaphore(%run_scoped3A : memref<!tpu.dma_semaphore, #tpu.memory_space<semaphore_mem>>) src(%dma_wait3A_90 : memref<128x32xf32, #tpu.memory_space<vmem_shared>>) dst(%dma_wait3A_88 : memref<128x32xf32, #tpu.memory_space<hbm>>)
      tpu.yield
    }) : () -> ()
    %mul3A_59 = arith.constant 640 : i32
    %mul3A_60 = arith.muli %arg1, %mul3A_59 : i32
    %add3A_61 = arith.constant 128 : i32
    %add3A_62 = arith.addi %mul3A_60, %add3A_61 : i32
    "tpu.region"() ({
      %run_scoped3A = tpu.sem_alloc : memref<!tpu.dma_semaphore, #tpu.memory_space<semaphore_mem>>
      %dma_start3A_75 = arith.constant 0 : i32
      %dma_start3A_76 = arith.constant 0 : i32
      %dma_start3A_77 = tpu.memref_slice %arg5[%arg0, %dma_start3A_75, %dma_start3A_76] : memref<2x10240x32xf32, #tpu.memory_space<hbm>> -> memref<1x10240x32xf32, #tpu.memory_space<hbm>>
      %dma_start3A_78 = tpu.memref_squeeze %dma_start3A_77 : memref<1x10240x32xf32, #tpu.memory_space<hbm>> -> memref<10240x32xf32, #tpu.memory_space<hbm>>
      %dma_start3A_79 = arith.constant 0 : i32
      %dma_start3A_80 = tpu.memref_slice %dma_start3A_78[%add3A_62, %dma_start3A_79] : memref<10240x32xf32, #tpu.memory_space<hbm>> -> memref<128x32xf32, #tpu.memory_space<hbm>>
      %dma_start3A_81 = arith.constant 0 : i32
      %dma_start3A_82 = tpu.memref_slice %arg12[%add3A_62, %dma_start3A_81] : memref<10240x32xf32, #tpu.memory_space<vmem_shared>> -> memref<128x32xf32, #tpu.memory_space<vmem_shared>>
      tpu.enqueue_dma source(%dma_start3A_82 : memref<128x32xf32, #tpu.memory_space<vmem_shared>>) target(%dma_start3A_80 : memref<128x32xf32, #tpu.memory_space<hbm>>) target_semaphore(%run_scoped3A : memref<!tpu.dma_semaphore, #tpu.memory_space<semaphore_mem>>)
      %dma_wait3A_83 = arith.constant 0 : i32
      %dma_wait3A_84 = arith.constant 0 : i32
      %dma_wait3A_85 = tpu.memref_slice %arg5[%arg0, %dma_wait3A_83, %dma_wait3A_84] : memref<2x10240x32xf32, #tpu.memory_space<hbm>> -> memref<1x10240x32xf32, #tpu.memory_space<hbm>>
      %dma_wait3A_86 = tpu.memref_squeeze %dma_wait3A_85 : memref<1x10240x32xf32, #tpu.memory_space<hbm>> -> memref<10240x32xf32, #tpu.memory_space<hbm>>
      %dma_wait3A_87 = arith.constant 0 : i32
      %dma_wait3A_88 = tpu.memref_slice %dma_wait3A_86[%add3A_62, %dma_wait3A_87] : memref<10240x32xf32, #tpu.memory_space<hbm>> -> memref<128x32xf32, #tpu.memory_space<hbm>>
      %dma_wait3A_89 = arith.constant 0 : i32
      %dma_wait3A_90 = tpu.memref_slice %arg12[%add3A_62, %dma_wait3A_89] : memref<10240x32xf32, #tpu.memory_space<vmem_shared>> -> memref<128x32xf32, #tpu.memory_space<vmem_shared>>
      tpu.wait_dma2 semaphore(%run_scoped3A : memref<!tpu.dma_semaphore, #tpu.memory_space<semaphore_mem>>) src(%dma_wait3A_90 : memref<128x32xf32, #tpu.memory_space<vmem_shared>>) dst(%dma_wait3A_88 : memref<128x32xf32, #tpu.memory_space<hbm>>)
      tpu.yield
    }) : () -> ()
    %mul3A_63 = arith.constant 640 : i32
    %mul3A_64 = arith.muli %arg1, %mul3A_63 : i32
    %add3A_65 = arith.constant 256 : i32
    %add3A_66 = arith.addi %mul3A_64, %add3A_65 : i32
    "tpu.region"() ({
      %run_scoped3A = tpu.sem_alloc : memref<!tpu.dma_semaphore, #tpu.memory_space<semaphore_mem>>
      %dma_start3A_75 = arith.constant 0 : i32
      %dma_start3A_76 = arith.constant 0 : i32
      %dma_start3A_77 = tpu.memref_slice %arg5[%arg0, %dma_start3A_75, %dma_start3A_76] : memref<2x10240x32xf32, #tpu.memory_space<hbm>> -> memref<1x10240x32xf32, #tpu.memory_space<hbm>>
      %dma_start3A_78 = tpu.memref_squeeze %dma_start3A_77 : memref<1x10240x32xf32, #tpu.memory_space<hbm>> -> memref<10240x32xf32, #tpu.memory_space<hbm>>
      %dma_start3A_79 = arith.constant 0 : i32
      %dma_start3A_80 = tpu.memref_slice %dma_start3A_78[%add3A_66, %dma_start3A_79] : memref<10240x32xf32, #tpu.memory_space<hbm>> -> memref<128x32xf32, #tpu.memory_space<hbm>>
      %dma_start3A_81 = arith.constant 0 : i32
      %dma_start3A_82 = tpu.memref_slice %arg12[%add3A_66, %dma_start3A_81] : memref<10240x32xf32, #tpu.memory_space<vmem_shared>> -> memref<128x32xf32, #tpu.memory_space<vmem_shared>>
      tpu.enqueue_dma source(%dma_start3A_82 : memref<128x32xf32, #tpu.memory_space<vmem_shared>>) target(%dma_start3A_80 : memref<128x32xf32, #tpu.memory_space<hbm>>) target_semaphore(%run_scoped3A : memref<!tpu.dma_semaphore, #tpu.memory_space<semaphore_mem>>)
      %dma_wait3A_83 = arith.constant 0 : i32
      %dma_wait3A_84 = arith.constant 0 : i32
      %dma_wait3A_85 = tpu.memref_slice %arg5[%arg0, %dma_wait3A_83, %dma_wait3A_84] : memref<2x10240x32xf32, #tpu.memory_space<hbm>> -> memref<1x10240x32xf32, #tpu.memory_space<hbm>>
      %dma_wait3A_86 = tpu.memref_squeeze %dma_wait3A_85 : memref<1x10240x32xf32, #tpu.memory_space<hbm>> -> memref<10240x32xf32, #tpu.memory_space<hbm>>
      %dma_wait3A_87 = arith.constant 0 : i32
      %dma_wait3A_88 = tpu.memref_slice %dma_wait3A_86[%add3A_66, %dma_wait3A_87] : memref<10240x32xf32, #tpu.memory_space<hbm>> -> memref<128x32xf32, #tpu.memory_space<hbm>>
      %dma_wait3A_89 = arith.constant 0 : i32
      %dma_wait3A_90 = tpu.memref_slice %arg12[%add3A_66, %dma_wait3A_89] : memref<10240x32xf32, #tpu.memory_space<vmem_shared>> -> memref<128x32xf32, #tpu.memory_space<vmem_shared>>
      tpu.wait_dma2 semaphore(%run_scoped3A : memref<!tpu.dma_semaphore, #tpu.memory_space<semaphore_mem>>) src(%dma_wait3A_90 : memref<128x32xf32, #tpu.memory_space<vmem_shared>>) dst(%dma_wait3A_88 : memref<128x32xf32, #tpu.memory_space<hbm>>)
      tpu.yield
    }) : () -> ()
    %mul3A_67 = arith.constant 640 : i32
    %mul3A_68 = arith.muli %arg1, %mul3A_67 : i32
    %add3A_69 = arith.constant 384 : i32
    %add3A_70 = arith.addi %mul3A_68, %add3A_69 : i32
    "tpu.region"() ({
      %run_scoped3A = tpu.sem_alloc : memref<!tpu.dma_semaphore, #tpu.memory_space<semaphore_mem>>
      %dma_start3A_75 = arith.constant 0 : i32
      %dma_start3A_76 = arith.constant 0 : i32
      %dma_start3A_77 = tpu.memref_slice %arg5[%arg0, %dma_start3A_75, %dma_start3A_76] : memref<2x10240x32xf32, #tpu.memory_space<hbm>> -> memref<1x10240x32xf32, #tpu.memory_space<hbm>>
      %dma_start3A_78 = tpu.memref_squeeze %dma_start3A_77 : memref<1x10240x32xf32, #tpu.memory_space<hbm>> -> memref<10240x32xf32, #tpu.memory_space<hbm>>
      %dma_start3A_79 = arith.constant 0 : i32
      %dma_start3A_80 = tpu.memref_slice %dma_start3A_78[%add3A_70, %dma_start3A_79] : memref<10240x32xf32, #tpu.memory_space<hbm>> -> memref<128x32xf32, #tpu.memory_space<hbm>>
      %dma_start3A_81 = arith.constant 0 : i32
      %dma_start3A_82 = tpu.memref_slice %arg12[%add3A_70, %dma_start3A_81] : memref<10240x32xf32, #tpu.memory_space<vmem_shared>> -> memref<128x32xf32, #tpu.memory_space<vmem_shared>>
      tpu.enqueue_dma source(%dma_start3A_82 : memref<128x32xf32, #tpu.memory_space<vmem_shared>>) target(%dma_start3A_80 : memref<128x32xf32, #tpu.memory_space<hbm>>) target_semaphore(%run_scoped3A : memref<!tpu.dma_semaphore, #tpu.memory_space<semaphore_mem>>)
      %dma_wait3A_83 = arith.constant 0 : i32
      %dma_wait3A_84 = arith.constant 0 : i32
      %dma_wait3A_85 = tpu.memref_slice %arg5[%arg0, %dma_wait3A_83, %dma_wait3A_84] : memref<2x10240x32xf32, #tpu.memory_space<hbm>> -> memref<1x10240x32xf32, #tpu.memory_space<hbm>>
      %dma_wait3A_86 = tpu.memref_squeeze %dma_wait3A_85 : memref<1x10240x32xf32, #tpu.memory_space<hbm>> -> memref<10240x32xf32, #tpu.memory_space<hbm>>
      %dma_wait3A_87 = arith.constant 0 : i32
      %dma_wait3A_88 = tpu.memref_slice %dma_wait3A_86[%add3A_70, %dma_wait3A_87] : memref<10240x32xf32, #tpu.memory_space<hbm>> -> memref<128x32xf32, #tpu.memory_space<hbm>>
      %dma_wait3A_89 = arith.constant 0 : i32
      %dma_wait3A_90 = tpu.memref_slice %arg12[%add3A_70, %dma_wait3A_89] : memref<10240x32xf32, #tpu.memory_space<vmem_shared>> -> memref<128x32xf32, #tpu.memory_space<vmem_shared>>
      tpu.wait_dma2 semaphore(%run_scoped3A : memref<!tpu.dma_semaphore, #tpu.memory_space<semaphore_mem>>) src(%dma_wait3A_90 : memref<128x32xf32, #tpu.memory_space<vmem_shared>>) dst(%dma_wait3A_88 : memref<128x32xf32, #tpu.memory_space<hbm>>)
      tpu.yield
    }) : () -> ()
    %mul3A_71 = arith.constant 640 : i32
    %mul3A_72 = arith.muli %arg1, %mul3A_71 : i32
    %add3A_73 = arith.constant 512 : i32
    %add3A_74 = arith.addi %mul3A_72, %add3A_73 : i32
    "tpu.region"() ({
      %run_scoped3A = tpu.sem_alloc : memref<!tpu.dma_semaphore, #tpu.memory_space<semaphore_mem>>
      %dma_start3A_75 = arith.constant 0 : i32
      %dma_start3A_76 = arith.constant 0 : i32
      %dma_start3A_77 = tpu.memref_slice %arg5[%arg0, %dma_start3A_75, %dma_start3A_76] : memref<2x10240x32xf32, #tpu.memory_space<hbm>> -> memref<1x10240x32xf32, #tpu.memory_space<hbm>>
      %dma_start3A_78 = tpu.memref_squeeze %dma_start3A_77 : memref<1x10240x32xf32, #tpu.memory_space<hbm>> -> memref<10240x32xf32, #tpu.memory_space<hbm>>
      %dma_start3A_79 = arith.constant 0 : i32
      %dma_start3A_80 = tpu.memref_slice %dma_start3A_78[%add3A_74, %dma_start3A_79] : memref<10240x32xf32, #tpu.memory_space<hbm>> -> memref<128x32xf32, #tpu.memory_space<hbm>>
      %dma_start3A_81 = arith.constant 0 : i32
      %dma_start3A_82 = tpu.memref_slice %arg12[%add3A_74, %dma_start3A_81] : memref<10240x32xf32, #tpu.memory_space<vmem_shared>> -> memref<128x32xf32, #tpu.memory_space<vmem_shared>>
      tpu.enqueue_dma source(%dma_start3A_82 : memref<128x32xf32, #tpu.memory_space<vmem_shared>>) target(%dma_start3A_80 : memref<128x32xf32, #tpu.memory_space<hbm>>) target_semaphore(%run_scoped3A : memref<!tpu.dma_semaphore, #tpu.memory_space<semaphore_mem>>)
      %dma_wait3A_83 = arith.constant 0 : i32
      %dma_wait3A_84 = arith.constant 0 : i32
      %dma_wait3A_85 = tpu.memref_slice %arg5[%arg0, %dma_wait3A_83, %dma_wait3A_84] : memref<2x10240x32xf32, #tpu.memory_space<hbm>> -> memref<1x10240x32xf32, #tpu.memory_space<hbm>>
      %dma_wait3A_86 = tpu.memref_squeeze %dma_wait3A_85 : memref<1x10240x32xf32, #tpu.memory_space<hbm>> -> memref<10240x32xf32, #tpu.memory_space<hbm>>
      %dma_wait3A_87 = arith.constant 0 : i32
      %dma_wait3A_88 = tpu.memref_slice %dma_wait3A_86[%add3A_74, %dma_wait3A_87] : memref<10240x32xf32, #tpu.memory_space<hbm>> -> memref<128x32xf32, #tpu.memory_space<hbm>>
      %dma_wait3A_89 = arith.constant 0 : i32
      %dma_wait3A_90 = tpu.memref_slice %arg12[%add3A_74, %dma_wait3A_89] : memref<10240x32xf32, #tpu.memory_space<vmem_shared>> -> memref<128x32xf32, #tpu.memory_space<vmem_shared>>
      tpu.wait_dma2 semaphore(%run_scoped3A : memref<!tpu.dma_semaphore, #tpu.memory_space<semaphore_mem>>) src(%dma_wait3A_90 : memref<128x32xf32, #tpu.memory_space<vmem_shared>>) dst(%dma_wait3A_88 : memref<128x32xf32, #tpu.memory_space<hbm>>)
      tpu.yield
    }) : () -> ()
    return
  }
}

module attributes {stable_mosaic.version = 14 : i64} {
  func.func @body(%arg0: memref<10000x128xf32, #tpu.memory_space<vmem>>, %arg1: memref<128x64xf32, #tpu.memory_space<vmem>>, %arg2: memref<2x10240x16xf32, #tpu.memory_space<vmem>>, %arg3: memref<10000x64xf32, #tpu.memory_space<vmem>>, %arg4: memref<10000x64xf32, #tpu.memory_space<vmem>>) attributes {dimension_semantics = [], scalar_prefetch = 0 : i64, scratch_operands = 0 : i64, tpu.core_type = #tpu.core_type<tc>} {
    %get3A = arith.constant 0 : index
    %get3A_0 = arith.constant 0 : index
    %get3A_1 = arith.constant 0 : index
    %get3A_2 = vector.load %arg2[%get3A, %get3A_0, %get3A_1] : memref<2x10240x16xf32, #tpu.memory_space<vmem>>, vector<2x10240x16xf32>
    %slice3A = vector.extract_strided_slice %get3A_2 {offsets = [0, 0, 0], sizes = [1, 10000, 1], strides = [1, 1, 1]} : vector<2x10240x16xf32> to vector<1x10000x1xf32>
    %squeeze3A = vector.shape_cast %slice3A : vector<1x10000x1xf32> to vector<10000x1xf32>
    %slice3A_3 = vector.extract_strided_slice %get3A_2 {offsets = [1, 0, 0], sizes = [1, 10000, 1], strides = [1, 1, 1]} : vector<2x10240x16xf32> to vector<1x10000x1xf32>
    %squeeze3A_4 = vector.shape_cast %slice3A_3 : vector<1x10000x1xf32> to vector<10000x1xf32>
    %add3A = arith.addf %squeeze3A, %squeeze3A_4 : vector<10000x1xf32>
    %add3A_5 = arith.constant 1.000000e+00 : f32
    %add3A_6 = vector.broadcast %add3A_5 : f32 to vector<10000x1xf32>
    %add3A_7 = arith.addf %add3A, %add3A_6 : vector<10000x1xf32>
    %rsqrt3A = math.rsqrt %add3A_7 : vector<10000x1xf32>
    %get3A_8 = arith.constant 0 : index
    %get3A_9 = arith.constant 0 : index
    %get3A_10 = vector.load %arg0[%get3A_8, %get3A_9] : memref<10000x128xf32, #tpu.memory_space<vmem>>, vector<10000x128xf32>
    %get3A_11 = arith.constant 0 : index
    %get3A_12 = arith.constant 0 : index
    %get3A_13 = vector.load %arg1[%get3A_11, %get3A_12] : memref<128x64xf32, #tpu.memory_space<vmem>>, vector<128x64xf32>
    %dot_general3A = arith.constant dense<0.000000e+00> : vector<10000x64xf32>
    %dot_general3A_14 = tpu.matmul %get3A_10, %get3A_13, %dot_general3A {dimension_numbers = #tpu.dot_dimension_numbers<[1], [0], [0], [1], [0, 0, 1, 1], [], []>, transpose_lhs_hint = false} : vector<10000x128xf32>, vector<128x64xf32>, vector<10000x64xf32> -> vector<10000x64xf32>
    %swap3A = arith.constant 0 : index
    %swap3A_15 = arith.constant 0 : index
    %swap3A_16 = vector.load %arg3[%swap3A, %swap3A_15] : memref<10000x64xf32, #tpu.memory_space<vmem>>, vector<10000x64xf32>
    tpu.vector_store %arg3[%swap3A, %swap3A_15], %dot_general3A_14 {strides = array<i32>} : memref<10000x64xf32, #tpu.memory_space<vmem>>, vector<10000x64xf32>,
    %mul3A = vector.broadcast %rsqrt3A : vector<10000x1xf32> to vector<10000x64xf32>
    %mul3A_17 = arith.mulf %dot_general3A_14, %mul3A : vector<10000x64xf32>
    %swap3A_18 = arith.constant 0 : index
    %swap3A_19 = arith.constant 0 : index
    %swap3A_20 = vector.load %arg4[%swap3A_18, %swap3A_19] : memref<10000x64xf32, #tpu.memory_space<vmem>>, vector<10000x64xf32>
    tpu.vector_store %arg4[%swap3A_18, %swap3A_19], %mul3A_17 {strides = array<i32>} : memref<10000x64xf32, #tpu.memory_space<vmem>>, vector<10000x64xf32>,
    return
  }
}

module attributes {stable_mosaic.version = 14 : i64} {
  func.func @body(%arg0: memref<10000x64xf32, #tpu.memory_space<vmem>>, %arg1: memref<2x10240x64xf32, #tpu.memory_space<vmem>>, %arg2: memref<64x32xf32, #tpu.memory_space<vmem>>, %arg3: memref<1x64xf32, #tpu.memory_space<vmem>>, %arg4: memref<2x10240x16xf32, #tpu.memory_space<vmem>>, %arg5: memref<10000x32xf32, #tpu.memory_space<vmem>>, %arg6: memref<10000x32xf32, #tpu.memory_space<vmem>>) attributes {dimension_semantics = [], scalar_prefetch = 0 : i64, scratch_operands = 0 : i64, tpu.core_type = #tpu.core_type<tc>} {
    %get3A = arith.constant 0 : index
    %get3A_0 = arith.constant 0 : index
    %get3A_1 = arith.constant 0 : index
    %get3A_2 = vector.load %arg4[%get3A, %get3A_0, %get3A_1] : memref<2x10240x16xf32, #tpu.memory_space<vmem>>, vector<2x10240x16xf32>
    %slice3A = vector.extract_strided_slice %get3A_2 {offsets = [0, 0, 0], sizes = [1, 10000, 1], strides = [1, 1, 1]} : vector<2x10240x16xf32> to vector<1x10000x1xf32>
    %squeeze3A = vector.shape_cast %slice3A : vector<1x10000x1xf32> to vector<10000x1xf32>
    %slice3A_3 = vector.extract_strided_slice %get3A_2 {offsets = [1, 0, 0], sizes = [1, 10000, 1], strides = [1, 1, 1]} : vector<2x10240x16xf32> to vector<1x10000x1xf32>
    %squeeze3A_4 = vector.shape_cast %slice3A_3 : vector<1x10000x1xf32> to vector<10000x1xf32>
    %add3A = arith.addf %squeeze3A, %squeeze3A_4 : vector<10000x1xf32>
    %add3A_5 = arith.constant 1.000000e+00 : f32
    %add3A_6 = vector.broadcast %add3A_5 : f32 to vector<10000x1xf32>
    %add3A_7 = arith.addf %add3A, %add3A_6 : vector<10000x1xf32>
    %rsqrt3A = math.rsqrt %add3A_7 : vector<10000x1xf32>
    %get3A_8 = arith.constant 0 : index
    %get3A_9 = arith.constant 0 : index
    %get3A_10 = arith.constant 0 : index
    %get3A_11 = vector.load %arg1[%get3A_8, %get3A_9, %get3A_10] : memref<2x10240x64xf32, #tpu.memory_space<vmem>>, vector<2x10240x64xf32>
    %slice3A_12 = vector.extract_strided_slice %get3A_11 {offsets = [0, 0, 0], sizes = [1, 10000, 64], strides = [1, 1, 1]} : vector<2x10240x64xf32> to vector<1x10000x64xf32>
    %squeeze3A_13 = vector.shape_cast %slice3A_12 : vector<1x10000x64xf32> to vector<10000x64xf32>
    %slice3A_14 = vector.extract_strided_slice %get3A_11 {offsets = [1, 0, 0], sizes = [1, 10000, 64], strides = [1, 1, 1]} : vector<2x10240x64xf32> to vector<1x10000x64xf32>
    %squeeze3A_15 = vector.shape_cast %slice3A_14 : vector<1x10000x64xf32> to vector<10000x64xf32>
    %add3A_16 = arith.addf %squeeze3A_13, %squeeze3A_15 : vector<10000x64xf32>
    %mul3A = vector.broadcast %rsqrt3A : vector<10000x1xf32> to vector<10000x64xf32>
    %mul3A_17 = arith.mulf %mul3A, %add3A_16 : vector<10000x64xf32>
    %mul3A_18 = arith.mulf %rsqrt3A, %rsqrt3A : vector<10000x1xf32>
    %get3A_19 = arith.constant 0 : index
    %get3A_20 = arith.constant 0 : index
    %get3A_21 = vector.load %arg0[%get3A_19, %get3A_20] : memref<10000x64xf32, #tpu.memory_space<vmem>>, vector<10000x64xf32>
    %mul3A_22 = vector.broadcast %mul3A_18 : vector<10000x1xf32> to vector<10000x64xf32>
    %mul3A_23 = arith.mulf %mul3A_22, %get3A_21 : vector<10000x64xf32>
    %add3A_24 = arith.addf %mul3A_17, %mul3A_23 : vector<10000x64xf32>
    %get3A_25 = arith.constant 0 : index
    %get3A_26 = arith.constant 0 : index
    %get3A_27 = vector.load %arg3[%get3A_25, %get3A_26] : memref<1x64xf32, #tpu.memory_space<vmem>>, vector<1x64xf32>
    %add3A_28 = vector.broadcast %get3A_27 : vector<1x64xf32> to vector<10000x64xf32>
    %add3A_29 = arith.addf %add3A_24, %add3A_28 : vector<10000x64xf32>
    %max3A = arith.constant 0.000000e+00 : f32
    %max3A_30 = vector.broadcast %max3A : f32 to vector<10000x64xf32>
    %max3A_31 = arith.maximumf %add3A_29, %max3A_30 : vector<10000x64xf32>
    %get3A_32 = arith.constant 0 : index
    %get3A_33 = arith.constant 0 : index
    %get3A_34 = vector.load %arg2[%get3A_32, %get3A_33] : memref<64x32xf32, #tpu.memory_space<vmem>>, vector<64x32xf32>
    %dot_general3A = arith.constant dense<0.000000e+00> : vector<10000x32xf32>
    %dot_general3A_35 = tpu.matmul %max3A_31, %get3A_34, %dot_general3A {dimension_numbers = #tpu.dot_dimension_numbers<[1], [0], [0], [1], [0, 0, 1, 1], [], []>, transpose_lhs_hint = false} : vector<10000x64xf32>, vector<64x32xf32>, vector<10000x32xf32> -> vector<10000x32xf32>
    %swap3A = arith.constant 0 : index
    %swap3A_36 = arith.constant 0 : index
    %swap3A_37 = vector.load %arg5[%swap3A, %swap3A_36] : memref<10000x32xf32, #tpu.memory_space<vmem>>, vector<10000x32xf32>
    tpu.vector_store %arg5[%swap3A, %swap3A_36], %dot_general3A_35 {strides = array<i32>} : memref<10000x32xf32, #tpu.memory_space<vmem>>, vector<10000x32xf32>,
    %mul3A_38 = vector.broadcast %rsqrt3A : vector<10000x1xf32> to vector<10000x32xf32>
    %mul3A_39 = arith.mulf %dot_general3A_35, %mul3A_38 : vector<10000x32xf32>
    %swap3A_40 = arith.constant 0 : index
    %swap3A_41 = arith.constant 0 : index
    %swap3A_42 = vector.load %arg6[%swap3A_40, %swap3A_41] : memref<10000x32xf32, #tpu.memory_space<vmem>>, vector<10000x32xf32>
    tpu.vector_store %arg6[%swap3A_40, %swap3A_41], %mul3A_39 {strides = array<i32>} : memref<10000x32xf32, #tpu.memory_space<vmem>>, vector<10000x32xf32>,
    return
  }
}

module attributes {stable_mosaic.version = 14 : i64} {
  func.func @body(%arg0: memref<10000x32xf32, #tpu.memory_space<vmem>>, %arg1: memref<2x10240x32xf32, #tpu.memory_space<vmem>>, %arg2: memref<32x16xf32, #tpu.memory_space<vmem>>, %arg3: memref<1x32xf32, #tpu.memory_space<vmem>>, %arg4: memref<2x10240x16xf32, #tpu.memory_space<vmem>>, %arg5: memref<10000x16xf32, #tpu.memory_space<vmem>>, %arg6: memref<10000x16xf32, #tpu.memory_space<vmem>>) attributes {dimension_semantics = [], scalar_prefetch = 0 : i64, scratch_operands = 0 : i64, tpu.core_type = #tpu.core_type<tc>} {
    %get3A = arith.constant 0 : index
    %get3A_0 = arith.constant 0 : index
    %get3A_1 = arith.constant 0 : index
    %get3A_2 = vector.load %arg4[%get3A, %get3A_0, %get3A_1] : memref<2x10240x16xf32, #tpu.memory_space<vmem>>, vector<2x10240x16xf32>
    %slice3A = vector.extract_strided_slice %get3A_2 {offsets = [0, 0, 0], sizes = [1, 10000, 1], strides = [1, 1, 1]} : vector<2x10240x16xf32> to vector<1x10000x1xf32>
    %squeeze3A = vector.shape_cast %slice3A : vector<1x10000x1xf32> to vector<10000x1xf32>
    %slice3A_3 = vector.extract_strided_slice %get3A_2 {offsets = [1, 0, 0], sizes = [1, 10000, 1], strides = [1, 1, 1]} : vector<2x10240x16xf32> to vector<1x10000x1xf32>
    %squeeze3A_4 = vector.shape_cast %slice3A_3 : vector<1x10000x1xf32> to vector<10000x1xf32>
    %add3A = arith.addf %squeeze3A, %squeeze3A_4 : vector<10000x1xf32>
    %add3A_5 = arith.constant 1.000000e+00 : f32
    %add3A_6 = vector.broadcast %add3A_5 : f32 to vector<10000x1xf32>
    %add3A_7 = arith.addf %add3A, %add3A_6 : vector<10000x1xf32>
    %rsqrt3A = math.rsqrt %add3A_7 : vector<10000x1xf32>
    %get3A_8 = arith.constant 0 : index
    %get3A_9 = arith.constant 0 : index
    %get3A_10 = arith.constant 0 : index
    %get3A_11 = vector.load %arg1[%get3A_8, %get3A_9, %get3A_10] : memref<2x10240x32xf32, #tpu.memory_space<vmem>>, vector<2x10240x32xf32>
    %slice3A_12 = vector.extract_strided_slice %get3A_11 {offsets = [0, 0, 0], sizes = [1, 10000, 32], strides = [1, 1, 1]} : vector<2x10240x32xf32> to vector<1x10000x32xf32>
    %squeeze3A_13 = vector.shape_cast %slice3A_12 : vector<1x10000x32xf32> to vector<10000x32xf32>
    %slice3A_14 = vector.extract_strided_slice %get3A_11 {offsets = [1, 0, 0], sizes = [1, 10000, 32], strides = [1, 1, 1]} : vector<2x10240x32xf32> to vector<1x10000x32xf32>
    %squeeze3A_15 = vector.shape_cast %slice3A_14 : vector<1x10000x32xf32> to vector<10000x32xf32>
    %add3A_16 = arith.addf %squeeze3A_13, %squeeze3A_15 : vector<10000x32xf32>
    %mul3A = vector.broadcast %rsqrt3A : vector<10000x1xf32> to vector<10000x32xf32>
    %mul3A_17 = arith.mulf %mul3A, %add3A_16 : vector<10000x32xf32>
    %mul3A_18 = arith.mulf %rsqrt3A, %rsqrt3A : vector<10000x1xf32>
    %get3A_19 = arith.constant 0 : index
    %get3A_20 = arith.constant 0 : index
    %get3A_21 = vector.load %arg0[%get3A_19, %get3A_20] : memref<10000x32xf32, #tpu.memory_space<vmem>>, vector<10000x32xf32>
    %mul3A_22 = vector.broadcast %mul3A_18 : vector<10000x1xf32> to vector<10000x32xf32>
    %mul3A_23 = arith.mulf %mul3A_22, %get3A_21 : vector<10000x32xf32>
    %add3A_24 = arith.addf %mul3A_17, %mul3A_23 : vector<10000x32xf32>
    %get3A_25 = arith.constant 0 : index
    %get3A_26 = arith.constant 0 : index
    %get3A_27 = vector.load %arg3[%get3A_25, %get3A_26] : memref<1x32xf32, #tpu.memory_space<vmem>>, vector<1x32xf32>
    %add3A_28 = vector.broadcast %get3A_27 : vector<1x32xf32> to vector<10000x32xf32>
    %add3A_29 = arith.addf %add3A_24, %add3A_28 : vector<10000x32xf32>
    %max3A = arith.constant 0.000000e+00 : f32
    %max3A_30 = vector.broadcast %max3A : f32 to vector<10000x32xf32>
    %max3A_31 = arith.maximumf %add3A_29, %max3A_30 : vector<10000x32xf32>
    %get3A_32 = arith.constant 0 : index
    %get3A_33 = arith.constant 0 : index
    %get3A_34 = vector.load %arg2[%get3A_32, %get3A_33] : memref<32x16xf32, #tpu.memory_space<vmem>>, vector<32x16xf32>
    %dot_general3A = arith.constant dense<0.000000e+00> : vector<10000x16xf32>
    %dot_general3A_35 = tpu.matmul %max3A_31, %get3A_34, %dot_general3A {dimension_numbers = #tpu.dot_dimension_numbers<[1], [0], [0], [1], [0, 0, 1, 1], [], []>, transpose_lhs_hint = false} : vector<10000x32xf32>, vector<32x16xf32>, vector<10000x16xf32> -> vector<10000x16xf32>
    %swap3A = arith.constant 0 : index
    %swap3A_36 = arith.constant 0 : index
    %swap3A_37 = vector.load %arg5[%swap3A, %swap3A_36] : memref<10000x16xf32, #tpu.memory_space<vmem>>, vector<10000x16xf32>
    tpu.vector_store %arg5[%swap3A, %swap3A_36], %dot_general3A_35 {strides = array<i32>} : memref<10000x16xf32, #tpu.memory_space<vmem>>, vector<10000x16xf32>,
    %mul3A_38 = vector.broadcast %rsqrt3A : vector<10000x1xf32> to vector<10000x16xf32>
    %mul3A_39 = arith.mulf %dot_general3A_35, %mul3A_38 : vector<10000x16xf32>
    %swap3A_40 = arith.constant 0 : index
    %swap3A_41 = arith.constant 0 : index
    %swap3A_42 = vector.load %arg6[%swap3A_40, %swap3A_41] : memref<10000x16xf32, #tpu.memory_space<vmem>>, vector<10000x16xf32>
    tpu.vector_store %arg6[%swap3A_40, %swap3A_41], %mul3A_39 {strides = array<i32>} : memref<10000x16xf32, #tpu.memory_space<vmem>>, vector<10000x16xf32>,
    return
  }
}

module attributes {stable_mosaic.version = 14 : i64} {
  func.func @body(%arg0: memref<10000x16xf32, #tpu.memory_space<vmem>>, %arg1: memref<2x10240x16xf32, #tpu.memory_space<vmem>>, %arg2: memref<1x16xf32, #tpu.memory_space<vmem>>, %arg3: memref<2x10240x16xf32, #tpu.memory_space<vmem>>, %arg4: memref<10000x16xf32, #tpu.memory_space<vmem>>) attributes {dimension_semantics = [], scalar_prefetch = 0 : i64, scratch_operands = 0 : i64, tpu.core_type = #tpu.core_type<tc>} {
    %get3A = arith.constant 0 : index
    %get3A_0 = arith.constant 0 : index
    %get3A_1 = arith.constant 0 : index
    %get3A_2 = vector.load %arg3[%get3A, %get3A_0, %get3A_1] : memref<2x10240x16xf32, #tpu.memory_space<vmem>>, vector<2x10240x16xf32>
    %slice3A = vector.extract_strided_slice %get3A_2 {offsets = [0, 0, 0], sizes = [1, 10000, 1], strides = [1, 1, 1]} : vector<2x10240x16xf32> to vector<1x10000x1xf32>
    %squeeze3A = vector.shape_cast %slice3A : vector<1x10000x1xf32> to vector<10000x1xf32>
    %slice3A_3 = vector.extract_strided_slice %get3A_2 {offsets = [1, 0, 0], sizes = [1, 10000, 1], strides = [1, 1, 1]} : vector<2x10240x16xf32> to vector<1x10000x1xf32>
    %squeeze3A_4 = vector.shape_cast %slice3A_3 : vector<1x10000x1xf32> to vector<10000x1xf32>
    %add3A = arith.addf %squeeze3A, %squeeze3A_4 : vector<10000x1xf32>
    %add3A_5 = arith.constant 1.000000e+00 : f32
    %add3A_6 = vector.broadcast %add3A_5 : f32 to vector<10000x1xf32>
    %add3A_7 = arith.addf %add3A, %add3A_6 : vector<10000x1xf32>
    %rsqrt3A = math.rsqrt %add3A_7 : vector<10000x1xf32>
    %get3A_8 = arith.constant 0 : index
    %get3A_9 = arith.constant 0 : index
    %get3A_10 = arith.constant 0 : index
    %get3A_11 = vector.load %arg1[%get3A_8, %get3A_9, %get3A_10] : memref<2x10240x16xf32, #tpu.memory_space<vmem>>, vector<2x10240x16xf32>
    %slice3A_12 = vector.extract_strided_slice %get3A_11 {offsets = [0, 0, 0], sizes = [1, 10000, 16], strides = [1, 1, 1]} : vector<2x10240x16xf32> to vector<1x10000x16xf32>
    %squeeze3A_13 = vector.shape_cast %slice3A_12 : vector<1x10000x16xf32> to vector<10000x16xf32>
    %slice3A_14 = vector.extract_strided_slice %get3A_11 {offsets = [1, 0, 0], sizes = [1, 10000, 16], strides = [1, 1, 1]} : vector<2x10240x16xf32> to vector<1x10000x16xf32>
    %squeeze3A_15 = vector.shape_cast %slice3A_14 : vector<1x10000x16xf32> to vector<10000x16xf32>
    %add3A_16 = arith.addf %squeeze3A_13, %squeeze3A_15 : vector<10000x16xf32>
    %mul3A = vector.broadcast %rsqrt3A : vector<10000x1xf32> to vector<10000x16xf32>
    %mul3A_17 = arith.mulf %mul3A, %add3A_16 : vector<10000x16xf32>
    %mul3A_18 = arith.mulf %rsqrt3A, %rsqrt3A : vector<10000x1xf32>
    %get3A_19 = arith.constant 0 : index
    %get3A_20 = arith.constant 0 : index
    %get3A_21 = vector.load %arg0[%get3A_19, %get3A_20] : memref<10000x16xf32, #tpu.memory_space<vmem>>, vector<10000x16xf32>
    %mul3A_22 = vector.broadcast %mul3A_18 : vector<10000x1xf32> to vector<10000x16xf32>
    %mul3A_23 = arith.mulf %mul3A_22, %get3A_21 : vector<10000x16xf32>
    %add3A_24 = arith.addf %mul3A_17, %mul3A_23 : vector<10000x16xf32>
    %get3A_25 = arith.constant 0 : index
    %get3A_26 = arith.constant 0 : index
    %get3A_27 = vector.load %arg2[%get3A_25, %get3A_26] : memref<1x16xf32, #tpu.memory_space<vmem>>, vector<1x16xf32>
    %add3A_28 = vector.broadcast %get3A_27 : vector<1x16xf32> to vector<10000x16xf32>
    %add3A_29 = arith.addf %add3A_24, %add3A_28 : vector<10000x16xf32>
    %max3A = arith.constant 0.000000e+00 : f32
    %max3A_30 = vector.broadcast %max3A : f32 to vector<10000x16xf32>
    %max3A_31 = arith.maximumf %add3A_29, %max3A_30 : vector<10000x16xf32>
    %reduce_max3A = arith.constant dense<0xFF800000> : vector<10000xf32>
    %reduce_max3A_32 = vector.multi_reduction <maximumf>, %max3A_31, %reduce_max3A [1] : vector<10000x16xf32> to vector<10000xf32>
    %broadcast_in_dim3A = vector.shape_cast %reduce_max3A_32 : vector<10000xf32> to vector<10000x1xf32>
    %sub3A = vector.broadcast %broadcast_in_dim3A : vector<10000x1xf32> to vector<10000x16xf32>
    %sub3A_33 = arith.subf %max3A_31, %sub3A : vector<10000x16xf32>
    %exp3A = math.exp %sub3A_33 : vector<10000x16xf32>
    %reduce_sum3A = arith.constant dense<0.000000e+00> : vector<10000xf32>
    %reduce_sum3A_34 = vector.multi_reduction <add>, %exp3A, %reduce_sum3A [1] : vector<10000x16xf32> to vector<10000xf32>
    %broadcast_in_dim3A_35 = vector.shape_cast %reduce_sum3A_34 : vector<10000xf32> to vector<10000x1xf32>
    %log3A = math.log %broadcast_in_dim3A_35 : vector<10000x1xf32>
    %sub3A_36 = vector.broadcast %log3A : vector<10000x1xf32> to vector<10000x16xf32>
    %sub3A_37 = arith.subf %sub3A_33, %sub3A_36 : vector<10000x16xf32>
    %swap3A = arith.constant 0 : index
    %swap3A_38 = arith.constant 0 : index
    %swap3A_39 = vector.load %arg4[%swap3A, %swap3A_38] : memref<10000x16xf32, #tpu.memory_space<vmem>>, vector<10000x16xf32>
    tpu.vector_store %arg4[%swap3A, %swap3A_38], %sub3A_37 {strides = array<i32>} : memref<10000x16xf32, #tpu.memory_space<vmem>>, vector<10000x16xf32>,
    return
  }
}

</mosaic_0001>

<sc_bundles>
// kernel: kernel.10.cloned.1.call-start
scs
__scs_entry_jumppad:
0x0: {  	(pc) =	sbr.rel $0x88, $3  }
0x1: {  	(tag) =	ssettag $0x0;
	lr =	simm.s32 $0x1  }
0x2: {  	[smem:$0x3F99] =	sst lr;
	_ =	strace $0xD0000000  }
0x3: {  	_ = 	snop  }
0x4: {  	_ = 	snop  }
0x5: {  	_ = 	snop  }
0x6: {  	_ = 	snop  }
0x7: {  	_ = 	snop  }
__scs_overlays_trampoline_lowered:
0x8: {  	[smem:$0x3FA8] =	sst s0  }
0x9: {  	[smem:$0x3FA9] =	sst s1  }
0xa: {  	[smem:$0x3FAA] =	sst s2  }
0xb: {  	[smem:$0x3FAB] =	sst s3  }
0xc: {  	[smem:$0x3FAC] =	sst s4  }
0xd: {  	[smem:$0x3FAD] =	sst s5  }
0xe: {  	[smem:$0x3FAE] =	sst s6  }
0xf: {  	[smem:$0x3FAF] =	sst s7  }
0x10: {  	[smem:$0x3FB0] =	sst s8  }
0x11: {  	[smem:$0x3FB1] =	sst s9;
	s0 =	simm.s32 @!p0 $0x0  }
0x12: {  	s1 =	sld [smem:$0x3F97];
	s0 =	simm.s32 @p0 $0x1  }
0x13: {  	[smem:$0x3FB2] =	sst s0;
	s0 =	simm.s32 @!p1 $0x0  }
0x14: {  	s2 =	sld [smem:$0x3F96];
	s0 =	simm.s32 @p1 $0x1  }
0x15: {  	[smem:$0x3FB3] =	sst s0;
	s0 =	simm.s32 @!p2 $0x0  }
0x16: {  	s3 =	sld [smem:$0x3FDB];
	s0 =	simm.s32 @p2 $0x1  }
0x17: {  	s4 =	simm.s32 $0x1BF5;
	[smem:$0x3FB5] =	sst s0  }
0x18: {  	s0 =	sld [smem:$0x3F98];
	_ =	swait.ge [sflag:s4], $0x0  }
0x19: {  	s7 =	sld [smem:$0x3F99]  }
0x1a: {  	s8 =	sadd.s32 $0xFFFFE003, lr  }
0x1b: {  	s9 =	sadd.s32 $0xFFFFFEF7, lr;
	s5 =	simm.s32 $0xFFFFFFFF;
	p2 =	slt.u32 s8, $0xFFFFF086  }
0x1c: {  	p1 =	slt.u32 s9, $0xF7A;
	s5 =	simm.s32 @!p2 $0x0  }
0x1d: {  	s5 =	simm.s32 @p1 $0x1;
	p0 =	seq.s32 s7, s2  }
0x1e: {  	s7 =	smul.u32 @!p0 $0xF7A, s2;
	p2 =	seq.s32 @!p0 s5, $0x0  }
0x1f: {  	s9 =	smul.u32 $0xF7A, s1;
	s8 =	simm.s32 @!p0 $0x1BF5;
	p2 =	por !p2, p0  }
0x20: {  	[sflag:s8] =	ssyncset.s32 @!p0 $0xFFFFF086;
	s6 =	sadd.s32 @!p0 s3, s7;
	s7 =	simm.s32 @!p0 $0x108  }
0x21: {  	s3 =	sadd.s32 s3, s9;
	s6 =	sadd.s32 @!p0 $0x88, s6;
	s7 =	simm.s32 @p2 $0x1082  }
0x22: {  	[simem:s7], [sflag:s8] =	dma.local @!p0 [hbm:s6], $0xF7A  }
0x23: {  	s9 =	sor.u32 $0xD0000000, s2;
	s6 =	simm.s32 $0x108;
	_ =	swait.ge @!p0 [sflag:s8], $0x0  }
0x24: {  	s3 =	sadd.s32 $0x88, s3;
	s6 =	simm.s32 @!p1 $0x1082;
	[sflag:s4] =	ssyncset.s32 $0xFFFFF086  }
0x25: {  	[simem:s6], [sflag:s4] =	dma.local [hbm:s3], $0xF7A  }
0x26: {  	[smem:$0x3F99] =	sst s1;
	(tag) =	ssettag s2;
	_ =	strace s9  }
0x27: {  	s1 =	sld [smem:$0x3FA9]  }
0x28: {  	s2 =	sld [smem:$0x3FAA]  }
0x29: {  	s4 =	sld [smem:$0x3FAC]  }
0x2a: {  	p0 =	seq.s32 s5, $0x0;
	s5 =	sld [smem:$0x3FAD]  }
0x2b: {  	s6 =	sld [smem:$0x3FAE]  }
0x2c: {  	s7 =	sld [smem:$0x3FAF]  }
0x2d: {  	s3 =	simm.s32 $0x108;
	s8 =	sld [smem:$0x3FB0]  }
0x2e: {  	s3 =	simm.s32 @!p0 $0x1082;
	s9 =	sld [smem:$0x3FB1]  }
0x2f: {  	lr =	sadd.s32 s0, s3;
	s0 =	sld [smem:$0x3FA8]  }
0x30: {  	s3 =	sld [smem:$0x3FAB]  }
0x31: {  	[smem:$0x3FB4] =	sst s10  }
0x32: {  	s10 =	sld [smem:$0x3FB2];
	_ =	sdelay $0x3  }
0x33: {  	p0 =	seq.s32 s10, $0x1;
	s10 =	sld [smem:$0x3FB4];
	_ =	sdelay $0x3  }
0x34: {  	[smem:$0x3FB4] =	sst s10  }
0x35: {  	s10 =	sld [smem:$0x3FB3];
	_ =	sdelay $0x3  }
0x36: {  	p1 =	seq.s32 s10, $0x1;
	s10 =	sld [smem:$0x3FB4];
	_ =	sdelay $0x3  }
0x37: {  	[smem:$0x3FB4] =	sst s10  }
0x38: {  	s10 =	sld [smem:$0x3FB5]  }
0x39: {  	_ = 	snop;
	(pc) =	sbr.ind lr, $3  }
0x3a: {  	_ = 	snop  }
0x3b: {  	_ = 	snop  }
0x3c: {  	p2 =	seq.s32 s10, $0x1;
	s10 =	sld [smem:$0x3FB4]  }
0x3d: {  	_ =	shalt  }
0x3e: {  	_ =	shalt  }
0x3f: {  	_ =	shalt  }
0x40: {  	_ =	shalt  }
0x41: {  	_ =	shalt  }
0x42: {  	_ =	shalt  }
0x43: {  	_ =	shalt  }
0x44: {  	_ =	shalt  }
0x45: {  	_ =	shalt  }
0x46: {  	_ =	shalt  }
0x47: {  	_ =	shalt  }
0x48: {  	_ =	shalt  }
0x49: {  	_ =	shalt  }
0x4a: {  	_ =	shalt  }
0x4b: {  	_ =	shalt  }
0x4c: {  	_ =	shalt  }
0x4d: {  	_ =	shalt  }
0x4e: {  	_ =	shalt  }
0x4f: {  	_ =	shalt  }
0x50: {  	_ =	shalt  }
0x51: {  	_ =	shalt  }
0x52: {  	_ =	shalt  }
0x53: {  	_ =	shalt  }
0x54: {  	_ =	shalt  }
0x55: {  	_ =	shalt  }
0x56: {  	_ =	shalt  }
0x57: {  	_ =	shalt  }
0x58: {  	_ =	shalt  }
0x59: {  	_ =	shalt  }
0x5a: {  	_ =	shalt  }
0x5b: {  	_ =	shalt  }
0x5c: {  	_ =	shalt  }
0x5d: {  	_ =	shalt  }
0x5e: {  	_ =	shalt  }
0x5f: {  	_ =	shalt  }
0x60: {  	_ =	shalt  }
0x61: {  	_ =	shalt  }
0x62: {  	_ =	shalt  }
0x63: {  	_ =	shalt  }
0x64: {  	_ =	shalt  }
0x65: {  	_ =	shalt  }
0x66: {  	_ =	shalt  }
0x67: {  	_ =	shalt  }
0x68: {  	_ =	shalt  }
0x69: {  	_ =	shalt  }
0x6a: {  	_ =	shalt  }
0x6b: {  	_ =	shalt  }
0x6c: {  	_ =	shalt  }
0x6d: {  	_ =	shalt  }
0x6e: {  	_ =	shalt  }
0x6f: {  	_ =	shalt  }
0x70: {  	_ =	shalt  }
0x71: {  	_ =	shalt  }
0x72: {  	_ =	shalt  }
0x73: {  	_ =	shalt  }
0x74: {  	_ =	shalt  }
0x75: {  	_ =	shalt  }
0x76: {  	_ =	shalt  }
0x77: {  	_ =	shalt  }
0x78: {  	_ =	shalt  }
0x79: {  	_ =	shalt  }
0x7a: {  	_ =	shalt  }
0x7b: {  	_ =	shalt  }
0x7c: {  	_ =	shalt  }
0x7d: {  	_ =	shalt  }
0x7e: {  	_ =	shalt  }
0x7f: {  	_ =	shalt  }
0x80: {  	_ =	shalt  }
0x81: {  	_ =	shalt  }
0x82: {  	_ =	shalt  }
0x83: {  	_ =	shalt  }
0x84: {  	_ =	shalt  }
0x85: {  	_ =	shalt  }
0x86: {  	_ =	shalt  }
0x87: {  	_ =	shalt  }
.Lfunc_end0:
.L_simem_size_0:
called_computation_lowered:
.L_overlay_start_0:
0x88: {  	s2 =	sld [smem:$0x3FD9]  }
0x89: {  	s3 =	sld [smem:$0x3FFE];
	_ =	sdelay $0x1  }
0x8a: {  	s1 =	srdreg.scid  }
0x8b: {  	s0 =	sand.u32 $0x1, s1  }
0x8c: {  	s16 =	sshll.u32 s0, $0xA;
	s2 =	sadd.s32 s3, s2  }
0x8d: {  	s2 =	sadd.s32 s2, s16  }
0x8e: {  	[smem:$0x3FC0] =	sst s2  }
0x8f: {  	_ = 	snop  }
0x90: {  	(tm) =	ssettm $0x1  }
0x91: {  	s17 =	sld [smem:$0x3FFB];
	_ =	sdelay $0x3  }
0x92: {  	_ =	strace s17  }
0x93: {  	s2 =	sld [smem:$0x3FFC];
	_ =	sdelay $0x3  }
0x94: {  	_ =	strace s2  }
0x95: {  	s2 =	sld [smem:$0x3FFD];
	_ =	sdelay $0x3  }
0x96: {  	_ =	strace s2  }
0x97: {  	_ =	strace $0x8FFFFFFF  }
0x98: {  	s18 =	sld [smem:$0x3FDB];
	_ =	sdelay $0x1  }
0x99: {  	s19 =	simm.s32 $_scs_section_size  }
0x9a: {  	s4 =	simm.s32 $_size__tile_overlayer_lowered;
	s5 =	simm.s32 $_tile_overlayer_lowered  }
0x9b: {  	s22 =	simm.s32 $0x1BFF;
	s21 =	sshll.u32 s5, $0x1;
	s2 =	sadd.s32 s19, s18  }
0x9c: {  	s6 =	simm.s32 $0x0;
	s20 =	sshll.u32 s4, $0x1;
	s4 =	sadd.s32 s21, s2  }
0x9d: {  	[timem:s6], [sflag:s22] =	dma.local [hbm:s4], s20  }
0x9e: {  	_ =	swait.ge [sflag:s22], s20  }
0x9f: {  	s3 =	ssub.s32 $0x0, s20;
	[sflag:s22] =	ssyncset.done $0x0  }
0xa0: {  	[sflag:s22] =	ssyncadd.s32 s3;
	_ =	sdelay $0x1  }
0xa1: {  	s23 =	simm.s32 $0x1B8B  }
0xa2: {  	_ =	swait.ge [sflag:s23], $0x1  }
0xa3: {  	[sflag:s23] =	ssyncset.done $0x0  }
0xa4: {  	s25 =	simm.s32 $0x1B8E;
	s24 =	sld [smem:$0x3FFE];
	[sflag:s23] =	ssyncadd.s32 $0xFFFFFFFF  }
0xa5: {  	s26 =	simm.s32 $execute0_lowered;
	[smem:$0x3FD2] =	sst s25  }
0xa6: {  	s4 =	sshll.u32 s26, $0x1;
	_ =	strace $0x80000046;
	[dreg:$0x1] =	wrdreg $0xFFFFFFFF  }
0xa7: {  	s28 =	simm.s32 $_size_execute0_lowered;
	s2 =	sadd.s32 s2, s4;
	[dreg:$0x0] =	wrdreg $0x0  }
0xa8: {  	s4 =	sshll.u32 s28, $0x1;
	[dreg:$0x2] =	wrdreg s2  }
0xa9: {  	[dreg:$0x3] =	wrdreg s4  }
0xaa: {  	[dreg:$0x4] =	wrdreg $0xC0  }
0xab: {  	_ =	task [dreg:s6], $0x5FFFF  }
0xac: {  	[dreg:$0x1] =	wrdreg $0xFFFFFFFF  }
0xad: {  	[dreg:$0x0] =	wrdreg $0x60  }
0xae: {  	[dreg:$0x2] =	wrdreg s24  }
0xaf: {  	[dreg:$0x3] =	wrdreg $0x30000  }
0xb0: {  	[dreg:$0x4] =	wrdreg $0x9  }
0xb1: {  	_ =	task.clear_ibuf [dreg:s6], $0x5FFFF;
	_ =	strace $0x90000046  }
0xb2: {  	s29 =	simm.s32 $0x9;
	_ =	strace $0x80000048  }
0xb3: {  	_ =	swait.ge [sflag:s29], $0x1  }
0xb4: {  	[sflag:s29] =	ssyncadd.s32 $0xFFFFFFFF  }
0xb5: {  	_ =	strace $0x90000048  }
0xb6: {  	_ =	sfence  }
0xb7: {  	s30 =	sld [smem:$0x0];
	_ =	sdelay $0x2  }
0xb8: {  	s31 =	sshll.u32 s1, $0xD;
	s1 =	sshrl.u32 s1, $0x2  }
0xb9: {  	s3 =	sand.u32 $0x4000, s31;
	s1 =	sadd.s32 s1, s30  }
0xba: {  	s0 =	sor.u32 s3, s0;
	s1 =	sshll.u32 s1, $0x11  }
0xbb: {  	s0 =	sor.u32 s1, s0  }
0xbc: {  	s0 =	sadd.s32 $0x8F2B, s0  }
0xbd: {  	[sflag:s0] =	ssyncadd.remote.s32 $0x1  }
0xbe: {  	_ =	sfence.sel $0xFFFF  }
0xbf: {  	[dreg:$0x0] =	wrdreg $0xFFFFFFFF;
	(pc) =	sbr.abs _section_cstart, $3  }
0xc0: {  	[dreg:$0x1] =	wrdreg $0xFFFFFFFF  }
0xc1: {  	_ =	task.clear_ibuf [dreg:s6], $0x2FFFF;
	_ =	strace $0x9FFFFFFF  }
0xc2: {  	(tm) =	ssettm $0x7FFFFFFF  }
0xc3: {  	_ =	shalt  }
tec
execute0_lowered:
.L_overlay_start_1:
0x0: {  	(tag) =	ssettag $0x1  }
0x1: {  	s1 =	srdreg.scid;
	s4 =	rddreg [dreg:$0x0]  }
0x2: {  	s0 =	stileid.u32;
	s2 =	rddreg [dreg:$0x1]  }
0x3: {  	s3 =	simm.s32 $0x0;
	s5 =	sand.u32 $0x1, s1;
	s1 =	rddreg [dreg:$0x2]  }
0x4: {  	s31 =	sshll.u32 s0, $0x1;
	[smem:$0x7FF] =	sst s3;
	s10 =	smul.u32 $0x2800, s0  }
0x5: {  	s6 =	sor.u32 s5, s31;
	s7 =	smul.u32 $0x5000, s5;
	s5 =	ssub.s32 $0x2, s5  }
0x6: {  	_ =	strace $0x80000047;
	s6 =	smul.u32 $0x500, s6;
	s8 =	sshrl.u32 s5, $0x1  }
0x7: {  	s13 =	sadd.s32 $0x800, s10;
	s14 =	sadd.s32 $0x1000, s10;
	s15 =	sadd.s32 $0x1800, s10  }
0x8: {  	s16 =	sadd.s32 $0x2000, s10;
	s17 =	sshrl.u32 s10, $0x3;
	s11 =	sadd.s32 s7, s4  }
0x9: {  	s12 =	ssub.s32 s5, s8;
	s5 =	sadd.s32 s10, s2;
	s7 =	sadd.s32 s14, s2  }
0xa: {  	s8 =	sadd.s32 s15, s2;
	s9 =	sadd.s32 s16, s2;
	s18 =	sshrl.u32 s13, $0x3  }
0xb: {  	s20 =	sshrl.u32 s14, $0x3;
	s21 =	sshrl.u32 s15, $0x3;
	s22 =	sshrl.u32 s16, $0x3  }
0xc: {  	s14 =	simm.s32 $0x80;
	s6 =	sadd.s32 s6, s4;
	s19 =	sadd.s32 $0x16400, s11  }
0xd: {  	s10 =	smax.u32 s12, $0x1;
	s11 =	simm.s32 $0x2800;
	s12 =	simm.s32 $0x2  }
0xe: {  	s4 =	sadd.s32 $0x2400, s6;
	s6 =	sadd.s32 s13, s2;
	s13 =	simm.s32 $0x1  }
0xf: {  	s15 =	sadd.s32 s17, s19;
	s16 =	sadd.s32 s18, s19;
	s17 =	sadd.s32 s20, s19  }
0x10: {  	v0 =	vimm.f32 $0.0e+00;
	v1 =	vimm.f32 $1.000000000e+00;
	s18 =	sadd.s32 s21, s19;
	s19 =	sadd.s32 s22, s19;
	s20 =	simm.s32 $0x0  }
.LBB2_1:
0x11: {  	[tilespmem:s3], [sflag:$0x1] =	stream.linear.gather [hbm4b:s4+s3], $0x2800, $0x38;
	[tilespmem:$0x5800] =	vst v63  }
0x12: {  	s21 =	simm.s32 $0x40;
	s22 =	simm.s32 $0x0  }
.LBB2_2:
0x13: {  	p0 =	sne.s32 s21, $0x1FC0;
	[tilespmem:s22+$0x2800] =	vst v0;
	s22 =	smov.u32 s21;
	s21 =	sadd.s32 $0x40, s21  }
.Ltmp0:
0x14: {  	(pc) =	sbr.rel @p0 .LBB2_2-.Ltmp0, $2  }
0x15: {  	_ =	sdelay $0x2  }
0x16: {  	s22 =	sshra.s32 s22, $0x2  }
0x17: {  	[tilespmem:s22+$0x2800] =	vst v0  }
0x18: {  	[spmem:s5] =	stream.linear.scatter [tilespmem:s11], [sflag:$0x2], $0x800, $0x38;
	[tilespmem:$0x5800] =	vst v63  }
0x19: {  	_ = 	snop  }
0x1a: {  	[spmem:s6] =	stream.linear.scatter [tilespmem:s11], [sflag:$0x2], $0x800, $0x38;
	[tilespmem:$0x5800] =	vst v63  }
0x1b: {  	_ = 	snop  }
0x1c: {  	[spmem:s7] =	stream.linear.scatter [tilespmem:s11], [sflag:$0x2], $0x800, $0x38;
	[tilespmem:$0x5800] =	vst v63  }
0x1d: {  	_ = 	snop  }
0x1e: {  	[spmem:s8] =	stream.linear.scatter [tilespmem:s11], [sflag:$0x2], $0x800, $0x38;
	[tilespmem:$0x5800] =	vst v63  }
0x1f: {  	_ = 	snop  }
0x20: {  	[spmem:s9] =	stream.linear.scatter [tilespmem:s11], [sflag:$0x2], $0x800, $0x38;
	[tilespmem:$0x5800] =	vst v63  }
0x21: {  	_ =	swait.ge [sflag:s12], $0x800  }
0x22: {  	[sflag:s12] =	ssyncset.done $0x0  }
0x23: {  	[sflag:s12] =	ssyncadd.s32 $0xFFFFF800  }
0x24: {  	_ =	swait.ge [sflag:s12], $0x800  }
0x25: {  	[sflag:s12] =	ssyncset.done $0x0  }
0x26: {  	[sflag:s12] =	ssyncadd.s32 $0xFFFFF800  }
0x27: {  	_ =	swait.ge [sflag:s12], $0x800  }
0x28: {  	[sflag:s12] =	ssyncset.done $0x0  }
0x29: {  	[sflag:s12] =	ssyncadd.s32 $0xFFFFF800  }
0x2a: {  	_ =	swait.ge [sflag:s12], $0x800  }
0x2b: {  	[sflag:s12] =	ssyncset.done $0x0  }
0x2c: {  	[sflag:s12] =	ssyncadd.s32 $0xFFFFF800  }
0x2d: {  	_ =	swait.ge [sflag:s12], $0x800  }
0x2e: {  	[sflag:s12] =	ssyncset.done $0x0  }
0x2f: {  	[sflag:s12] =	ssyncadd.s32 $0xFFFFF800  }
0x30: {  	s21 =	simm.s32 $0x40;
	s22 =	simm.s32 $0x0;
	[bflag:$0x0] =	sbarrier.arrive $0xFFFF  }
.LBB2_4:
0x31: {  	p0 =	sne.s32 s21, $0x1FC0;
	[tilespmem:s22+$0x2800] =	vst v1;
	s22 =	smov.u32 s21;
	s21 =	sadd.s32 $0x40, s21  }
.Ltmp1:
0x32: {  	(pc) =	sbr.rel @p0 .LBB2_4-.Ltmp1, $2  }
0x33: {  	_ =	sdelay $0x2  }
0x34: {  	s22 =	sshra.s32 s22, $0x2  }
0x35: {  	[tilespmem:s22+$0x2800] =	vst v1  }
0x36: {  	_ =	swait.ge [sflag:s13], $0x2800  }
0x37: {  	[sflag:s13] =	ssyncset.done $0x0  }
0x38: {  	s21 =	simm.s32 $0x0;
	[sflag:s13] =	ssyncadd.s32 $0xFFFFD800  }
0x39: {  	[spmem:s2] =	stream.indirect.scatter.add.f32 [tilespmem:s11], [sflag:$0x2], $0x10, s21, s14, $0xb8;
	[tilespmem:$0x5800] =	vst v63  }
0x3a: {  	s24 =	simm.s32 $0x80  }
0x3b: {  	[spmem:s2] =	stream.indirect.scatter.add.f32 [tilespmem:s11], [sflag:$0x2], $0x10, s24, s14, $0xb8;
	[tilespmem:$0x5800] =	vst v63  }
0x3c: {  	s25 =	simm.s32 $0x100  }
0x3d: {  	[spmem:s2] =	stream.indirect.scatter.add.f32 [tilespmem:s11], [sflag:$0x2], $0x10, s25, s14, $0xb8;
	[tilespmem:$0x5800] =	vst v63  }
0x3e: {  	s26 =	simm.s32 $0x180  }
0x3f: {  	[spmem:s2] =	stream.indirect.scatter.add.f32 [tilespmem:s11], [sflag:$0x2], $0x10, s26, s14, $0xb8;
	[tilespmem:$0x5800] =	vst v63  }
0x40: {  	s28 =	simm.s32 $0x200  }
0x41: {  	[spmem:s2] =	stream.indirect.scatter.add.f32 [tilespmem:s11], [sflag:$0x2], $0x10, s28, s14, $0xb8;
	[tilespmem:$0x5800] =	vst v63  }
0x42: {  	s29 =	simm.s32 $0x280  }
0x43: {  	[spmem:s2] =	stream.indirect.scatter.add.f32 [tilespmem:s11], [sflag:$0x2], $0x10, s29, s14, $0xb8;
	[tilespmem:$0x5800] =	vst v63  }
0x44: {  	s30 =	simm.s32 $0x300  }
0x45: {  	[spmem:s2] =	stream.indirect.scatter.add.f32 [tilespmem:s11], [sflag:$0x2], $0x10, s30, s14, $0xb8;
	[tilespmem:$0x5800] =	vst v63  }
0x46: {  	s31 =	simm.s32 $0x380  }
0x47: {  	[spmem:s2] =	stream.indirect.scatter.add.f32 [tilespmem:s11], [sflag:$0x2], $0x10, s31, s14, $0xb8;
	[tilespmem:$0x5800] =	vst v63  }
0x48: {  	_ =	swait.ge [sflag:s12], $0x800  }
0x49: {  	[sflag:s12] =	ssyncset.done $0x0  }
0x4a: {  	[sflag:s12] =	ssyncadd.s32 $0xFFFFF800  }
0x4b: {  	_ =	swait.ge [sflag:s12], $0x800  }
0x4c: {  	[sflag:s12] =	ssyncset.done $0x0  }
0x4d: {  	[sflag:s12] =	ssyncadd.s32 $0xFFFFF800  }
0x4e: {  	_ =	swait.ge [sflag:s12], $0x800  }
0x4f: {  	[sflag:s12] =	ssyncset.done $0x0  }
0x50: {  	[sflag:s12] =	ssyncadd.s32 $0xFFFFF800  }
0x51: {  	_ =	swait.ge [sflag:s12], $0x800  }
0x52: {  	[sflag:s12] =	ssyncset.done $0x0  }
0x53: {  	[sflag:s12] =	ssyncadd.s32 $0xFFFFF800  }
0x54: {  	_ =	swait.ge [sflag:s12], $0x800  }
0x55: {  	[sflag:s12] =	ssyncset.done $0x0  }
0x56: {  	[sflag:s12] =	ssyncadd.s32 $0xFFFFF800  }
0x57: {  	_ =	swait.ge [sflag:s12], $0x800  }
0x58: {  	[sflag:s12] =	ssyncset.done $0x0  }
0x59: {  	[sflag:s12] =	ssyncadd.s32 $0xFFFFF800  }
0x5a: {  	_ =	swait.ge [sflag:s12], $0x800  }
0x5b: {  	[sflag:s12] =	ssyncset.done $0x0  }
0x5c: {  	[sflag:s12] =	ssyncadd.s32 $0xFFFFF800  }
0x5d: {  	_ =	swait.ge [sflag:s12], $0x800  }
0x5e: {  	s23 =	simm.s32 $0x2000;
	s21 =	simm.s32 $0x1000;
	[sflag:s12] =	ssyncset.done $0x0  }
.LBB2_6:
0x5f: {  	s24 =	sshra.s32 s21, $0x2  }
0x60: {  	[sflag:s12] =	ssyncadd.s32 $0xFFFFF800;
	s21 =	smov.u32 s23;
	s22 =	sadd.s32 $0x1000, s23  }
0x61: {  	[spmem:s2] =	stream.indirect.scatter.add.f32 [tilespmem:s11], [sflag:$0x2], $0x10, s24, s14, $0xb8;
	[tilespmem:$0x5800] =	vst v63  }
0x62: {  	p0 =	sne.s32 s23, $0x9000;
	s23 =	sadd.s32 $0x80, s24  }
0x63: {  	[spmem:s2] =	stream.indirect.scatter.add.f32 [tilespmem:s11], [sflag:$0x2], $0x10, s23, s14, $0xb8;
	[tilespmem:$0x5800] =	vst v63  }
0x64: {  	s23 =	sadd.s32 $0x100, s24  }
0x65: {  	[spmem:s2] =	stream.indirect.scatter.add.f32 [tilespmem:s11], [sflag:$0x2], $0x10, s23, s14, $0xb8;
	[tilespmem:$0x5800] =	vst v63  }
0x66: {  	s23 =	sadd.s32 $0x180, s24  }
0x67: {  	[spmem:s2] =	stream.indirect.scatter.add.f32 [tilespmem:s11], [sflag:$0x2], $0x10, s23, s14, $0xb8;
	[tilespmem:$0x5800] =	vst v63  }
0x68: {  	s23 =	sadd.s32 $0x200, s24  }
0x69: {  	[spmem:s2] =	stream.indirect.scatter.add.f32 [tilespmem:s11], [sflag:$0x2], $0x10, s23, s14, $0xb8;
	[tilespmem:$0x5800] =	vst v63  }
0x6a: {  	s23 =	sadd.s32 $0x280, s24  }
0x6b: {  	[spmem:s2] =	stream.indirect.scatter.add.f32 [tilespmem:s11], [sflag:$0x2], $0x10, s23, s14, $0xb8;
	[tilespmem:$0x5800] =	vst v63  }
0x6c: {  	s23 =	sadd.s32 $0x300, s24  }
0x6d: {  	[spmem:s2] =	stream.indirect.scatter.add.f32 [tilespmem:s11], [sflag:$0x2], $0x10, s23, s14, $0xb8;
	[tilespmem:$0x5800] =	vst v63  }
0x6e: {  	s23 =	sadd.s32 $0x380, s24  }
0x6f: {  	[spmem:s2] =	stream.indirect.scatter.add.f32 [tilespmem:s11], [sflag:$0x2], $0x10, s23, s14, $0xb8;
	[tilespmem:$0x5800] =	vst v63  }
0x70: {  	_ =	swait.ge [sflag:s12], $0x800  }
0x71: {  	[sflag:s12] =	ssyncset.done $0x0  }
0x72: {  	[sflag:s12] =	ssyncadd.s32 $0xFFFFF800  }
0x73: {  	_ =	swait.ge [sflag:s12], $0x800  }
0x74: {  	[sflag:s12] =	ssyncset.done $0x0  }
0x75: {  	[sflag:s12] =	ssyncadd.s32 $0xFFFFF800  }
0x76: {  	_ =	swait.ge [sflag:s12], $0x800  }
0x77: {  	[sflag:s12] =	ssyncset.done $0x0  }
0x78: {  	[sflag:s12] =	ssyncadd.s32 $0xFFFFF800  }
0x79: {  	_ =	swait.ge [sflag:s12], $0x800  }
0x7a: {  	[sflag:s12] =	ssyncset.done $0x0  }
0x7b: {  	[sflag:s12] =	ssyncadd.s32 $0xFFFFF800  }
0x7c: {  	_ =	swait.ge [sflag:s12], $0x800  }
0x7d: {  	[sflag:s12] =	ssyncset.done $0x0  }
0x7e: {  	[sflag:s12] =	ssyncadd.s32 $0xFFFFF800  }
0x7f: {  	_ =	swait.ge [sflag:s12], $0x800  }
0x80: {  	[sflag:s12] =	ssyncset.done $0x0  }
0x81: {  	[sflag:s12] =	ssyncadd.s32 $0xFFFFF800  }
.Ltmp2:
0x82: {  	_ =	swait.ge [sflag:s12], $0x800;
	(pc) =	sbr.rel @p0 .LBB2_6-.Ltmp2, $4  }
0x83: {  	[sflag:s12] =	ssyncset.done $0x0  }
0x84: {  	[sflag:s12] =	ssyncadd.s32 $0xFFFFF800  }
0x85: {  	_ =	swait.ge [sflag:s12], $0x800  }
0x86: {  	s23 =	smov.u32 s22;
	[sflag:s12] =	ssyncset.done $0x0  }
0x87: {  	s21 =	sshra.s32 s21, $0x2;
	[sflag:s12] =	ssyncadd.s32 $0xFFFFF800  }
0x88: {  	[spmem:s2] =	stream.indirect.scatter.add.f32 [tilespmem:s11], [sflag:$0x2], $0x10, s21, s14, $0xb8;
	[tilespmem:$0x5800] =	vst v63  }
0x89: {  	s22 =	sadd.s32 $0x80, s21  }
0x8a: {  	[spmem:s2] =	stream.indirect.scatter.add.f32 [tilespmem:s11], [sflag:$0x2], $0x10, s22, s14, $0xb8;
	[tilespmem:$0x5800] =	vst v63  }
0x8b: {  	s29 =	sadd.s32 $0x100, s21  }
0x8c: {  	[spmem:s2] =	stream.indirect.scatter.add.f32 [tilespmem:s11], [sflag:$0x2], $0x10, s29, s14, $0xb8;
	[tilespmem:$0x5800] =	vst v63  }
0x8d: {  	s30 =	sadd.s32 $0x180, s21  }
0x8e: {  	[spmem:s2] =	stream.indirect.scatter.add.f32 [tilespmem:s11], [sflag:$0x2], $0x10, s30, s14, $0xb8;
	[tilespmem:$0x5800] =	vst v63  }
0x8f: {  	s31 =	sadd.s32 $0x200, s21  }
0x90: {  	[spmem:s2] =	stream.indirect.scatter.add.f32 [tilespmem:s11], [sflag:$0x2], $0x10, s31, s14, $0xb8;
	[tilespmem:$0x5800] =	vst v63  }
0x91: {  	s23 =	sadd.s32 $0x280, s21  }
0x92: {  	[spmem:s2] =	stream.indirect.scatter.add.f32 [tilespmem:s11], [sflag:$0x2], $0x10, s23, s14, $0xb8;
	[tilespmem:$0x5800] =	vst v63  }
0x93: {  	s24 =	sadd.s32 $0x300, s21  }
0x94: {  	[spmem:s2] =	stream.indirect.scatter.add.f32 [tilespmem:s11], [sflag:$0x2], $0x10, s24, s14, $0xb8;
	[tilespmem:$0x5800] =	vst v63  }
0x95: {  	s21 =	sadd.s32 $0x380, s21  }
0x96: {  	[spmem:s2] =	stream.indirect.scatter.add.f32 [tilespmem:s11], [sflag:$0x2], $0x10, s21, s14, $0xb8;
	[tilespmem:$0x5800] =	vst v63  }
0x97: {  	_ =	swait.ge [sflag:s12], $0x800  }
0x98: {  	[sflag:s12] =	ssyncset.done $0x0  }
0x99: {  	[sflag:s12] =	ssyncadd.s32 $0xFFFFF800  }
0x9a: {  	_ =	swait.ge [sflag:s12], $0x800  }
0x9b: {  	[sflag:s12] =	ssyncset.done $0x0  }
0x9c: {  	[sflag:s12] =	ssyncadd.s32 $0xFFFFF800  }
0x9d: {  	_ =	swait.ge [sflag:s12], $0x800  }
0x9e: {  	[sflag:s12] =	ssyncset.done $0x0  }
0x9f: {  	[sflag:s12] =	ssyncadd.s32 $0xFFFFF800  }
0xa0: {  	_ =	swait.ge [sflag:s12], $0x800  }
0xa1: {  	[sflag:s12] =	ssyncset.done $0x0  }
0xa2: {  	[sflag:s12] =	ssyncadd.s32 $0xFFFFF800  }
0xa3: {  	_ =	swait.ge [sflag:s12], $0x800  }
0xa4: {  	[sflag:s12] =	ssyncset.done $0x0  }
0xa5: {  	[sflag:s12] =	ssyncadd.s32 $0xFFFFF800  }
0xa6: {  	_ =	swait.ge [sflag:s12], $0x800  }
0xa7: {  	[sflag:s12] =	ssyncset.done $0x0  }
0xa8: {  	[sflag:s12] =	ssyncadd.s32 $0xFFFFF800  }
0xa9: {  	_ =	swait.ge [sflag:s12], $0x800  }
0xaa: {  	[sflag:s12] =	ssyncset.done $0x0  }
0xab: {  	[sflag:s12] =	ssyncadd.s32 $0xFFFFF800  }
0xac: {  	s25 =	sshll.u32 s0, $0x6;
	_ =	swait.ge [sflag:s12], $0x800  }
0xad: {  	s26 =	sshrl.u32 s5, $0x3;
	s28 =	sshrl.u32 s6, $0x3;
	[sflag:s12] =	ssyncset.done $0x0  }
0xae: {  	s29 =	sshrl.u32 s7, $0x3;
	s30 =	sshrl.u32 s8, $0x3;
	[sflag:s12] =	ssyncadd.s32 $0xFFFFF800  }
0xaf: {  	s31 =	sshrl.u32 s9, $0x3;
	s21 =	sor.u32 $0x1C01, s25;
	[bflag:$0x0] =	sbarrier.arrive $0xFFFF  }
0xb0: {  	[hbm:s15], [sflag:s21] =	dma.local [spmem:s26], $0x100  }
0xb1: {  	[hbm:s16], [sflag:s21] =	dma.local [spmem:s28], $0x100  }
0xb2: {  	[hbm:s17], [sflag:s21] =	dma.local [spmem:s29], $0x100  }
0xb3: {  	[hbm:s18], [sflag:s21] =	dma.local [spmem:s30], $0x100  }
0xb4: {  	[hbm:s19], [sflag:s21] =	dma.local [spmem:s31], $0x100  }
0xb5: {  	_ =	swait.ge [sflag:s13], $0x100  }
0xb6: {  	[sflag:s13] =	ssyncset.done $0x0  }
0xb7: {  	[sflag:s13] =	ssyncadd.s32 $0xFFFFFF00  }
0xb8: {  	_ =	swait.ge [sflag:s13], $0x100  }
0xb9: {  	[sflag:s13] =	ssyncset.done $0x0  }
0xba: {  	[sflag:s13] =	ssyncadd.s32 $0xFFFFFF00  }
0xbb: {  	_ =	swait.ge [sflag:s13], $0x100  }
0xbc: {  	[sflag:s13] =	ssyncset.done $0x0  }
0xbd: {  	s20 =	sadd.s32 $0x1, s20;
	[sflag:s13] =	ssyncadd.s32 $0xFFFFFF00  }
0xbe: {  	p0 =	sne.s32 s20, s10;
	_ =	swait.ge [sflag:s13], $0x100  }
.Ltmp3:
0xbf: {  	[sflag:s13] =	ssyncset.done $0x0;
	(pc) =	sbr.rel @p0 .LBB2_1-.Ltmp3, $4  }
0xc0: {  	[sflag:s13] =	ssyncadd.s32 $0xFFFFFF00  }
0xc1: {  	_ =	swait.ge [sflag:s13], $0x100  }
0xc2: {  	[sflag:s13] =	ssyncset.done $0x0  }
0xc3: {  	[sflag:s13] =	ssyncadd.s32 $0xFFFFFF00  }
0xc4: {  	_ =	sfence.sel $0x180000  }
0xc5: {  	[bflag:$0x0] =	sbarrier.arrive $0xFFFF  }
0xc6: {  	p0 =	sne.s32 s0, $0x0;
	_ =	strace $0x90000047  }
0xc7: {  	s0 =	sadd.s32 @!p0 $0x100000, s1;
	[bflag:$0x2] =	sbarrier.arrive $0xFFFF  }
0xc8: {  	[sflag:s0] =	ssyncadd.tile.s32 @!p0 $0x1;
	_ =	shalt  }
.Lfunc_end2:
_tile_overlayer_lowered:
.L_overlay_start_2:
0xc9: {  	(tag) =	ssettag $0x2  }
0xca: {  	s0 =	rddreg [dreg:$0x0];
	s2 =	stileid.u32  }
0xcb: {  	s1 =	rddreg [dreg:$0x1];
	p0 =	sne.s32 s2, $0x0  }
0xcc: {  	s3 =	rddreg [dreg:$0x2];
	[bflag:$0x3] =	sbarrier.arrive $0xFFFF;
	s2 =	simm.s32 @!p0 $0x1C03  }
0xcd: {  	[timem:s3], [sflag:s2] =	dma.local @!p0 [hbm:s0], s1  }
0xce: {  	s0 =	simm.s32 @!p0 $0x3  }
0xcf: {  	_ =	swait.ge @!p0 [sflag:s0], s1  }
0xd0: {  	s1 =	ssub.s32 @!p0 $0x0, s1;
	[sflag:s0] =	ssyncset.done @!p0 $0x0  }
0xd1: {  	[sflag:s0] =	ssyncadd.s32 @!p0 s1  }
0xd2: {  	[bflag:$0x3] =	sbarrier.arrive $0xFFFF  }
0xd3: {  	_ =	shalt  }

// kernel: kernel.13.cloned.1.call-start
scs
__scs_entry_jumppad:
0x0: {  	(pc) =	sbr.rel $0x88, $3  }
0x1: {  	(tag) =	ssettag $0x0;
	lr =	simm.s32 $0x1  }
0x2: {  	[smem:$0x3F99] =	sst lr;
	_ =	strace $0xD0000000  }
0x3: {  	_ = 	snop  }
0x4: {  	_ = 	snop  }
0x5: {  	_ = 	snop  }
0x6: {  	_ = 	snop  }
0x7: {  	_ = 	snop  }
__scs_overlays_trampoline_lowered:
0x8: {  	[smem:$0x3FA8] =	sst s0  }
0x9: {  	[smem:$0x3FA9] =	sst s1  }
0xa: {  	[smem:$0x3FAA] =	sst s2  }
0xb: {  	[smem:$0x3FAB] =	sst s3  }
0xc: {  	[smem:$0x3FAC] =	sst s4  }
0xd: {  	[smem:$0x3FAD] =	sst s5  }
0xe: {  	[smem:$0x3FAE] =	sst s6  }
0xf: {  	[smem:$0x3FAF] =	sst s7  }
0x10: {  	[smem:$0x3FB0] =	sst s8  }
0x11: {  	[smem:$0x3FB1] =	sst s9;
	s0 =	simm.s32 @!p0 $0x0  }
0x12: {  	s1 =	sld [smem:$0x3F97];
	s0 =	simm.s32 @p0 $0x1  }
0x13: {  	[smem:$0x3FB2] =	sst s0;
	s0 =	simm.s32 @!p1 $0x0  }
0x14: {  	s2 =	sld [smem:$0x3F96];
	s0 =	simm.s32 @p1 $0x1  }
0x15: {  	[smem:$0x3FB3] =	sst s0;
	s0 =	simm.s32 @!p2 $0x0  }
0x16: {  	s3 =	sld [smem:$0x3FDB];
	s0 =	simm.s32 @p2 $0x1  }
0x17: {  	s4 =	simm.s32 $0x1BF5;
	[smem:$0x3FB5] =	sst s0  }
0x18: {  	s0 =	sld [smem:$0x3F98];
	_ =	swait.ge [sflag:s4], $0x0  }
0x19: {  	s7 =	sld [smem:$0x3F99]  }
0x1a: {  	s8 =	sadd.s32 $0xFFFFE003, lr  }
0x1b: {  	s9 =	sadd.s32 $0xFFFFFEF7, lr;
	s5 =	simm.s32 $0xFFFFFFFF;
	p2 =	slt.u32 s8, $0xFFFFF086  }
0x1c: {  	p1 =	slt.u32 s9, $0xF7A;
	s5 =	simm.s32 @!p2 $0x0  }
0x1d: {  	s5 =	simm.s32 @p1 $0x1;
	p0 =	seq.s32 s7, s2  }
0x1e: {  	s7 =	smul.u32 @!p0 $0xF7A, s2;
	p2 =	seq.s32 @!p0 s5, $0x0  }
0x1f: {  	s9 =	smul.u32 $0xF7A, s1;
	s8 =	simm.s32 @!p0 $0x1BF5;
	p2 =	por !p2, p0  }
0x20: {  	[sflag:s8] =	ssyncset.s32 @!p0 $0xFFFFF086;
	s6 =	sadd.s32 @!p0 s3, s7;
	s7 =	simm.s32 @!p0 $0x108  }
0x21: {  	s3 =	sadd.s32 s3, s9;
	s6 =	sadd.s32 @!p0 $0x88, s6;
	s7 =	simm.s32 @p2 $0x1082  }
0x22: {  	[simem:s7], [sflag:s8] =	dma.local @!p0 [hbm:s6], $0xF7A  }
0x23: {  	s9 =	sor.u32 $0xD0000000, s2;
	s6 =	simm.s32 $0x108;
	_ =	swait.ge @!p0 [sflag:s8], $0x0  }
0x24: {  	s3 =	sadd.s32 $0x88, s3;
	s6 =	simm.s32 @!p1 $0x1082;
	[sflag:s4] =	ssyncset.s32 $0xFFFFF086  }
0x25: {  	[simem:s6], [sflag:s4] =	dma.local [hbm:s3], $0xF7A  }
0x26: {  	[smem:$0x3F99] =	sst s1;
	(tag) =	ssettag s2;
	_ =	strace s9  }
0x27: {  	s1 =	sld [smem:$0x3FA9]  }
0x28: {  	s2 =	sld [smem:$0x3FAA]  }
0x29: {  	s4 =	sld [smem:$0x3FAC]  }
0x2a: {  	p0 =	seq.s32 s5, $0x0;
	s5 =	sld [smem:$0x3FAD]  }
0x2b: {  	s6 =	sld [smem:$0x3FAE]  }
0x2c: {  	s7 =	sld [smem:$0x3FAF]  }
0x2d: {  	s3 =	simm.s32 $0x108;
	s8 =	sld [smem:$0x3FB0]  }
0x2e: {  	s3 =	simm.s32 @!p0 $0x1082;
	s9 =	sld [smem:$0x3FB1]  }
0x2f: {  	lr =	sadd.s32 s0, s3;
	s0 =	sld [smem:$0x3FA8]  }
0x30: {  	s3 =	sld [smem:$0x3FAB]  }
0x31: {  	[smem:$0x3FB4] =	sst s10  }
0x32: {  	s10 =	sld [smem:$0x3FB2];
	_ =	sdelay $0x3  }
0x33: {  	p0 =	seq.s32 s10, $0x1;
	s10 =	sld [smem:$0x3FB4];
	_ =	sdelay $0x3  }
0x34: {  	[smem:$0x3FB4] =	sst s10  }
0x35: {  	s10 =	sld [smem:$0x3FB3];
	_ =	sdelay $0x3  }
0x36: {  	p1 =	seq.s32 s10, $0x1;
	s10 =	sld [smem:$0x3FB4];
	_ =	sdelay $0x3  }
0x37: {  	[smem:$0x3FB4] =	sst s10  }
0x38: {  	s10 =	sld [smem:$0x3FB5]  }
0x39: {  	_ = 	snop;
	(pc) =	sbr.ind lr, $3  }
0x3a: {  	_ = 	snop  }
0x3b: {  	_ = 	snop  }
0x3c: {  	p2 =	seq.s32 s10, $0x1;
	s10 =	sld [smem:$0x3FB4]  }
0x3d: {  	_ =	shalt  }
0x3e: {  	_ =	shalt  }
0x3f: {  	_ =	shalt  }
0x40: {  	_ =	shalt  }
0x41: {  	_ =	shalt  }
0x42: {  	_ =	shalt  }
0x43: {  	_ =	shalt  }
0x44: {  	_ =	shalt  }
0x45: {  	_ =	shalt  }
0x46: {  	_ =	shalt  }
0x47: {  	_ =	shalt  }
0x48: {  	_ =	shalt  }
0x49: {  	_ =	shalt  }
0x4a: {  	_ =	shalt  }
0x4b: {  	_ =	shalt  }
0x4c: {  	_ =	shalt  }
0x4d: {  	_ =	shalt  }
0x4e: {  	_ =	shalt  }
0x4f: {  	_ =	shalt  }
0x50: {  	_ =	shalt  }
0x51: {  	_ =	shalt  }
0x52: {  	_ =	shalt  }
0x53: {  	_ =	shalt  }
0x54: {  	_ =	shalt  }
0x55: {  	_ =	shalt  }
0x56: {  	_ =	shalt  }
0x57: {  	_ =	shalt  }
0x58: {  	_ =	shalt  }
0x59: {  	_ =	shalt  }
0x5a: {  	_ =	shalt  }
0x5b: {  	_ =	shalt  }
0x5c: {  	_ =	shalt  }
0x5d: {  	_ =	shalt  }
0x5e: {  	_ =	shalt  }
0x5f: {  	_ =	shalt  }
0x60: {  	_ =	shalt  }
0x61: {  	_ =	shalt  }
0x62: {  	_ =	shalt  }
0x63: {  	_ =	shalt  }
0x64: {  	_ =	shalt  }
0x65: {  	_ =	shalt  }
0x66: {  	_ =	shalt  }
0x67: {  	_ =	shalt  }
0x68: {  	_ =	shalt  }
0x69: {  	_ =	shalt  }
0x6a: {  	_ =	shalt  }
0x6b: {  	_ =	shalt  }
0x6c: {  	_ =	shalt  }
0x6d: {  	_ =	shalt  }
0x6e: {  	_ =	shalt  }
0x6f: {  	_ =	shalt  }
0x70: {  	_ =	shalt  }
0x71: {  	_ =	shalt  }
0x72: {  	_ =	shalt  }
0x73: {  	_ =	shalt  }
0x74: {  	_ =	shalt  }
0x75: {  	_ =	shalt  }
0x76: {  	_ =	shalt  }
0x77: {  	_ =	shalt  }
0x78: {  	_ =	shalt  }
0x79: {  	_ =	shalt  }
0x7a: {  	_ =	shalt  }
0x7b: {  	_ =	shalt  }
0x7c: {  	_ =	shalt  }
0x7d: {  	_ =	shalt  }
0x7e: {  	_ =	shalt  }
0x7f: {  	_ =	shalt  }
0x80: {  	_ =	shalt  }
0x81: {  	_ =	shalt  }
0x82: {  	_ =	shalt  }
0x83: {  	_ =	shalt  }
0x84: {  	_ =	shalt  }
0x85: {  	_ =	shalt  }
0x86: {  	_ =	shalt  }
0x87: {  	_ =	shalt  }
.Lfunc_end0:
.L_simem_size_0:
called_computation.1_lowered:
.L_overlay_start_0:
0x88: {  	s2 =	sld [smem:$0x3FD9]  }
0x89: {  	s3 =	sld [smem:$0x3FFE];
	_ =	sdelay $0x1  }
0x8a: {  	s1 =	srdreg.scid  }
0x8b: {  	s0 =	sand.u32 $0x1, s1  }
0x8c: {  	s16 =	sshll.u32 s0, $0xA;
	s2 =	sadd.s32 s3, s2  }
0x8d: {  	s2 =	sadd.s32 s2, s16  }
0x8e: {  	[smem:$0x3FC0] =	sst s2  }
0x8f: {  	_ = 	snop  }
0x90: {  	(tm) =	ssettm $0x1  }
0x91: {  	s17 =	sld [smem:$0x3FFB];
	_ =	sdelay $0x3  }
0x92: {  	_ =	strace s17  }
0x93: {  	s2 =	sld [smem:$0x3FFC];
	_ =	sdelay $0x3  }
0x94: {  	_ =	strace s2  }
0x95: {  	s2 =	sld [smem:$0x3FFD];
	_ =	sdelay $0x3  }
0x96: {  	_ =	strace s2  }
0x97: {  	_ =	strace $0x8FFFFFFF  }
0x98: {  	s18 =	sld [smem:$0x3FDB];
	_ =	sdelay $0x1  }
0x99: {  	s19 =	simm.s32 $_scs_section_size  }
0x9a: {  	s4 =	simm.s32 $_size__tile_overlayer_lowered;
	s5 =	simm.s32 $_tile_overlayer_lowered  }
0x9b: {  	s22 =	simm.s32 $0x1BFF;
	s21 =	sshll.u32 s5, $0x1;
	s2 =	sadd.s32 s19, s18  }
0x9c: {  	s6 =	simm.s32 $0x0;
	s20 =	sshll.u32 s4, $0x1;
	s4 =	sadd.s32 s21, s2  }
0x9d: {  	[timem:s6], [sflag:s22] =	dma.local [hbm:s4], s20  }
0x9e: {  	_ =	swait.ge [sflag:s22], s20  }
0x9f: {  	s3 =	ssub.s32 $0x0, s20;
	[sflag:s22] =	ssyncset.done $0x0  }
0xa0: {  	[sflag:s22] =	ssyncadd.s32 s3;
	_ =	sdelay $0x1  }
0xa1: {  	s23 =	simm.s32 $0x1B8B  }
0xa2: {  	_ =	swait.ge [sflag:s23], $0x1  }
0xa3: {  	[sflag:s23] =	ssyncset.done $0x0  }
0xa4: {  	s25 =	simm.s32 $0x1B8E;
	s24 =	sld [smem:$0x3FFE];
	[sflag:s23] =	ssyncadd.s32 $0xFFFFFFFF  }
0xa5: {  	s26 =	simm.s32 $execute0_lowered;
	[smem:$0x3FD2] =	sst s25  }
0xa6: {  	s4 =	sshll.u32 s26, $0x1;
	_ =	strace $0x80000049;
	[dreg:$0x1] =	wrdreg $0xFFFFFFFF  }
0xa7: {  	s28 =	simm.s32 $_size_execute0_lowered;
	s2 =	sadd.s32 s2, s4;
	[dreg:$0x0] =	wrdreg $0x0  }
0xa8: {  	s4 =	sshll.u32 s28, $0x1;
	[dreg:$0x2] =	wrdreg s2  }
0xa9: {  	[dreg:$0x3] =	wrdreg s4  }
0xaa: {  	[dreg:$0x4] =	wrdreg $0xC0  }
0xab: {  	_ =	task [dreg:s6], $0x5FFFF  }
0xac: {  	[dreg:$0x1] =	wrdreg $0xFFFFFFFF  }
0xad: {  	[dreg:$0x0] =	wrdreg $0x60  }
0xae: {  	[dreg:$0x2] =	wrdreg s24  }
0xaf: {  	[dreg:$0x3] =	wrdreg $0xD0000  }
0xb0: {  	[dreg:$0x4] =	wrdreg $0x9  }
0xb1: {  	_ =	task.clear_ibuf [dreg:s6], $0x5FFFF;
	_ =	strace $0x90000049  }
0xb2: {  	s29 =	simm.s32 $0x9;
	_ =	strace $0x8000004B  }
0xb3: {  	_ =	swait.ge [sflag:s29], $0x1  }
0xb4: {  	[sflag:s29] =	ssyncadd.s32 $0xFFFFFFFF  }
0xb5: {  	_ =	strace $0x9000004B  }
0xb6: {  	_ =	sfence  }
0xb7: {  	s30 =	sld [smem:$0x0];
	_ =	sdelay $0x2  }
0xb8: {  	s31 =	sshll.u32 s1, $0xD;
	s1 =	sshrl.u32 s1, $0x2  }
0xb9: {  	s3 =	sand.u32 $0x4000, s31;
	s1 =	sadd.s32 s1, s30  }
0xba: {  	s0 =	sor.u32 s3, s0;
	s1 =	sshll.u32 s1, $0x11  }
0xbb: {  	s0 =	sor.u32 s1, s0  }
0xbc: {  	s0 =	sadd.s32 $0x8F2B, s0  }
0xbd: {  	[sflag:s0] =	ssyncadd.remote.s32 $0x1  }
0xbe: {  	_ =	sfence.sel $0xFFFF  }
0xbf: {  	[dreg:$0x0] =	wrdreg $0xFFFFFFFF;
	(pc) =	sbr.abs _section_cstart, $3  }
0xc0: {  	[dreg:$0x1] =	wrdreg $0xFFFFFFFF  }
0xc1: {  	_ =	task.clear_ibuf [dreg:s6], $0x2FFFF;
	_ =	strace $0x9FFFFFFF  }
0xc2: {  	(tm) =	ssettm $0x7FFFFFFF  }
0xc3: {  	_ =	shalt  }
tec
execute0_lowered:
.L_overlay_start_1:
0x0: {  	(tag) =	ssettag $0x1  }
0x1: {  	s0 =	rddreg [dreg:$0x0]  }
0x2: {  	s2 =	rddreg [dreg:$0x1]  }
0x3: {  	s4 =	srdreg.scid;
	s1 =	stileid.u32  }
0x4: {  	s3 =	simm.s32 $0x0;
	s18 =	simm.s32 $0x7000;
	s19 =	simm.s32 $0x1  }
0x5: {  	s25 =	simm.s32 $0x9000;
	s26 =	simm.s32 $0xB000;
	s28 =	simm.s32 $0x2  }
0x6: {  	s29 =	simm.s32 $0x0;
	s5 =	sand.u32 $0x1, s4;
	s31 =	sshll.u32 s1, $0x1  }
0x7: {  	[smem:$0x7FF] =	sst s3;
	s12 =	smul.u32 $0xA000, s1;
	s4 =	sor.u32 s5, s31  }
0x8: {  	_ =	strace $0x8000004A;
	s7 =	smul.u32 $0x14000, s5;
	s5 =	ssub.s32 $0x2, s5  }
0x9: {  	s6 =	smul.u32 $0x500, s4;
	s4 =	sadd.s32 $0x70400, s0;
	s8 =	sshrl.u32 s5, $0x1  }
0xa: {  	s14 =	sadd.s32 $0x2000, s12;
	s15 =	sadd.s32 $0x4000, s12;
	s16 =	sadd.s32 $0x6000, s12  }
0xb: {  	s17 =	sadd.s32 $0x8000, s12;
	s20 =	sshrl.u32 s12, $0x3;
	s13 =	ssub.s32 s5, s8  }
0xc: {  	s8 =	sadd.s32 s14, s2;
	s9 =	sadd.s32 s15, s2;
	s10 =	sadd.s32 s16, s2  }
0xd: {  	s11 =	sadd.s32 s17, s2;
	s21 =	sshrl.u32 s14, $0x3;
	s22 =	sshrl.u32 s15, $0x3  }
0xe: {  	s23 =	sshrl.u32 s16, $0x3;
	s24 =	sshrl.u32 s17, $0x3;
	s14 =	simm.s32 $0x5000  }
0xf: {  	s15 =	simm.s32 $0x4;
	s16 =	simm.s32 $0x3;
	s17 =	simm.s32 $0x80  }
0x10: {  	s6 =	sadd.s32 s6, s0;
	s0 =	sadd.s32 s7, s0;
	s7 =	sadd.s32 s12, s2  }
0x11: {  	s12 =	smax.u32 s13, $0x1;
	s5 =	sadd.s32 $0xC400, s6;
	s0 =	sadd.s32 $0x83E00, s0  }
0x12: {  	s6 =	sadd.s32 $0x2400, s6;
	s20 =	sadd.s32 s20, s0;
	s21 =	sadd.s32 s21, s0  }
0x13: {  	v0 =	vimm.f32 $0.0e+00;
	s22 =	sadd.s32 s22, s0;
	s23 =	sadd.s32 s23, s0;
	s24 =	sadd.s32 s24, s0  }
.LBB2_1:
0x14: {  	[tilespmem:s3], [sflag:$0x3] =	stream.linear.gather [hbm4b:s5+s3], $0x2800, $0x38;
	[tilespmem:$0x17000] =	vst v63  }
0x15: {  	s0 =	simm.s32 $0x2800  }
0x16: {  	[tilespmem:s0], [sflag:$0x3] =	stream.linear.gather [hbm4b:s6+s3], $0x2800, $0x38;
	[tilespmem:$0x17000] =	vst v63  }
0x17: {  	s30 =	simm.s32 $0x100;
	s0 =	simm.s32 $0x0  }
.LBB2_2:
0x18: {  	p0 =	sne.s32 s30, $0x7F00;
	[tilespmem:s0+$0x5030] =	vst v0;
	s13 =	smov.u32 s30;
	s30 =	sadd.s32 $0x100, s30  }
.Ltmp0:
0x19: {  	[tilespmem:s0+$0x5020] =	vst v0;
	(pc) =	sbr.rel @p0 .LBB2_2-.Ltmp0, $3  }
0x1a: {  	[tilespmem:s0+$0x5000] =	vst v0  }
0x1b: {  	[tilespmem:s0+$0x5010] =	vst v0;
	_ =	sdelay $0x1  }
0x1c: {  	s0 =	sshra.s32 s13, $0x2  }
0x1d: {  	[tilespmem:s0+$0x5030] =	vst v0  }
0x1e: {  	[tilespmem:s0+$0x5020] =	vst v0  }
0x1f: {  	[tilespmem:s0+$0x5000] =	vst v0  }
0x20: {  	[tilespmem:s0+$0x5010] =	vst v0  }
0x21: {  	[spmem:s7] =	stream.linear.scatter [tilespmem:s14], [sflag:$0x4], $0x2000, $0x38;
	[tilespmem:$0x17000] =	vst v63  }
0x22: {  	_ =	swait.ge [sflag:s15], $0x2000  }
0x23: {  	[sflag:s15] =	ssyncset.done $0x0  }
0x24: {  	[sflag:s15] =	ssyncadd.s32 $0xFFFFE000  }
0x25: {  	[spmem:s8] =	stream.linear.scatter [tilespmem:s14], [sflag:$0x4], $0x2000, $0x38;
	[tilespmem:$0x17000] =	vst v63  }
0x26: {  	_ =	swait.ge [sflag:s15], $0x2000  }
0x27: {  	[sflag:s15] =	ssyncset.done $0x0  }
0x28: {  	[sflag:s15] =	ssyncadd.s32 $0xFFFFE000  }
0x29: {  	[spmem:s9] =	stream.linear.scatter [tilespmem:s14], [sflag:$0x4], $0x2000, $0x38;
	[tilespmem:$0x17000] =	vst v63  }
0x2a: {  	_ =	swait.ge [sflag:s15], $0x2000  }
0x2b: {  	[sflag:s15] =	ssyncset.done $0x0  }
0x2c: {  	[sflag:s15] =	ssyncadd.s32 $0xFFFFE000  }
0x2d: {  	[spmem:s10] =	stream.linear.scatter [tilespmem:s14], [sflag:$0x4], $0x2000, $0x38;
	[tilespmem:$0x17000] =	vst v63  }
0x2e: {  	_ =	swait.ge [sflag:s15], $0x2000  }
0x2f: {  	[sflag:s15] =	ssyncset.done $0x0  }
0x30: {  	[sflag:s15] =	ssyncadd.s32 $0xFFFFE000  }
0x31: {  	[spmem:s11] =	stream.linear.scatter [tilespmem:s14], [sflag:$0x4], $0x2000, $0x38;
	[tilespmem:$0x17000] =	vst v63  }
0x32: {  	_ =	swait.ge [sflag:s15], $0x2000  }
0x33: {  	[sflag:s15] =	ssyncset.done $0x0  }
0x34: {  	[sflag:s15] =	ssyncadd.s32 $0xFFFFE000  }
0x35: {  	_ =	swait.ge [sflag:s16], $0x2800  }
0x36: {  	[sflag:s16] =	ssyncset.done $0x0  }
0x37: {  	[sflag:s16] =	ssyncadd.s32 $0xFFFFD800  }
0x38: {  	_ =	swait.ge [sflag:s16], $0x2800  }
0x39: {  	[sflag:s16] =	ssyncset.done $0x0  }
0x3a: {  	[sflag:s16] =	ssyncadd.s32 $0xFFFFD800  }
0x3b: {  	s13 =	simm.s32 $0x0;
	[bflag:$0x0] =	sbarrier.arrive $0xFFFF  }
0x3c: {  	[tilespmem:s14], [sflag:$0x1] =	stream.indirect.gather [hbm4b:s4+s17], $0x40, s13, s17, $0xb8;
	[tilespmem:$0x17000] =	vst v63  }
0x3d: {  	s13 =	simm.s32 $0x80  }
0x3e: {  	[tilespmem:s18], [sflag:$0x1] =	stream.indirect.gather [hbm4b:s4+s17], $0x40, s13, s17, $0xb8;
	[tilespmem:$0x17000] =	vst v63  }
0x3f: {  	_ =	swait.ge [sflag:s19], $0x2000  }
0x40: {  	[sflag:s19] =	ssyncset.done $0x0  }
0x41: {  	s13 =	simm.s32 $0x2800;
	[sflag:s19] =	ssyncadd.s32 $0xFFFFE000  }
0x42: {  	[spmem:s2] =	stream.indirect.scatter.add.f32 [tilespmem:s14], [sflag:$0x2], $0x40, s13, s17, $0xb8;
	[tilespmem:$0x17000] =	vst v63  }
0x43: {  	s13 =	simm.s32 $0x100  }
0x44: {  	[tilespmem:s25], [sflag:$0x1] =	stream.indirect.gather [hbm4b:s4+s17], $0x40, s13, s17, $0xb8;
	[tilespmem:$0x17000] =	vst v63  }
0x45: {  	_ =	swait.ge [sflag:s19], $0x2000  }
0x46: {  	[sflag:s19] =	ssyncset.done $0x0  }
0x47: {  	s13 =	simm.s32 $0x2880;
	[sflag:s19] =	ssyncadd.s32 $0xFFFFE000  }
0x48: {  	[spmem:s2] =	stream.indirect.scatter.add.f32 [tilespmem:s18], [sflag:$0x2], $0x40, s13, s17, $0xb8;
	[tilespmem:$0x17000] =	vst v63  }
0x49: {  	s13 =	simm.s32 $0x180  }
0x4a: {  	[tilespmem:s26], [sflag:$0x1] =	stream.indirect.gather [hbm4b:s4+s17], $0x40, s13, s17, $0xb8;
	[tilespmem:$0x17000] =	vst v63  }
0x4b: {  	_ =	swait.ge [sflag:s19], $0x2000  }
0x4c: {  	[sflag:s19] =	ssyncset.done $0x0  }
0x4d: {  	s13 =	simm.s32 $0x2900;
	[sflag:s19] =	ssyncadd.s32 $0xFFFFE000  }
0x4e: {  	[spmem:s2] =	stream.indirect.scatter.add.f32 [tilespmem:s25], [sflag:$0x2], $0x40, s13, s17, $0xb8;
	[tilespmem:$0x17000] =	vst v63  }
0x4f: {  	_ =	swait.ge [sflag:s28], $0x2000  }
0x50: {  	[sflag:s28] =	ssyncset.done $0x0  }
0x51: {  	s13 =	simm.s32 $0x200;
	[sflag:s28] =	ssyncadd.s32 $0xFFFFE000  }
0x52: {  	[tilespmem:s14], [sflag:$0x1] =	stream.indirect.gather [hbm4b:s4+s17], $0x40, s13, s17, $0xb8;
	[tilespmem:$0x17000] =	vst v63  }
0x53: {  	_ =	swait.ge [sflag:s19], $0x2000  }
0x54: {  	[sflag:s19] =	ssyncset.done $0x0  }
0x55: {  	s13 =	simm.s32 $0x2980;
	[sflag:s19] =	ssyncadd.s32 $0xFFFFE000  }
0x56: {  	[spmem:s2] =	stream.indirect.scatter.add.f32 [tilespmem:s26], [sflag:$0x2], $0x40, s13, s17, $0xb8;
	[tilespmem:$0x17000] =	vst v63  }
0x57: {  	_ =	swait.ge [sflag:s28], $0x2000  }
0x58: {  	[sflag:s28] =	ssyncset.done $0x0  }
0x59: {  	s13 =	simm.s32 $0x280;
	[sflag:s28] =	ssyncadd.s32 $0xFFFFE000  }
0x5a: {  	[tilespmem:s18], [sflag:$0x1] =	stream.indirect.gather [hbm4b:s4+s17], $0x40, s13, s17, $0xb8;
	[tilespmem:$0x17000] =	vst v63  }
0x5b: {  	_ =	swait.ge [sflag:s19], $0x2000  }
0x5c: {  	[sflag:s19] =	ssyncset.done $0x0  }
0x5d: {  	s13 =	simm.s32 $0x2A00;
	[sflag:s19] =	ssyncadd.s32 $0xFFFFE000  }
0x5e: {  	[spmem:s2] =	stream.indirect.scatter.add.f32 [tilespmem:s14], [sflag:$0x2], $0x40, s13, s17, $0xb8;
	[tilespmem:$0x17000] =	vst v63  }
0x5f: {  	_ =	swait.ge [sflag:s28], $0x2000  }
0x60: {  	[sflag:s28] =	ssyncset.done $0x0  }
0x61: {  	s13 =	simm.s32 $0x300;
	[sflag:s28] =	ssyncadd.s32 $0xFFFFE000  }
0x62: {  	[tilespmem:s25], [sflag:$0x1] =	stream.indirect.gather [hbm4b:s4+s17], $0x40, s13, s17, $0xb8;
	[tilespmem:$0x17000] =	vst v63  }
0x63: {  	_ =	swait.ge [sflag:s19], $0x2000  }
0x64: {  	[sflag:s19] =	ssyncset.done $0x0  }
0x65: {  	s13 =	simm.s32 $0x2A80;
	[sflag:s19] =	ssyncadd.s32 $0xFFFFE000  }
0x66: {  	[spmem:s2] =	stream.indirect.scatter.add.f32 [tilespmem:s18], [sflag:$0x2], $0x40, s13, s17, $0xb8;
	[tilespmem:$0x17000] =	vst v63  }
0x67: {  	_ =	swait.ge [sflag:s28], $0x2000  }
0x68: {  	[sflag:s28] =	ssyncset.done $0x0  }
0x69: {  	s13 =	simm.s32 $0x380;
	[sflag:s28] =	ssyncadd.s32 $0xFFFFE000  }
0x6a: {  	[tilespmem:s26], [sflag:$0x1] =	stream.indirect.gather [hbm4b:s4+s17], $0x40, s13, s17, $0xb8;
	[tilespmem:$0x17000] =	vst v63  }
0x6b: {  	_ =	swait.ge [sflag:s19], $0x2000  }
0x6c: {  	[sflag:s19] =	ssyncset.done $0x0  }
0x6d: {  	s13 =	simm.s32 $0x2B00;
	[sflag:s19] =	ssyncadd.s32 $0xFFFFE000  }
0x6e: {  	[spmem:s2] =	stream.indirect.scatter.add.f32 [tilespmem:s25], [sflag:$0x2], $0x40, s13, s17, $0xb8;
	[tilespmem:$0x17000] =	vst v63  }
0x6f: {  	_ =	swait.ge [sflag:s19], $0x2000  }
0x70: {  	[sflag:s19] =	ssyncset.done $0x0  }
0x71: {  	s13 =	simm.s32 $0x2B80;
	[sflag:s19] =	ssyncadd.s32 $0xFFFFE000  }
0x72: {  	[spmem:s2] =	stream.indirect.scatter.add.f32 [tilespmem:s26], [sflag:$0x2], $0x40, s13, s17, $0xb8;
	[tilespmem:$0x17000] =	vst v63  }
0x73: {  	_ =	swait.ge [sflag:s28], $0x2000  }
0x74: {  	[sflag:s28] =	ssyncset.done $0x0  }
0x75: {  	[sflag:s28] =	ssyncadd.s32 $0xFFFFE000  }
0x76: {  	_ =	swait.ge [sflag:s28], $0x2000  }
0x77: {  	[sflag:s28] =	ssyncset.done $0x0  }
0x78: {  	[sflag:s28] =	ssyncadd.s32 $0xFFFFE000  }
0x79: {  	_ =	swait.ge [sflag:s28], $0x2000  }
0x7a: {  	[sflag:s28] =	ssyncset.done $0x0  }
0x7b: {  	[sflag:s28] =	ssyncadd.s32 $0xFFFFE000  }
0x7c: {  	_ =	swait.ge [sflag:s28], $0x2000  }
0x7d: {  	s30 =	simm.s32 $0x1000;
	s31 =	simm.s32 $0x2000;
	[sflag:s28] =	ssyncset.done $0x0  }
.LBB2_4:
0x7e: {  	s0 =	sshra.s32 s30, $0x2  }
0x7f: {  	[sflag:s28] =	ssyncadd.s32 $0xFFFFE000;
	s30 =	smov.u32 s31;
	s13 =	sadd.s32 $0x1000, s31  }
0x80: {  	[tilespmem:s14], [sflag:$0x1] =	stream.indirect.gather [hbm4b:s4+s17], $0x40, s0, s17, $0xb8;
	[tilespmem:$0x17000] =	vst v63  }
0x81: {  	p0 =	sne.s32 s31, $0x9000;
	s31 =	sadd.s32 $0x80, s0  }
0x82: {  	[tilespmem:s18], [sflag:$0x1] =	stream.indirect.gather [hbm4b:s4+s17], $0x40, s31, s17, $0xb8;
	[tilespmem:$0x17000] =	vst v63  }
0x83: {  	_ =	swait.ge [sflag:s19], $0x2000  }
0x84: {  	[sflag:s19] =	ssyncset.done $0x0  }
0x85: {  	s31 =	sadd.s32 $0x2800, s0;
	[sflag:s19] =	ssyncadd.s32 $0xFFFFE000  }
0x86: {  	[spmem:s2] =	stream.indirect.scatter.add.f32 [tilespmem:s14], [sflag:$0x2], $0x40, s31, s17, $0xb8;
	[tilespmem:$0x17000] =	vst v63  }
0x87: {  	s31 =	sadd.s32 $0x100, s0  }
0x88: {  	[tilespmem:s25], [sflag:$0x1] =	stream.indirect.gather [hbm4b:s4+s17], $0x40, s31, s17, $0xb8;
	[tilespmem:$0x17000] =	vst v63  }
0x89: {  	_ =	swait.ge [sflag:s19], $0x2000  }
0x8a: {  	[sflag:s19] =	ssyncset.done $0x0  }
0x8b: {  	s31 =	sadd.s32 $0x2880, s0;
	[sflag:s19] =	ssyncadd.s32 $0xFFFFE000  }
0x8c: {  	[spmem:s2] =	stream.indirect.scatter.add.f32 [tilespmem:s18], [sflag:$0x2], $0x40, s31, s17, $0xb8;
	[tilespmem:$0x17000] =	vst v63  }
0x8d: {  	s31 =	sadd.s32 $0x180, s0  }
0x8e: {  	[tilespmem:s26], [sflag:$0x1] =	stream.indirect.gather [hbm4b:s4+s17], $0x40, s31, s17, $0xb8;
	[tilespmem:$0x17000] =	vst v63  }
0x8f: {  	_ =	swait.ge [sflag:s19], $0x2000  }
0x90: {  	[sflag:s19] =	ssyncset.done $0x0  }
0x91: {  	s31 =	sadd.s32 $0x2900, s0;
	[sflag:s19] =	ssyncadd.s32 $0xFFFFE000  }
0x92: {  	[spmem:s2] =	stream.indirect.scatter.add.f32 [tilespmem:s25], [sflag:$0x2], $0x40, s31, s17, $0xb8;
	[tilespmem:$0x17000] =	vst v63  }
0x93: {  	_ =	swait.ge [sflag:s28], $0x2000  }
0x94: {  	[sflag:s28] =	ssyncset.done $0x0  }
0x95: {  	s31 =	sadd.s32 $0x200, s0;
	[sflag:s28] =	ssyncadd.s32 $0xFFFFE000  }
0x96: {  	[tilespmem:s14], [sflag:$0x1] =	stream.indirect.gather [hbm4b:s4+s17], $0x40, s31, s17, $0xb8;
	[tilespmem:$0x17000] =	vst v63  }
0x97: {  	_ =	swait.ge [sflag:s19], $0x2000  }
0x98: {  	[sflag:s19] =	ssyncset.done $0x0  }
0x99: {  	s31 =	sadd.s32 $0x2980, s0;
	[sflag:s19] =	ssyncadd.s32 $0xFFFFE000  }
0x9a: {  	[spmem:s2] =	stream.indirect.scatter.add.f32 [tilespmem:s26], [sflag:$0x2], $0x40, s31, s17, $0xb8;
	[tilespmem:$0x17000] =	vst v63  }
0x9b: {  	_ =	swait.ge [sflag:s28], $0x2000  }
0x9c: {  	[sflag:s28] =	ssyncset.done $0x0  }
0x9d: {  	s31 =	sadd.s32 $0x280, s0;
	[sflag:s28] =	ssyncadd.s32 $0xFFFFE000  }
0x9e: {  	[tilespmem:s18], [sflag:$0x1] =	stream.indirect.gather [hbm4b:s4+s17], $0x40, s31, s17, $0xb8;
	[tilespmem:$0x17000] =	vst v63  }
0x9f: {  	_ =	swait.ge [sflag:s19], $0x2000  }
0xa0: {  	[sflag:s19] =	ssyncset.done $0x0  }
0xa1: {  	s31 =	sadd.s32 $0x2A00, s0;
	[sflag:s19] =	ssyncadd.s32 $0xFFFFE000  }
0xa2: {  	[spmem:s2] =	stream.indirect.scatter.add.f32 [tilespmem:s14], [sflag:$0x2], $0x40, s31, s17, $0xb8;
	[tilespmem:$0x17000] =	vst v63  }
0xa3: {  	_ =	swait.ge [sflag:s28], $0x2000  }
0xa4: {  	[sflag:s28] =	ssyncset.done $0x0  }
0xa5: {  	s31 =	sadd.s32 $0x300, s0;
	[sflag:s28] =	ssyncadd.s32 $0xFFFFE000  }
0xa6: {  	[tilespmem:s25], [sflag:$0x1] =	stream.indirect.gather [hbm4b:s4+s17], $0x40, s31, s17, $0xb8;
	[tilespmem:$0x17000] =	vst v63  }
0xa7: {  	_ =	swait.ge [sflag:s19], $0x2000  }
0xa8: {  	[sflag:s19] =	ssyncset.done $0x0  }
0xa9: {  	s31 =	sadd.s32 $0x2A80, s0;
	[sflag:s19] =	ssyncadd.s32 $0xFFFFE000  }
0xaa: {  	[spmem:s2] =	stream.indirect.scatter.add.f32 [tilespmem:s18], [sflag:$0x2], $0x40, s31, s17, $0xb8;
	[tilespmem:$0x17000] =	vst v63  }
0xab: {  	_ =	swait.ge [sflag:s28], $0x2000  }
0xac: {  	[sflag:s28] =	ssyncset.done $0x0  }
0xad: {  	s31 =	sadd.s32 $0x380, s0;
	[sflag:s28] =	ssyncadd.s32 $0xFFFFE000  }
0xae: {  	[tilespmem:s26], [sflag:$0x1] =	stream.indirect.gather [hbm4b:s4+s17], $0x40, s31, s17, $0xb8;
	[tilespmem:$0x17000] =	vst v63  }
0xaf: {  	_ =	swait.ge [sflag:s19], $0x2000  }
0xb0: {  	[sflag:s19] =	ssyncset.done $0x0  }
0xb1: {  	s31 =	sadd.s32 $0x2B00, s0;
	[sflag:s19] =	ssyncadd.s32 $0xFFFFE000  }
0xb2: {  	[spmem:s2] =	stream.indirect.scatter.add.f32 [tilespmem:s25], [sflag:$0x2], $0x40, s31, s17, $0xb8;
	[tilespmem:$0x17000] =	vst v63  }
0xb3: {  	_ =	swait.ge [sflag:s19], $0x2000  }
0xb4: {  	[sflag:s19] =	ssyncset.done $0x0  }
0xb5: {  	s0 =	sadd.s32 $0x2B80, s0;
	[sflag:s19] =	ssyncadd.s32 $0xFFFFE000  }
0xb6: {  	[spmem:s2] =	stream.indirect.scatter.add.f32 [tilespmem:s26], [sflag:$0x2], $0x40, s0, s17, $0xb8;
	[tilespmem:$0x17000] =	vst v63  }
0xb7: {  	_ =	swait.ge [sflag:s28], $0x2000  }
0xb8: {  	[sflag:s28] =	ssyncset.done $0x0  }
0xb9: {  	[sflag:s28] =	ssyncadd.s32 $0xFFFFE000  }
0xba: {  	_ =	swait.ge [sflag:s28], $0x2000  }
0xbb: {  	[sflag:s28] =	ssyncset.done $0x0  }
0xbc: {  	[sflag:s28] =	ssyncadd.s32 $0xFFFFE000  }
.Ltmp1:
0xbd: {  	_ =	swait.ge [sflag:s28], $0x2000;
	(pc) =	sbr.rel @p0 .LBB2_4-.Ltmp1, $4  }
0xbe: {  	[sflag:s28] =	ssyncset.done $0x0  }
0xbf: {  	[sflag:s28] =	ssyncadd.s32 $0xFFFFE000  }
0xc0: {  	_ =	swait.ge [sflag:s28], $0x2000  }
0xc1: {  	s31 =	smov.u32 s13;
	[sflag:s28] =	ssyncset.done $0x0  }
0xc2: {  	s0 =	sshra.s32 s30, $0x2;
	[sflag:s28] =	ssyncadd.s32 $0xFFFFE000  }
0xc3: {  	[tilespmem:s14], [sflag:$0x1] =	stream.indirect.gather [hbm4b:s4+s17], $0x40, s0, s17, $0xb8;
	[tilespmem:$0x17000] =	vst v63  }
0xc4: {  	s13 =	sadd.s32 $0x80, s0  }
0xc5: {  	[tilespmem:s18], [sflag:$0x1] =	stream.indirect.gather [hbm4b:s4+s17], $0x40, s13, s17, $0xb8;
	[tilespmem:$0x17000] =	vst v63  }
0xc6: {  	_ =	swait.ge [sflag:s19], $0x2000  }
0xc7: {  	[sflag:s19] =	ssyncset.done $0x0  }
0xc8: {  	s31 =	sadd.s32 $0x2800, s0;
	[sflag:s19] =	ssyncadd.s32 $0xFFFFE000  }
0xc9: {  	[spmem:s2] =	stream.indirect.scatter.add.f32 [tilespmem:s14], [sflag:$0x2], $0x40, s31, s17, $0xb8;
	[tilespmem:$0x17000] =	vst v63  }
0xca: {  	s30 =	sadd.s32 $0x100, s0  }
0xcb: {  	[tilespmem:s25], [sflag:$0x1] =	stream.indirect.gather [hbm4b:s4+s17], $0x40, s30, s17, $0xb8;
	[tilespmem:$0x17000] =	vst v63  }
0xcc: {  	_ =	swait.ge [sflag:s19], $0x2000  }
0xcd: {  	[sflag:s19] =	ssyncset.done $0x0  }
0xce: {  	s31 =	sadd.s32 $0x2880, s0;
	[sflag:s19] =	ssyncadd.s32 $0xFFFFE000  }
0xcf: {  	[spmem:s2] =	stream.indirect.scatter.add.f32 [tilespmem:s18], [sflag:$0x2], $0x40, s31, s17, $0xb8;
	[tilespmem:$0x17000] =	vst v63  }
0xd0: {  	s30 =	sadd.s32 $0x180, s0  }
0xd1: {  	[tilespmem:s26], [sflag:$0x1] =	stream.indirect.gather [hbm4b:s4+s17], $0x40, s30, s17, $0xb8;
	[tilespmem:$0x17000] =	vst v63  }
0xd2: {  	_ =	swait.ge [sflag:s19], $0x2000  }
0xd3: {  	[sflag:s19] =	ssyncset.done $0x0  }
0xd4: {  	s31 =	sadd.s32 $0x2900, s0;
	[sflag:s19] =	ssyncadd.s32 $0xFFFFE000  }
0xd5: {  	[spmem:s2] =	stream.indirect.scatter.add.f32 [tilespmem:s25], [sflag:$0x2], $0x40, s31, s17, $0xb8;
	[tilespmem:$0x17000] =	vst v63  }
0xd6: {  	_ =	swait.ge [sflag:s28], $0x2000  }
0xd7: {  	[sflag:s28] =	ssyncset.done $0x0  }
0xd8: {  	s30 =	sadd.s32 $0x200, s0;
	[sflag:s28] =	ssyncadd.s32 $0xFFFFE000  }
0xd9: {  	[tilespmem:s14], [sflag:$0x1] =	stream.indirect.gather [hbm4b:s4+s17], $0x40, s30, s17, $0xb8;
	[tilespmem:$0x17000] =	vst v63  }
0xda: {  	_ =	swait.ge [sflag:s19], $0x2000  }
0xdb: {  	[sflag:s19] =	ssyncset.done $0x0  }
0xdc: {  	s31 =	sadd.s32 $0x2980, s0;
	[sflag:s19] =	ssyncadd.s32 $0xFFFFE000  }
0xdd: {  	[spmem:s2] =	stream.indirect.scatter.add.f32 [tilespmem:s26], [sflag:$0x2], $0x40, s31, s17, $0xb8;
	[tilespmem:$0x17000] =	vst v63  }
0xde: {  	_ =	swait.ge [sflag:s28], $0x2000  }
0xdf: {  	[sflag:s28] =	ssyncset.done $0x0  }
0xe0: {  	s30 =	sadd.s32 $0x280, s0;
	[sflag:s28] =	ssyncadd.s32 $0xFFFFE000  }
0xe1: {  	[tilespmem:s18], [sflag:$0x1] =	stream.indirect.gather [hbm4b:s4+s17], $0x40, s30, s17, $0xb8;
	[tilespmem:$0x17000] =	vst v63  }
0xe2: {  	_ =	swait.ge [sflag:s19], $0x2000  }
0xe3: {  	[sflag:s19] =	ssyncset.done $0x0  }
0xe4: {  	s31 =	sadd.s32 $0x2A00, s0;
	[sflag:s19] =	ssyncadd.s32 $0xFFFFE000  }
0xe5: {  	[spmem:s2] =	stream.indirect.scatter.add.f32 [tilespmem:s14], [sflag:$0x2], $0x40, s31, s17, $0xb8;
	[tilespmem:$0x17000] =	vst v63  }
0xe6: {  	_ =	swait.ge [sflag:s28], $0x2000  }
0xe7: {  	[sflag:s28] =	ssyncset.done $0x0  }
0xe8: {  	s30 =	sadd.s32 $0x300, s0;
	[sflag:s28] =	ssyncadd.s32 $0xFFFFE000  }
0xe9: {  	[tilespmem:s25], [sflag:$0x1] =	stream.indirect.gather [hbm4b:s4+s17], $0x40, s30, s17, $0xb8;
	[tilespmem:$0x17000] =	vst v63  }
0xea: {  	_ =	swait.ge [sflag:s19], $0x2000  }
0xeb: {  	[sflag:s19] =	ssyncset.done $0x0  }
0xec: {  	s31 =	sadd.s32 $0x2A80, s0;
	[sflag:s19] =	ssyncadd.s32 $0xFFFFE000  }
0xed: {  	[spmem:s2] =	stream.indirect.scatter.add.f32 [tilespmem:s18], [sflag:$0x2], $0x40, s31, s17, $0xb8;
	[tilespmem:$0x17000] =	vst v63  }
0xee: {  	_ =	swait.ge [sflag:s28], $0x2000  }
0xef: {  	[sflag:s28] =	ssyncset.done $0x0  }
0xf0: {  	s30 =	sadd.s32 $0x380, s0;
	[sflag:s28] =	ssyncadd.s32 $0xFFFFE000  }
0xf1: {  	[tilespmem:s26], [sflag:$0x1] =	stream.indirect.gather [hbm4b:s4+s17], $0x40, s30, s17, $0xb8;
	[tilespmem:$0x17000] =	vst v63  }
0xf2: {  	_ =	swait.ge [sflag:s19], $0x2000  }
0xf3: {  	[sflag:s19] =	ssyncset.done $0x0  }
0xf4: {  	s31 =	sadd.s32 $0x2B00, s0;
	[sflag:s19] =	ssyncadd.s32 $0xFFFFE000  }
0xf5: {  	[spmem:s2] =	stream.indirect.scatter.add.f32 [tilespmem:s25], [sflag:$0x2], $0x40, s31, s17, $0xb8;
	[tilespmem:$0x17000] =	vst v63  }
0xf6: {  	_ =	swait.ge [sflag:s19], $0x2000  }
0xf7: {  	[sflag:s19] =	ssyncset.done $0x0  }
0xf8: {  	s0 =	sadd.s32 $0x2B80, s0;
	[sflag:s19] =	ssyncadd.s32 $0xFFFFE000  }
0xf9: {  	[spmem:s2] =	stream.indirect.scatter.add.f32 [tilespmem:s26], [sflag:$0x2], $0x40, s0, s17, $0xb8;
	[tilespmem:$0x17000] =	vst v63  }
0xfa: {  	_ =	swait.ge [sflag:s28], $0x2000  }
0xfb: {  	[sflag:s28] =	ssyncset.done $0x0  }
0xfc: {  	[sflag:s28] =	ssyncadd.s32 $0xFFFFE000  }
0xfd: {  	_ =	swait.ge [sflag:s28], $0x2000  }
0xfe: {  	[sflag:s28] =	ssyncset.done $0x0  }
0xff: {  	[sflag:s28] =	ssyncadd.s32 $0xFFFFE000  }
0x100: {  	_ =	swait.ge [sflag:s28], $0x2000  }
0x101: {  	[sflag:s28] =	ssyncset.done $0x0  }
0x102: {  	[sflag:s28] =	ssyncadd.s32 $0xFFFFE000  }
0x103: {  	_ =	swait.ge [sflag:s28], $0x2000  }
0x104: {  	[sflag:s28] =	ssyncset.done $0x0  }
0x105: {  	s30 =	sshll.u32 s1, $0x6;
	[sflag:s28] =	ssyncadd.s32 $0xFFFFE000  }
0x106: {  	s31 =	sshrl.u32 s7, $0x3;
	s0 =	sor.u32 $0x1C04, s30;
	[bflag:$0x0] =	sbarrier.arrive $0xFFFF  }
0x107: {  	[hbm:s20], [sflag:s0] =	dma.local [spmem:s31], $0x400  }
0x108: {  	_ =	swait.ge [sflag:s15], $0x400  }
0x109: {  	[sflag:s15] =	ssyncset.done $0x0  }
0x10a: {  	s30 =	sshrl.u32 s8, $0x3;
	[sflag:s15] =	ssyncadd.s32 $0xFFFFFC00  }
0x10b: {  	[hbm:s21], [sflag:s0] =	dma.local [spmem:s30], $0x400  }
0x10c: {  	_ =	swait.ge [sflag:s15], $0x400  }
0x10d: {  	[sflag:s15] =	ssyncset.done $0x0  }
0x10e: {  	s31 =	sshrl.u32 s9, $0x3;
	[sflag:s15] =	ssyncadd.s32 $0xFFFFFC00  }
0x10f: {  	[hbm:s22], [sflag:s0] =	dma.local [spmem:s31], $0x400  }
0x110: {  	_ =	swait.ge [sflag:s15], $0x400  }
0x111: {  	[sflag:s15] =	ssyncset.done $0x0  }
0x112: {  	s30 =	sshrl.u32 s10, $0x3;
	[sflag:s15] =	ssyncadd.s32 $0xFFFFFC00  }
0x113: {  	[hbm:s23], [sflag:s0] =	dma.local [spmem:s30], $0x400  }
0x114: {  	s29 =	sadd.s32 $0x1, s29;
	_ =	swait.ge [sflag:s15], $0x400  }
0x115: {  	p0 =	sne.s32 s29, s12;
	[sflag:s15] =	ssyncset.done $0x0  }
.Ltmp2:
0x116: {  	s31 =	sshrl.u32 s11, $0x3;
	[sflag:s15] =	ssyncadd.s32 $0xFFFFFC00;
	(pc) =	sbr.rel @p0 .LBB2_1-.Ltmp2, $4  }
0x117: {  	[hbm:s24], [sflag:s0] =	dma.local [spmem:s31], $0x400  }
0x118: {  	_ =	swait.ge [sflag:s15], $0x400  }
0x119: {  	[sflag:s15] =	ssyncset.done $0x0  }
0x11a: {  	[sflag:s15] =	ssyncadd.s32 $0xFFFFFC00  }
0x11b: {  	_ =	sfence.sel $0x180000  }
0x11c: {  	[bflag:$0x0] =	sbarrier.arrive $0xFFFF  }
0x11d: {  	_ =	strace $0x9000004A  }
0x11e: {  	[bflag:$0x2] =	sbarrier.arrive $0xFFFF  }
0x11f: {  	p0 =	sne.s32 s1, $0x0;
	s0 =	rddreg [dreg:$0x2]  }
0x120: {  	s0 =	sadd.s32 @!p0 $0x100000, s0  }
0x121: {  	[sflag:s0] =	ssyncadd.tile.s32 @!p0 $0x1;
	_ =	shalt  }
.Lfunc_end2:
_tile_overlayer_lowered:
.L_overlay_start_2:
0x122: {  	(tag) =	ssettag $0x2  }
0x123: {  	s0 =	rddreg [dreg:$0x0];
	s2 =	stileid.u32  }
0x124: {  	s1 =	rddreg [dreg:$0x1];
	p0 =	sne.s32 s2, $0x0  }
0x125: {  	s3 =	rddreg [dreg:$0x2];
	[bflag:$0x3] =	sbarrier.arrive $0xFFFF;
	s2 =	simm.s32 @!p0 $0x1C04  }
0x126: {  	[timem:s3], [sflag:s2] =	dma.local @!p0 [hbm:s0], s1  }
0x127: {  	s0 =	simm.s32 @!p0 $0x4  }
0x128: {  	_ =	swait.ge @!p0 [sflag:s0], s1  }
0x129: {  	s1 =	ssub.s32 @!p0 $0x0, s1;
	[sflag:s0] =	ssyncset.done @!p0 $0x0  }
0x12a: {  	[sflag:s0] =	ssyncadd.s32 @!p0 s1  }
0x12b: {  	[bflag:$0x3] =	sbarrier.arrive $0xFFFF  }
0x12c: {  	_ =	shalt  }

// kernel: kernel.16.cloned.1.call-start
scs
__scs_entry_jumppad:
0x0: {  	(pc) =	sbr.rel $0x88, $3  }
0x1: {  	(tag) =	ssettag $0x0;
	lr =	simm.s32 $0x1  }
0x2: {  	[smem:$0x3F99] =	sst lr;
	_ =	strace $0xD0000000  }
0x3: {  	_ = 	snop  }
0x4: {  	_ = 	snop  }
0x5: {  	_ = 	snop  }
0x6: {  	_ = 	snop  }
0x7: {  	_ = 	snop  }
__scs_overlays_trampoline_lowered:
0x8: {  	[smem:$0x3FA8] =	sst s0  }
0x9: {  	[smem:$0x3FA9] =	sst s1  }
0xa: {  	[smem:$0x3FAA] =	sst s2  }
0xb: {  	[smem:$0x3FAB] =	sst s3  }
0xc: {  	[smem:$0x3FAC] =	sst s4  }
0xd: {  	[smem:$0x3FAD] =	sst s5  }
0xe: {  	[smem:$0x3FAE] =	sst s6  }
0xf: {  	[smem:$0x3FAF] =	sst s7  }
0x10: {  	[smem:$0x3FB0] =	sst s8  }
0x11: {  	[smem:$0x3FB1] =	sst s9;
	s0 =	simm.s32 @!p0 $0x0  }
0x12: {  	s1 =	sld [smem:$0x3F97];
	s0 =	simm.s32 @p0 $0x1  }
0x13: {  	[smem:$0x3FB2] =	sst s0;
	s0 =	simm.s32 @!p1 $0x0  }
0x14: {  	s2 =	sld [smem:$0x3F96];
	s0 =	simm.s32 @p1 $0x1  }
0x15: {  	[smem:$0x3FB3] =	sst s0;
	s0 =	simm.s32 @!p2 $0x0  }
0x16: {  	s3 =	sld [smem:$0x3FDB];
	s0 =	simm.s32 @p2 $0x1  }
0x17: {  	s4 =	simm.s32 $0x1BF5;
	[smem:$0x3FB5] =	sst s0  }
0x18: {  	s0 =	sld [smem:$0x3F98];
	_ =	swait.ge [sflag:s4], $0x0  }
0x19: {  	s7 =	sld [smem:$0x3F99]  }
0x1a: {  	s8 =	sadd.s32 $0xFFFFE003, lr  }
0x1b: {  	s9 =	sadd.s32 $0xFFFFFEF7, lr;
	s5 =	simm.s32 $0xFFFFFFFF;
	p2 =	slt.u32 s8, $0xFFFFF086  }
0x1c: {  	p1 =	slt.u32 s9, $0xF7A;
	s5 =	simm.s32 @!p2 $0x0  }
0x1d: {  	s5 =	simm.s32 @p1 $0x1;
	p0 =	seq.s32 s7, s2  }
0x1e: {  	s7 =	smul.u32 @!p0 $0xF7A, s2;
	p2 =	seq.s32 @!p0 s5, $0x0  }
0x1f: {  	s9 =	smul.u32 $0xF7A, s1;
	s8 =	simm.s32 @!p0 $0x1BF5;
	p2 =	por !p2, p0  }
0x20: {  	[sflag:s8] =	ssyncset.s32 @!p0 $0xFFFFF086;
	s6 =	sadd.s32 @!p0 s3, s7;
	s7 =	simm.s32 @!p0 $0x108  }
0x21: {  	s3 =	sadd.s32 s3, s9;
	s6 =	sadd.s32 @!p0 $0x88, s6;
	s7 =	simm.s32 @p2 $0x1082  }
0x22: {  	[simem:s7], [sflag:s8] =	dma.local @!p0 [hbm:s6], $0xF7A  }
0x23: {  	s9 =	sor.u32 $0xD0000000, s2;
	s6 =	simm.s32 $0x108;
	_ =	swait.ge @!p0 [sflag:s8], $0x0  }
0x24: {  	s3 =	sadd.s32 $0x88, s3;
	s6 =	simm.s32 @!p1 $0x1082;
	[sflag:s4] =	ssyncset.s32 $0xFFFFF086  }
0x25: {  	[simem:s6], [sflag:s4] =	dma.local [hbm:s3], $0xF7A  }
0x26: {  	[smem:$0x3F99] =	sst s1;
	(tag) =	ssettag s2;
	_ =	strace s9  }
0x27: {  	s1 =	sld [smem:$0x3FA9]  }
0x28: {  	s2 =	sld [smem:$0x3FAA]  }
0x29: {  	s4 =	sld [smem:$0x3FAC]  }
0x2a: {  	p0 =	seq.s32 s5, $0x0;
	s5 =	sld [smem:$0x3FAD]  }
0x2b: {  	s6 =	sld [smem:$0x3FAE]  }
0x2c: {  	s7 =	sld [smem:$0x3FAF]  }
0x2d: {  	s3 =	simm.s32 $0x108;
	s8 =	sld [smem:$0x3FB0]  }
0x2e: {  	s3 =	simm.s32 @!p0 $0x1082;
	s9 =	sld [smem:$0x3FB1]  }
0x2f: {  	lr =	sadd.s32 s0, s3;
	s0 =	sld [smem:$0x3FA8]  }
0x30: {  	s3 =	sld [smem:$0x3FAB]  }
0x31: {  	[smem:$0x3FB4] =	sst s10  }
0x32: {  	s10 =	sld [smem:$0x3FB2];
	_ =	sdelay $0x3  }
0x33: {  	p0 =	seq.s32 s10, $0x1;
	s10 =	sld [smem:$0x3FB4];
	_ =	sdelay $0x3  }
0x34: {  	[smem:$0x3FB4] =	sst s10  }
0x35: {  	s10 =	sld [smem:$0x3FB3];
	_ =	sdelay $0x3  }
0x36: {  	p1 =	seq.s32 s10, $0x1;
	s10 =	sld [smem:$0x3FB4];
	_ =	sdelay $0x3  }
0x37: {  	[smem:$0x3FB4] =	sst s10  }
0x38: {  	s10 =	sld [smem:$0x3FB5]  }
0x39: {  	_ = 	snop;
	(pc) =	sbr.ind lr, $3  }
0x3a: {  	_ = 	snop  }
0x3b: {  	_ = 	snop  }
0x3c: {  	p2 =	seq.s32 s10, $0x1;
	s10 =	sld [smem:$0x3FB4]  }
0x3d: {  	_ =	shalt  }
0x3e: {  	_ =	shalt  }
0x3f: {  	_ =	shalt  }
0x40: {  	_ =	shalt  }
0x41: {  	_ =	shalt  }
0x42: {  	_ =	shalt  }
0x43: {  	_ =	shalt  }
0x44: {  	_ =	shalt  }
0x45: {  	_ =	shalt  }
0x46: {  	_ =	shalt  }
0x47: {  	_ =	shalt  }
0x48: {  	_ =	shalt  }
0x49: {  	_ =	shalt  }
0x4a: {  	_ =	shalt  }
0x4b: {  	_ =	shalt  }
0x4c: {  	_ =	shalt  }
0x4d: {  	_ =	shalt  }
0x4e: {  	_ =	shalt  }
0x4f: {  	_ =	shalt  }
0x50: {  	_ =	shalt  }
0x51: {  	_ =	shalt  }
0x52: {  	_ =	shalt  }
0x53: {  	_ =	shalt  }
0x54: {  	_ =	shalt  }
0x55: {  	_ =	shalt  }
0x56: {  	_ =	shalt  }
0x57: {  	_ =	shalt  }
0x58: {  	_ =	shalt  }
0x59: {  	_ =	shalt  }
0x5a: {  	_ =	shalt  }
0x5b: {  	_ =	shalt  }
0x5c: {  	_ =	shalt  }
0x5d: {  	_ =	shalt  }
0x5e: {  	_ =	shalt  }
0x5f: {  	_ =	shalt  }
0x60: {  	_ =	shalt  }
0x61: {  	_ =	shalt  }
0x62: {  	_ =	shalt  }
0x63: {  	_ =	shalt  }
0x64: {  	_ =	shalt  }
0x65: {  	_ =	shalt  }
0x66: {  	_ =	shalt  }
0x67: {  	_ =	shalt  }
0x68: {  	_ =	shalt  }
0x69: {  	_ =	shalt  }
0x6a: {  	_ =	shalt  }
0x6b: {  	_ =	shalt  }
0x6c: {  	_ =	shalt  }
0x6d: {  	_ =	shalt  }
0x6e: {  	_ =	shalt  }
0x6f: {  	_ =	shalt  }
0x70: {  	_ =	shalt  }
0x71: {  	_ =	shalt  }
0x72: {  	_ =	shalt  }
0x73: {  	_ =	shalt  }
0x74: {  	_ =	shalt  }
0x75: {  	_ =	shalt  }
0x76: {  	_ =	shalt  }
0x77: {  	_ =	shalt  }
0x78: {  	_ =	shalt  }
0x79: {  	_ =	shalt  }
0x7a: {  	_ =	shalt  }
0x7b: {  	_ =	shalt  }
0x7c: {  	_ =	shalt  }
0x7d: {  	_ =	shalt  }
0x7e: {  	_ =	shalt  }
0x7f: {  	_ =	shalt  }
0x80: {  	_ =	shalt  }
0x81: {  	_ =	shalt  }
0x82: {  	_ =	shalt  }
0x83: {  	_ =	shalt  }
0x84: {  	_ =	shalt  }
0x85: {  	_ =	shalt  }
0x86: {  	_ =	shalt  }
0x87: {  	_ =	shalt  }
.Lfunc_end0:
.L_simem_size_0:
called_computation.2_lowered:
.L_overlay_start_0:
0x88: {  	s2 =	sld [smem:$0x3FD9]  }
0x89: {  	s3 =	sld [smem:$0x3FFE];
	_ =	sdelay $0x1  }
0x8a: {  	s1 =	srdreg.scid  }
0x8b: {  	s0 =	sand.u32 $0x1, s1  }
0x8c: {  	s16 =	sshll.u32 s0, $0xA;
	s2 =	sadd.s32 s3, s2  }
0x8d: {  	s2 =	sadd.s32 s2, s16  }
0x8e: {  	[smem:$0x3FC0] =	sst s2  }
0x8f: {  	_ = 	snop  }
0x90: {  	(tm) =	ssettm $0x1  }
0x91: {  	s17 =	sld [smem:$0x3FFB];
	_ =	sdelay $0x3  }
0x92: {  	_ =	strace s17  }
0x93: {  	s2 =	sld [smem:$0x3FFC];
	_ =	sdelay $0x3  }
0x94: {  	_ =	strace s2  }
0x95: {  	s2 =	sld [smem:$0x3FFD];
	_ =	sdelay $0x3  }
0x96: {  	_ =	strace s2  }
0x97: {  	_ =	strace $0x8FFFFFFF  }
0x98: {  	s18 =	sld [smem:$0x3FDB];
	_ =	sdelay $0x1  }
0x99: {  	s19 =	simm.s32 $_scs_section_size  }
0x9a: {  	s4 =	simm.s32 $_size__tile_overlayer_lowered;
	s5 =	simm.s32 $_tile_overlayer_lowered  }
0x9b: {  	s22 =	simm.s32 $0x1BFF;
	s21 =	sshll.u32 s5, $0x1;
	s2 =	sadd.s32 s19, s18  }
0x9c: {  	s6 =	simm.s32 $0x0;
	s20 =	sshll.u32 s4, $0x1;
	s4 =	sadd.s32 s21, s2  }
0x9d: {  	[timem:s6], [sflag:s22] =	dma.local [hbm:s4], s20  }
0x9e: {  	_ =	swait.ge [sflag:s22], s20  }
0x9f: {  	s3 =	ssub.s32 $0x0, s20;
	[sflag:s22] =	ssyncset.done $0x0  }
0xa0: {  	[sflag:s22] =	ssyncadd.s32 s3;
	_ =	sdelay $0x1  }
0xa1: {  	s23 =	simm.s32 $0x1B8B  }
0xa2: {  	_ =	swait.ge [sflag:s23], $0x1  }
0xa3: {  	[sflag:s23] =	ssyncset.done $0x0  }
0xa4: {  	s25 =	simm.s32 $0x1B8E;
	s24 =	sld [smem:$0x3FFE];
	[sflag:s23] =	ssyncadd.s32 $0xFFFFFFFF  }
0xa5: {  	s26 =	simm.s32 $execute0_lowered;
	[smem:$0x3FD2] =	sst s25  }
0xa6: {  	s4 =	sshll.u32 s26, $0x1;
	_ =	strace $0x8000004C;
	[dreg:$0x1] =	wrdreg $0xFFFFFFFF  }
0xa7: {  	s28 =	simm.s32 $_size_execute0_lowered;
	s2 =	sadd.s32 s2, s4;
	[dreg:$0x0] =	wrdreg $0x0  }
0xa8: {  	s4 =	sshll.u32 s28, $0x1;
	[dreg:$0x2] =	wrdreg s2  }
0xa9: {  	[dreg:$0x3] =	wrdreg s4  }
0xaa: {  	[dreg:$0x4] =	wrdreg $0xC0  }
0xab: {  	_ =	task [dreg:s6], $0x5FFFF  }
0xac: {  	[dreg:$0x1] =	wrdreg $0xFFFFFFFF  }
0xad: {  	[dreg:$0x0] =	wrdreg $0x60  }
0xae: {  	[dreg:$0x2] =	wrdreg s24  }
0xaf: {  	[dreg:$0x3] =	wrdreg $0x90000  }
0xb0: {  	[dreg:$0x4] =	wrdreg $0x9  }
0xb1: {  	_ =	task.clear_ibuf [dreg:s6], $0x5FFFF;
	_ =	strace $0x9000004C  }
0xb2: {  	s29 =	simm.s32 $0x9;
	_ =	strace $0x8000004E  }
0xb3: {  	_ =	swait.ge [sflag:s29], $0x1  }
0xb4: {  	[sflag:s29] =	ssyncadd.s32 $0xFFFFFFFF  }
0xb5: {  	_ =	strace $0x9000004E  }
0xb6: {  	_ =	sfence  }
0xb7: {  	s30 =	sld [smem:$0x0];
	_ =	sdelay $0x2  }
0xb8: {  	s31 =	sshll.u32 s1, $0xD;
	s1 =	sshrl.u32 s1, $0x2  }
0xb9: {  	s3 =	sand.u32 $0x4000, s31;
	s1 =	sadd.s32 s1, s30  }
0xba: {  	s0 =	sor.u32 s3, s0;
	s1 =	sshll.u32 s1, $0x11  }
0xbb: {  	s0 =	sor.u32 s1, s0  }
0xbc: {  	s0 =	sadd.s32 $0x8F2B, s0  }
0xbd: {  	[sflag:s0] =	ssyncadd.remote.s32 $0x1  }
0xbe: {  	_ =	sfence.sel $0xFFFF  }
0xbf: {  	[dreg:$0x0] =	wrdreg $0xFFFFFFFF;
	(pc) =	sbr.abs _section_cstart, $3  }
0xc0: {  	[dreg:$0x1] =	wrdreg $0xFFFFFFFF  }
0xc1: {  	_ =	task.clear_ibuf [dreg:s6], $0x2FFFF;
	_ =	strace $0x9FFFFFFF  }
0xc2: {  	(tm) =	ssettm $0x7FFFFFFF  }
0xc3: {  	_ =	shalt  }
tec
execute0_lowered:
.L_overlay_start_1:
0x0: {  	(tag) =	ssettag $0x1  }
0x1: {  	s0 =	rddreg [dreg:$0x0]  }
0x2: {  	s2 =	rddreg [dreg:$0x1]  }
0x3: {  	s4 =	srdreg.scid;
	s1 =	stileid.u32  }
0x4: {  	s3 =	simm.s32 $0x0;
	s18 =	simm.s32 $0x6000;
	s19 =	simm.s32 $0x1  }
0x5: {  	s25 =	simm.s32 $0x7000;
	s26 =	simm.s32 $0x8000;
	s28 =	simm.s32 $0x2  }
0x6: {  	s29 =	simm.s32 $0x0;
	s5 =	sand.u32 $0x1, s4;
	s31 =	sshll.u32 s1, $0x1  }
0x7: {  	[smem:$0x7FF] =	sst s3;
	s12 =	smul.u32 $0x5000, s1;
	s4 =	sor.u32 s5, s31  }
0x8: {  	_ =	strace $0x8000004D;
	s7 =	smul.u32 $0xA000, s5;
	s5 =	ssub.s32 $0x2, s5  }
0x9: {  	s6 =	smul.u32 $0x500, s4;
	s4 =	sadd.s32 $0x16400, s0;
	s8 =	sshrl.u32 s5, $0x1  }
0xa: {  	s14 =	sadd.s32 $0x1000, s12;
	s15 =	sadd.s32 $0x2000, s12;
	s16 =	sadd.s32 $0x3000, s12  }
0xb: {  	s17 =	sadd.s32 $0x4000, s12;
	s20 =	sshrl.u32 s12, $0x3;
	s13 =	ssub.s32 s5, s8  }
0xc: {  	s8 =	sadd.s32 s14, s2;
	s9 =	sadd.s32 s15, s2;
	s10 =	sadd.s32 s16, s2  }
0xd: {  	s11 =	sadd.s32 s17, s2;
	s21 =	sshrl.u32 s14, $0x3;
	s22 =	sshrl.u32 s15, $0x3  }
0xe: {  	s23 =	sshrl.u32 s16, $0x3;
	s24 =	sshrl.u32 s17, $0x3;
	s14 =	simm.s32 $0x5000  }
0xf: {  	s15 =	simm.s32 $0x4;
	s16 =	simm.s32 $0x3;
	s17 =	simm.s32 $0x80  }
0x10: {  	s6 =	sadd.s32 s6, s0;
	s0 =	sadd.s32 s7, s0;
	s7 =	sadd.s32 s12, s2  }
0x11: {  	s12 =	smax.u32 s13, $0x1;
	s5 =	sadd.s32 $0xC400, s6;
	s0 =	sadd.s32 $0x70400, s0  }
0x12: {  	s6 =	sadd.s32 $0x2400, s6;
	s20 =	sadd.s32 s20, s0;
	s21 =	sadd.s32 s21, s0  }
0x13: {  	v0 =	vimm.f32 $0.0e+00;
	s22 =	sadd.s32 s22, s0;
	s23 =	sadd.s32 s23, s0;
	s24 =	sadd.s32 s24, s0  }
.LBB2_1:
0x14: {  	[tilespmem:s3], [sflag:$0x3] =	stream.linear.gather [hbm4b:s5+s3], $0x2800, $0x38;
	[tilespmem:$0xE000] =	vst v63  }
0x15: {  	s0 =	simm.s32 $0x2800  }
0x16: {  	[tilespmem:s0], [sflag:$0x3] =	stream.linear.gather [hbm4b:s6+s3], $0x2800, $0x38;
	[tilespmem:$0xE000] =	vst v63  }
0x17: {  	s13 =	simm.s32 $0x0;
	s0 =	simm.s32 $0x80  }
.LBB2_2:
0x18: {  	p0 =	sne.s32 s0, $0x3F80;
	[tilespmem:s13+$0x5000] =	vst v0;
	s30 =	smov.u32 s0;
	s0 =	sadd.s32 $0x80, s0  }
.Ltmp0:
0x19: {  	[tilespmem:s13+$0x5010] =	vst v0;
	(pc) =	sbr.rel @p0 .LBB2_2-.Ltmp0, $2  }
0x1a: {  	_ =	sdelay $0x2  }
0x1b: {  	s13 =	sshra.s32 s30, $0x2  }
0x1c: {  	[tilespmem:s13+$0x5000] =	vst v0  }
0x1d: {  	[tilespmem:s13+$0x5010] =	vst v0  }
0x1e: {  	[spmem:s7] =	stream.linear.scatter [tilespmem:s14], [sflag:$0x4], $0x1000, $0x38;
	[tilespmem:$0xE000] =	vst v63  }
0x1f: {  	_ =	swait.ge [sflag:s15], $0x1000  }
0x20: {  	[sflag:s15] =	ssyncset.done $0x0  }
0x21: {  	[sflag:s15] =	ssyncadd.s32 $0xFFFFF000  }
0x22: {  	[spmem:s8] =	stream.linear.scatter [tilespmem:s14], [sflag:$0x4], $0x1000, $0x38;
	[tilespmem:$0xE000] =	vst v63  }
0x23: {  	_ =	swait.ge [sflag:s15], $0x1000  }
0x24: {  	[sflag:s15] =	ssyncset.done $0x0  }
0x25: {  	[sflag:s15] =	ssyncadd.s32 $0xFFFFF000  }
0x26: {  	[spmem:s9] =	stream.linear.scatter [tilespmem:s14], [sflag:$0x4], $0x1000, $0x38;
	[tilespmem:$0xE000] =	vst v63  }
0x27: {  	_ =	swait.ge [sflag:s15], $0x1000  }
0x28: {  	[sflag:s15] =	ssyncset.done $0x0  }
0x29: {  	[sflag:s15] =	ssyncadd.s32 $0xFFFFF000  }
0x2a: {  	[spmem:s10] =	stream.linear.scatter [tilespmem:s14], [sflag:$0x4], $0x1000, $0x38;
	[tilespmem:$0xE000] =	vst v63  }
0x2b: {  	_ =	swait.ge [sflag:s15], $0x1000  }
0x2c: {  	[sflag:s15] =	ssyncset.done $0x0  }
0x2d: {  	[sflag:s15] =	ssyncadd.s32 $0xFFFFF000  }
0x2e: {  	[spmem:s11] =	stream.linear.scatter [tilespmem:s14], [sflag:$0x4], $0x1000, $0x38;
	[tilespmem:$0xE000] =	vst v63  }
0x2f: {  	_ =	swait.ge [sflag:s15], $0x1000  }
0x30: {  	[sflag:s15] =	ssyncset.done $0x0  }
0x31: {  	[sflag:s15] =	ssyncadd.s32 $0xFFFFF000  }
0x32: {  	_ =	swait.ge [sflag:s16], $0x2800  }
0x33: {  	[sflag:s16] =	ssyncset.done $0x0  }
0x34: {  	[sflag:s16] =	ssyncadd.s32 $0xFFFFD800  }
0x35: {  	_ =	swait.ge [sflag:s16], $0x2800  }
0x36: {  	[sflag:s16] =	ssyncset.done $0x0  }
0x37: {  	[sflag:s16] =	ssyncadd.s32 $0xFFFFD800  }
0x38: {  	s0 =	simm.s32 $0x0;
	[bflag:$0x0] =	sbarrier.arrive $0xFFFF  }
0x39: {  	[tilespmem:s14], [sflag:$0x1] =	stream.indirect.gather [hbm4b:s4+s17], $0x20, s0, s17, $0xb8;
	[tilespmem:$0xE000] =	vst v63  }
0x3a: {  	s13 =	simm.s32 $0x80  }
0x3b: {  	[tilespmem:s18], [sflag:$0x1] =	stream.indirect.gather [hbm4b:s4+s17], $0x20, s13, s17, $0xb8;
	[tilespmem:$0xE000] =	vst v63  }
0x3c: {  	_ =	swait.ge [sflag:s19], $0x1000  }
0x3d: {  	[sflag:s19] =	ssyncset.done $0x0  }
0x3e: {  	s13 =	simm.s32 $0x2800;
	[sflag:s19] =	ssyncadd.s32 $0xFFFFF000  }
0x3f: {  	[spmem:s2] =	stream.indirect.scatter.add.f32 [tilespmem:s14], [sflag:$0x2], $0x20, s13, s17, $0xb8;
	[tilespmem:$0xE000] =	vst v63  }
0x40: {  	s13 =	simm.s32 $0x100  }
0x41: {  	[tilespmem:s25], [sflag:$0x1] =	stream.indirect.gather [hbm4b:s4+s17], $0x20, s13, s17, $0xb8;
	[tilespmem:$0xE000] =	vst v63  }
0x42: {  	_ =	swait.ge [sflag:s19], $0x1000  }
0x43: {  	[sflag:s19] =	ssyncset.done $0x0  }
0x44: {  	s13 =	simm.s32 $0x2880;
	[sflag:s19] =	ssyncadd.s32 $0xFFFFF000  }
0x45: {  	[spmem:s2] =	stream.indirect.scatter.add.f32 [tilespmem:s18], [sflag:$0x2], $0x20, s13, s17, $0xb8;
	[tilespmem:$0xE000] =	vst v63  }
0x46: {  	s13 =	simm.s32 $0x180  }
0x47: {  	[tilespmem:s26], [sflag:$0x1] =	stream.indirect.gather [hbm4b:s4+s17], $0x20, s13, s17, $0xb8;
	[tilespmem:$0xE000] =	vst v63  }
0x48: {  	_ =	swait.ge [sflag:s19], $0x1000  }
0x49: {  	[sflag:s19] =	ssyncset.done $0x0  }
0x4a: {  	s13 =	simm.s32 $0x2900;
	[sflag:s19] =	ssyncadd.s32 $0xFFFFF000  }
0x4b: {  	[spmem:s2] =	stream.indirect.scatter.add.f32 [tilespmem:s25], [sflag:$0x2], $0x20, s13, s17, $0xb8;
	[tilespmem:$0xE000] =	vst v63  }
0x4c: {  	_ =	swait.ge [sflag:s28], $0x1000  }
0x4d: {  	[sflag:s28] =	ssyncset.done $0x0  }
0x4e: {  	s13 =	simm.s32 $0x200;
	[sflag:s28] =	ssyncadd.s32 $0xFFFFF000  }
0x4f: {  	[tilespmem:s14], [sflag:$0x1] =	stream.indirect.gather [hbm4b:s4+s17], $0x20, s13, s17, $0xb8;
	[tilespmem:$0xE000] =	vst v63  }
0x50: {  	_ =	swait.ge [sflag:s19], $0x1000  }
0x51: {  	[sflag:s19] =	ssyncset.done $0x0  }
0x52: {  	s13 =	simm.s32 $0x2980;
	[sflag:s19] =	ssyncadd.s32 $0xFFFFF000  }
0x53: {  	[spmem:s2] =	stream.indirect.scatter.add.f32 [tilespmem:s26], [sflag:$0x2], $0x20, s13, s17, $0xb8;
	[tilespmem:$0xE000] =	vst v63  }
0x54: {  	_ =	swait.ge [sflag:s28], $0x1000  }
0x55: {  	[sflag:s28] =	ssyncset.done $0x0  }
0x56: {  	s13 =	simm.s32 $0x280;
	[sflag:s28] =	ssyncadd.s32 $0xFFFFF000  }
0x57: {  	[tilespmem:s18], [sflag:$0x1] =	stream.indirect.gather [hbm4b:s4+s17], $0x20, s13, s17, $0xb8;
	[tilespmem:$0xE000] =	vst v63  }
0x58: {  	_ =	swait.ge [sflag:s19], $0x1000  }
0x59: {  	[sflag:s19] =	ssyncset.done $0x0  }
0x5a: {  	s13 =	simm.s32 $0x2A00;
	[sflag:s19] =	ssyncadd.s32 $0xFFFFF000  }
0x5b: {  	[spmem:s2] =	stream.indirect.scatter.add.f32 [tilespmem:s14], [sflag:$0x2], $0x20, s13, s17, $0xb8;
	[tilespmem:$0xE000] =	vst v63  }
0x5c: {  	_ =	swait.ge [sflag:s28], $0x1000  }
0x5d: {  	[sflag:s28] =	ssyncset.done $0x0  }
0x5e: {  	s13 =	simm.s32 $0x300;
	[sflag:s28] =	ssyncadd.s32 $0xFFFFF000  }
0x5f: {  	[tilespmem:s25], [sflag:$0x1] =	stream.indirect.gather [hbm4b:s4+s17], $0x20, s13, s17, $0xb8;
	[tilespmem:$0xE000] =	vst v63  }
0x60: {  	_ =	swait.ge [sflag:s19], $0x1000  }
0x61: {  	[sflag:s19] =	ssyncset.done $0x0  }
0x62: {  	s13 =	simm.s32 $0x2A80;
	[sflag:s19] =	ssyncadd.s32 $0xFFFFF000  }
0x63: {  	[spmem:s2] =	stream.indirect.scatter.add.f32 [tilespmem:s18], [sflag:$0x2], $0x20, s13, s17, $0xb8;
	[tilespmem:$0xE000] =	vst v63  }
0x64: {  	_ =	swait.ge [sflag:s28], $0x1000  }
0x65: {  	[sflag:s28] =	ssyncset.done $0x0  }
0x66: {  	s13 =	simm.s32 $0x380;
	[sflag:s28] =	ssyncadd.s32 $0xFFFFF000  }
0x67: {  	[tilespmem:s26], [sflag:$0x1] =	stream.indirect.gather [hbm4b:s4+s17], $0x20, s13, s17, $0xb8;
	[tilespmem:$0xE000] =	vst v63  }
0x68: {  	_ =	swait.ge [sflag:s19], $0x1000  }
0x69: {  	[sflag:s19] =	ssyncset.done $0x0  }
0x6a: {  	s13 =	simm.s32 $0x2B00;
	[sflag:s19] =	ssyncadd.s32 $0xFFFFF000  }
0x6b: {  	[spmem:s2] =	stream.indirect.scatter.add.f32 [tilespmem:s25], [sflag:$0x2], $0x20, s13, s17, $0xb8;
	[tilespmem:$0xE000] =	vst v63  }
0x6c: {  	_ =	swait.ge [sflag:s19], $0x1000  }
0x6d: {  	[sflag:s19] =	ssyncset.done $0x0  }
0x6e: {  	s13 =	simm.s32 $0x2B80;
	[sflag:s19] =	ssyncadd.s32 $0xFFFFF000  }
0x6f: {  	[spmem:s2] =	stream.indirect.scatter.add.f32 [tilespmem:s26], [sflag:$0x2], $0x20, s13, s17, $0xb8;
	[tilespmem:$0xE000] =	vst v63  }
0x70: {  	_ =	swait.ge [sflag:s28], $0x1000  }
0x71: {  	[sflag:s28] =	ssyncset.done $0x0  }
0x72: {  	[sflag:s28] =	ssyncadd.s32 $0xFFFFF000  }
0x73: {  	_ =	swait.ge [sflag:s28], $0x1000  }
0x74: {  	[sflag:s28] =	ssyncset.done $0x0  }
0x75: {  	[sflag:s28] =	ssyncadd.s32 $0xFFFFF000  }
0x76: {  	_ =	swait.ge [sflag:s28], $0x1000  }
0x77: {  	[sflag:s28] =	ssyncset.done $0x0  }
0x78: {  	[sflag:s28] =	ssyncadd.s32 $0xFFFFF000  }
0x79: {  	_ =	swait.ge [sflag:s28], $0x1000  }
0x7a: {  	s30 =	simm.s32 $0x1000;
	s31 =	simm.s32 $0x2000;
	[sflag:s28] =	ssyncset.done $0x0  }
.LBB2_4:
0x7b: {  	s0 =	sshra.s32 s30, $0x2  }
0x7c: {  	[sflag:s28] =	ssyncadd.s32 $0xFFFFF000;
	s30 =	smov.u32 s31;
	s13 =	sadd.s32 $0x1000, s31  }
0x7d: {  	[tilespmem:s14], [sflag:$0x1] =	stream.indirect.gather [hbm4b:s4+s17], $0x20, s0, s17, $0xb8;
	[tilespmem:$0xE000] =	vst v63  }
0x7e: {  	p0 =	sne.s32 s31, $0x9000;
	s31 =	sadd.s32 $0x80, s0  }
0x7f: {  	[tilespmem:s18], [sflag:$0x1] =	stream.indirect.gather [hbm4b:s4+s17], $0x20, s31, s17, $0xb8;
	[tilespmem:$0xE000] =	vst v63  }
0x80: {  	_ =	swait.ge [sflag:s19], $0x1000  }
0x81: {  	[sflag:s19] =	ssyncset.done $0x0  }
0x82: {  	s31 =	sadd.s32 $0x2800, s0;
	[sflag:s19] =	ssyncadd.s32 $0xFFFFF000  }
0x83: {  	[spmem:s2] =	stream.indirect.scatter.add.f32 [tilespmem:s14], [sflag:$0x2], $0x20, s31, s17, $0xb8;
	[tilespmem:$0xE000] =	vst v63  }
0x84: {  	s31 =	sadd.s32 $0x100, s0  }
0x85: {  	[tilespmem:s25], [sflag:$0x1] =	stream.indirect.gather [hbm4b:s4+s17], $0x20, s31, s17, $0xb8;
	[tilespmem:$0xE000] =	vst v63  }
0x86: {  	_ =	swait.ge [sflag:s19], $0x1000  }
0x87: {  	[sflag:s19] =	ssyncset.done $0x0  }
0x88: {  	s31 =	sadd.s32 $0x2880, s0;
	[sflag:s19] =	ssyncadd.s32 $0xFFFFF000  }
0x89: {  	[spmem:s2] =	stream.indirect.scatter.add.f32 [tilespmem:s18], [sflag:$0x2], $0x20, s31, s17, $0xb8;
	[tilespmem:$0xE000] =	vst v63  }
0x8a: {  	s31 =	sadd.s32 $0x180, s0  }
0x8b: {  	[tilespmem:s26], [sflag:$0x1] =	stream.indirect.gather [hbm4b:s4+s17], $0x20, s31, s17, $0xb8;
	[tilespmem:$0xE000] =	vst v63  }
0x8c: {  	_ =	swait.ge [sflag:s19], $0x1000  }
0x8d: {  	[sflag:s19] =	ssyncset.done $0x0  }
0x8e: {  	s31 =	sadd.s32 $0x2900, s0;
	[sflag:s19] =	ssyncadd.s32 $0xFFFFF000  }
0x8f: {  	[spmem:s2] =	stream.indirect.scatter.add.f32 [tilespmem:s25], [sflag:$0x2], $0x20, s31, s17, $0xb8;
	[tilespmem:$0xE000] =	vst v63  }
0x90: {  	_ =	swait.ge [sflag:s28], $0x1000  }
0x91: {  	[sflag:s28] =	ssyncset.done $0x0  }
0x92: {  	s31 =	sadd.s32 $0x200, s0;
	[sflag:s28] =	ssyncadd.s32 $0xFFFFF000  }
0x93: {  	[tilespmem:s14], [sflag:$0x1] =	stream.indirect.gather [hbm4b:s4+s17], $0x20, s31, s17, $0xb8;
	[tilespmem:$0xE000] =	vst v63  }
0x94: {  	_ =	swait.ge [sflag:s19], $0x1000  }
0x95: {  	[sflag:s19] =	ssyncset.done $0x0  }
0x96: {  	s31 =	sadd.s32 $0x2980, s0;
	[sflag:s19] =	ssyncadd.s32 $0xFFFFF000  }
0x97: {  	[spmem:s2] =	stream.indirect.scatter.add.f32 [tilespmem:s26], [sflag:$0x2], $0x20, s31, s17, $0xb8;
	[tilespmem:$0xE000] =	vst v63  }
0x98: {  	_ =	swait.ge [sflag:s28], $0x1000  }
0x99: {  	[sflag:s28] =	ssyncset.done $0x0  }
0x9a: {  	s31 =	sadd.s32 $0x280, s0;
	[sflag:s28] =	ssyncadd.s32 $0xFFFFF000  }
0x9b: {  	[tilespmem:s18], [sflag:$0x1] =	stream.indirect.gather [hbm4b:s4+s17], $0x20, s31, s17, $0xb8;
	[tilespmem:$0xE000] =	vst v63  }
0x9c: {  	_ =	swait.ge [sflag:s19], $0x1000  }
0x9d: {  	[sflag:s19] =	ssyncset.done $0x0  }
0x9e: {  	s31 =	sadd.s32 $0x2A00, s0;
	[sflag:s19] =	ssyncadd.s32 $0xFFFFF000  }
0x9f: {  	[spmem:s2] =	stream.indirect.scatter.add.f32 [tilespmem:s14], [sflag:$0x2], $0x20, s31, s17, $0xb8;
	[tilespmem:$0xE000] =	vst v63  }
0xa0: {  	_ =	swait.ge [sflag:s28], $0x1000  }
0xa1: {  	[sflag:s28] =	ssyncset.done $0x0  }
0xa2: {  	s31 =	sadd.s32 $0x300, s0;
	[sflag:s28] =	ssyncadd.s32 $0xFFFFF000  }
0xa3: {  	[tilespmem:s25], [sflag:$0x1] =	stream.indirect.gather [hbm4b:s4+s17], $0x20, s31, s17, $0xb8;
	[tilespmem:$0xE000] =	vst v63  }
0xa4: {  	_ =	swait.ge [sflag:s19], $0x1000  }
0xa5: {  	[sflag:s19] =	ssyncset.done $0x0  }
0xa6: {  	s31 =	sadd.s32 $0x2A80, s0;
	[sflag:s19] =	ssyncadd.s32 $0xFFFFF000  }
0xa7: {  	[spmem:s2] =	stream.indirect.scatter.add.f32 [tilespmem:s18], [sflag:$0x2], $0x20, s31, s17, $0xb8;
	[tilespmem:$0xE000] =	vst v63  }
0xa8: {  	_ =	swait.ge [sflag:s28], $0x1000  }
0xa9: {  	[sflag:s28] =	ssyncset.done $0x0  }
0xaa: {  	s31 =	sadd.s32 $0x380, s0;
	[sflag:s28] =	ssyncadd.s32 $0xFFFFF000  }
0xab: {  	[tilespmem:s26], [sflag:$0x1] =	stream.indirect.gather [hbm4b:s4+s17], $0x20, s31, s17, $0xb8;
	[tilespmem:$0xE000] =	vst v63  }
0xac: {  	_ =	swait.ge [sflag:s19], $0x1000  }
0xad: {  	[sflag:s19] =	ssyncset.done $0x0  }
0xae: {  	s31 =	sadd.s32 $0x2B00, s0;
	[sflag:s19] =	ssyncadd.s32 $0xFFFFF000  }
0xaf: {  	[spmem:s2] =	stream.indirect.scatter.add.f32 [tilespmem:s25], [sflag:$0x2], $0x20, s31, s17, $0xb8;
	[tilespmem:$0xE000] =	vst v63  }
0xb0: {  	_ =	swait.ge [sflag:s19], $0x1000  }
0xb1: {  	[sflag:s19] =	ssyncset.done $0x0  }
0xb2: {  	s0 =	sadd.s32 $0x2B80, s0;
	[sflag:s19] =	ssyncadd.s32 $0xFFFFF000  }
0xb3: {  	[spmem:s2] =	stream.indirect.scatter.add.f32 [tilespmem:s26], [sflag:$0x2], $0x20, s0, s17, $0xb8;
	[tilespmem:$0xE000] =	vst v63  }
0xb4: {  	_ =	swait.ge [sflag:s28], $0x1000  }
0xb5: {  	[sflag:s28] =	ssyncset.done $0x0  }
0xb6: {  	[sflag:s28] =	ssyncadd.s32 $0xFFFFF000  }
0xb7: {  	_ =	swait.ge [sflag:s28], $0x1000  }
0xb8: {  	[sflag:s28] =	ssyncset.done $0x0  }
0xb9: {  	[sflag:s28] =	ssyncadd.s32 $0xFFFFF000  }
.Ltmp1:
0xba: {  	_ =	swait.ge [sflag:s28], $0x1000;
	(pc) =	sbr.rel @p0 .LBB2_4-.Ltmp1, $4  }
0xbb: {  	[sflag:s28] =	ssyncset.done $0x0  }
0xbc: {  	[sflag:s28] =	ssyncadd.s32 $0xFFFFF000  }
0xbd: {  	_ =	swait.ge [sflag:s28], $0x1000  }
0xbe: {  	s31 =	smov.u32 s13;
	[sflag:s28] =	ssyncset.done $0x0  }
0xbf: {  	s0 =	sshra.s32 s30, $0x2;
	[sflag:s28] =	ssyncadd.s32 $0xFFFFF000  }
0xc0: {  	[tilespmem:s14], [sflag:$0x1] =	stream.indirect.gather [hbm4b:s4+s17], $0x20, s0, s17, $0xb8;
	[tilespmem:$0xE000] =	vst v63  }
0xc1: {  	s13 =	sadd.s32 $0x80, s0  }
0xc2: {  	[tilespmem:s18], [sflag:$0x1] =	stream.indirect.gather [hbm4b:s4+s17], $0x20, s13, s17, $0xb8;
	[tilespmem:$0xE000] =	vst v63  }
0xc3: {  	_ =	swait.ge [sflag:s19], $0x1000  }
0xc4: {  	[sflag:s19] =	ssyncset.done $0x0  }
0xc5: {  	s31 =	sadd.s32 $0x2800, s0;
	[sflag:s19] =	ssyncadd.s32 $0xFFFFF000  }
0xc6: {  	[spmem:s2] =	stream.indirect.scatter.add.f32 [tilespmem:s14], [sflag:$0x2], $0x20, s31, s17, $0xb8;
	[tilespmem:$0xE000] =	vst v63  }
0xc7: {  	s30 =	sadd.s32 $0x100, s0  }
0xc8: {  	[tilespmem:s25], [sflag:$0x1] =	stream.indirect.gather [hbm4b:s4+s17], $0x20, s30, s17, $0xb8;
	[tilespmem:$0xE000] =	vst v63  }
0xc9: {  	_ =	swait.ge [sflag:s19], $0x1000  }
0xca: {  	[sflag:s19] =	ssyncset.done $0x0  }
0xcb: {  	s31 =	sadd.s32 $0x2880, s0;
	[sflag:s19] =	ssyncadd.s32 $0xFFFFF000  }
0xcc: {  	[spmem:s2] =	stream.indirect.scatter.add.f32 [tilespmem:s18], [sflag:$0x2], $0x20, s31, s17, $0xb8;
	[tilespmem:$0xE000] =	vst v63  }
0xcd: {  	s30 =	sadd.s32 $0x180, s0  }
0xce: {  	[tilespmem:s26], [sflag:$0x1] =	stream.indirect.gather [hbm4b:s4+s17], $0x20, s30, s17, $0xb8;
	[tilespmem:$0xE000] =	vst v63  }
0xcf: {  	_ =	swait.ge [sflag:s19], $0x1000  }
0xd0: {  	[sflag:s19] =	ssyncset.done $0x0  }
0xd1: {  	s31 =	sadd.s32 $0x2900, s0;
	[sflag:s19] =	ssyncadd.s32 $0xFFFFF000  }
0xd2: {  	[spmem:s2] =	stream.indirect.scatter.add.f32 [tilespmem:s25], [sflag:$0x2], $0x20, s31, s17, $0xb8;
	[tilespmem:$0xE000] =	vst v63  }
0xd3: {  	_ =	swait.ge [sflag:s28], $0x1000  }
0xd4: {  	[sflag:s28] =	ssyncset.done $0x0  }
0xd5: {  	s30 =	sadd.s32 $0x200, s0;
	[sflag:s28] =	ssyncadd.s32 $0xFFFFF000  }
0xd6: {  	[tilespmem:s14], [sflag:$0x1] =	stream.indirect.gather [hbm4b:s4+s17], $0x20, s30, s17, $0xb8;
	[tilespmem:$0xE000] =	vst v63  }
0xd7: {  	_ =	swait.ge [sflag:s19], $0x1000  }
0xd8: {  	[sflag:s19] =	ssyncset.done $0x0  }
0xd9: {  	s31 =	sadd.s32 $0x2980, s0;
	[sflag:s19] =	ssyncadd.s32 $0xFFFFF000  }
0xda: {  	[spmem:s2] =	stream.indirect.scatter.add.f32 [tilespmem:s26], [sflag:$0x2], $0x20, s31, s17, $0xb8;
	[tilespmem:$0xE000] =	vst v63  }
0xdb: {  	_ =	swait.ge [sflag:s28], $0x1000  }
0xdc: {  	[sflag:s28] =	ssyncset.done $0x0  }
0xdd: {  	s30 =	sadd.s32 $0x280, s0;
	[sflag:s28] =	ssyncadd.s32 $0xFFFFF000  }
0xde: {  	[tilespmem:s18], [sflag:$0x1] =	stream.indirect.gather [hbm4b:s4+s17], $0x20, s30, s17, $0xb8;
	[tilespmem:$0xE000] =	vst v63  }
0xdf: {  	_ =	swait.ge [sflag:s19], $0x1000  }
0xe0: {  	[sflag:s19] =	ssyncset.done $0x0  }
0xe1: {  	s31 =	sadd.s32 $0x2A00, s0;
	[sflag:s19] =	ssyncadd.s32 $0xFFFFF000  }
0xe2: {  	[spmem:s2] =	stream.indirect.scatter.add.f32 [tilespmem:s14], [sflag:$0x2], $0x20, s31, s17, $0xb8;
	[tilespmem:$0xE000] =	vst v63  }
0xe3: {  	_ =	swait.ge [sflag:s28], $0x1000  }
0xe4: {  	[sflag:s28] =	ssyncset.done $0x0  }
0xe5: {  	s30 =	sadd.s32 $0x300, s0;
	[sflag:s28] =	ssyncadd.s32 $0xFFFFF000  }
0xe6: {  	[tilespmem:s25], [sflag:$0x1] =	stream.indirect.gather [hbm4b:s4+s17], $0x20, s30, s17, $0xb8;
	[tilespmem:$0xE000] =	vst v63  }
0xe7: {  	_ =	swait.ge [sflag:s19], $0x1000  }
0xe8: {  	[sflag:s19] =	ssyncset.done $0x0  }
0xe9: {  	s31 =	sadd.s32 $0x2A80, s0;
	[sflag:s19] =	ssyncadd.s32 $0xFFFFF000  }
0xea: {  	[spmem:s2] =	stream.indirect.scatter.add.f32 [tilespmem:s18], [sflag:$0x2], $0x20, s31, s17, $0xb8;
	[tilespmem:$0xE000] =	vst v63  }
0xeb: {  	_ =	swait.ge [sflag:s28], $0x1000  }
0xec: {  	[sflag:s28] =	ssyncset.done $0x0  }
0xed: {  	s30 =	sadd.s32 $0x380, s0;
	[sflag:s28] =	ssyncadd.s32 $0xFFFFF000  }
0xee: {  	[tilespmem:s26], [sflag:$0x1] =	stream.indirect.gather [hbm4b:s4+s17], $0x20, s30, s17, $0xb8;
	[tilespmem:$0xE000] =	vst v63  }
0xef: {  	_ =	swait.ge [sflag:s19], $0x1000  }
0xf0: {  	[sflag:s19] =	ssyncset.done $0x0  }
0xf1: {  	s31 =	sadd.s32 $0x2B00, s0;
	[sflag:s19] =	ssyncadd.s32 $0xFFFFF000  }
0xf2: {  	[spmem:s2] =	stream.indirect.scatter.add.f32 [tilespmem:s25], [sflag:$0x2], $0x20, s31, s17, $0xb8;
	[tilespmem:$0xE000] =	vst v63  }
0xf3: {  	_ =	swait.ge [sflag:s19], $0x1000  }
0xf4: {  	[sflag:s19] =	ssyncset.done $0x0  }
0xf5: {  	s0 =	sadd.s32 $0x2B80, s0;
	[sflag:s19] =	ssyncadd.s32 $0xFFFFF000  }
0xf6: {  	[spmem:s2] =	stream.indirect.scatter.add.f32 [tilespmem:s26], [sflag:$0x2], $0x20, s0, s17, $0xb8;
	[tilespmem:$0xE000] =	vst v63  }
0xf7: {  	_ =	swait.ge [sflag:s28], $0x1000  }
0xf8: {  	[sflag:s28] =	ssyncset.done $0x0  }
0xf9: {  	[sflag:s28] =	ssyncadd.s32 $0xFFFFF000  }
0xfa: {  	_ =	swait.ge [sflag:s28], $0x1000  }
0xfb: {  	[sflag:s28] =	ssyncset.done $0x0  }
0xfc: {  	[sflag:s28] =	ssyncadd.s32 $0xFFFFF000  }
0xfd: {  	_ =	swait.ge [sflag:s28], $0x1000  }
0xfe: {  	[sflag:s28] =	ssyncset.done $0x0  }
0xff: {  	[sflag:s28] =	ssyncadd.s32 $0xFFFFF000  }
0x100: {  	_ =	swait.ge [sflag:s28], $0x1000  }
0x101: {  	[sflag:s28] =	ssyncset.done $0x0  }
0x102: {  	s30 =	sshll.u32 s1, $0x6;
	[sflag:s28] =	ssyncadd.s32 $0xFFFFF000  }
0x103: {  	s31 =	sshrl.u32 s7, $0x3;
	s0 =	sor.u32 $0x1C04, s30;
	[bflag:$0x0] =	sbarrier.arrive $0xFFFF  }
0x104: {  	[hbm:s20], [sflag:s0] =	dma.local [spmem:s31], $0x200  }
0x105: {  	_ =	swait.ge [sflag:s15], $0x200  }
0x106: {  	[sflag:s15] =	ssyncset.done $0x0  }
0x107: {  	s30 =	sshrl.u32 s8, $0x3;
	[sflag:s15] =	ssyncadd.s32 $0xFFFFFE00  }
0x108: {  	[hbm:s21], [sflag:s0] =	dma.local [spmem:s30], $0x200  }
0x109: {  	_ =	swait.ge [sflag:s15], $0x200  }
0x10a: {  	[sflag:s15] =	ssyncset.done $0x0  }
0x10b: {  	s31 =	sshrl.u32 s9, $0x3;
	[sflag:s15] =	ssyncadd.s32 $0xFFFFFE00  }
0x10c: {  	[hbm:s22], [sflag:s0] =	dma.local [spmem:s31], $0x200  }
0x10d: {  	_ =	swait.ge [sflag:s15], $0x200  }
0x10e: {  	[sflag:s15] =	ssyncset.done $0x0  }
0x10f: {  	s30 =	sshrl.u32 s10, $0x3;
	[sflag:s15] =	ssyncadd.s32 $0xFFFFFE00  }
0x110: {  	[hbm:s23], [sflag:s0] =	dma.local [spmem:s30], $0x200  }
0x111: {  	s29 =	sadd.s32 $0x1, s29;
	_ =	swait.ge [sflag:s15], $0x200  }
0x112: {  	p0 =	sne.s32 s29, s12;
	[sflag:s15] =	ssyncset.done $0x0  }
.Ltmp2:
0x113: {  	s31 =	sshrl.u32 s11, $0x3;
	[sflag:s15] =	ssyncadd.s32 $0xFFFFFE00;
	(pc) =	sbr.rel @p0 .LBB2_1-.Ltmp2, $4  }
0x114: {  	[hbm:s24], [sflag:s0] =	dma.local [spmem:s31], $0x200  }
0x115: {  	_ =	swait.ge [sflag:s15], $0x200  }
0x116: {  	[sflag:s15] =	ssyncset.done $0x0  }
0x117: {  	[sflag:s15] =	ssyncadd.s32 $0xFFFFFE00  }
0x118: {  	_ =	sfence.sel $0x180000  }
0x119: {  	[bflag:$0x0] =	sbarrier.arrive $0xFFFF  }
0x11a: {  	_ =	strace $0x9000004D  }
0x11b: {  	[bflag:$0x2] =	sbarrier.arrive $0xFFFF  }
0x11c: {  	p0 =	sne.s32 s1, $0x0;
	s0 =	rddreg [dreg:$0x2]  }
0x11d: {  	s0 =	sadd.s32 @!p0 $0x100000, s0  }
0x11e: {  	[sflag:s0] =	ssyncadd.tile.s32 @!p0 $0x1;
	_ =	shalt  }
.Lfunc_end2:
_tile_overlayer_lowered:
.L_overlay_start_2:
0x11f: {  	(tag) =	ssettag $0x2  }
0x120: {  	s0 =	rddreg [dreg:$0x0];
	s2 =	stileid.u32  }
0x121: {  	s1 =	rddreg [dreg:$0x1];
	p0 =	sne.s32 s2, $0x0  }
0x122: {  	s3 =	rddreg [dreg:$0x2];
	[bflag:$0x3] =	sbarrier.arrive $0xFFFF;
	s2 =	simm.s32 @!p0 $0x1C04  }
0x123: {  	[timem:s3], [sflag:s2] =	dma.local @!p0 [hbm:s0], s1  }
0x124: {  	s0 =	simm.s32 @!p0 $0x4  }
0x125: {  	_ =	swait.ge @!p0 [sflag:s0], s1  }
0x126: {  	s1 =	ssub.s32 @!p0 $0x0, s1;
	[sflag:s0] =	ssyncset.done @!p0 $0x0  }
0x127: {  	[sflag:s0] =	ssyncadd.s32 @!p0 s1  }
0x128: {  	[bflag:$0x3] =	sbarrier.arrive $0xFFFF  }
0x129: {  	_ =	shalt  }

// kernel: kernel.19.cloned.1.call-start
scs
__scs_entry_jumppad:
0x0: {  	(pc) =	sbr.rel $0x88, $3  }
0x1: {  	(tag) =	ssettag $0x0;
	lr =	simm.s32 $0x1  }
0x2: {  	[smem:$0x3F99] =	sst lr;
	_ =	strace $0xD0000000  }
0x3: {  	_ = 	snop  }
0x4: {  	_ = 	snop  }
0x5: {  	_ = 	snop  }
0x6: {  	_ = 	snop  }
0x7: {  	_ = 	snop  }
__scs_overlays_trampoline_lowered:
0x8: {  	[smem:$0x3FA8] =	sst s0  }
0x9: {  	[smem:$0x3FA9] =	sst s1  }
0xa: {  	[smem:$0x3FAA] =	sst s2  }
0xb: {  	[smem:$0x3FAB] =	sst s3  }
0xc: {  	[smem:$0x3FAC] =	sst s4  }
0xd: {  	[smem:$0x3FAD] =	sst s5  }
0xe: {  	[smem:$0x3FAE] =	sst s6  }
0xf: {  	[smem:$0x3FAF] =	sst s7  }
0x10: {  	[smem:$0x3FB0] =	sst s8  }
0x11: {  	[smem:$0x3FB1] =	sst s9;
	s0 =	simm.s32 @!p0 $0x0  }
0x12: {  	s1 =	sld [smem:$0x3F97];
	s0 =	simm.s32 @p0 $0x1  }
0x13: {  	[smem:$0x3FB2] =	sst s0;
	s0 =	simm.s32 @!p1 $0x0  }
0x14: {  	s2 =	sld [smem:$0x3F96];
	s0 =	simm.s32 @p1 $0x1  }
0x15: {  	[smem:$0x3FB3] =	sst s0;
	s0 =	simm.s32 @!p2 $0x0  }
0x16: {  	s3 =	sld [smem:$0x3FDB];
	s0 =	simm.s32 @p2 $0x1  }
0x17: {  	s4 =	simm.s32 $0x1BF5;
	[smem:$0x3FB5] =	sst s0  }
0x18: {  	s0 =	sld [smem:$0x3F98];
	_ =	swait.ge [sflag:s4], $0x0  }
0x19: {  	s7 =	sld [smem:$0x3F99]  }
0x1a: {  	s8 =	sadd.s32 $0xFFFFE003, lr  }
0x1b: {  	s9 =	sadd.s32 $0xFFFFFEF7, lr;
	s5 =	simm.s32 $0xFFFFFFFF;
	p2 =	slt.u32 s8, $0xFFFFF086  }
0x1c: {  	p1 =	slt.u32 s9, $0xF7A;
	s5 =	simm.s32 @!p2 $0x0  }
0x1d: {  	s5 =	simm.s32 @p1 $0x1;
	p0 =	seq.s32 s7, s2  }
0x1e: {  	s7 =	smul.u32 @!p0 $0xF7A, s2;
	p2 =	seq.s32 @!p0 s5, $0x0  }
0x1f: {  	s9 =	smul.u32 $0xF7A, s1;
	s8 =	simm.s32 @!p0 $0x1BF5;
	p2 =	por !p2, p0  }
0x20: {  	[sflag:s8] =	ssyncset.s32 @!p0 $0xFFFFF086;
	s6 =	sadd.s32 @!p0 s3, s7;
	s7 =	simm.s32 @!p0 $0x108  }
0x21: {  	s3 =	sadd.s32 s3, s9;
	s6 =	sadd.s32 @!p0 $0x88, s6;
	s7 =	simm.s32 @p2 $0x1082  }
0x22: {  	[simem:s7], [sflag:s8] =	dma.local @!p0 [hbm:s6], $0xF7A  }
0x23: {  	s9 =	sor.u32 $0xD0000000, s2;
	s6 =	simm.s32 $0x108;
	_ =	swait.ge @!p0 [sflag:s8], $0x0  }
0x24: {  	s3 =	sadd.s32 $0x88, s3;
	s6 =	simm.s32 @!p1 $0x1082;
	[sflag:s4] =	ssyncset.s32 $0xFFFFF086  }
0x25: {  	[simem:s6], [sflag:s4] =	dma.local [hbm:s3], $0xF7A  }
0x26: {  	[smem:$0x3F99] =	sst s1;
	(tag) =	ssettag s2;
	_ =	strace s9  }
0x27: {  	s1 =	sld [smem:$0x3FA9]  }
0x28: {  	s2 =	sld [smem:$0x3FAA]  }
0x29: {  	s4 =	sld [smem:$0x3FAC]  }
0x2a: {  	p0 =	seq.s32 s5, $0x0;
	s5 =	sld [smem:$0x3FAD]  }
0x2b: {  	s6 =	sld [smem:$0x3FAE]  }
0x2c: {  	s7 =	sld [smem:$0x3FAF]  }
0x2d: {  	s3 =	simm.s32 $0x108;
	s8 =	sld [smem:$0x3FB0]  }
0x2e: {  	s3 =	simm.s32 @!p0 $0x1082;
	s9 =	sld [smem:$0x3FB1]  }
0x2f: {  	lr =	sadd.s32 s0, s3;
	s0 =	sld [smem:$0x3FA8]  }
0x30: {  	s3 =	sld [smem:$0x3FAB]  }
0x31: {  	[smem:$0x3FB4] =	sst s10  }
0x32: {  	s10 =	sld [smem:$0x3FB2];
	_ =	sdelay $0x3  }
0x33: {  	p0 =	seq.s32 s10, $0x1;
	s10 =	sld [smem:$0x3FB4];
	_ =	sdelay $0x3  }
0x34: {  	[smem:$0x3FB4] =	sst s10  }
0x35: {  	s10 =	sld [smem:$0x3FB3];
	_ =	sdelay $0x3  }
0x36: {  	p1 =	seq.s32 s10, $0x1;
	s10 =	sld [smem:$0x3FB4];
	_ =	sdelay $0x3  }
0x37: {  	[smem:$0x3FB4] =	sst s10  }
0x38: {  	s10 =	sld [smem:$0x3FB5]  }
0x39: {  	_ = 	snop;
	(pc) =	sbr.ind lr, $3  }
0x3a: {  	_ = 	snop  }
0x3b: {  	_ = 	snop  }
0x3c: {  	p2 =	seq.s32 s10, $0x1;
	s10 =	sld [smem:$0x3FB4]  }
0x3d: {  	_ =	shalt  }
0x3e: {  	_ =	shalt  }
0x3f: {  	_ =	shalt  }
0x40: {  	_ =	shalt  }
0x41: {  	_ =	shalt  }
0x42: {  	_ =	shalt  }
0x43: {  	_ =	shalt  }
0x44: {  	_ =	shalt  }
0x45: {  	_ =	shalt  }
0x46: {  	_ =	shalt  }
0x47: {  	_ =	shalt  }
0x48: {  	_ =	shalt  }
0x49: {  	_ =	shalt  }
0x4a: {  	_ =	shalt  }
0x4b: {  	_ =	shalt  }
0x4c: {  	_ =	shalt  }
0x4d: {  	_ =	shalt  }
0x4e: {  	_ =	shalt  }
0x4f: {  	_ =	shalt  }
0x50: {  	_ =	shalt  }
0x51: {  	_ =	shalt  }
0x52: {  	_ =	shalt  }
0x53: {  	_ =	shalt  }
0x54: {  	_ =	shalt  }
0x55: {  	_ =	shalt  }
0x56: {  	_ =	shalt  }
0x57: {  	_ =	shalt  }
0x58: {  	_ =	shalt  }
0x59: {  	_ =	shalt  }
0x5a: {  	_ =	shalt  }
0x5b: {  	_ =	shalt  }
0x5c: {  	_ =	shalt  }
0x5d: {  	_ =	shalt  }
0x5e: {  	_ =	shalt  }
0x5f: {  	_ =	shalt  }
0x60: {  	_ =	shalt  }
0x61: {  	_ =	shalt  }
0x62: {  	_ =	shalt  }
0x63: {  	_ =	shalt  }
0x64: {  	_ =	shalt  }
0x65: {  	_ =	shalt  }
0x66: {  	_ =	shalt  }
0x67: {  	_ =	shalt  }
0x68: {  	_ =	shalt  }
0x69: {  	_ =	shalt  }
0x6a: {  	_ =	shalt  }
0x6b: {  	_ =	shalt  }
0x6c: {  	_ =	shalt  }
0x6d: {  	_ =	shalt  }
0x6e: {  	_ =	shalt  }
0x6f: {  	_ =	shalt  }
0x70: {  	_ =	shalt  }
0x71: {  	_ =	shalt  }
0x72: {  	_ =	shalt  }
0x73: {  	_ =	shalt  }
0x74: {  	_ =	shalt  }
0x75: {  	_ =	shalt  }
0x76: {  	_ =	shalt  }
0x77: {  	_ =	shalt  }
0x78: {  	_ =	shalt  }
0x79: {  	_ =	shalt  }
0x7a: {  	_ =	shalt  }
0x7b: {  	_ =	shalt  }
0x7c: {  	_ =	shalt  }
0x7d: {  	_ =	shalt  }
0x7e: {  	_ =	shalt  }
0x7f: {  	_ =	shalt  }
0x80: {  	_ =	shalt  }
0x81: {  	_ =	shalt  }
0x82: {  	_ =	shalt  }
0x83: {  	_ =	shalt  }
0x84: {  	_ =	shalt  }
0x85: {  	_ =	shalt  }
0x86: {  	_ =	shalt  }
0x87: {  	_ =	shalt  }
.Lfunc_end0:
.L_simem_size_0:
called_computation.3_lowered:
.L_overlay_start_0:
0x88: {  	s2 =	sld [smem:$0x3FD9]  }
0x89: {  	s3 =	sld [smem:$0x3FFE];
	_ =	sdelay $0x1  }
0x8a: {  	s1 =	srdreg.scid  }
0x8b: {  	s0 =	sand.u32 $0x1, s1  }
0x8c: {  	s17 =	sshll.u32 s0, $0xA;
	s2 =	sadd.s32 s3, s2  }
0x8d: {  	s2 =	sadd.s32 s2, s17  }
0x8e: {  	[smem:$0x3FC0] =	sst s2  }
0x8f: {  	_ = 	snop  }
0x90: {  	s2 =	sld [smem:$0x3FD0];
	(tm) =	ssettm $0x1  }
0x91: {  	s18 =	sld [smem:$0x3FFB];
	_ =	sdelay $0x3  }
0x92: {  	_ =	strace s18  }
0x93: {  	s3 =	sld [smem:$0x3FFC];
	_ =	sdelay $0x3  }
0x94: {  	_ =	strace s3  }
0x95: {  	s3 =	sld [smem:$0x3FFD];
	_ =	sdelay $0x3  }
0x96: {  	_ =	strace s3  }
0x97: {  	_ =	strace $0x8FFFFFFF  }
0x98: {  	s19 =	sld [smem:$0x3FDB];
	_ =	sdelay $0x1  }
0x99: {  	s4 =	simm.s32 $_scs_section_size  }
0x9a: {  	s5 =	simm.s32 $_size__tile_overlayer_lowered;
	s6 =	simm.s32 $_tile_overlayer_lowered  }
0x9b: {  	s22 =	simm.s32 $0x1BFF;
	s21 =	sshll.u32 s6, $0x1;
	s3 =	sadd.s32 s4, s19  }
0x9c: {  	s7 =	simm.s32 $0x0;
	s20 =	sshll.u32 s5, $0x1;
	s5 =	sadd.s32 s21, s3  }
0x9d: {  	[timem:s7], [sflag:s22] =	dma.local [hbm:s5], s20  }
0x9e: {  	_ =	swait.ge [sflag:s22], s20  }
0x9f: {  	s4 =	ssub.s32 $0x0, s20;
	[sflag:s22] =	ssyncset.done $0x0  }
0xa0: {  	[sflag:s22] =	ssyncadd.s32 s4;
	_ =	sdelay $0x1  }
0xa1: {  	s23 =	simm.s32 $0x1B8B  }
0xa2: {  	_ =	swait.ge [sflag:s23], $0x1  }
0xa3: {  	[sflag:s23] =	ssyncset.done $0x0  }
0xa4: {  	s25 =	simm.s32 $0x1B8E;
	s24 =	sld [smem:$0x3FFE];
	[sflag:s23] =	ssyncadd.s32 $0xFFFFFFFF  }
0xa5: {  	s26 =	simm.s32 $execute0_lowered;
	[smem:$0x3FD2] =	sst s25  }
0xa6: {  	s5 =	sshll.u32 s26, $0x1;
	_ =	strace $0x8000004F;
	[dreg:$0x1] =	wrdreg $0xFFFFFFFF  }
0xa7: {  	s28 =	simm.s32 $_size_execute0_lowered;
	s3 =	sadd.s32 s3, s5;
	[dreg:$0x0] =	wrdreg $0x0  }
0xa8: {  	s5 =	sshll.u32 s28, $0x1;
	[dreg:$0x2] =	wrdreg s3  }
0xa9: {  	[dreg:$0x3] =	wrdreg s5  }
0xaa: {  	[dreg:$0x4] =	wrdreg $0xC0  }
0xab: {  	_ =	task [dreg:s7], $0x5FFFF  }
0xac: {  	[dreg:$0x1] =	wrdreg $0xFFFFFFFF  }
0xad: {  	[dreg:$0x0] =	wrdreg $0x60  }
0xae: {  	[dreg:$0x2] =	wrdreg s2  }
0xaf: {  	[dreg:$0x3] =	wrdreg s24  }
0xb0: {  	[dreg:$0x4] =	wrdreg $0x70000  }
0xb1: {  	[dreg:$0x5] =	wrdreg $0x9  }
0xb2: {  	_ =	task.clear_ibuf [dreg:s7], $0x6FFFF;
	_ =	strace $0x9000004F  }
0xb3: {  	s29 =	simm.s32 $0x9;
	_ =	strace $0x80000051  }
0xb4: {  	_ =	swait.ge [sflag:s29], $0x1  }
0xb5: {  	[sflag:s29] =	ssyncadd.s32 $0xFFFFFFFF  }
0xb6: {  	_ =	strace $0x90000051  }
0xb7: {  	_ =	sfence  }
0xb8: {  	s30 =	sld [smem:$0x0];
	_ =	sdelay $0x2  }
0xb9: {  	s31 =	sshll.u32 s1, $0xD;
	s1 =	sshrl.u32 s1, $0x2  }
0xba: {  	s3 =	sand.u32 $0x4000, s31;
	s1 =	sadd.s32 s1, s30  }
0xbb: {  	s0 =	sor.u32 s3, s0;
	s1 =	sshll.u32 s1, $0x11  }
0xbc: {  	s0 =	sor.u32 s1, s0  }
0xbd: {  	s0 =	sadd.s32 $0x8F2B, s0  }
0xbe: {  	[sflag:s0] =	ssyncadd.remote.s32 $0x1  }
0xbf: {  	_ =	sfence.sel $0xFFFF  }
0xc0: {  	[dreg:$0x0] =	wrdreg $0xFFFFFFFF;
	(pc) =	sbr.abs _section_cstart, $3  }
0xc1: {  	[dreg:$0x1] =	wrdreg $0xFFFFFFFF  }
0xc2: {  	_ =	task.clear_ibuf [dreg:s7], $0x2FFFF;
	_ =	strace $0x9FFFFFFF  }
0xc3: {  	(tm) =	ssettm $0x7FFFFFFF  }
tec
execute0_lowered:
.L_overlay_start_1:
0x0: {  	(tag) =	ssettag $0x1  }
0x1: {  	s1 =	rddreg [dreg:$0x0]  }
0x2: {  	s2 =	rddreg [dreg:$0x1]  }
0x3: {  	s4 =	srdreg.scid;
	s0 =	stileid.u32  }
0x4: {  	s3 =	rddreg [dreg:$0x2];
	s18 =	simm.s32 $0x5800;
	s19 =	simm.s32 $0x1  }
0x5: {  	s25 =	simm.s32 $0x6000;
	s26 =	simm.s32 $0x6800;
	s28 =	simm.s32 $0x2  }
0x6: {  	s29 =	simm.s32 $0x0;
	s5 =	sand.u32 $0x1, s4;
	s6 =	sshll.u32 s0, $0x1  }
0x7: {  	s4 =	simm.s32 $0x0;
	s12 =	smul.u32 $0x2800, s0;
	s6 =	sor.u32 s5, s6  }
0x8: {  	[smem:$0x7FF] =	sst s4;
	s7 =	smul.u32 $0x5000, s5;
	s5 =	ssub.s32 $0x2, s5  }
0x9: {  	s6 =	smul.u32 $0x500, s6;
	_ =	strace $0x80000050;
	s8 =	sshrl.u32 s5, $0x1  }
0xa: {  	s14 =	sadd.s32 $0x800, s12;
	s15 =	sadd.s32 $0x1000, s12;
	s16 =	sadd.s32 $0x1800, s12  }
0xb: {  	s17 =	sadd.s32 $0x2000, s12;
	s20 =	sshrl.u32 s12, $0x3;
	s13 =	ssub.s32 s5, s8  }
0xc: {  	s8 =	sadd.s32 s14, s3;
	s9 =	sadd.s32 s15, s3;
	s10 =	sadd.s32 s16, s3  }
0xd: {  	s11 =	sadd.s32 s17, s3;
	s21 =	sshrl.u32 s14, $0x3;
	s22 =	sshrl.u32 s15, $0x3  }
0xe: {  	s23 =	sshrl.u32 s16, $0x3;
	s24 =	sshrl.u32 s17, $0x3;
	s14 =	simm.s32 $0x5000  }
0xf: {  	s15 =	simm.s32 $0x4;
	s16 =	simm.s32 $0x3;
	s17 =	simm.s32 $0x80  }
0x10: {  	s6 =	sadd.s32 s6, s2;
	s2 =	sadd.s32 s7, s2;
	s7 =	sadd.s32 s12, s3  }
0x11: {  	s12 =	smax.u32 s13, $0x1;
	s5 =	sadd.s32 $0xC400, s6;
	s2 =	sadd.s32 $0x16400, s2  }
0x12: {  	s6 =	sadd.s32 $0x2400, s6;
	s20 =	sadd.s32 s20, s2;
	s21 =	sadd.s32 s21, s2  }
0x13: {  	v0 =	vimm.f32 $0.0e+00;
	s22 =	sadd.s32 s22, s2;
	s23 =	sadd.s32 s23, s2;
	s24 =	sadd.s32 s24, s2  }
.LBB2_1:
0x14: {  	[tilespmem:s4], [sflag:$0x3] =	stream.linear.gather [hbm4b:s5+s4], $0x2800, $0x38;
	[tilespmem:$0x9800] =	vst v63  }
0x15: {  	s2 =	simm.s32 $0x2800  }
0x16: {  	[tilespmem:s2], [sflag:$0x3] =	stream.linear.gather [hbm4b:s6+s4], $0x2800, $0x38;
	[tilespmem:$0x9800] =	vst v63  }
0x17: {  	s13 =	simm.s32 $0x0;
	s2 =	simm.s32 $0x40  }
.LBB2_2:
0x18: {  	p0 =	sne.s32 s2, $0x1FC0;
	[tilespmem:s13+$0x5000] =	vst v0;
	s13 =	smov.u32 s2;
	s2 =	sadd.s32 $0x40, s2  }
.Ltmp0:
0x19: {  	(pc) =	sbr.rel @p0 .LBB2_2-.Ltmp0, $2  }
0x1a: {  	_ =	sdelay $0x2  }
0x1b: {  	s13 =	sshra.s32 s13, $0x2  }
0x1c: {  	[tilespmem:s13+$0x5000] =	vst v0  }
0x1d: {  	[spmem:s7] =	stream.linear.scatter [tilespmem:s14], [sflag:$0x4], $0x800, $0x38;
	[tilespmem:$0x9800] =	vst v63  }
0x1e: {  	_ =	swait.ge [sflag:s15], $0x800  }
0x1f: {  	[sflag:s15] =	ssyncset.done $0x0  }
0x20: {  	[sflag:s15] =	ssyncadd.s32 $0xFFFFF800  }
0x21: {  	[spmem:s8] =	stream.linear.scatter [tilespmem:s14], [sflag:$0x4], $0x800, $0x38;
	[tilespmem:$0x9800] =	vst v63  }
0x22: {  	_ =	swait.ge [sflag:s15], $0x800  }
0x23: {  	[sflag:s15] =	ssyncset.done $0x0  }
0x24: {  	[sflag:s15] =	ssyncadd.s32 $0xFFFFF800  }
0x25: {  	[spmem:s9] =	stream.linear.scatter [tilespmem:s14], [sflag:$0x4], $0x800, $0x38;
	[tilespmem:$0x9800] =	vst v63  }
0x26: {  	_ =	swait.ge [sflag:s15], $0x800  }
0x27: {  	[sflag:s15] =	ssyncset.done $0x0  }
0x28: {  	[sflag:s15] =	ssyncadd.s32 $0xFFFFF800  }
0x29: {  	[spmem:s10] =	stream.linear.scatter [tilespmem:s14], [sflag:$0x4], $0x800, $0x38;
	[tilespmem:$0x9800] =	vst v63  }
0x2a: {  	_ =	swait.ge [sflag:s15], $0x800  }
0x2b: {  	[sflag:s15] =	ssyncset.done $0x0  }
0x2c: {  	[sflag:s15] =	ssyncadd.s32 $0xFFFFF800  }
0x2d: {  	[spmem:s11] =	stream.linear.scatter [tilespmem:s14], [sflag:$0x4], $0x800, $0x38;
	[tilespmem:$0x9800] =	vst v63  }
0x2e: {  	_ =	swait.ge [sflag:s15], $0x800  }
0x2f: {  	[sflag:s15] =	ssyncset.done $0x0  }
0x30: {  	[sflag:s15] =	ssyncadd.s32 $0xFFFFF800  }
0x31: {  	_ =	swait.ge [sflag:s16], $0x2800  }
0x32: {  	[sflag:s16] =	ssyncset.done $0x0  }
0x33: {  	[sflag:s16] =	ssyncadd.s32 $0xFFFFD800  }
0x34: {  	_ =	swait.ge [sflag:s16], $0x2800  }
0x35: {  	[sflag:s16] =	ssyncset.done $0x0  }
0x36: {  	[sflag:s16] =	ssyncadd.s32 $0xFFFFD800  }
0x37: {  	s2 =	simm.s32 $0x0;
	[bflag:$0x0] =	sbarrier.arrive $0xFFFF  }
0x38: {  	[tilespmem:s14], [sflag:$0x1] =	stream.indirect.gather [hbm4b:s1+s17], $0x10, s2, s17, $0xb8;
	[tilespmem:$0x9800] =	vst v63  }
0x39: {  	s13 =	simm.s32 $0x80  }
0x3a: {  	[tilespmem:s18], [sflag:$0x1] =	stream.indirect.gather [hbm4b:s1+s17], $0x10, s13, s17, $0xb8;
	[tilespmem:$0x9800] =	vst v63  }
0x3b: {  	_ =	swait.ge [sflag:s19], $0x800  }
0x3c: {  	[sflag:s19] =	ssyncset.done $0x0  }
0x3d: {  	s13 =	simm.s32 $0x2800;
	[sflag:s19] =	ssyncadd.s32 $0xFFFFF800  }
0x3e: {  	[spmem:s3] =	stream.indirect.scatter.add.f32 [tilespmem:s14], [sflag:$0x2], $0x10, s13, s17, $0xb8;
	[tilespmem:$0x9800] =	vst v63  }
0x3f: {  	s13 =	simm.s32 $0x100  }
0x40: {  	[tilespmem:s25], [sflag:$0x1] =	stream.indirect.gather [hbm4b:s1+s17], $0x10, s13, s17, $0xb8;
	[tilespmem:$0x9800] =	vst v63  }
0x41: {  	_ =	swait.ge [sflag:s19], $0x800  }
0x42: {  	[sflag:s19] =	ssyncset.done $0x0  }
0x43: {  	s13 =	simm.s32 $0x2880;
	[sflag:s19] =	ssyncadd.s32 $0xFFFFF800  }
0x44: {  	[spmem:s3] =	stream.indirect.scatter.add.f32 [tilespmem:s18], [sflag:$0x2], $0x10, s13, s17, $0xb8;
	[tilespmem:$0x9800] =	vst v63  }
0x45: {  	s13 =	simm.s32 $0x180  }
0x46: {  	[tilespmem:s26], [sflag:$0x1] =	stream.indirect.gather [hbm4b:s1+s17], $0x10, s13, s17, $0xb8;
	[tilespmem:$0x9800] =	vst v63  }
0x47: {  	_ =	swait.ge [sflag:s19], $0x800  }
0x48: {  	[sflag:s19] =	ssyncset.done $0x0  }
0x49: {  	s13 =	simm.s32 $0x2900;
	[sflag:s19] =	ssyncadd.s32 $0xFFFFF800  }
0x4a: {  	[spmem:s3] =	stream.indirect.scatter.add.f32 [tilespmem:s25], [sflag:$0x2], $0x10, s13, s17, $0xb8;
	[tilespmem:$0x9800] =	vst v63  }
0x4b: {  	_ =	swait.ge [sflag:s28], $0x800  }
0x4c: {  	[sflag:s28] =	ssyncset.done $0x0  }
0x4d: {  	s13 =	simm.s32 $0x200;
	[sflag:s28] =	ssyncadd.s32 $0xFFFFF800  }
0x4e: {  	[tilespmem:s14], [sflag:$0x1] =	stream.indirect.gather [hbm4b:s1+s17], $0x10, s13, s17, $0xb8;
	[tilespmem:$0x9800] =	vst v63  }
0x4f: {  	_ =	swait.ge [sflag:s19], $0x800  }
0x50: {  	[sflag:s19] =	ssyncset.done $0x0  }
0x51: {  	s13 =	simm.s32 $0x2980;
	[sflag:s19] =	ssyncadd.s32 $0xFFFFF800  }
0x52: {  	[spmem:s3] =	stream.indirect.scatter.add.f32 [tilespmem:s26], [sflag:$0x2], $0x10, s13, s17, $0xb8;
	[tilespmem:$0x9800] =	vst v63  }
0x53: {  	_ =	swait.ge [sflag:s28], $0x800  }
0x54: {  	[sflag:s28] =	ssyncset.done $0x0  }
0x55: {  	s13 =	simm.s32 $0x280;
	[sflag:s28] =	ssyncadd.s32 $0xFFFFF800  }
0x56: {  	[tilespmem:s18], [sflag:$0x1] =	stream.indirect.gather [hbm4b:s1+s17], $0x10, s13, s17, $0xb8;
	[tilespmem:$0x9800] =	vst v63  }
0x57: {  	_ =	swait.ge [sflag:s19], $0x800  }
0x58: {  	[sflag:s19] =	ssyncset.done $0x0  }
0x59: {  	s13 =	simm.s32 $0x2A00;
	[sflag:s19] =	ssyncadd.s32 $0xFFFFF800  }
0x5a: {  	[spmem:s3] =	stream.indirect.scatter.add.f32 [tilespmem:s14], [sflag:$0x2], $0x10, s13, s17, $0xb8;
	[tilespmem:$0x9800] =	vst v63  }
0x5b: {  	_ =	swait.ge [sflag:s28], $0x800  }
0x5c: {  	[sflag:s28] =	ssyncset.done $0x0  }
0x5d: {  	s13 =	simm.s32 $0x300;
	[sflag:s28] =	ssyncadd.s32 $0xFFFFF800  }
0x5e: {  	[tilespmem:s25], [sflag:$0x1] =	stream.indirect.gather [hbm4b:s1+s17], $0x10, s13, s17, $0xb8;
	[tilespmem:$0x9800] =	vst v63  }
0x5f: {  	_ =	swait.ge [sflag:s19], $0x800  }
0x60: {  	[sflag:s19] =	ssyncset.done $0x0  }
0x61: {  	s13 =	simm.s32 $0x2A80;
	[sflag:s19] =	ssyncadd.s32 $0xFFFFF800  }
0x62: {  	[spmem:s3] =	stream.indirect.scatter.add.f32 [tilespmem:s18], [sflag:$0x2], $0x10, s13, s17, $0xb8;
	[tilespmem:$0x9800] =	vst v63  }
0x63: {  	_ =	swait.ge [sflag:s28], $0x800  }
0x64: {  	[sflag:s28] =	ssyncset.done $0x0  }
0x65: {  	s13 =	simm.s32 $0x380;
	[sflag:s28] =	ssyncadd.s32 $0xFFFFF800  }
0x66: {  	[tilespmem:s26], [sflag:$0x1] =	stream.indirect.gather [hbm4b:s1+s17], $0x10, s13, s17, $0xb8;
	[tilespmem:$0x9800] =	vst v63  }
0x67: {  	_ =	swait.ge [sflag:s19], $0x800  }
0x68: {  	[sflag:s19] =	ssyncset.done $0x0  }
0x69: {  	s13 =	simm.s32 $0x2B00;
	[sflag:s19] =	ssyncadd.s32 $0xFFFFF800  }
0x6a: {  	[spmem:s3] =	stream.indirect.scatter.add.f32 [tilespmem:s25], [sflag:$0x2], $0x10, s13, s17, $0xb8;
	[tilespmem:$0x9800] =	vst v63  }
0x6b: {  	_ =	swait.ge [sflag:s19], $0x800  }
0x6c: {  	[sflag:s19] =	ssyncset.done $0x0  }
0x6d: {  	s13 =	simm.s32 $0x2B80;
	[sflag:s19] =	ssyncadd.s32 $0xFFFFF800  }
0x6e: {  	[spmem:s3] =	stream.indirect.scatter.add.f32 [tilespmem:s26], [sflag:$0x2], $0x10, s13, s17, $0xb8;
	[tilespmem:$0x9800] =	vst v63  }
0x6f: {  	_ =	swait.ge [sflag:s28], $0x800  }
0x70: {  	[sflag:s28] =	ssyncset.done $0x0  }
0x71: {  	[sflag:s28] =	ssyncadd.s32 $0xFFFFF800  }
0x72: {  	_ =	swait.ge [sflag:s28], $0x800  }
0x73: {  	[sflag:s28] =	ssyncset.done $0x0  }
0x74: {  	[sflag:s28] =	ssyncadd.s32 $0xFFFFF800  }
0x75: {  	_ =	swait.ge [sflag:s28], $0x800  }
0x76: {  	[sflag:s28] =	ssyncset.done $0x0  }
0x77: {  	[sflag:s28] =	ssyncadd.s32 $0xFFFFF800  }
0x78: {  	_ =	swait.ge [sflag:s28], $0x800  }
0x79: {  	s30 =	simm.s32 $0x1000;
	s31 =	simm.s32 $0x2000;
	[sflag:s28] =	ssyncset.done $0x0  }
.LBB2_4:
0x7a: {  	s2 =	sshra.s32 s30, $0x2  }
0x7b: {  	[sflag:s28] =	ssyncadd.s32 $0xFFFFF800;
	s30 =	smov.u32 s31;
	s13 =	sadd.s32 $0x1000, s31  }
0x7c: {  	[tilespmem:s14], [sflag:$0x1] =	stream.indirect.gather [hbm4b:s1+s17], $0x10, s2, s17, $0xb8;
	[tilespmem:$0x9800] =	vst v63  }
0x7d: {  	p0 =	sne.s32 s31, $0x9000;
	s31 =	sadd.s32 $0x80, s2  }
0x7e: {  	[tilespmem:s18], [sflag:$0x1] =	stream.indirect.gather [hbm4b:s1+s17], $0x10, s31, s17, $0xb8;
	[tilespmem:$0x9800] =	vst v63  }
0x7f: {  	_ =	swait.ge [sflag:s19], $0x800  }
0x80: {  	[sflag:s19] =	ssyncset.done $0x0  }
0x81: {  	s31 =	sadd.s32 $0x2800, s2;
	[sflag:s19] =	ssyncadd.s32 $0xFFFFF800  }
0x82: {  	[spmem:s3] =	stream.indirect.scatter.add.f32 [tilespmem:s14], [sflag:$0x2], $0x10, s31, s17, $0xb8;
	[tilespmem:$0x9800] =	vst v63  }
0x83: {  	s31 =	sadd.s32 $0x100, s2  }
0x84: {  	[tilespmem:s25], [sflag:$0x1] =	stream.indirect.gather [hbm4b:s1+s17], $0x10, s31, s17, $0xb8;
	[tilespmem:$0x9800] =	vst v63  }
0x85: {  	_ =	swait.ge [sflag:s19], $0x800  }
0x86: {  	[sflag:s19] =	ssyncset.done $0x0  }
0x87: {  	s31 =	sadd.s32 $0x2880, s2;
	[sflag:s19] =	ssyncadd.s32 $0xFFFFF800  }
0x88: {  	[spmem:s3] =	stream.indirect.scatter.add.f32 [tilespmem:s18], [sflag:$0x2], $0x10, s31, s17, $0xb8;
	[tilespmem:$0x9800] =	vst v63  }
0x89: {  	s31 =	sadd.s32 $0x180, s2  }
0x8a: {  	[tilespmem:s26], [sflag:$0x1] =	stream.indirect.gather [hbm4b:s1+s17], $0x10, s31, s17, $0xb8;
	[tilespmem:$0x9800] =	vst v63  }
0x8b: {  	_ =	swait.ge [sflag:s19], $0x800  }
0x8c: {  	[sflag:s19] =	ssyncset.done $0x0  }
0x8d: {  	s31 =	sadd.s32 $0x2900, s2;
	[sflag:s19] =	ssyncadd.s32 $0xFFFFF800  }
0x8e: {  	[spmem:s3] =	stream.indirect.scatter.add.f32 [tilespmem:s25], [sflag:$0x2], $0x10, s31, s17, $0xb8;
	[tilespmem:$0x9800] =	vst v63  }
0x8f: {  	_ =	swait.ge [sflag:s28], $0x800  }
0x90: {  	[sflag:s28] =	ssyncset.done $0x0  }
0x91: {  	s31 =	sadd.s32 $0x200, s2;
	[sflag:s28] =	ssyncadd.s32 $0xFFFFF800  }
0x92: {  	[tilespmem:s14], [sflag:$0x1] =	stream.indirect.gather [hbm4b:s1+s17], $0x10, s31, s17, $0xb8;
	[tilespmem:$0x9800] =	vst v63  }
0x93: {  	_ =	swait.ge [sflag:s19], $0x800  }
0x94: {  	[sflag:s19] =	ssyncset.done $0x0  }
0x95: {  	s31 =	sadd.s32 $0x2980, s2;
	[sflag:s19] =	ssyncadd.s32 $0xFFFFF800  }
0x96: {  	[spmem:s3] =	stream.indirect.scatter.add.f32 [tilespmem:s26], [sflag:$0x2], $0x10, s31, s17, $0xb8;
	[tilespmem:$0x9800] =	vst v63  }
0x97: {  	_ =	swait.ge [sflag:s28], $0x800  }
0x98: {  	[sflag:s28] =	ssyncset.done $0x0  }
0x99: {  	s31 =	sadd.s32 $0x280, s2;
	[sflag:s28] =	ssyncadd.s32 $0xFFFFF800  }
0x9a: {  	[tilespmem:s18], [sflag:$0x1] =	stream.indirect.gather [hbm4b:s1+s17], $0x10, s31, s17, $0xb8;
	[tilespmem:$0x9800] =	vst v63  }
0x9b: {  	_ =	swait.ge [sflag:s19], $0x800  }
0x9c: {  	[sflag:s19] =	ssyncset.done $0x0  }
0x9d: {  	s31 =	sadd.s32 $0x2A00, s2;
	[sflag:s19] =	ssyncadd.s32 $0xFFFFF800  }
0x9e: {  	[spmem:s3] =	stream.indirect.scatter.add.f32 [tilespmem:s14], [sflag:$0x2], $0x10, s31, s17, $0xb8;
	[tilespmem:$0x9800] =	vst v63  }
0x9f: {  	_ =	swait.ge [sflag:s28], $0x800  }
0xa0: {  	[sflag:s28] =	ssyncset.done $0x0  }
0xa1: {  	s31 =	sadd.s32 $0x300, s2;
	[sflag:s28] =	ssyncadd.s32 $0xFFFFF800  }
0xa2: {  	[tilespmem:s25], [sflag:$0x1] =	stream.indirect.gather [hbm4b:s1+s17], $0x10, s31, s17, $0xb8;
	[tilespmem:$0x9800] =	vst v63  }
0xa3: {  	_ =	swait.ge [sflag:s19], $0x800  }
0xa4: {  	[sflag:s19] =	ssyncset.done $0x0  }
0xa5: {  	s31 =	sadd.s32 $0x2A80, s2;
	[sflag:s19] =	ssyncadd.s32 $0xFFFFF800  }
0xa6: {  	[spmem:s3] =	stream.indirect.scatter.add.f32 [tilespmem:s18], [sflag:$0x2], $0x10, s31, s17, $0xb8;
	[tilespmem:$0x9800] =	vst v63  }
0xa7: {  	_ =	swait.ge [sflag:s28], $0x800  }
0xa8: {  	[sflag:s28] =	ssyncset.done $0x0  }
0xa9: {  	s31 =	sadd.s32 $0x380, s2;
	[sflag:s28] =	ssyncadd.s32 $0xFFFFF800  }
0xaa: {  	[tilespmem:s26], [sflag:$0x1] =	stream.indirect.gather [hbm4b:s1+s17], $0x10, s31, s17, $0xb8;
	[tilespmem:$0x9800] =	vst v63  }
0xab: {  	_ =	swait.ge [sflag:s19], $0x800  }
0xac: {  	[sflag:s19] =	ssyncset.done $0x0  }
0xad: {  	s31 =	sadd.s32 $0x2B00, s2;
	[sflag:s19] =	ssyncadd.s32 $0xFFFFF800  }
0xae: {  	[spmem:s3] =	stream.indirect.scatter.add.f32 [tilespmem:s25], [sflag:$0x2], $0x10, s31, s17, $0xb8;
	[tilespmem:$0x9800] =	vst v63  }
0xaf: {  	_ =	swait.ge [sflag:s19], $0x800  }
0xb0: {  	[sflag:s19] =	ssyncset.done $0x0  }
0xb1: {  	s2 =	sadd.s32 $0x2B80, s2;
	[sflag:s19] =	ssyncadd.s32 $0xFFFFF800  }
0xb2: {  	[spmem:s3] =	stream.indirect.scatter.add.f32 [tilespmem:s26], [sflag:$0x2], $0x10, s2, s17, $0xb8;
	[tilespmem:$0x9800] =	vst v63  }
0xb3: {  	_ =	swait.ge [sflag:s28], $0x800  }
0xb4: {  	[sflag:s28] =	ssyncset.done $0x0  }
0xb5: {  	[sflag:s28] =	ssyncadd.s32 $0xFFFFF800  }
0xb6: {  	_ =	swait.ge [sflag:s28], $0x800  }
0xb7: {  	[sflag:s28] =	ssyncset.done $0x0  }
0xb8: {  	[sflag:s28] =	ssyncadd.s32 $0xFFFFF800  }
.Ltmp1:
0xb9: {  	_ =	swait.ge [sflag:s28], $0x800;
	(pc) =	sbr.rel @p0 .LBB2_4-.Ltmp1, $4  }
0xba: {  	[sflag:s28] =	ssyncset.done $0x0  }
0xbb: {  	[sflag:s28] =	ssyncadd.s32 $0xFFFFF800  }
0xbc: {  	_ =	swait.ge [sflag:s28], $0x800  }
0xbd: {  	s31 =	smov.u32 s13;
	[sflag:s28] =	ssyncset.done $0x0  }
0xbe: {  	s2 =	sshra.s32 s30, $0x2;
	[sflag:s28] =	ssyncadd.s32 $0xFFFFF800  }
0xbf: {  	[tilespmem:s14], [sflag:$0x1] =	stream.indirect.gather [hbm4b:s1+s17], $0x10, s2, s17, $0xb8;
	[tilespmem:$0x9800] =	vst v63  }
0xc0: {  	s13 =	sadd.s32 $0x80, s2  }
0xc1: {  	[tilespmem:s18], [sflag:$0x1] =	stream.indirect.gather [hbm4b:s1+s17], $0x10, s13, s17, $0xb8;
	[tilespmem:$0x9800] =	vst v63  }
0xc2: {  	_ =	swait.ge [sflag:s19], $0x800  }
0xc3: {  	[sflag:s19] =	ssyncset.done $0x0  }
0xc4: {  	s31 =	sadd.s32 $0x2800, s2;
	[sflag:s19] =	ssyncadd.s32 $0xFFFFF800  }
0xc5: {  	[spmem:s3] =	stream.indirect.scatter.add.f32 [tilespmem:s14], [sflag:$0x2], $0x10, s31, s17, $0xb8;
	[tilespmem:$0x9800] =	vst v63  }
0xc6: {  	s30 =	sadd.s32 $0x100, s2  }
0xc7: {  	[tilespmem:s25], [sflag:$0x1] =	stream.indirect.gather [hbm4b:s1+s17], $0x10, s30, s17, $0xb8;
	[tilespmem:$0x9800] =	vst v63  }
0xc8: {  	_ =	swait.ge [sflag:s19], $0x800  }
0xc9: {  	[sflag:s19] =	ssyncset.done $0x0  }
0xca: {  	s31 =	sadd.s32 $0x2880, s2;
	[sflag:s19] =	ssyncadd.s32 $0xFFFFF800  }
0xcb: {  	[spmem:s3] =	stream.indirect.scatter.add.f32 [tilespmem:s18], [sflag:$0x2], $0x10, s31, s17, $0xb8;
	[tilespmem:$0x9800] =	vst v63  }
0xcc: {  	s30 =	sadd.s32 $0x180, s2  }
0xcd: {  	[tilespmem:s26], [sflag:$0x1] =	stream.indirect.gather [hbm4b:s1+s17], $0x10, s30, s17, $0xb8;
	[tilespmem:$0x9800] =	vst v63  }
0xce: {  	_ =	swait.ge [sflag:s19], $0x800  }
0xcf: {  	[sflag:s19] =	ssyncset.done $0x0  }
0xd0: {  	s31 =	sadd.s32 $0x2900, s2;
	[sflag:s19] =	ssyncadd.s32 $0xFFFFF800  }
0xd1: {  	[spmem:s3] =	stream.indirect.scatter.add.f32 [tilespmem:s25], [sflag:$0x2], $0x10, s31, s17, $0xb8;
	[tilespmem:$0x9800] =	vst v63  }
0xd2: {  	_ =	swait.ge [sflag:s28], $0x800  }
0xd3: {  	[sflag:s28] =	ssyncset.done $0x0  }
0xd4: {  	s30 =	sadd.s32 $0x200, s2;
	[sflag:s28] =	ssyncadd.s32 $0xFFFFF800  }
0xd5: {  	[tilespmem:s14], [sflag:$0x1] =	stream.indirect.gather [hbm4b:s1+s17], $0x10, s30, s17, $0xb8;
	[tilespmem:$0x9800] =	vst v63  }
0xd6: {  	_ =	swait.ge [sflag:s19], $0x800  }
0xd7: {  	[sflag:s19] =	ssyncset.done $0x0  }
0xd8: {  	s31 =	sadd.s32 $0x2980, s2;
	[sflag:s19] =	ssyncadd.s32 $0xFFFFF800  }
0xd9: {  	[spmem:s3] =	stream.indirect.scatter.add.f32 [tilespmem:s26], [sflag:$0x2], $0x10, s31, s17, $0xb8;
	[tilespmem:$0x9800] =	vst v63  }
0xda: {  	_ =	swait.ge [sflag:s28], $0x800  }
0xdb: {  	[sflag:s28] =	ssyncset.done $0x0  }
0xdc: {  	s30 =	sadd.s32 $0x280, s2;
	[sflag:s28] =	ssyncadd.s32 $0xFFFFF800  }
0xdd: {  	[tilespmem:s18], [sflag:$0x1] =	stream.indirect.gather [hbm4b:s1+s17], $0x10, s30, s17, $0xb8;
	[tilespmem:$0x9800] =	vst v63  }
0xde: {  	_ =	swait.ge [sflag:s19], $0x800  }
0xdf: {  	[sflag:s19] =	ssyncset.done $0x0  }
0xe0: {  	s31 =	sadd.s32 $0x2A00, s2;
	[sflag:s19] =	ssyncadd.s32 $0xFFFFF800  }
0xe1: {  	[spmem:s3] =	stream.indirect.scatter.add.f32 [tilespmem:s14], [sflag:$0x2], $0x10, s31, s17, $0xb8;
	[tilespmem:$0x9800] =	vst v63  }
0xe2: {  	_ =	swait.ge [sflag:s28], $0x800  }
0xe3: {  	[sflag:s28] =	ssyncset.done $0x0  }
0xe4: {  	s30 =	sadd.s32 $0x300, s2;
	[sflag:s28] =	ssyncadd.s32 $0xFFFFF800  }
0xe5: {  	[tilespmem:s25], [sflag:$0x1] =	stream.indirect.gather [hbm4b:s1+s17], $0x10, s30, s17, $0xb8;
	[tilespmem:$0x9800] =	vst v63  }
0xe6: {  	_ =	swait.ge [sflag:s19], $0x800  }
0xe7: {  	[sflag:s19] =	ssyncset.done $0x0  }
0xe8: {  	s31 =	sadd.s32 $0x2A80, s2;
	[sflag:s19] =	ssyncadd.s32 $0xFFFFF800  }
0xe9: {  	[spmem:s3] =	stream.indirect.scatter.add.f32 [tilespmem:s18], [sflag:$0x2], $0x10, s31, s17, $0xb8;
	[tilespmem:$0x9800] =	vst v63  }
0xea: {  	_ =	swait.ge [sflag:s28], $0x800  }
0xeb: {  	[sflag:s28] =	ssyncset.done $0x0  }
0xec: {  	s30 =	sadd.s32 $0x380, s2;
	[sflag:s28] =	ssyncadd.s32 $0xFFFFF800  }
0xed: {  	[tilespmem:s26], [sflag:$0x1] =	stream.indirect.gather [hbm4b:s1+s17], $0x10, s30, s17, $0xb8;
	[tilespmem:$0x9800] =	vst v63  }
0xee: {  	_ =	swait.ge [sflag:s19], $0x800  }
0xef: {  	[sflag:s19] =	ssyncset.done $0x0  }
0xf0: {  	s31 =	sadd.s32 $0x2B00, s2;
	[sflag:s19] =	ssyncadd.s32 $0xFFFFF800  }
0xf1: {  	[spmem:s3] =	stream.indirect.scatter.add.f32 [tilespmem:s25], [sflag:$0x2], $0x10, s31, s17, $0xb8;
	[tilespmem:$0x9800] =	vst v63  }
0xf2: {  	_ =	swait.ge [sflag:s19], $0x800  }
0xf3: {  	[sflag:s19] =	ssyncset.done $0x0  }
0xf4: {  	s2 =	sadd.s32 $0x2B80, s2;
	[sflag:s19] =	ssyncadd.s32 $0xFFFFF800  }
0xf5: {  	[spmem:s3] =	stream.indirect.scatter.add.f32 [tilespmem:s26], [sflag:$0x2], $0x10, s2, s17, $0xb8;
	[tilespmem:$0x9800] =	vst v63  }
0xf6: {  	_ =	swait.ge [sflag:s28], $0x800  }
0xf7: {  	[sflag:s28] =	ssyncset.done $0x0  }
0xf8: {  	[sflag:s28] =	ssyncadd.s32 $0xFFFFF800  }
0xf9: {  	_ =	swait.ge [sflag:s28], $0x800  }
0xfa: {  	[sflag:s28] =	ssyncset.done $0x0  }
0xfb: {  	[sflag:s28] =	ssyncadd.s32 $0xFFFFF800  }
0xfc: {  	_ =	swait.ge [sflag:s28], $0x800  }
0xfd: {  	[sflag:s28] =	ssyncset.done $0x0  }
0xfe: {  	[sflag:s28] =	ssyncadd.s32 $0xFFFFF800  }
0xff: {  	_ =	swait.ge [sflag:s28], $0x800  }
0x100: {  	[sflag:s28] =	ssyncset.done $0x0  }
0x101: {  	s30 =	sshll.u32 s0, $0x6;
	[sflag:s28] =	ssyncadd.s32 $0xFFFFF800  }
0x102: {  	s31 =	sshrl.u32 s7, $0x3;
	s2 =	sor.u32 $0x1C04, s30;
	[bflag:$0x0] =	sbarrier.arrive $0xFFFF  }
0x103: {  	[hbm:s20], [sflag:s2] =	dma.local [spmem:s31], $0x100  }
0x104: {  	_ =	swait.ge [sflag:s15], $0x100  }
0x105: {  	[sflag:s15] =	ssyncset.done $0x0  }
0x106: {  	s30 =	sshrl.u32 s8, $0x3;
	[sflag:s15] =	ssyncadd.s32 $0xFFFFFF00  }
0x107: {  	[hbm:s21], [sflag:s2] =	dma.local [spmem:s30], $0x100  }
0x108: {  	_ =	swait.ge [sflag:s15], $0x100  }
0x109: {  	[sflag:s15] =	ssyncset.done $0x0  }
0x10a: {  	s31 =	sshrl.u32 s9, $0x3;
	[sflag:s15] =	ssyncadd.s32 $0xFFFFFF00  }
0x10b: {  	[hbm:s22], [sflag:s2] =	dma.local [spmem:s31], $0x100  }
0x10c: {  	_ =	swait.ge [sflag:s15], $0x100  }
0x10d: {  	[sflag:s15] =	ssyncset.done $0x0  }
0x10e: {  	s30 =	sshrl.u32 s10, $0x3;
	[sflag:s15] =	ssyncadd.s32 $0xFFFFFF00  }
0x10f: {  	[hbm:s23], [sflag:s2] =	dma.local [spmem:s30], $0x100  }
0x110: {  	s29 =	sadd.s32 $0x1, s29;
	_ =	swait.ge [sflag:s15], $0x100  }
0x111: {  	p0 =	sne.s32 s29, s12;
	[sflag:s15] =	ssyncset.done $0x0  }
.Ltmp2:
0x112: {  	s31 =	sshrl.u32 s11, $0x3;
	[sflag:s15] =	ssyncadd.s32 $0xFFFFFF00;
	(pc) =	sbr.rel @p0 .LBB2_1-.Ltmp2, $4  }
0x113: {  	[hbm:s24], [sflag:s2] =	dma.local [spmem:s31], $0x100  }
0x114: {  	_ =	swait.ge [sflag:s15], $0x100  }
0x115: {  	[sflag:s15] =	ssyncset.done $0x0  }
0x116: {  	[sflag:s15] =	ssyncadd.s32 $0xFFFFFF00  }
0x117: {  	_ =	sfence.sel $0x180000  }
0x118: {  	[bflag:$0x0] =	sbarrier.arrive $0xFFFF  }
0x119: {  	_ =	strace $0x90000050  }
0x11a: {  	[bflag:$0x2] =	sbarrier.arrive $0xFFFF  }
0x11b: {  	p0 =	sne.s32 s0, $0x0;
	s0 =	rddreg [dreg:$0x3]  }
0x11c: {  	s0 =	sadd.s32 @!p0 $0x100000, s0  }
0x11d: {  	[sflag:s0] =	ssyncadd.tile.s32 @!p0 $0x1;
	_ =	shalt  }
.Lfunc_end2:
_tile_overlayer_lowered:
.L_overlay_start_2:
0x11e: {  	(tag) =	ssettag $0x2  }
0x11f: {  	s0 =	rddreg [dreg:$0x0];
	s2 =	stileid.u32  }
0x120: {  	s1 =	rddreg [dreg:$0x1];
	p0 =	sne.s32 s2, $0x0  }
0x121: {  	s3 =	rddreg [dreg:$0x2];
	[bflag:$0x3] =	sbarrier.arrive $0xFFFF;
	s2 =	simm.s32 @!p0 $0x1C04  }
0x122: {  	[timem:s3], [sflag:s2] =	dma.local @!p0 [hbm:s0], s1  }
0x123: {  	s0 =	simm.s32 @!p0 $0x4  }
0x124: {  	_ =	swait.ge @!p0 [sflag:s0], s1  }
0x125: {  	s1 =	ssub.s32 @!p0 $0x0, s1;
	[sflag:s0] =	ssyncset.done @!p0 $0x0  }
0x126: {  	[sflag:s0] =	ssyncadd.s32 @!p0 s1  }
0x127: {  	[bflag:$0x3] =	sbarrier.arrive $0xFFFF  }
0x128: {  	_ =	shalt  }

</sc_bundles>
